<compile_context>
chip_gen: v7x
topology: tpu7x:2x2x1
jax: 0.10.2.dev20260603
libtpu: 0.0.44.dev20260713+nightly
codegen_flags: <defaults>
</compile_context>

<pallas_src>
import jax
import jax.numpy as jnp
from jax import lax
from jax.experimental import pallas as pl
from jax.experimental.pallas import tpu as pltpu
from jax.experimental.pallas import tpu_sc as plsc

_DIM = 64
_BATCH = 16384
_NNEG = 20
_NC = 2
_NS = 16
_NW = _NC * _NS
_U = 128
_WU = _BATCH // _NW // _U
_GU = _BATCH * _NNEG // _NW // _U
_TU = 2 * _WU + _GU
_R = 8


def _body(widx, pidx, nidx, w_in, w_out, o_word, o_pos, o_neg,
          idx_v, bufs, gsem, ssem):
    wid = lax.axis_index("s") * _NC + lax.axis_index("c")

    pltpu.sync_copy(widx.at[pl.ds(wid * _WU, _WU)], idx_v.at[pl.ds(0, _WU)])
    pltpu.sync_copy(pidx.at[pl.ds(wid * _WU, _WU)], idx_v.at[pl.ds(_WU, _WU)])
    pltpu.sync_copy(nidx.at[pl.ds(wid * _GU, _GU)], idx_v.at[pl.ds(2 * _WU, _GU)])

    def table(u):
        return w_in if u < _WU else w_out

    def dst(u):
        if u < _WU:
            return o_word.at[pl.ds((wid * _WU + u) * _U, _U)]
        if u < 2 * _WU:
            return o_pos.at[pl.ds((wid * _WU + u - _WU) * _U, _U)]
        return o_neg.at[pl.ds((wid * _GU + u - 2 * _WU) * _U, _U)]

    def gf(u):
        pltpu.async_copy(table(u).at[idx_v.at[u]], bufs.at[u % _R],
                         gsem.at[u % _R])

    def gw(u):
        pltpu.make_async_copy(table(u).at[idx_v.at[u]], bufs.at[u % _R],
                              gsem.at[u % _R]).wait()

    def sf(u):
        pltpu.async_copy(bufs.at[u % _R], dst(u), ssem.at[u % _R])

    def sw_slot(s):
        pltpu.make_async_copy(bufs.at[s], o_neg.at[pl.ds(0, _U)],
                              ssem.at[s]).wait()

    for u in range(12):
        if u >= 4:
            gw(u - 4)
            sf(u - 4)
        if u >= 8:
            sw_slot(u - 8)
        gf(u)

    def group(k, carry):
        for j in range(_R):
            u = 12 + k * _R + j
            s2 = (j + 4) % _R
            pltpu.make_async_copy(w_out.at[idx_v.at[u - 4]], bufs.at[j],
                                  gsem.at[j]).wait()
            pltpu.async_copy(
                bufs.at[j],
                o_neg.at[pl.ds((wid * _GU + k * _R + j) * _U, _U)],
                ssem.at[j])
            sw_slot(s2)
            pltpu.async_copy(w_out.at[idx_v.at[u]], bufs.at[s2],
                             gsem.at[s2])
        return carry

    lax.fori_loop(0, (_TU - 24) // _R, group, 0)

    for u in range(_TU - 12, _TU + _R):
        if u - 4 < _TU:
            gw(u - 4)
            sf(u - 4)
        if u - 8 < _TU:
            sw_slot((u - 8) % _R)
        if u < _TU:
            gf(u)


def kernel(word, positive, negatives, w_input, w_output):
    widx = word.reshape(_BATCH // _U, _U).astype(jnp.int32)
    pidx = positive.reshape(_BATCH // _U, _U).astype(jnp.int32)
    nidx = negatives.reshape(_BATCH * _NNEG // _U, _U).astype(jnp.int32)
    f = pl.kernel(
        _body,
        out_type=(
            jax.ShapeDtypeStruct((_BATCH, _DIM), jnp.float32),
            jax.ShapeDtypeStruct((_BATCH, _DIM), jnp.float32),
            jax.ShapeDtypeStruct((_BATCH * _NNEG, _DIM), jnp.float32),
        ),
        mesh=plsc.VectorSubcoreMesh(core_axis_name="c", subcore_axis_name="s"),
        scratch_types=[
            pltpu.VMEM((_TU, _U), jnp.int32),
            pltpu.VMEM((_R, _U, _DIM), jnp.float32),
            pltpu.SemaphoreType.DMA((_R,)),
            pltpu.SemaphoreType.DMA((_R,)),
        ],
        compiler_params=pltpu.CompilerParams(use_tc_tiling_on_sc=False),
    )
    o_word, o_pos, o_neg = f(widx, pidx, nidx, w_input, w_output)
    return o_word, o_pos, o_neg.reshape(_BATCH, _NNEG, _DIM)

# --- scband reference (transcript-rebuilt; emitter-appended) ---
"""Pipeline reference for scband-word2-vec-18167711662653 (READ-ONLY COPY).

The authoritative reference and input builder live on the scoring server;
editing this copy changes nothing except your own understanding.
"""

import jax, jax.numpy as jnp
import numpy as np

VOCAB = 1000000
DIM = 64
BATCH = 16384
N_NEG = 20

def setup_inputs(seed: int = 0) -> dict:
    key = jax.random.key(seed)
    k1, k2, k3, k4, k5 = jax.random.split(key, 5)
    word = jax.random.randint(k1, (BATCH,), 0, VOCAB, dtype=jnp.int64 if jax.config.jax_enable_x64 else jnp.int32)
    positive = jax.random.randint(k2, (BATCH,), 0, VOCAB, dtype=jnp.int64 if jax.config.jax_enable_x64 else jnp.int32)
    negatives = jax.random.randint(k3, (BATCH, N_NEG), 0, VOCAB, dtype=jnp.int64 if jax.config.jax_enable_x64 else jnp.int32)
    # w_input initialized with xavier uniform (per init_w_input_with_xavier=True)
    limit = float(np.sqrt(6.0 / (VOCAB + DIM)))
    w_input = jax.random.uniform(k4, (VOCAB, DIM), minval=-limit, maxval=limit, dtype=jnp.float32)
    # w_output: init_w_output_with_zeros=False -> default nn.Embedding init ~ N(0,1)
    w_output = jax.random.normal(k5, (VOCAB, DIM), dtype=jnp.float32)
    return {"word": word, "positive": positive, "negatives": negatives, "w_input": w_input, "w_output": w_output}

def reference(word, positive, negatives, w_input, w_output):
    word_vec = jnp.take(w_input, word, axis=0)
    positive_vec = jnp.take(w_output, positive, axis=0)
    negatives_vecs = jnp.take(w_output, negatives, axis=0)
    return (word_vec, positive_vec, negatives_vecs)

if __name__ == "__main__":
    import jax
    _d = setup_inputs()
    print(jax.jit(kernel)(*tuple(_d.values())))

</pallas_src>

<mosaic_0001>
#map = affine_map<(d0, d1) -> (0, 0)>
module attributes {stable_mosaic.version = 14 : i64} {
  func.func @_body(%arg0: i32, %arg1: i32, %arg2: memref<128x128xi32, #tpu.memory_space<hbm>>, %arg3: memref<128x128xi32, #tpu.memory_space<hbm>>, %arg4: memref<2560x128xi32, #tpu.memory_space<hbm>>, %arg5: memref<1000000x64xf32, #tpu.memory_space<hbm>>, %arg6: memref<1000000x64xf32, #tpu.memory_space<hbm>>, %arg7: memref<16384x64xf32, #tpu.memory_space<hbm>>, %arg8: memref<16384x64xf32, #tpu.memory_space<hbm>>, %arg9: memref<327680x64xf32, #tpu.memory_space<hbm>>, %arg10: memref<88x128xi32, #tpu.memory_space<vmem>>, %arg11: memref<8x128x64xf32, #tpu.memory_space<vmem>>, %arg12: memref<8x!tpu.dma_semaphore, #tpu.memory_space<semaphore_mem>>, %arg13: memref<8x!tpu.dma_semaphore, #tpu.memory_space<semaphore_mem>>) attributes {dimension_semantics = [#tpu.dimension_semantics<core_parallel>, #tpu.dimension_semantics<subcore_parallel>], iteration_bounds = array<i64: 2, 16>, scalar_prefetch = 0 : i64, scratch_operands = 4 : i64, tpu.core_type = #tpu.core_type<sc_vector_subcore>, window_params = [{transform_indices = #map}, {transform_indices = #map}, {transform_indices = #map}, {transform_indices = #map}, {transform_indices = #map}, {transform_indices = #map}, {transform_indices = #map}, {transform_indices = #map}]} {
    %mul3A = arith.constant 2 : i32
    %mul3A_0 = arith.muli %arg1, %mul3A : i32
    %add3A = arith.addi %mul3A_0, %arg0 : i32
    %mul3A_1 = arith.constant 4 : i32
    %mul3A_2 = arith.muli %add3A, %mul3A_1 : i32
    "tpu.region"() ({
      %run_scoped3A = tpu.sem_alloc : memref<!tpu.dma_semaphore, #tpu.memory_space<semaphore_mem>>
      %dma_start3A_1729 = arith.constant 0 : i32
      %dma_start3A_1730 = arith.constant 0 : i32
      %dma_start3A_1731 = tpu.memref_slice %arg10[%dma_start3A_1729, %dma_start3A_1730] : memref<88x128xi32, #tpu.memory_space<vmem>> -> memref<4x128xi32, #tpu.memory_space<vmem>>
      %dma_start3A_1732 = arith.constant 0 : i32
      %dma_start3A_1733 = tpu.memref_slice %arg2[%mul3A_2, %dma_start3A_1732] : memref<128x128xi32, #tpu.memory_space<hbm>> -> memref<4x128xi32, #tpu.memory_space<hbm>>
      %dma_start3A_1734 = arith.constant 0 : i32
      %dma_start3A_1735 = arith.constant 0 : i32
      %dma_start3A_1736 = tpu.memref_slice %arg10[%dma_start3A_1734, %dma_start3A_1735] : memref<88x128xi32, #tpu.memory_space<vmem>> -> memref<4x128xi32, #tpu.memory_space<vmem>>
      %dma_start3A_1737 = arith.constant 0 : i32
      %dma_start3A_1738 = tpu.memref_slice %arg2[%mul3A_2, %dma_start3A_1737] : memref<128x128xi32, #tpu.memory_space<hbm>> -> memref<4x128xi32, #tpu.memory_space<hbm>>
      tpu.enqueue_dma source(%dma_start3A_1738 : memref<4x128xi32, #tpu.memory_space<hbm>>) target(%dma_start3A_1736 : memref<4x128xi32, #tpu.memory_space<vmem>>) target_semaphore(%run_scoped3A : memref<!tpu.dma_semaphore, #tpu.memory_space<semaphore_mem>>)
      %dma_wait3A_1739 = arith.constant 0 : i32
      %dma_wait3A_1740 = arith.constant 0 : i32
      %dma_wait3A_1741 = tpu.memref_slice %arg10[%dma_wait3A_1739, %dma_wait3A_1740] : memref<88x128xi32, #tpu.memory_space<vmem>> -> memref<4x128xi32, #tpu.memory_space<vmem>>
      %dma_wait3A_1742 = arith.constant 0 : i32
      %dma_wait3A_1743 = tpu.memref_slice %arg2[%mul3A_2, %dma_wait3A_1742] : memref<128x128xi32, #tpu.memory_space<hbm>> -> memref<4x128xi32, #tpu.memory_space<hbm>>
      %dma_wait3A_1744 = arith.constant 0 : i32
      %dma_wait3A_1745 = arith.constant 0 : i32
      %dma_wait3A_1746 = tpu.memref_slice %arg10[%dma_wait3A_1744, %dma_wait3A_1745] : memref<88x128xi32, #tpu.memory_space<vmem>> -> memref<4x128xi32, #tpu.memory_space<vmem>>
      %dma_wait3A_1747 = arith.constant 0 : i32
      %dma_wait3A_1748 = tpu.memref_slice %arg2[%mul3A_2, %dma_wait3A_1747] : memref<128x128xi32, #tpu.memory_space<hbm>> -> memref<4x128xi32, #tpu.memory_space<hbm>>
      tpu.wait_dma2 semaphore(%run_scoped3A : memref<!tpu.dma_semaphore, #tpu.memory_space<semaphore_mem>>) src(%dma_wait3A_1748 : memref<4x128xi32, #tpu.memory_space<hbm>>) dst(%dma_wait3A_1746 : memref<4x128xi32, #tpu.memory_space<vmem>>)
      tpu.yield
    }) : () -> ()
    %mul3A_3 = arith.constant 4 : i32
    %mul3A_4 = arith.muli %add3A, %mul3A_3 : i32
    "tpu.region"() ({
      %run_scoped3A = tpu.sem_alloc : memref<!tpu.dma_semaphore, #tpu.memory_space<semaphore_mem>>
      %dma_start3A_1729 = arith.constant 4 : i32
      %dma_start3A_1730 = arith.constant 0 : i32
      %dma_start3A_1731 = tpu.memref_slice %arg10[%dma_start3A_1729, %dma_start3A_1730] : memref<88x128xi32, #tpu.memory_space<vmem>> -> memref<4x128xi32, #tpu.memory_space<vmem>>
      %dma_start3A_1732 = arith.constant 0 : i32
      %dma_start3A_1733 = tpu.memref_slice %arg3[%mul3A_4, %dma_start3A_1732] : memref<128x128xi32, #tpu.memory_space<hbm>> -> memref<4x128xi32, #tpu.memory_space<hbm>>
      %dma_start3A_1734 = arith.constant 4 : i32
      %dma_start3A_1735 = arith.constant 0 : i32
      %dma_start3A_1736 = tpu.memref_slice %arg10[%dma_start3A_1734, %dma_start3A_1735] : memref<88x128xi32, #tpu.memory_space<vmem>> -> memref<4x128xi32, #tpu.memory_space<vmem>>
      %dma_start3A_1737 = arith.constant 0 : i32
      %dma_start3A_1738 = tpu.memref_slice %arg3[%mul3A_4, %dma_start3A_1737] : memref<128x128xi32, #tpu.memory_space<hbm>> -> memref<4x128xi32, #tpu.memory_space<hbm>>
      tpu.enqueue_dma source(%dma_start3A_1738 : memref<4x128xi32, #tpu.memory_space<hbm>>) target(%dma_start3A_1736 : memref<4x128xi32, #tpu.memory_space<vmem>>) target_semaphore(%run_scoped3A : memref<!tpu.dma_semaphore, #tpu.memory_space<semaphore_mem>>)
      %dma_wait3A_1739 = arith.constant 4 : i32
      %dma_wait3A_1740 = arith.constant 0 : i32
      %dma_wait3A_1741 = tpu.memref_slice %arg10[%dma_wait3A_1739, %dma_wait3A_1740] : memref<88x128xi32, #tpu.memory_space<vmem>> -> memref<4x128xi32, #tpu.memory_space<vmem>>
      %dma_wait3A_1742 = arith.constant 0 : i32
      %dma_wait3A_1743 = tpu.memref_slice %arg3[%mul3A_4, %dma_wait3A_1742] : memref<128x128xi32, #tpu.memory_space<hbm>> -> memref<4x128xi32, #tpu.memory_space<hbm>>
      %dma_wait3A_1744 = arith.constant 4 : i32
      %dma_wait3A_1745 = arith.constant 0 : i32
      %dma_wait3A_1746 = tpu.memref_slice %arg10[%dma_wait3A_1744, %dma_wait3A_1745] : memref<88x128xi32, #tpu.memory_space<vmem>> -> memref<4x128xi32, #tpu.memory_space<vmem>>
      %dma_wait3A_1747 = arith.constant 0 : i32
      %dma_wait3A_1748 = tpu.memref_slice %arg3[%mul3A_4, %dma_wait3A_1747] : memref<128x128xi32, #tpu.memory_space<hbm>> -> memref<4x128xi32, #tpu.memory_space<hbm>>
      tpu.wait_dma2 semaphore(%run_scoped3A : memref<!tpu.dma_semaphore, #tpu.memory_space<semaphore_mem>>) src(%dma_wait3A_1748 : memref<4x128xi32, #tpu.memory_space<hbm>>) dst(%dma_wait3A_1746 : memref<4x128xi32, #tpu.memory_space<vmem>>)
      tpu.yield
    }) : () -> ()
    %mul3A_5 = arith.constant 80 : i32
    %mul3A_6 = arith.muli %add3A, %mul3A_5 : i32
    "tpu.region"() ({
      %run_scoped3A = tpu.sem_alloc : memref<!tpu.dma_semaphore, #tpu.memory_space<semaphore_mem>>
      %dma_start3A_1729 = arith.constant 8 : i32
      %dma_start3A_1730 = arith.constant 0 : i32
      %dma_start3A_1731 = tpu.memref_slice %arg10[%dma_start3A_1729, %dma_start3A_1730] : memref<88x128xi32, #tpu.memory_space<vmem>> -> memref<80x128xi32, #tpu.memory_space<vmem>>
      %dma_start3A_1732 = arith.constant 0 : i32
      %dma_start3A_1733 = tpu.memref_slice %arg4[%mul3A_6, %dma_start3A_1732] : memref<2560x128xi32, #tpu.memory_space<hbm>> -> memref<80x128xi32, #tpu.memory_space<hbm>>
      %dma_start3A_1734 = arith.constant 8 : i32
      %dma_start3A_1735 = arith.constant 0 : i32
      %dma_start3A_1736 = tpu.memref_slice %arg10[%dma_start3A_1734, %dma_start3A_1735] : memref<88x128xi32, #tpu.memory_space<vmem>> -> memref<80x128xi32, #tpu.memory_space<vmem>>
      %dma_start3A_1737 = arith.constant 0 : i32
      %dma_start3A_1738 = tpu.memref_slice %arg4[%mul3A_6, %dma_start3A_1737] : memref<2560x128xi32, #tpu.memory_space<hbm>> -> memref<80x128xi32, #tpu.memory_space<hbm>>
      tpu.enqueue_dma source(%dma_start3A_1738 : memref<80x128xi32, #tpu.memory_space<hbm>>) target(%dma_start3A_1736 : memref<80x128xi32, #tpu.memory_space<vmem>>) target_semaphore(%run_scoped3A : memref<!tpu.dma_semaphore, #tpu.memory_space<semaphore_mem>>)
      %dma_wait3A_1739 = arith.constant 8 : i32
      %dma_wait3A_1740 = arith.constant 0 : i32
      %dma_wait3A_1741 = tpu.memref_slice %arg10[%dma_wait3A_1739, %dma_wait3A_1740] : memref<88x128xi32, #tpu.memory_space<vmem>> -> memref<80x128xi32, #tpu.memory_space<vmem>>
      %dma_wait3A_1742 = arith.constant 0 : i32
      %dma_wait3A_1743 = tpu.memref_slice %arg4[%mul3A_6, %dma_wait3A_1742] : memref<2560x128xi32, #tpu.memory_space<hbm>> -> memref<80x128xi32, #tpu.memory_space<hbm>>
      %dma_wait3A_1744 = arith.constant 8 : i32
      %dma_wait3A_1745 = arith.constant 0 : i32
      %dma_wait3A_1746 = tpu.memref_slice %arg10[%dma_wait3A_1744, %dma_wait3A_1745] : memref<88x128xi32, #tpu.memory_space<vmem>> -> memref<80x128xi32, #tpu.memory_space<vmem>>
      %dma_wait3A_1747 = arith.constant 0 : i32
      %dma_wait3A_1748 = tpu.memref_slice %arg4[%mul3A_6, %dma_wait3A_1747] : memref<2560x128xi32, #tpu.memory_space<hbm>> -> memref<80x128xi32, #tpu.memory_space<hbm>>
      tpu.wait_dma2 semaphore(%run_scoped3A : memref<!tpu.dma_semaphore, #tpu.memory_space<semaphore_mem>>) src(%dma_wait3A_1748 : memref<80x128xi32, #tpu.memory_space<hbm>>) dst(%dma_wait3A_1746 : memref<80x128xi32, #tpu.memory_space<vmem>>)
      tpu.yield
    }) : () -> ()
    %dma_start3A = arith.constant 0 : i32
    %dma_start3A_7 = arith.constant 0 : i32
    %dma_start3A_8 = arith.constant 0 : i32
    %dma_start3A_9 = arith.constant 0 : i32
    %dma_start3A_10 = arith.constant 0 : i32
    %dma_start3A_11 = tpu.memref_slice %arg11[%dma_start3A_7, %dma_start3A_9, %dma_start3A_10] : memref<8x128x64xf32, #tpu.memory_space<vmem>> -> memref<1x128x64xf32, #tpu.memory_space<vmem>>
    %dma_start3A_12 = tpu.memref_squeeze %dma_start3A_11 : memref<1x128x64xf32, #tpu.memory_space<vmem>> -> memref<128x64xf32, #tpu.memory_space<vmem>>
    %dma_start3A_13 = arith.constant 0 : i32
    %dma_start3A_14 = tpu.memref_slice %arg10[%dma_start3A, %dma_start3A_13] : memref<88x128xi32, #tpu.memory_space<vmem>> -> memref<1x128xi32, #tpu.memory_space<vmem>>
    %dma_start3A_15 = tpu.memref_squeeze %dma_start3A_14 : memref<1x128xi32, #tpu.memory_space<vmem>> -> memref<128xi32, #tpu.memory_space<vmem>>
    %dma_start3A_16 = arith.constant 0 : i32
    %dma_start3A_17 = arith.constant 0 : i32
    %dma_start3A_18 = tpu.memref_slice %arg5[%dma_start3A_16, %dma_start3A_17] : memref<1000000x64xf32, #tpu.memory_space<hbm>> -> memref<1000000x64xf32, #tpu.memory_space<hbm>>
    %dma_start3A_19 = tpu.memref_slice %arg12[%dma_start3A_8] : memref<8x!tpu.dma_semaphore, #tpu.memory_space<semaphore_mem>> -> memref<1x!tpu.dma_semaphore, #tpu.memory_space<semaphore_mem>>
    %dma_start3A_20 = tpu.memref_squeeze %dma_start3A_19 : memref<1x!tpu.dma_semaphore, #tpu.memory_space<semaphore_mem>> -> memref<!tpu.dma_semaphore, #tpu.memory_space<semaphore_mem>>
    tpu.enqueue_indirect_dma source(%dma_start3A_18 : memref<1000000x64xf32, #tpu.memory_space<hbm>>) target(%dma_start3A_12 : memref<128x64xf32, #tpu.memory_space<vmem>>) offsets(%dma_start3A_15 : memref<128xi32, #tpu.memory_space<vmem>>) semaphore(%dma_start3A_20 : memref<!tpu.dma_semaphore, #tpu.memory_space<semaphore_mem>>)
    %dma_start3A_21 = arith.constant 1 : i32
    %dma_start3A_22 = arith.constant 1 : i32
    %dma_start3A_23 = arith.constant 1 : i32
    %dma_start3A_24 = arith.constant 0 : i32
    %dma_start3A_25 = arith.constant 0 : i32
    %dma_start3A_26 = tpu.memref_slice %arg11[%dma_start3A_22, %dma_start3A_24, %dma_start3A_25] : memref<8x128x64xf32, #tpu.memory_space<vmem>> -> memref<1x128x64xf32, #tpu.memory_space<vmem>>
    %dma_start3A_27 = tpu.memref_squeeze %dma_start3A_26 : memref<1x128x64xf32, #tpu.memory_space<vmem>> -> memref<128x64xf32, #tpu.memory_space<vmem>>
    %dma_start3A_28 = arith.constant 0 : i32
    %dma_start3A_29 = tpu.memref_slice %arg10[%dma_start3A_21, %dma_start3A_28] : memref<88x128xi32, #tpu.memory_space<vmem>> -> memref<1x128xi32, #tpu.memory_space<vmem>>
    %dma_start3A_30 = tpu.memref_squeeze %dma_start3A_29 : memref<1x128xi32, #tpu.memory_space<vmem>> -> memref<128xi32, #tpu.memory_space<vmem>>
    %dma_start3A_31 = arith.constant 0 : i32
    %dma_start3A_32 = arith.constant 0 : i32
    %dma_start3A_33 = tpu.memref_slice %arg5[%dma_start3A_31, %dma_start3A_32] : memref<1000000x64xf32, #tpu.memory_space<hbm>> -> memref<1000000x64xf32, #tpu.memory_space<hbm>>
    %dma_start3A_34 = tpu.memref_slice %arg12[%dma_start3A_23] : memref<8x!tpu.dma_semaphore, #tpu.memory_space<semaphore_mem>> -> memref<1x!tpu.dma_semaphore, #tpu.memory_space<semaphore_mem>>
    %dma_start3A_35 = tpu.memref_squeeze %dma_start3A_34 : memref<1x!tpu.dma_semaphore, #tpu.memory_space<semaphore_mem>> -> memref<!tpu.dma_semaphore, #tpu.memory_space<semaphore_mem>>
    tpu.enqueue_indirect_dma source(%dma_start3A_33 : memref<1000000x64xf32, #tpu.memory_space<hbm>>) target(%dma_start3A_27 : memref<128x64xf32, #tpu.memory_space<vmem>>) offsets(%dma_start3A_30 : memref<128xi32, #tpu.memory_space<vmem>>) semaphore(%dma_start3A_35 : memref<!tpu.dma_semaphore, #tpu.memory_space<semaphore_mem>>)
    %dma_start3A_36 = arith.constant 2 : i32
    %dma_start3A_37 = arith.constant 2 : i32
    %dma_start3A_38 = arith.constant 2 : i32
    %dma_start3A_39 = arith.constant 0 : i32
    %dma_start3A_40 = arith.constant 0 : i32
    %dma_start3A_41 = tpu.memref_slice %arg11[%dma_start3A_37, %dma_start3A_39, %dma_start3A_40] : memref<8x128x64xf32, #tpu.memory_space<vmem>> -> memref<1x128x64xf32, #tpu.memory_space<vmem>>
    %dma_start3A_42 = tpu.memref_squeeze %dma_start3A_41 : memref<1x128x64xf32, #tpu.memory_space<vmem>> -> memref<128x64xf32, #tpu.memory_space<vmem>>
    %dma_start3A_43 = arith.constant 0 : i32
    %dma_start3A_44 = tpu.memref_slice %arg10[%dma_start3A_36, %dma_start3A_43] : memref<88x128xi32, #tpu.memory_space<vmem>> -> memref<1x128xi32, #tpu.memory_space<vmem>>
    %dma_start3A_45 = tpu.memref_squeeze %dma_start3A_44 : memref<1x128xi32, #tpu.memory_space<vmem>> -> memref<128xi32, #tpu.memory_space<vmem>>
    %dma_start3A_46 = arith.constant 0 : i32
    %dma_start3A_47 = arith.constant 0 : i32
    %dma_start3A_48 = tpu.memref_slice %arg5[%dma_start3A_46, %dma_start3A_47] : memref<1000000x64xf32, #tpu.memory_space<hbm>> -> memref<1000000x64xf32, #tpu.memory_space<hbm>>
    %dma_start3A_49 = tpu.memref_slice %arg12[%dma_start3A_38] : memref<8x!tpu.dma_semaphore, #tpu.memory_space<semaphore_mem>> -> memref<1x!tpu.dma_semaphore, #tpu.memory_space<semaphore_mem>>
    %dma_start3A_50 = tpu.memref_squeeze %dma_start3A_49 : memref<1x!tpu.dma_semaphore, #tpu.memory_space<semaphore_mem>> -> memref<!tpu.dma_semaphore, #tpu.memory_space<semaphore_mem>>
    tpu.enqueue_indirect_dma source(%dma_start3A_48 : memref<1000000x64xf32, #tpu.memory_space<hbm>>) target(%dma_start3A_42 : memref<128x64xf32, #tpu.memory_space<vmem>>) offsets(%dma_start3A_45 : memref<128xi32, #tpu.memory_space<vmem>>) semaphore(%dma_start3A_50 : memref<!tpu.dma_semaphore, #tpu.memory_space<semaphore_mem>>)
    %dma_start3A_51 = arith.constant 3 : i32
    %dma_start3A_52 = arith.constant 3 : i32
    %dma_start3A_53 = arith.constant 3 : i32
    %dma_start3A_54 = arith.constant 0 : i32
    %dma_start3A_55 = arith.constant 0 : i32
    %dma_start3A_56 = tpu.memref_slice %arg11[%dma_start3A_52, %dma_start3A_54, %dma_start3A_55] : memref<8x128x64xf32, #tpu.memory_space<vmem>> -> memref<1x128x64xf32, #tpu.memory_space<vmem>>
    %dma_start3A_57 = tpu.memref_squeeze %dma_start3A_56 : memref<1x128x64xf32, #tpu.memory_space<vmem>> -> memref<128x64xf32, #tpu.memory_space<vmem>>
    %dma_start3A_58 = arith.constant 0 : i32
    %dma_start3A_59 = tpu.memref_slice %arg10[%dma_start3A_51, %dma_start3A_58] : memref<88x128xi32, #tpu.memory_space<vmem>> -> memref<1x128xi32, #tpu.memory_space<vmem>>
    %dma_start3A_60 = tpu.memref_squeeze %dma_start3A_59 : memref<1x128xi32, #tpu.memory_space<vmem>> -> memref<128xi32, #tpu.memory_space<vmem>>
    %dma_start3A_61 = arith.constant 0 : i32
    %dma_start3A_62 = arith.constant 0 : i32
    %dma_start3A_63 = tpu.memref_slice %arg5[%dma_start3A_61, %dma_start3A_62] : memref<1000000x64xf32, #tpu.memory_space<hbm>> -> memref<1000000x64xf32, #tpu.memory_space<hbm>>
    %dma_start3A_64 = tpu.memref_slice %arg12[%dma_start3A_53] : memref<8x!tpu.dma_semaphore, #tpu.memory_space<semaphore_mem>> -> memref<1x!tpu.dma_semaphore, #tpu.memory_space<semaphore_mem>>
    %dma_start3A_65 = tpu.memref_squeeze %dma_start3A_64 : memref<1x!tpu.dma_semaphore, #tpu.memory_space<semaphore_mem>> -> memref<!tpu.dma_semaphore, #tpu.memory_space<semaphore_mem>>
    tpu.enqueue_indirect_dma source(%dma_start3A_63 : memref<1000000x64xf32, #tpu.memory_space<hbm>>) target(%dma_start3A_57 : memref<128x64xf32, #tpu.memory_space<vmem>>) offsets(%dma_start3A_60 : memref<128xi32, #tpu.memory_space<vmem>>) semaphore(%dma_start3A_65 : memref<!tpu.dma_semaphore, #tpu.memory_space<semaphore_mem>>)
    %dma_wait3A = arith.constant 0 : i32
    %dma_wait3A_66 = arith.constant 0 : i32
    %dma_wait3A_67 = arith.constant 0 : i32
    %dma_wait3A_68 = arith.constant 0 : i32
    %dma_wait3A_69 = arith.constant 0 : i32
    %dma_wait3A_70 = tpu.memref_slice %arg11[%dma_wait3A_66, %dma_wait3A_68, %dma_wait3A_69] : memref<8x128x64xf32, #tpu.memory_space<vmem>> -> memref<1x128x64xf32, #tpu.memory_space<vmem>>
    %dma_wait3A_71 = tpu.memref_squeeze %dma_wait3A_70 : memref<1x128x64xf32, #tpu.memory_space<vmem>> -> memref<128x64xf32, #tpu.memory_space<vmem>>
    %dma_wait3A_72 = arith.constant 0 : i32
    %dma_wait3A_73 = tpu.memref_slice %arg10[%dma_wait3A, %dma_wait3A_72] : memref<88x128xi32, #tpu.memory_space<vmem>> -> memref<1x128xi32, #tpu.memory_space<vmem>>
    %dma_wait3A_74 = tpu.memref_squeeze %dma_wait3A_73 : memref<1x128xi32, #tpu.memory_space<vmem>> -> memref<128xi32, #tpu.memory_space<vmem>>
    %dma_wait3A_75 = arith.constant 0 : i32
    %dma_wait3A_76 = arith.constant 0 : i32
    %dma_wait3A_77 = tpu.memref_slice %arg5[%dma_wait3A_75, %dma_wait3A_76] : memref<1000000x64xf32, #tpu.memory_space<hbm>> -> memref<1000000x64xf32, #tpu.memory_space<hbm>>
    %dma_wait3A_78 = tpu.memref_slice %arg12[%dma_wait3A_67] : memref<8x!tpu.dma_semaphore, #tpu.memory_space<semaphore_mem>> -> memref<1x!tpu.dma_semaphore, #tpu.memory_space<semaphore_mem>>
    %dma_wait3A_79 = tpu.memref_squeeze %dma_wait3A_78 : memref<1x!tpu.dma_semaphore, #tpu.memory_space<semaphore_mem>> -> memref<!tpu.dma_semaphore, #tpu.memory_space<semaphore_mem>>
    tpu.wait_indirect_dma semaphore(%dma_wait3A_79 : memref<!tpu.dma_semaphore, #tpu.memory_space<semaphore_mem>>) src(%dma_wait3A_77 : memref<1000000x64xf32, #tpu.memory_space<hbm>>) dst(%dma_wait3A_71 : memref<128x64xf32, #tpu.memory_space<vmem>>)
    %mul3A_80 = arith.constant 4 : i32
    %mul3A_81 = arith.muli %add3A, %mul3A_80 : i32
    %add3A_82 = arith.constant 0 : i32
    %add3A_83 = arith.addi %mul3A_81, %add3A_82 : i32
    %mul3A_84 = arith.constant 128 : i32
    %mul3A_85 = arith.muli %add3A_83, %mul3A_84 : i32
    %dma_start3A_86 = arith.constant 0 : i32
    %dma_start3A_87 = arith.constant 0 : i32
    %dma_start3A_88 = arith.constant 0 : i32
    %dma_start3A_89 = arith.constant 0 : i32
    %dma_start3A_90 = tpu.memref_slice %arg11[%dma_start3A_86, %dma_start3A_88, %dma_start3A_89] : memref<8x128x64xf32, #tpu.memory_space<vmem>> -> memref<1x128x64xf32, #tpu.memory_space<vmem>>
    %dma_start3A_91 = tpu.memref_squeeze %dma_start3A_90 : memref<1x128x64xf32, #tpu.memory_space<vmem>> -> memref<128x64xf32, #tpu.memory_space<vmem>>
    %dma_start3A_92 = arith.constant 0 : i32
    %dma_start3A_93 = tpu.memref_slice %arg7[%mul3A_85, %dma_start3A_92] : memref<16384x64xf32, #tpu.memory_space<hbm>> -> memref<128x64xf32, #tpu.memory_space<hbm>>
    %dma_start3A_94 = tpu.memref_slice %arg13[%dma_start3A_87] : memref<8x!tpu.dma_semaphore, #tpu.memory_space<semaphore_mem>> -> memref<1x!tpu.dma_semaphore, #tpu.memory_space<semaphore_mem>>
    %dma_start3A_95 = tpu.memref_squeeze %dma_start3A_94 : memref<1x!tpu.dma_semaphore, #tpu.memory_space<semaphore_mem>> -> memref<!tpu.dma_semaphore, #tpu.memory_space<semaphore_mem>>
    %dma_start3A_96 = arith.constant 0 : i32
    %dma_start3A_97 = tpu.memref_slice %arg7[%mul3A_85, %dma_start3A_96] : memref<16384x64xf32, #tpu.memory_space<hbm>> -> memref<128x64xf32, #tpu.memory_space<hbm>>
    %dma_start3A_98 = arith.constant 0 : i32
    %dma_start3A_99 = arith.constant 0 : i32
    %dma_start3A_100 = tpu.memref_slice %arg11[%dma_start3A_86, %dma_start3A_98, %dma_start3A_99] : memref<8x128x64xf32, #tpu.memory_space<vmem>> -> memref<1x128x64xf32, #tpu.memory_space<vmem>>
    %dma_start3A_101 = tpu.memref_squeeze %dma_start3A_100 : memref<1x128x64xf32, #tpu.memory_space<vmem>> -> memref<128x64xf32, #tpu.memory_space<vmem>>
    tpu.enqueue_dma source(%dma_start3A_101 : memref<128x64xf32, #tpu.memory_space<vmem>>) target(%dma_start3A_97 : memref<128x64xf32, #tpu.memory_space<hbm>>) target_semaphore(%dma_start3A_95 : memref<!tpu.dma_semaphore, #tpu.memory_space<semaphore_mem>>)
    %dma_start3A_102 = arith.constant 4 : i32
    %dma_start3A_103 = arith.constant 4 : i32
    %dma_start3A_104 = arith.constant 4 : i32
    %dma_start3A_105 = arith.constant 0 : i32
    %dma_start3A_106 = arith.constant 0 : i32
    %dma_start3A_107 = tpu.memref_slice %arg11[%dma_start3A_103, %dma_start3A_105, %dma_start3A_106] : memref<8x128x64xf32, #tpu.memory_space<vmem>> -> memref<1x128x64xf32, #tpu.memory_space<vmem>>
    %dma_start3A_108 = tpu.memref_squeeze %dma_start3A_107 : memref<1x128x64xf32, #tpu.memory_space<vmem>> -> memref<128x64xf32, #tpu.memory_space<vmem>>
    %dma_start3A_109 = arith.constant 0 : i32
    %dma_start3A_110 = tpu.memref_slice %arg10[%dma_start3A_102, %dma_start3A_109] : memref<88x128xi32, #tpu.memory_space<vmem>> -> memref<1x128xi32, #tpu.memory_space<vmem>>
    %dma_start3A_111 = tpu.memref_squeeze %dma_start3A_110 : memref<1x128xi32, #tpu.memory_space<vmem>> -> memref<128xi32, #tpu.memory_space<vmem>>
    %dma_start3A_112 = arith.constant 0 : i32
    %dma_start3A_113 = arith.constant 0 : i32
    %dma_start3A_114 = tpu.memref_slice %arg6[%dma_start3A_112, %dma_start3A_113] : memref<1000000x64xf32, #tpu.memory_space<hbm>> -> memref<1000000x64xf32, #tpu.memory_space<hbm>>
    %dma_start3A_115 = tpu.memref_slice %arg12[%dma_start3A_104] : memref<8x!tpu.dma_semaphore, #tpu.memory_space<semaphore_mem>> -> memref<1x!tpu.dma_semaphore, #tpu.memory_space<semaphore_mem>>
    %dma_start3A_116 = tpu.memref_squeeze %dma_start3A_115 : memref<1x!tpu.dma_semaphore, #tpu.memory_space<semaphore_mem>> -> memref<!tpu.dma_semaphore, #tpu.memory_space<semaphore_mem>>
    tpu.enqueue_indirect_dma source(%dma_start3A_114 : memref<1000000x64xf32, #tpu.memory_space<hbm>>) target(%dma_start3A_108 : memref<128x64xf32, #tpu.memory_space<vmem>>) offsets(%dma_start3A_111 : memref<128xi32, #tpu.memory_space<vmem>>) semaphore(%dma_start3A_116 : memref<!tpu.dma_semaphore, #tpu.memory_space<semaphore_mem>>)
    %dma_wait3A_117 = arith.constant 1 : i32
    %dma_wait3A_118 = arith.constant 1 : i32
    %dma_wait3A_119 = arith.constant 1 : i32
    %dma_wait3A_120 = arith.constant 0 : i32
    %dma_wait3A_121 = arith.constant 0 : i32
    %dma_wait3A_122 = tpu.memref_slice %arg11[%dma_wait3A_118, %dma_wait3A_120, %dma_wait3A_121] : memref<8x128x64xf32, #tpu.memory_space<vmem>> -> memref<1x128x64xf32, #tpu.memory_space<vmem>>
    %dma_wait3A_123 = tpu.memref_squeeze %dma_wait3A_122 : memref<1x128x64xf32, #tpu.memory_space<vmem>> -> memref<128x64xf32, #tpu.memory_space<vmem>>
    %dma_wait3A_124 = arith.constant 0 : i32
    %dma_wait3A_125 = tpu.memref_slice %arg10[%dma_wait3A_117, %dma_wait3A_124] : memref<88x128xi32, #tpu.memory_space<vmem>> -> memref<1x128xi32, #tpu.memory_space<vmem>>
    %dma_wait3A_126 = tpu.memref_squeeze %dma_wait3A_125 : memref<1x128xi32, #tpu.memory_space<vmem>> -> memref<128xi32, #tpu.memory_space<vmem>>
    %dma_wait3A_127 = arith.constant 0 : i32
    %dma_wait3A_128 = arith.constant 0 : i32
    %dma_wait3A_129 = tpu.memref_slice %arg5[%dma_wait3A_127, %dma_wait3A_128] : memref<1000000x64xf32, #tpu.memory_space<hbm>> -> memref<1000000x64xf32, #tpu.memory_space<hbm>>
    %dma_wait3A_130 = tpu.memref_slice %arg12[%dma_wait3A_119] : memref<8x!tpu.dma_semaphore, #tpu.memory_space<semaphore_mem>> -> memref<1x!tpu.dma_semaphore, #tpu.memory_space<semaphore_mem>>
    %dma_wait3A_131 = tpu.memref_squeeze %dma_wait3A_130 : memref<1x!tpu.dma_semaphore, #tpu.memory_space<semaphore_mem>> -> memref<!tpu.dma_semaphore, #tpu.memory_space<semaphore_mem>>
    tpu.wait_indirect_dma semaphore(%dma_wait3A_131 : memref<!tpu.dma_semaphore, #tpu.memory_space<semaphore_mem>>) src(%dma_wait3A_129 : memref<1000000x64xf32, #tpu.memory_space<hbm>>) dst(%dma_wait3A_123 : memref<128x64xf32, #tpu.memory_space<vmem>>)
    %mul3A_132 = arith.constant 4 : i32
    %mul3A_133 = arith.muli %add3A, %mul3A_132 : i32
    %add3A_134 = arith.constant 1 : i32
    %add3A_135 = arith.addi %mul3A_133, %add3A_134 : i32
    %mul3A_136 = arith.constant 128 : i32
    %mul3A_137 = arith.muli %add3A_135, %mul3A_136 : i32
    %dma_start3A_138 = arith.constant 1 : i32
    %dma_start3A_139 = arith.constant 1 : i32
    %dma_start3A_140 = arith.constant 0 : i32
    %dma_start3A_141 = arith.constant 0 : i32
    %dma_start3A_142 = tpu.memref_slice %arg11[%dma_start3A_138, %dma_start3A_140, %dma_start3A_141] : memref<8x128x64xf32, #tpu.memory_space<vmem>> -> memref<1x128x64xf32, #tpu.memory_space<vmem>>
    %dma_start3A_143 = tpu.memref_squeeze %dma_start3A_142 : memref<1x128x64xf32, #tpu.memory_space<vmem>> -> memref<128x64xf32, #tpu.memory_space<vmem>>
    %dma_start3A_144 = arith.constant 0 : i32
    %dma_start3A_145 = tpu.memref_slice %arg7[%mul3A_137, %dma_start3A_144] : memref<16384x64xf32, #tpu.memory_space<hbm>> -> memref<128x64xf32, #tpu.memory_space<hbm>>
    %dma_start3A_146 = tpu.memref_slice %arg13[%dma_start3A_139] : memref<8x!tpu.dma_semaphore, #tpu.memory_space<semaphore_mem>> -> memref<1x!tpu.dma_semaphore, #tpu.memory_space<semaphore_mem>>
    %dma_start3A_147 = tpu.memref_squeeze %dma_start3A_146 : memref<1x!tpu.dma_semaphore, #tpu.memory_space<semaphore_mem>> -> memref<!tpu.dma_semaphore, #tpu.memory_space<semaphore_mem>>
    %dma_start3A_148 = arith.constant 0 : i32
    %dma_start3A_149 = tpu.memref_slice %arg7[%mul3A_137, %dma_start3A_148] : memref<16384x64xf32, #tpu.memory_space<hbm>> -> memref<128x64xf32, #tpu.memory_space<hbm>>
    %dma_start3A_150 = arith.constant 0 : i32
    %dma_start3A_151 = arith.constant 0 : i32
    %dma_start3A_152 = tpu.memref_slice %arg11[%dma_start3A_138, %dma_start3A_150, %dma_start3A_151] : memref<8x128x64xf32, #tpu.memory_space<vmem>> -> memref<1x128x64xf32, #tpu.memory_space<vmem>>
    %dma_start3A_153 = tpu.memref_squeeze %dma_start3A_152 : memref<1x128x64xf32, #tpu.memory_space<vmem>> -> memref<128x64xf32, #tpu.memory_space<vmem>>
    tpu.enqueue_dma source(%dma_start3A_153 : memref<128x64xf32, #tpu.memory_space<vmem>>) target(%dma_start3A_149 : memref<128x64xf32, #tpu.memory_space<hbm>>) target_semaphore(%dma_start3A_147 : memref<!tpu.dma_semaphore, #tpu.memory_space<semaphore_mem>>)
    %dma_start3A_154 = arith.constant 5 : i32
    %dma_start3A_155 = arith.constant 5 : i32
    %dma_start3A_156 = arith.constant 5 : i32
    %dma_start3A_157 = arith.constant 0 : i32
    %dma_start3A_158 = arith.constant 0 : i32
    %dma_start3A_159 = tpu.memref_slice %arg11[%dma_start3A_155, %dma_start3A_157, %dma_start3A_158] : memref<8x128x64xf32, #tpu.memory_space<vmem>> -> memref<1x128x64xf32, #tpu.memory_space<vmem>>
    %dma_start3A_160 = tpu.memref_squeeze %dma_start3A_159 : memref<1x128x64xf32, #tpu.memory_space<vmem>> -> memref<128x64xf32, #tpu.memory_space<vmem>>
    %dma_start3A_161 = arith.constant 0 : i32
    %dma_start3A_162 = tpu.memref_slice %arg10[%dma_start3A_154, %dma_start3A_161] : memref<88x128xi32, #tpu.memory_space<vmem>> -> memref<1x128xi32, #tpu.memory_space<vmem>>
    %dma_start3A_163 = tpu.memref_squeeze %dma_start3A_162 : memref<1x128xi32, #tpu.memory_space<vmem>> -> memref<128xi32, #tpu.memory_space<vmem>>
    %dma_start3A_164 = arith.constant 0 : i32
    %dma_start3A_165 = arith.constant 0 : i32
    %dma_start3A_166 = tpu.memref_slice %arg6[%dma_start3A_164, %dma_start3A_165] : memref<1000000x64xf32, #tpu.memory_space<hbm>> -> memref<1000000x64xf32, #tpu.memory_space<hbm>>
    %dma_start3A_167 = tpu.memref_slice %arg12[%dma_start3A_156] : memref<8x!tpu.dma_semaphore, #tpu.memory_space<semaphore_mem>> -> memref<1x!tpu.dma_semaphore, #tpu.memory_space<semaphore_mem>>
    %dma_start3A_168 = tpu.memref_squeeze %dma_start3A_167 : memref<1x!tpu.dma_semaphore, #tpu.memory_space<semaphore_mem>> -> memref<!tpu.dma_semaphore, #tpu.memory_space<semaphore_mem>>
    tpu.enqueue_indirect_dma source(%dma_start3A_166 : memref<1000000x64xf32, #tpu.memory_space<hbm>>) target(%dma_start3A_160 : memref<128x64xf32, #tpu.memory_space<vmem>>) offsets(%dma_start3A_163 : memref<128xi32, #tpu.memory_space<vmem>>) semaphore(%dma_start3A_168 : memref<!tpu.dma_semaphore, #tpu.memory_space<semaphore_mem>>)
    %dma_wait3A_169 = arith.constant 2 : i32
    %dma_wait3A_170 = arith.constant 2 : i32
    %dma_wait3A_171 = arith.constant 2 : i32
    %dma_wait3A_172 = arith.constant 0 : i32
    %dma_wait3A_173 = arith.constant 0 : i32
    %dma_wait3A_174 = tpu.memref_slice %arg11[%dma_wait3A_170, %dma_wait3A_172, %dma_wait3A_173] : memref<8x128x64xf32, #tpu.memory_space<vmem>> -> memref<1x128x64xf32, #tpu.memory_space<vmem>>
    %dma_wait3A_175 = tpu.memref_squeeze %dma_wait3A_174 : memref<1x128x64xf32, #tpu.memory_space<vmem>> -> memref<128x64xf32, #tpu.memory_space<vmem>>
    %dma_wait3A_176 = arith.constant 0 : i32
    %dma_wait3A_177 = tpu.memref_slice %arg10[%dma_wait3A_169, %dma_wait3A_176] : memref<88x128xi32, #tpu.memory_space<vmem>> -> memref<1x128xi32, #tpu.memory_space<vmem>>
    %dma_wait3A_178 = tpu.memref_squeeze %dma_wait3A_177 : memref<1x128xi32, #tpu.memory_space<vmem>> -> memref<128xi32, #tpu.memory_space<vmem>>
    %dma_wait3A_179 = arith.constant 0 : i32
    %dma_wait3A_180 = arith.constant 0 : i32
    %dma_wait3A_181 = tpu.memref_slice %arg5[%dma_wait3A_179, %dma_wait3A_180] : memref<1000000x64xf32, #tpu.memory_space<hbm>> -> memref<1000000x64xf32, #tpu.memory_space<hbm>>
    %dma_wait3A_182 = tpu.memref_slice %arg12[%dma_wait3A_171] : memref<8x!tpu.dma_semaphore, #tpu.memory_space<semaphore_mem>> -> memref<1x!tpu.dma_semaphore, #tpu.memory_space<semaphore_mem>>
    %dma_wait3A_183 = tpu.memref_squeeze %dma_wait3A_182 : memref<1x!tpu.dma_semaphore, #tpu.memory_space<semaphore_mem>> -> memref<!tpu.dma_semaphore, #tpu.memory_space<semaphore_mem>>
    tpu.wait_indirect_dma semaphore(%dma_wait3A_183 : memref<!tpu.dma_semaphore, #tpu.memory_space<semaphore_mem>>) src(%dma_wait3A_181 : memref<1000000x64xf32, #tpu.memory_space<hbm>>) dst(%dma_wait3A_175 : memref<128x64xf32, #tpu.memory_space<vmem>>)
    %mul3A_184 = arith.constant 4 : i32
    %mul3A_185 = arith.muli %add3A, %mul3A_184 : i32
    %add3A_186 = arith.constant 2 : i32
    %add3A_187 = arith.addi %mul3A_185, %add3A_186 : i32
    %mul3A_188 = arith.constant 128 : i32
    %mul3A_189 = arith.muli %add3A_187, %mul3A_188 : i32
    %dma_start3A_190 = arith.constant 2 : i32
    %dma_start3A_191 = arith.constant 2 : i32
    %dma_start3A_192 = arith.constant 0 : i32
    %dma_start3A_193 = arith.constant 0 : i32
    %dma_start3A_194 = tpu.memref_slice %arg11[%dma_start3A_190, %dma_start3A_192, %dma_start3A_193] : memref<8x128x64xf32, #tpu.memory_space<vmem>> -> memref<1x128x64xf32, #tpu.memory_space<vmem>>
    %dma_start3A_195 = tpu.memref_squeeze %dma_start3A_194 : memref<1x128x64xf32, #tpu.memory_space<vmem>> -> memref<128x64xf32, #tpu.memory_space<vmem>>
    %dma_start3A_196 = arith.constant 0 : i32
    %dma_start3A_197 = tpu.memref_slice %arg7[%mul3A_189, %dma_start3A_196] : memref<16384x64xf32, #tpu.memory_space<hbm>> -> memref<128x64xf32, #tpu.memory_space<hbm>>
    %dma_start3A_198 = tpu.memref_slice %arg13[%dma_start3A_191] : memref<8x!tpu.dma_semaphore, #tpu.memory_space<semaphore_mem>> -> memref<1x!tpu.dma_semaphore, #tpu.memory_space<semaphore_mem>>
    %dma_start3A_199 = tpu.memref_squeeze %dma_start3A_198 : memref<1x!tpu.dma_semaphore, #tpu.memory_space<semaphore_mem>> -> memref<!tpu.dma_semaphore, #tpu.memory_space<semaphore_mem>>
    %dma_start3A_200 = arith.constant 0 : i32
    %dma_start3A_201 = tpu.memref_slice %arg7[%mul3A_189, %dma_start3A_200] : memref<16384x64xf32, #tpu.memory_space<hbm>> -> memref<128x64xf32, #tpu.memory_space<hbm>>
    %dma_start3A_202 = arith.constant 0 : i32
    %dma_start3A_203 = arith.constant 0 : i32
    %dma_start3A_204 = tpu.memref_slice %arg11[%dma_start3A_190, %dma_start3A_202, %dma_start3A_203] : memref<8x128x64xf32, #tpu.memory_space<vmem>> -> memref<1x128x64xf32, #tpu.memory_space<vmem>>
    %dma_start3A_205 = tpu.memref_squeeze %dma_start3A_204 : memref<1x128x64xf32, #tpu.memory_space<vmem>> -> memref<128x64xf32, #tpu.memory_space<vmem>>
    tpu.enqueue_dma source(%dma_start3A_205 : memref<128x64xf32, #tpu.memory_space<vmem>>) target(%dma_start3A_201 : memref<128x64xf32, #tpu.memory_space<hbm>>) target_semaphore(%dma_start3A_199 : memref<!tpu.dma_semaphore, #tpu.memory_space<semaphore_mem>>)
    %dma_start3A_206 = arith.constant 6 : i32
    %dma_start3A_207 = arith.constant 6 : i32
    %dma_start3A_208 = arith.constant 6 : i32
    %dma_start3A_209 = arith.constant 0 : i32
    %dma_start3A_210 = arith.constant 0 : i32
    %dma_start3A_211 = tpu.memref_slice %arg11[%dma_start3A_207, %dma_start3A_209, %dma_start3A_210] : memref<8x128x64xf32, #tpu.memory_space<vmem>> -> memref<1x128x64xf32, #tpu.memory_space<vmem>>
    %dma_start3A_212 = tpu.memref_squeeze %dma_start3A_211 : memref<1x128x64xf32, #tpu.memory_space<vmem>> -> memref<128x64xf32, #tpu.memory_space<vmem>>
    %dma_start3A_213 = arith.constant 0 : i32
    %dma_start3A_214 = tpu.memref_slice %arg10[%dma_start3A_206, %dma_start3A_213] : memref<88x128xi32, #tpu.memory_space<vmem>> -> memref<1x128xi32, #tpu.memory_space<vmem>>
    %dma_start3A_215 = tpu.memref_squeeze %dma_start3A_214 : memref<1x128xi32, #tpu.memory_space<vmem>> -> memref<128xi32, #tpu.memory_space<vmem>>
    %dma_start3A_216 = arith.constant 0 : i32
    %dma_start3A_217 = arith.constant 0 : i32
    %dma_start3A_218 = tpu.memref_slice %arg6[%dma_start3A_216, %dma_start3A_217] : memref<1000000x64xf32, #tpu.memory_space<hbm>> -> memref<1000000x64xf32, #tpu.memory_space<hbm>>
    %dma_start3A_219 = tpu.memref_slice %arg12[%dma_start3A_208] : memref<8x!tpu.dma_semaphore, #tpu.memory_space<semaphore_mem>> -> memref<1x!tpu.dma_semaphore, #tpu.memory_space<semaphore_mem>>
    %dma_start3A_220 = tpu.memref_squeeze %dma_start3A_219 : memref<1x!tpu.dma_semaphore, #tpu.memory_space<semaphore_mem>> -> memref<!tpu.dma_semaphore, #tpu.memory_space<semaphore_mem>>
    tpu.enqueue_indirect_dma source(%dma_start3A_218 : memref<1000000x64xf32, #tpu.memory_space<hbm>>) target(%dma_start3A_212 : memref<128x64xf32, #tpu.memory_space<vmem>>) offsets(%dma_start3A_215 : memref<128xi32, #tpu.memory_space<vmem>>) semaphore(%dma_start3A_220 : memref<!tpu.dma_semaphore, #tpu.memory_space<semaphore_mem>>)
    %dma_wait3A_221 = arith.constant 3 : i32
    %dma_wait3A_222 = arith.constant 3 : i32
    %dma_wait3A_223 = arith.constant 3 : i32
    %dma_wait3A_224 = arith.constant 0 : i32
    %dma_wait3A_225 = arith.constant 0 : i32
    %dma_wait3A_226 = tpu.memref_slice %arg11[%dma_wait3A_222, %dma_wait3A_224, %dma_wait3A_225] : memref<8x128x64xf32, #tpu.memory_space<vmem>> -> memref<1x128x64xf32, #tpu.memory_space<vmem>>
    %dma_wait3A_227 = tpu.memref_squeeze %dma_wait3A_226 : memref<1x128x64xf32, #tpu.memory_space<vmem>> -> memref<128x64xf32, #tpu.memory_space<vmem>>
    %dma_wait3A_228 = arith.constant 0 : i32
    %dma_wait3A_229 = tpu.memref_slice %arg10[%dma_wait3A_221, %dma_wait3A_228] : memref<88x128xi32, #tpu.memory_space<vmem>> -> memref<1x128xi32, #tpu.memory_space<vmem>>
    %dma_wait3A_230 = tpu.memref_squeeze %dma_wait3A_229 : memref<1x128xi32, #tpu.memory_space<vmem>> -> memref<128xi32, #tpu.memory_space<vmem>>
    %dma_wait3A_231 = arith.constant 0 : i32
    %dma_wait3A_232 = arith.constant 0 : i32
    %dma_wait3A_233 = tpu.memref_slice %arg5[%dma_wait3A_231, %dma_wait3A_232] : memref<1000000x64xf32, #tpu.memory_space<hbm>> -> memref<1000000x64xf32, #tpu.memory_space<hbm>>
    %dma_wait3A_234 = tpu.memref_slice %arg12[%dma_wait3A_223] : memref<8x!tpu.dma_semaphore, #tpu.memory_space<semaphore_mem>> -> memref<1x!tpu.dma_semaphore, #tpu.memory_space<semaphore_mem>>
    %dma_wait3A_235 = tpu.memref_squeeze %dma_wait3A_234 : memref<1x!tpu.dma_semaphore, #tpu.memory_space<semaphore_mem>> -> memref<!tpu.dma_semaphore, #tpu.memory_space<semaphore_mem>>
    tpu.wait_indirect_dma semaphore(%dma_wait3A_235 : memref<!tpu.dma_semaphore, #tpu.memory_space<semaphore_mem>>) src(%dma_wait3A_233 : memref<1000000x64xf32, #tpu.memory_space<hbm>>) dst(%dma_wait3A_227 : memref<128x64xf32, #tpu.memory_space<vmem>>)
    %mul3A_236 = arith.constant 4 : i32
    %mul3A_237 = arith.muli %add3A, %mul3A_236 : i32
    %add3A_238 = arith.constant 3 : i32
    %add3A_239 = arith.addi %mul3A_237, %add3A_238 : i32
    %mul3A_240 = arith.constant 128 : i32
    %mul3A_241 = arith.muli %add3A_239, %mul3A_240 : i32
    %dma_start3A_242 = arith.constant 3 : i32
    %dma_start3A_243 = arith.constant 3 : i32
    %dma_start3A_244 = arith.constant 0 : i32
    %dma_start3A_245 = arith.constant 0 : i32
    %dma_start3A_246 = tpu.memref_slice %arg11[%dma_start3A_242, %dma_start3A_244, %dma_start3A_245] : memref<8x128x64xf32, #tpu.memory_space<vmem>> -> memref<1x128x64xf32, #tpu.memory_space<vmem>>
    %dma_start3A_247 = tpu.memref_squeeze %dma_start3A_246 : memref<1x128x64xf32, #tpu.memory_space<vmem>> -> memref<128x64xf32, #tpu.memory_space<vmem>>
    %dma_start3A_248 = arith.constant 0 : i32
    %dma_start3A_249 = tpu.memref_slice %arg7[%mul3A_241, %dma_start3A_248] : memref<16384x64xf32, #tpu.memory_space<hbm>> -> memref<128x64xf32, #tpu.memory_space<hbm>>
    %dma_start3A_250 = tpu.memref_slice %arg13[%dma_start3A_243] : memref<8x!tpu.dma_semaphore, #tpu.memory_space<semaphore_mem>> -> memref<1x!tpu.dma_semaphore, #tpu.memory_space<semaphore_mem>>
    %dma_start3A_251 = tpu.memref_squeeze %dma_start3A_250 : memref<1x!tpu.dma_semaphore, #tpu.memory_space<semaphore_mem>> -> memref<!tpu.dma_semaphore, #tpu.memory_space<semaphore_mem>>
    %dma_start3A_252 = arith.constant 0 : i32
    %dma_start3A_253 = tpu.memref_slice %arg7[%mul3A_241, %dma_start3A_252] : memref<16384x64xf32, #tpu.memory_space<hbm>> -> memref<128x64xf32, #tpu.memory_space<hbm>>
    %dma_start3A_254 = arith.constant 0 : i32
    %dma_start3A_255 = arith.constant 0 : i32
    %dma_start3A_256 = tpu.memref_slice %arg11[%dma_start3A_242, %dma_start3A_254, %dma_start3A_255] : memref<8x128x64xf32, #tpu.memory_space<vmem>> -> memref<1x128x64xf32, #tpu.memory_space<vmem>>
    %dma_start3A_257 = tpu.memref_squeeze %dma_start3A_256 : memref<1x128x64xf32, #tpu.memory_space<vmem>> -> memref<128x64xf32, #tpu.memory_space<vmem>>
    tpu.enqueue_dma source(%dma_start3A_257 : memref<128x64xf32, #tpu.memory_space<vmem>>) target(%dma_start3A_253 : memref<128x64xf32, #tpu.memory_space<hbm>>) target_semaphore(%dma_start3A_251 : memref<!tpu.dma_semaphore, #tpu.memory_space<semaphore_mem>>)
    %dma_start3A_258 = arith.constant 7 : i32
    %dma_start3A_259 = arith.constant 7 : i32
    %dma_start3A_260 = arith.constant 7 : i32
    %dma_start3A_261 = arith.constant 0 : i32
    %dma_start3A_262 = arith.constant 0 : i32
    %dma_start3A_263 = tpu.memref_slice %arg11[%dma_start3A_259, %dma_start3A_261, %dma_start3A_262] : memref<8x128x64xf32, #tpu.memory_space<vmem>> -> memref<1x128x64xf32, #tpu.memory_space<vmem>>
    %dma_start3A_264 = tpu.memref_squeeze %dma_start3A_263 : memref<1x128x64xf32, #tpu.memory_space<vmem>> -> memref<128x64xf32, #tpu.memory_space<vmem>>
    %dma_start3A_265 = arith.constant 0 : i32
    %dma_start3A_266 = tpu.memref_slice %arg10[%dma_start3A_258, %dma_start3A_265] : memref<88x128xi32, #tpu.memory_space<vmem>> -> memref<1x128xi32, #tpu.memory_space<vmem>>
    %dma_start3A_267 = tpu.memref_squeeze %dma_start3A_266 : memref<1x128xi32, #tpu.memory_space<vmem>> -> memref<128xi32, #tpu.memory_space<vmem>>
    %dma_start3A_268 = arith.constant 0 : i32
    %dma_start3A_269 = arith.constant 0 : i32
    %dma_start3A_270 = tpu.memref_slice %arg6[%dma_start3A_268, %dma_start3A_269] : memref<1000000x64xf32, #tpu.memory_space<hbm>> -> memref<1000000x64xf32, #tpu.memory_space<hbm>>
    %dma_start3A_271 = tpu.memref_slice %arg12[%dma_start3A_260] : memref<8x!tpu.dma_semaphore, #tpu.memory_space<semaphore_mem>> -> memref<1x!tpu.dma_semaphore, #tpu.memory_space<semaphore_mem>>
    %dma_start3A_272 = tpu.memref_squeeze %dma_start3A_271 : memref<1x!tpu.dma_semaphore, #tpu.memory_space<semaphore_mem>> -> memref<!tpu.dma_semaphore, #tpu.memory_space<semaphore_mem>>
    tpu.enqueue_indirect_dma source(%dma_start3A_270 : memref<1000000x64xf32, #tpu.memory_space<hbm>>) target(%dma_start3A_264 : memref<128x64xf32, #tpu.memory_space<vmem>>) offsets(%dma_start3A_267 : memref<128xi32, #tpu.memory_space<vmem>>) semaphore(%dma_start3A_272 : memref<!tpu.dma_semaphore, #tpu.memory_space<semaphore_mem>>)
    %dma_wait3A_273 = arith.constant 4 : i32
    %dma_wait3A_274 = arith.constant 4 : i32
    %dma_wait3A_275 = arith.constant 4 : i32
    %dma_wait3A_276 = arith.constant 0 : i32
    %dma_wait3A_277 = arith.constant 0 : i32
    %dma_wait3A_278 = tpu.memref_slice %arg11[%dma_wait3A_274, %dma_wait3A_276, %dma_wait3A_277] : memref<8x128x64xf32, #tpu.memory_space<vmem>> -> memref<1x128x64xf32, #tpu.memory_space<vmem>>
    %dma_wait3A_279 = tpu.memref_squeeze %dma_wait3A_278 : memref<1x128x64xf32, #tpu.memory_space<vmem>> -> memref<128x64xf32, #tpu.memory_space<vmem>>
    %dma_wait3A_280 = arith.constant 0 : i32
    %dma_wait3A_281 = tpu.memref_slice %arg10[%dma_wait3A_273, %dma_wait3A_280] : memref<88x128xi32, #tpu.memory_space<vmem>> -> memref<1x128xi32, #tpu.memory_space<vmem>>
    %dma_wait3A_282 = tpu.memref_squeeze %dma_wait3A_281 : memref<1x128xi32, #tpu.memory_space<vmem>> -> memref<128xi32, #tpu.memory_space<vmem>>
    %dma_wait3A_283 = arith.constant 0 : i32
    %dma_wait3A_284 = arith.constant 0 : i32
    %dma_wait3A_285 = tpu.memref_slice %arg6[%dma_wait3A_283, %dma_wait3A_284] : memref<1000000x64xf32, #tpu.memory_space<hbm>> -> memref<1000000x64xf32, #tpu.memory_space<hbm>>
    %dma_wait3A_286 = tpu.memref_slice %arg12[%dma_wait3A_275] : memref<8x!tpu.dma_semaphore, #tpu.memory_space<semaphore_mem>> -> memref<1x!tpu.dma_semaphore, #tpu.memory_space<semaphore_mem>>
    %dma_wait3A_287 = tpu.memref_squeeze %dma_wait3A_286 : memref<1x!tpu.dma_semaphore, #tpu.memory_space<semaphore_mem>> -> memref<!tpu.dma_semaphore, #tpu.memory_space<semaphore_mem>>
    tpu.wait_indirect_dma semaphore(%dma_wait3A_287 : memref<!tpu.dma_semaphore, #tpu.memory_space<semaphore_mem>>) src(%dma_wait3A_285 : memref<1000000x64xf32, #tpu.memory_space<hbm>>) dst(%dma_wait3A_279 : memref<128x64xf32, #tpu.memory_space<vmem>>)
    %mul3A_288 = arith.constant 4 : i32
    %mul3A_289 = arith.muli %add3A, %mul3A_288 : i32
    %add3A_290 = arith.constant 4 : i32
    %add3A_291 = arith.addi %mul3A_289, %add3A_290 : i32
    %sub3A = arith.constant 4 : i32
    %sub3A_292 = arith.subi %add3A_291, %sub3A : i32
    %mul3A_293 = arith.constant 128 : i32
    %mul3A_294 = arith.muli %sub3A_292, %mul3A_293 : i32
    %dma_start3A_295 = arith.constant 4 : i32
    %dma_start3A_296 = arith.constant 4 : i32
    %dma_start3A_297 = arith.constant 0 : i32
    %dma_start3A_298 = arith.constant 0 : i32
    %dma_start3A_299 = tpu.memref_slice %arg11[%dma_start3A_295, %dma_start3A_297, %dma_start3A_298] : memref<8x128x64xf32, #tpu.memory_space<vmem>> -> memref<1x128x64xf32, #tpu.memory_space<vmem>>
    %dma_start3A_300 = tpu.memref_squeeze %dma_start3A_299 : memref<1x128x64xf32, #tpu.memory_space<vmem>> -> memref<128x64xf32, #tpu.memory_space<vmem>>
    %dma_start3A_301 = arith.constant 0 : i32
    %dma_start3A_302 = tpu.memref_slice %arg8[%mul3A_294, %dma_start3A_301] : memref<16384x64xf32, #tpu.memory_space<hbm>> -> memref<128x64xf32, #tpu.memory_space<hbm>>
    %dma_start3A_303 = tpu.memref_slice %arg13[%dma_start3A_296] : memref<8x!tpu.dma_semaphore, #tpu.memory_space<semaphore_mem>> -> memref<1x!tpu.dma_semaphore, #tpu.memory_space<semaphore_mem>>
    %dma_start3A_304 = tpu.memref_squeeze %dma_start3A_303 : memref<1x!tpu.dma_semaphore, #tpu.memory_space<semaphore_mem>> -> memref<!tpu.dma_semaphore, #tpu.memory_space<semaphore_mem>>
    %dma_start3A_305 = arith.constant 0 : i32
    %dma_start3A_306 = tpu.memref_slice %arg8[%mul3A_294, %dma_start3A_305] : memref<16384x64xf32, #tpu.memory_space<hbm>> -> memref<128x64xf32, #tpu.memory_space<hbm>>
    %dma_start3A_307 = arith.constant 0 : i32
    %dma_start3A_308 = arith.constant 0 : i32
    %dma_start3A_309 = tpu.memref_slice %arg11[%dma_start3A_295, %dma_start3A_307, %dma_start3A_308] : memref<8x128x64xf32, #tpu.memory_space<vmem>> -> memref<1x128x64xf32, #tpu.memory_space<vmem>>
    %dma_start3A_310 = tpu.memref_squeeze %dma_start3A_309 : memref<1x128x64xf32, #tpu.memory_space<vmem>> -> memref<128x64xf32, #tpu.memory_space<vmem>>
    tpu.enqueue_dma source(%dma_start3A_310 : memref<128x64xf32, #tpu.memory_space<vmem>>) target(%dma_start3A_306 : memref<128x64xf32, #tpu.memory_space<hbm>>) target_semaphore(%dma_start3A_304 : memref<!tpu.dma_semaphore, #tpu.memory_space<semaphore_mem>>)
    %dma_wait3A_311 = arith.constant 0 : i32
    %dma_wait3A_312 = arith.constant 0 : i32
    %dma_wait3A_313 = arith.constant 0 : i32
    %dma_wait3A_314 = arith.constant 0 : i32
    %dma_wait3A_315 = tpu.memref_slice %arg11[%dma_wait3A_311, %dma_wait3A_313, %dma_wait3A_314] : memref<8x128x64xf32, #tpu.memory_space<vmem>> -> memref<1x128x64xf32, #tpu.memory_space<vmem>>
    %dma_wait3A_316 = tpu.memref_squeeze %dma_wait3A_315 : memref<1x128x64xf32, #tpu.memory_space<vmem>> -> memref<128x64xf32, #tpu.memory_space<vmem>>
    %dma_wait3A_317 = arith.constant 0 : i32
    %dma_wait3A_318 = arith.constant 0 : i32
    %dma_wait3A_319 = tpu.memref_slice %arg9[%dma_wait3A_317, %dma_wait3A_318] : memref<327680x64xf32, #tpu.memory_space<hbm>> -> memref<128x64xf32, #tpu.memory_space<hbm>>
    %dma_wait3A_320 = tpu.memref_slice %arg13[%dma_wait3A_312] : memref<8x!tpu.dma_semaphore, #tpu.memory_space<semaphore_mem>> -> memref<1x!tpu.dma_semaphore, #tpu.memory_space<semaphore_mem>>
    %dma_wait3A_321 = tpu.memref_squeeze %dma_wait3A_320 : memref<1x!tpu.dma_semaphore, #tpu.memory_space<semaphore_mem>> -> memref<!tpu.dma_semaphore, #tpu.memory_space<semaphore_mem>>
    %dma_wait3A_322 = arith.constant 0 : i32
    %dma_wait3A_323 = arith.constant 0 : i32
    %dma_wait3A_324 = tpu.memref_slice %arg9[%dma_wait3A_322, %dma_wait3A_323] : memref<327680x64xf32, #tpu.memory_space<hbm>> -> memref<128x64xf32, #tpu.memory_space<hbm>>
    %dma_wait3A_325 = arith.constant 0 : i32
    %dma_wait3A_326 = arith.constant 0 : i32
    %dma_wait3A_327 = tpu.memref_slice %arg11[%dma_wait3A_311, %dma_wait3A_325, %dma_wait3A_326] : memref<8x128x64xf32, #tpu.memory_space<vmem>> -> memref<1x128x64xf32, #tpu.memory_space<vmem>>
    %dma_wait3A_328 = tpu.memref_squeeze %dma_wait3A_327 : memref<1x128x64xf32, #tpu.memory_space<vmem>> -> memref<128x64xf32, #tpu.memory_space<vmem>>
    tpu.wait_dma2 semaphore(%dma_wait3A_321 : memref<!tpu.dma_semaphore, #tpu.memory_space<semaphore_mem>>) src(%dma_wait3A_328 : memref<128x64xf32, #tpu.memory_space<vmem>>) dst(%dma_wait3A_324 : memref<128x64xf32, #tpu.memory_space<hbm>>)
    %dma_start3A_329 = arith.constant 8 : i32
    %dma_start3A_330 = arith.constant 0 : i32
    %dma_start3A_331 = arith.constant 0 : i32
    %dma_start3A_332 = arith.constant 0 : i32
    %dma_start3A_333 = arith.constant 0 : i32
    %dma_start3A_334 = tpu.memref_slice %arg11[%dma_start3A_330, %dma_start3A_332, %dma_start3A_333] : memref<8x128x64xf32, #tpu.memory_space<vmem>> -> memref<1x128x64xf32, #tpu.memory_space<vmem>>
    %dma_start3A_335 = tpu.memref_squeeze %dma_start3A_334 : memref<1x128x64xf32, #tpu.memory_space<vmem>> -> memref<128x64xf32, #tpu.memory_space<vmem>>
    %dma_start3A_336 = arith.constant 0 : i32
    %dma_start3A_337 = tpu.memref_slice %arg10[%dma_start3A_329, %dma_start3A_336] : memref<88x128xi32, #tpu.memory_space<vmem>> -> memref<1x128xi32, #tpu.memory_space<vmem>>
    %dma_start3A_338 = tpu.memref_squeeze %dma_start3A_337 : memref<1x128xi32, #tpu.memory_space<vmem>> -> memref<128xi32, #tpu.memory_space<vmem>>
    %dma_start3A_339 = arith.constant 0 : i32
    %dma_start3A_340 = arith.constant 0 : i32
    %dma_start3A_341 = tpu.memref_slice %arg6[%dma_start3A_339, %dma_start3A_340] : memref<1000000x64xf32, #tpu.memory_space<hbm>> -> memref<1000000x64xf32, #tpu.memory_space<hbm>>
    %dma_start3A_342 = tpu.memref_slice %arg12[%dma_start3A_331] : memref<8x!tpu.dma_semaphore, #tpu.memory_space<semaphore_mem>> -> memref<1x!tpu.dma_semaphore, #tpu.memory_space<semaphore_mem>>
    %dma_start3A_343 = tpu.memref_squeeze %dma_start3A_342 : memref<1x!tpu.dma_semaphore, #tpu.memory_space<semaphore_mem>> -> memref<!tpu.dma_semaphore, #tpu.memory_space<semaphore_mem>>
    tpu.enqueue_indirect_dma source(%dma_start3A_341 : memref<1000000x64xf32, #tpu.memory_space<hbm>>) target(%dma_start3A_335 : memref<128x64xf32, #tpu.memory_space<vmem>>) offsets(%dma_start3A_338 : memref<128xi32, #tpu.memory_space<vmem>>) semaphore(%dma_start3A_343 : memref<!tpu.dma_semaphore, #tpu.memory_space<semaphore_mem>>)
    %dma_wait3A_344 = arith.constant 5 : i32
    %dma_wait3A_345 = arith.constant 5 : i32
    %dma_wait3A_346 = arith.constant 5 : i32
    %dma_wait3A_347 = arith.constant 0 : i32
    %dma_wait3A_348 = arith.constant 0 : i32
    %dma_wait3A_349 = tpu.memref_slice %arg11[%dma_wait3A_345, %dma_wait3A_347, %dma_wait3A_348] : memref<8x128x64xf32, #tpu.memory_space<vmem>> -> memref<1x128x64xf32, #tpu.memory_space<vmem>>
    %dma_wait3A_350 = tpu.memref_squeeze %dma_wait3A_349 : memref<1x128x64xf32, #tpu.memory_space<vmem>> -> memref<128x64xf32, #tpu.memory_space<vmem>>
    %dma_wait3A_351 = arith.constant 0 : i32
    %dma_wait3A_352 = tpu.memref_slice %arg10[%dma_wait3A_344, %dma_wait3A_351] : memref<88x128xi32, #tpu.memory_space<vmem>> -> memref<1x128xi32, #tpu.memory_space<vmem>>
    %dma_wait3A_353 = tpu.memref_squeeze %dma_wait3A_352 : memref<1x128xi32, #tpu.memory_space<vmem>> -> memref<128xi32, #tpu.memory_space<vmem>>
    %dma_wait3A_354 = arith.constant 0 : i32
    %dma_wait3A_355 = arith.constant 0 : i32
    %dma_wait3A_356 = tpu.memref_slice %arg6[%dma_wait3A_354, %dma_wait3A_355] : memref<1000000x64xf32, #tpu.memory_space<hbm>> -> memref<1000000x64xf32, #tpu.memory_space<hbm>>
    %dma_wait3A_357 = tpu.memref_slice %arg12[%dma_wait3A_346] : memref<8x!tpu.dma_semaphore, #tpu.memory_space<semaphore_mem>> -> memref<1x!tpu.dma_semaphore, #tpu.memory_space<semaphore_mem>>
    %dma_wait3A_358 = tpu.memref_squeeze %dma_wait3A_357 : memref<1x!tpu.dma_semaphore, #tpu.memory_space<semaphore_mem>> -> memref<!tpu.dma_semaphore, #tpu.memory_space<semaphore_mem>>
    tpu.wait_indirect_dma semaphore(%dma_wait3A_358 : memref<!tpu.dma_semaphore, #tpu.memory_space<semaphore_mem>>) src(%dma_wait3A_356 : memref<1000000x64xf32, #tpu.memory_space<hbm>>) dst(%dma_wait3A_350 : memref<128x64xf32, #tpu.memory_space<vmem>>)
    %mul3A_359 = arith.constant 4 : i32
    %mul3A_360 = arith.muli %add3A, %mul3A_359 : i32
    %add3A_361 = arith.constant 5 : i32
    %add3A_362 = arith.addi %mul3A_360, %add3A_361 : i32
    %sub3A_363 = arith.constant 4 : i32
    %sub3A_364 = arith.subi %add3A_362, %sub3A_363 : i32
    %mul3A_365 = arith.constant 128 : i32
    %mul3A_366 = arith.muli %sub3A_364, %mul3A_365 : i32
    %dma_start3A_367 = arith.constant 5 : i32
    %dma_start3A_368 = arith.constant 5 : i32
    %dma_start3A_369 = arith.constant 0 : i32
    %dma_start3A_370 = arith.constant 0 : i32
    %dma_start3A_371 = tpu.memref_slice %arg11[%dma_start3A_367, %dma_start3A_369, %dma_start3A_370] : memref<8x128x64xf32, #tpu.memory_space<vmem>> -> memref<1x128x64xf32, #tpu.memory_space<vmem>>
    %dma_start3A_372 = tpu.memref_squeeze %dma_start3A_371 : memref<1x128x64xf32, #tpu.memory_space<vmem>> -> memref<128x64xf32, #tpu.memory_space<vmem>>
    %dma_start3A_373 = arith.constant 0 : i32
    %dma_start3A_374 = tpu.memref_slice %arg8[%mul3A_366, %dma_start3A_373] : memref<16384x64xf32, #tpu.memory_space<hbm>> -> memref<128x64xf32, #tpu.memory_space<hbm>>
    %dma_start3A_375 = tpu.memref_slice %arg13[%dma_start3A_368] : memref<8x!tpu.dma_semaphore, #tpu.memory_space<semaphore_mem>> -> memref<1x!tpu.dma_semaphore, #tpu.memory_space<semaphore_mem>>
    %dma_start3A_376 = tpu.memref_squeeze %dma_start3A_375 : memref<1x!tpu.dma_semaphore, #tpu.memory_space<semaphore_mem>> -> memref<!tpu.dma_semaphore, #tpu.memory_space<semaphore_mem>>
    %dma_start3A_377 = arith.constant 0 : i32
    %dma_start3A_378 = tpu.memref_slice %arg8[%mul3A_366, %dma_start3A_377] : memref<16384x64xf32, #tpu.memory_space<hbm>> -> memref<128x64xf32, #tpu.memory_space<hbm>>
    %dma_start3A_379 = arith.constant 0 : i32
    %dma_start3A_380 = arith.constant 0 : i32
    %dma_start3A_381 = tpu.memref_slice %arg11[%dma_start3A_367, %dma_start3A_379, %dma_start3A_380] : memref<8x128x64xf32, #tpu.memory_space<vmem>> -> memref<1x128x64xf32, #tpu.memory_space<vmem>>
    %dma_start3A_382 = tpu.memref_squeeze %dma_start3A_381 : memref<1x128x64xf32, #tpu.memory_space<vmem>> -> memref<128x64xf32, #tpu.memory_space<vmem>>
    tpu.enqueue_dma source(%dma_start3A_382 : memref<128x64xf32, #tpu.memory_space<vmem>>) target(%dma_start3A_378 : memref<128x64xf32, #tpu.memory_space<hbm>>) target_semaphore(%dma_start3A_376 : memref<!tpu.dma_semaphore, #tpu.memory_space<semaphore_mem>>)
    %dma_wait3A_383 = arith.constant 1 : i32
    %dma_wait3A_384 = arith.constant 1 : i32
    %dma_wait3A_385 = arith.constant 0 : i32
    %dma_wait3A_386 = arith.constant 0 : i32
    %dma_wait3A_387 = tpu.memref_slice %arg11[%dma_wait3A_383, %dma_wait3A_385, %dma_wait3A_386] : memref<8x128x64xf32, #tpu.memory_space<vmem>> -> memref<1x128x64xf32, #tpu.memory_space<vmem>>
    %dma_wait3A_388 = tpu.memref_squeeze %dma_wait3A_387 : memref<1x128x64xf32, #tpu.memory_space<vmem>> -> memref<128x64xf32, #tpu.memory_space<vmem>>
    %dma_wait3A_389 = arith.constant 0 : i32
    %dma_wait3A_390 = arith.constant 0 : i32
    %dma_wait3A_391 = tpu.memref_slice %arg9[%dma_wait3A_389, %dma_wait3A_390] : memref<327680x64xf32, #tpu.memory_space<hbm>> -> memref<128x64xf32, #tpu.memory_space<hbm>>
    %dma_wait3A_392 = tpu.memref_slice %arg13[%dma_wait3A_384] : memref<8x!tpu.dma_semaphore, #tpu.memory_space<semaphore_mem>> -> memref<1x!tpu.dma_semaphore, #tpu.memory_space<semaphore_mem>>
    %dma_wait3A_393 = tpu.memref_squeeze %dma_wait3A_392 : memref<1x!tpu.dma_semaphore, #tpu.memory_space<semaphore_mem>> -> memref<!tpu.dma_semaphore, #tpu.memory_space<semaphore_mem>>
    %dma_wait3A_394 = arith.constant 0 : i32
    %dma_wait3A_395 = arith.constant 0 : i32
    %dma_wait3A_396 = tpu.memref_slice %arg9[%dma_wait3A_394, %dma_wait3A_395] : memref<327680x64xf32, #tpu.memory_space<hbm>> -> memref<128x64xf32, #tpu.memory_space<hbm>>
    %dma_wait3A_397 = arith.constant 0 : i32
    %dma_wait3A_398 = arith.constant 0 : i32
    %dma_wait3A_399 = tpu.memref_slice %arg11[%dma_wait3A_383, %dma_wait3A_397, %dma_wait3A_398] : memref<8x128x64xf32, #tpu.memory_space<vmem>> -> memref<1x128x64xf32, #tpu.memory_space<vmem>>
    %dma_wait3A_400 = tpu.memref_squeeze %dma_wait3A_399 : memref<1x128x64xf32, #tpu.memory_space<vmem>> -> memref<128x64xf32, #tpu.memory_space<vmem>>
    tpu.wait_dma2 semaphore(%dma_wait3A_393 : memref<!tpu.dma_semaphore, #tpu.memory_space<semaphore_mem>>) src(%dma_wait3A_400 : memref<128x64xf32, #tpu.memory_space<vmem>>) dst(%dma_wait3A_396 : memref<128x64xf32, #tpu.memory_space<hbm>>)
    %dma_start3A_401 = arith.constant 9 : i32
    %dma_start3A_402 = arith.constant 1 : i32
    %dma_start3A_403 = arith.constant 1 : i32
    %dma_start3A_404 = arith.constant 0 : i32
    %dma_start3A_405 = arith.constant 0 : i32
    %dma_start3A_406 = tpu.memref_slice %arg11[%dma_start3A_402, %dma_start3A_404, %dma_start3A_405] : memref<8x128x64xf32, #tpu.memory_space<vmem>> -> memref<1x128x64xf32, #tpu.memory_space<vmem>>
    %dma_start3A_407 = tpu.memref_squeeze %dma_start3A_406 : memref<1x128x64xf32, #tpu.memory_space<vmem>> -> memref<128x64xf32, #tpu.memory_space<vmem>>
    %dma_start3A_408 = arith.constant 0 : i32
    %dma_start3A_409 = tpu.memref_slice %arg10[%dma_start3A_401, %dma_start3A_408] : memref<88x128xi32, #tpu.memory_space<vmem>> -> memref<1x128xi32, #tpu.memory_space<vmem>>
    %dma_start3A_410 = tpu.memref_squeeze %dma_start3A_409 : memref<1x128xi32, #tpu.memory_space<vmem>> -> memref<128xi32, #tpu.memory_space<vmem>>
    %dma_start3A_411 = arith.constant 0 : i32
    %dma_start3A_412 = arith.constant 0 : i32
    %dma_start3A_413 = tpu.memref_slice %arg6[%dma_start3A_411, %dma_start3A_412] : memref<1000000x64xf32, #tpu.memory_space<hbm>> -> memref<1000000x64xf32, #tpu.memory_space<hbm>>
    %dma_start3A_414 = tpu.memref_slice %arg12[%dma_start3A_403] : memref<8x!tpu.dma_semaphore, #tpu.memory_space<semaphore_mem>> -> memref<1x!tpu.dma_semaphore, #tpu.memory_space<semaphore_mem>>
    %dma_start3A_415 = tpu.memref_squeeze %dma_start3A_414 : memref<1x!tpu.dma_semaphore, #tpu.memory_space<semaphore_mem>> -> memref<!tpu.dma_semaphore, #tpu.memory_space<semaphore_mem>>
    tpu.enqueue_indirect_dma source(%dma_start3A_413 : memref<1000000x64xf32, #tpu.memory_space<hbm>>) target(%dma_start3A_407 : memref<128x64xf32, #tpu.memory_space<vmem>>) offsets(%dma_start3A_410 : memref<128xi32, #tpu.memory_space<vmem>>) semaphore(%dma_start3A_415 : memref<!tpu.dma_semaphore, #tpu.memory_space<semaphore_mem>>)
    %dma_wait3A_416 = arith.constant 6 : i32
    %dma_wait3A_417 = arith.constant 6 : i32
    %dma_wait3A_418 = arith.constant 6 : i32
    %dma_wait3A_419 = arith.constant 0 : i32
    %dma_wait3A_420 = arith.constant 0 : i32
    %dma_wait3A_421 = tpu.memref_slice %arg11[%dma_wait3A_417, %dma_wait3A_419, %dma_wait3A_420] : memref<8x128x64xf32, #tpu.memory_space<vmem>> -> memref<1x128x64xf32, #tpu.memory_space<vmem>>
    %dma_wait3A_422 = tpu.memref_squeeze %dma_wait3A_421 : memref<1x128x64xf32, #tpu.memory_space<vmem>> -> memref<128x64xf32, #tpu.memory_space<vmem>>
    %dma_wait3A_423 = arith.constant 0 : i32
    %dma_wait3A_424 = tpu.memref_slice %arg10[%dma_wait3A_416, %dma_wait3A_423] : memref<88x128xi32, #tpu.memory_space<vmem>> -> memref<1x128xi32, #tpu.memory_space<vmem>>
    %dma_wait3A_425 = tpu.memref_squeeze %dma_wait3A_424 : memref<1x128xi32, #tpu.memory_space<vmem>> -> memref<128xi32, #tpu.memory_space<vmem>>
    %dma_wait3A_426 = arith.constant 0 : i32
    %dma_wait3A_427 = arith.constant 0 : i32
    %dma_wait3A_428 = tpu.memref_slice %arg6[%dma_wait3A_426, %dma_wait3A_427] : memref<1000000x64xf32, #tpu.memory_space<hbm>> -> memref<1000000x64xf32, #tpu.memory_space<hbm>>
    %dma_wait3A_429 = tpu.memref_slice %arg12[%dma_wait3A_418] : memref<8x!tpu.dma_semaphore, #tpu.memory_space<semaphore_mem>> -> memref<1x!tpu.dma_semaphore, #tpu.memory_space<semaphore_mem>>
    %dma_wait3A_430 = tpu.memref_squeeze %dma_wait3A_429 : memref<1x!tpu.dma_semaphore, #tpu.memory_space<semaphore_mem>> -> memref<!tpu.dma_semaphore, #tpu.memory_space<semaphore_mem>>
    tpu.wait_indirect_dma semaphore(%dma_wait3A_430 : memref<!tpu.dma_semaphore, #tpu.memory_space<semaphore_mem>>) src(%dma_wait3A_428 : memref<1000000x64xf32, #tpu.memory_space<hbm>>) dst(%dma_wait3A_422 : memref<128x64xf32, #tpu.memory_space<vmem>>)
    %mul3A_431 = arith.constant 4 : i32
    %mul3A_432 = arith.muli %add3A, %mul3A_431 : i32
    %add3A_433 = arith.constant 6 : i32
    %add3A_434 = arith.addi %mul3A_432, %add3A_433 : i32
    %sub3A_435 = arith.constant 4 : i32
    %sub3A_436 = arith.subi %add3A_434, %sub3A_435 : i32
    %mul3A_437 = arith.constant 128 : i32
    %mul3A_438 = arith.muli %sub3A_436, %mul3A_437 : i32
    %dma_start3A_439 = arith.constant 6 : i32
    %dma_start3A_440 = arith.constant 6 : i32
    %dma_start3A_441 = arith.constant 0 : i32
    %dma_start3A_442 = arith.constant 0 : i32
    %dma_start3A_443 = tpu.memref_slice %arg11[%dma_start3A_439, %dma_start3A_441, %dma_start3A_442] : memref<8x128x64xf32, #tpu.memory_space<vmem>> -> memref<1x128x64xf32, #tpu.memory_space<vmem>>
    %dma_start3A_444 = tpu.memref_squeeze %dma_start3A_443 : memref<1x128x64xf32, #tpu.memory_space<vmem>> -> memref<128x64xf32, #tpu.memory_space<vmem>>
    %dma_start3A_445 = arith.constant 0 : i32
    %dma_start3A_446 = tpu.memref_slice %arg8[%mul3A_438, %dma_start3A_445] : memref<16384x64xf32, #tpu.memory_space<hbm>> -> memref<128x64xf32, #tpu.memory_space<hbm>>
    %dma_start3A_447 = tpu.memref_slice %arg13[%dma_start3A_440] : memref<8x!tpu.dma_semaphore, #tpu.memory_space<semaphore_mem>> -> memref<1x!tpu.dma_semaphore, #tpu.memory_space<semaphore_mem>>
    %dma_start3A_448 = tpu.memref_squeeze %dma_start3A_447 : memref<1x!tpu.dma_semaphore, #tpu.memory_space<semaphore_mem>> -> memref<!tpu.dma_semaphore, #tpu.memory_space<semaphore_mem>>
    %dma_start3A_449 = arith.constant 0 : i32
    %dma_start3A_450 = tpu.memref_slice %arg8[%mul3A_438, %dma_start3A_449] : memref<16384x64xf32, #tpu.memory_space<hbm>> -> memref<128x64xf32, #tpu.memory_space<hbm>>
    %dma_start3A_451 = arith.constant 0 : i32
    %dma_start3A_452 = arith.constant 0 : i32
    %dma_start3A_453 = tpu.memref_slice %arg11[%dma_start3A_439, %dma_start3A_451, %dma_start3A_452] : memref<8x128x64xf32, #tpu.memory_space<vmem>> -> memref<1x128x64xf32, #tpu.memory_space<vmem>>
    %dma_start3A_454 = tpu.memref_squeeze %dma_start3A_453 : memref<1x128x64xf32, #tpu.memory_space<vmem>> -> memref<128x64xf32, #tpu.memory_space<vmem>>
    tpu.enqueue_dma source(%dma_start3A_454 : memref<128x64xf32, #tpu.memory_space<vmem>>) target(%dma_start3A_450 : memref<128x64xf32, #tpu.memory_space<hbm>>) target_semaphore(%dma_start3A_448 : memref<!tpu.dma_semaphore, #tpu.memory_space<semaphore_mem>>)
    %dma_wait3A_455 = arith.constant 2 : i32
    %dma_wait3A_456 = arith.constant 2 : i32
    %dma_wait3A_457 = arith.constant 0 : i32
    %dma_wait3A_458 = arith.constant 0 : i32
    %dma_wait3A_459 = tpu.memref_slice %arg11[%dma_wait3A_455, %dma_wait3A_457, %dma_wait3A_458] : memref<8x128x64xf32, #tpu.memory_space<vmem>> -> memref<1x128x64xf32, #tpu.memory_space<vmem>>
    %dma_wait3A_460 = tpu.memref_squeeze %dma_wait3A_459 : memref<1x128x64xf32, #tpu.memory_space<vmem>> -> memref<128x64xf32, #tpu.memory_space<vmem>>
    %dma_wait3A_461 = arith.constant 0 : i32
    %dma_wait3A_462 = arith.constant 0 : i32
    %dma_wait3A_463 = tpu.memref_slice %arg9[%dma_wait3A_461, %dma_wait3A_462] : memref<327680x64xf32, #tpu.memory_space<hbm>> -> memref<128x64xf32, #tpu.memory_space<hbm>>
    %dma_wait3A_464 = tpu.memref_slice %arg13[%dma_wait3A_456] : memref<8x!tpu.dma_semaphore, #tpu.memory_space<semaphore_mem>> -> memref<1x!tpu.dma_semaphore, #tpu.memory_space<semaphore_mem>>
    %dma_wait3A_465 = tpu.memref_squeeze %dma_wait3A_464 : memref<1x!tpu.dma_semaphore, #tpu.memory_space<semaphore_mem>> -> memref<!tpu.dma_semaphore, #tpu.memory_space<semaphore_mem>>
    %dma_wait3A_466 = arith.constant 0 : i32
    %dma_wait3A_467 = arith.constant 0 : i32
    %dma_wait3A_468 = tpu.memref_slice %arg9[%dma_wait3A_466, %dma_wait3A_467] : memref<327680x64xf32, #tpu.memory_space<hbm>> -> memref<128x64xf32, #tpu.memory_space<hbm>>
    %dma_wait3A_469 = arith.constant 0 : i32
    %dma_wait3A_470 = arith.constant 0 : i32
    %dma_wait3A_471 = tpu.memref_slice %arg11[%dma_wait3A_455, %dma_wait3A_469, %dma_wait3A_470] : memref<8x128x64xf32, #tpu.memory_space<vmem>> -> memref<1x128x64xf32, #tpu.memory_space<vmem>>
    %dma_wait3A_472 = tpu.memref_squeeze %dma_wait3A_471 : memref<1x128x64xf32, #tpu.memory_space<vmem>> -> memref<128x64xf32, #tpu.memory_space<vmem>>
    tpu.wait_dma2 semaphore(%dma_wait3A_465 : memref<!tpu.dma_semaphore, #tpu.memory_space<semaphore_mem>>) src(%dma_wait3A_472 : memref<128x64xf32, #tpu.memory_space<vmem>>) dst(%dma_wait3A_468 : memref<128x64xf32, #tpu.memory_space<hbm>>)
    %dma_start3A_473 = arith.constant 10 : i32
    %dma_start3A_474 = arith.constant 2 : i32
    %dma_start3A_475 = arith.constant 2 : i32
    %dma_start3A_476 = arith.constant 0 : i32
    %dma_start3A_477 = arith.constant 0 : i32
    %dma_start3A_478 = tpu.memref_slice %arg11[%dma_start3A_474, %dma_start3A_476, %dma_start3A_477] : memref<8x128x64xf32, #tpu.memory_space<vmem>> -> memref<1x128x64xf32, #tpu.memory_space<vmem>>
    %dma_start3A_479 = tpu.memref_squeeze %dma_start3A_478 : memref<1x128x64xf32, #tpu.memory_space<vmem>> -> memref<128x64xf32, #tpu.memory_space<vmem>>
    %dma_start3A_480 = arith.constant 0 : i32
    %dma_start3A_481 = tpu.memref_slice %arg10[%dma_start3A_473, %dma_start3A_480] : memref<88x128xi32, #tpu.memory_space<vmem>> -> memref<1x128xi32, #tpu.memory_space<vmem>>
    %dma_start3A_482 = tpu.memref_squeeze %dma_start3A_481 : memref<1x128xi32, #tpu.memory_space<vmem>> -> memref<128xi32, #tpu.memory_space<vmem>>
    %dma_start3A_483 = arith.constant 0 : i32
    %dma_start3A_484 = arith.constant 0 : i32
    %dma_start3A_485 = tpu.memref_slice %arg6[%dma_start3A_483, %dma_start3A_484] : memref<1000000x64xf32, #tpu.memory_space<hbm>> -> memref<1000000x64xf32, #tpu.memory_space<hbm>>
    %dma_start3A_486 = tpu.memref_slice %arg12[%dma_start3A_475] : memref<8x!tpu.dma_semaphore, #tpu.memory_space<semaphore_mem>> -> memref<1x!tpu.dma_semaphore, #tpu.memory_space<semaphore_mem>>
    %dma_start3A_487 = tpu.memref_squeeze %dma_start3A_486 : memref<1x!tpu.dma_semaphore, #tpu.memory_space<semaphore_mem>> -> memref<!tpu.dma_semaphore, #tpu.memory_space<semaphore_mem>>
    tpu.enqueue_indirect_dma source(%dma_start3A_485 : memref<1000000x64xf32, #tpu.memory_space<hbm>>) target(%dma_start3A_479 : memref<128x64xf32, #tpu.memory_space<vmem>>) offsets(%dma_start3A_482 : memref<128xi32, #tpu.memory_space<vmem>>) semaphore(%dma_start3A_487 : memref<!tpu.dma_semaphore, #tpu.memory_space<semaphore_mem>>)
    %dma_wait3A_488 = arith.constant 7 : i32
    %dma_wait3A_489 = arith.constant 7 : i32
    %dma_wait3A_490 = arith.constant 7 : i32
    %dma_wait3A_491 = arith.constant 0 : i32
    %dma_wait3A_492 = arith.constant 0 : i32
    %dma_wait3A_493 = tpu.memref_slice %arg11[%dma_wait3A_489, %dma_wait3A_491, %dma_wait3A_492] : memref<8x128x64xf32, #tpu.memory_space<vmem>> -> memref<1x128x64xf32, #tpu.memory_space<vmem>>
    %dma_wait3A_494 = tpu.memref_squeeze %dma_wait3A_493 : memref<1x128x64xf32, #tpu.memory_space<vmem>> -> memref<128x64xf32, #tpu.memory_space<vmem>>
    %dma_wait3A_495 = arith.constant 0 : i32
    %dma_wait3A_496 = tpu.memref_slice %arg10[%dma_wait3A_488, %dma_wait3A_495] : memref<88x128xi32, #tpu.memory_space<vmem>> -> memref<1x128xi32, #tpu.memory_space<vmem>>
    %dma_wait3A_497 = tpu.memref_squeeze %dma_wait3A_496 : memref<1x128xi32, #tpu.memory_space<vmem>> -> memref<128xi32, #tpu.memory_space<vmem>>
    %dma_wait3A_498 = arith.constant 0 : i32
    %dma_wait3A_499 = arith.constant 0 : i32
    %dma_wait3A_500 = tpu.memref_slice %arg6[%dma_wait3A_498, %dma_wait3A_499] : memref<1000000x64xf32, #tpu.memory_space<hbm>> -> memref<1000000x64xf32, #tpu.memory_space<hbm>>
    %dma_wait3A_501 = tpu.memref_slice %arg12[%dma_wait3A_490] : memref<8x!tpu.dma_semaphore, #tpu.memory_space<semaphore_mem>> -> memref<1x!tpu.dma_semaphore, #tpu.memory_space<semaphore_mem>>
    %dma_wait3A_502 = tpu.memref_squeeze %dma_wait3A_501 : memref<1x!tpu.dma_semaphore, #tpu.memory_space<semaphore_mem>> -> memref<!tpu.dma_semaphore, #tpu.memory_space<semaphore_mem>>
    tpu.wait_indirect_dma semaphore(%dma_wait3A_502 : memref<!tpu.dma_semaphore, #tpu.memory_space<semaphore_mem>>) src(%dma_wait3A_500 : memref<1000000x64xf32, #tpu.memory_space<hbm>>) dst(%dma_wait3A_494 : memref<128x64xf32, #tpu.memory_space<vmem>>)
    %mul3A_503 = arith.constant 4 : i32
    %mul3A_504 = arith.muli %add3A, %mul3A_503 : i32
    %add3A_505 = arith.constant 7 : i32
    %add3A_506 = arith.addi %mul3A_504, %add3A_505 : i32
    %sub3A_507 = arith.constant 4 : i32
    %sub3A_508 = arith.subi %add3A_506, %sub3A_507 : i32
    %mul3A_509 = arith.constant 128 : i32
    %mul3A_510 = arith.muli %sub3A_508, %mul3A_509 : i32
    %dma_start3A_511 = arith.constant 7 : i32
    %dma_start3A_512 = arith.constant 7 : i32
    %dma_start3A_513 = arith.constant 0 : i32
    %dma_start3A_514 = arith.constant 0 : i32
    %dma_start3A_515 = tpu.memref_slice %arg11[%dma_start3A_511, %dma_start3A_513, %dma_start3A_514] : memref<8x128x64xf32, #tpu.memory_space<vmem>> -> memref<1x128x64xf32, #tpu.memory_space<vmem>>
    %dma_start3A_516 = tpu.memref_squeeze %dma_start3A_515 : memref<1x128x64xf32, #tpu.memory_space<vmem>> -> memref<128x64xf32, #tpu.memory_space<vmem>>
    %dma_start3A_517 = arith.constant 0 : i32
    %dma_start3A_518 = tpu.memref_slice %arg8[%mul3A_510, %dma_start3A_517] : memref<16384x64xf32, #tpu.memory_space<hbm>> -> memref<128x64xf32, #tpu.memory_space<hbm>>
    %dma_start3A_519 = tpu.memref_slice %arg13[%dma_start3A_512] : memref<8x!tpu.dma_semaphore, #tpu.memory_space<semaphore_mem>> -> memref<1x!tpu.dma_semaphore, #tpu.memory_space<semaphore_mem>>
    %dma_start3A_520 = tpu.memref_squeeze %dma_start3A_519 : memref<1x!tpu.dma_semaphore, #tpu.memory_space<semaphore_mem>> -> memref<!tpu.dma_semaphore, #tpu.memory_space<semaphore_mem>>
    %dma_start3A_521 = arith.constant 0 : i32
    %dma_start3A_522 = tpu.memref_slice %arg8[%mul3A_510, %dma_start3A_521] : memref<16384x64xf32, #tpu.memory_space<hbm>> -> memref<128x64xf32, #tpu.memory_space<hbm>>
    %dma_start3A_523 = arith.constant 0 : i32
    %dma_start3A_524 = arith.constant 0 : i32
    %dma_start3A_525 = tpu.memref_slice %arg11[%dma_start3A_511, %dma_start3A_523, %dma_start3A_524] : memref<8x128x64xf32, #tpu.memory_space<vmem>> -> memref<1x128x64xf32, #tpu.memory_space<vmem>>
    %dma_start3A_526 = tpu.memref_squeeze %dma_start3A_525 : memref<1x128x64xf32, #tpu.memory_space<vmem>> -> memref<128x64xf32, #tpu.memory_space<vmem>>
    tpu.enqueue_dma source(%dma_start3A_526 : memref<128x64xf32, #tpu.memory_space<vmem>>) target(%dma_start3A_522 : memref<128x64xf32, #tpu.memory_space<hbm>>) target_semaphore(%dma_start3A_520 : memref<!tpu.dma_semaphore, #tpu.memory_space<semaphore_mem>>)
    %dma_wait3A_527 = arith.constant 3 : i32
    %dma_wait3A_528 = arith.constant 3 : i32
    %dma_wait3A_529 = arith.constant 0 : i32
    %dma_wait3A_530 = arith.constant 0 : i32
    %dma_wait3A_531 = tpu.memref_slice %arg11[%dma_wait3A_527, %dma_wait3A_529, %dma_wait3A_530] : memref<8x128x64xf32, #tpu.memory_space<vmem>> -> memref<1x128x64xf32, #tpu.memory_space<vmem>>
    %dma_wait3A_532 = tpu.memref_squeeze %dma_wait3A_531 : memref<1x128x64xf32, #tpu.memory_space<vmem>> -> memref<128x64xf32, #tpu.memory_space<vmem>>
    %dma_wait3A_533 = arith.constant 0 : i32
    %dma_wait3A_534 = arith.constant 0 : i32
    %dma_wait3A_535 = tpu.memref_slice %arg9[%dma_wait3A_533, %dma_wait3A_534] : memref<327680x64xf32, #tpu.memory_space<hbm>> -> memref<128x64xf32, #tpu.memory_space<hbm>>
    %dma_wait3A_536 = tpu.memref_slice %arg13[%dma_wait3A_528] : memref<8x!tpu.dma_semaphore, #tpu.memory_space<semaphore_mem>> -> memref<1x!tpu.dma_semaphore, #tpu.memory_space<semaphore_mem>>
    %dma_wait3A_537 = tpu.memref_squeeze %dma_wait3A_536 : memref<1x!tpu.dma_semaphore, #tpu.memory_space<semaphore_mem>> -> memref<!tpu.dma_semaphore, #tpu.memory_space<semaphore_mem>>
    %dma_wait3A_538 = arith.constant 0 : i32
    %dma_wait3A_539 = arith.constant 0 : i32
    %dma_wait3A_540 = tpu.memref_slice %arg9[%dma_wait3A_538, %dma_wait3A_539] : memref<327680x64xf32, #tpu.memory_space<hbm>> -> memref<128x64xf32, #tpu.memory_space<hbm>>
    %dma_wait3A_541 = arith.constant 0 : i32
    %dma_wait3A_542 = arith.constant 0 : i32
    %dma_wait3A_543 = tpu.memref_slice %arg11[%dma_wait3A_527, %dma_wait3A_541, %dma_wait3A_542] : memref<8x128x64xf32, #tpu.memory_space<vmem>> -> memref<1x128x64xf32, #tpu.memory_space<vmem>>
    %dma_wait3A_544 = tpu.memref_squeeze %dma_wait3A_543 : memref<1x128x64xf32, #tpu.memory_space<vmem>> -> memref<128x64xf32, #tpu.memory_space<vmem>>
    tpu.wait_dma2 semaphore(%dma_wait3A_537 : memref<!tpu.dma_semaphore, #tpu.memory_space<semaphore_mem>>) src(%dma_wait3A_544 : memref<128x64xf32, #tpu.memory_space<vmem>>) dst(%dma_wait3A_540 : memref<128x64xf32, #tpu.memory_space<hbm>>)
    %dma_start3A_545 = arith.constant 11 : i32
    %dma_start3A_546 = arith.constant 3 : i32
    %dma_start3A_547 = arith.constant 3 : i32
    %dma_start3A_548 = arith.constant 0 : i32
    %dma_start3A_549 = arith.constant 0 : i32
    %dma_start3A_550 = tpu.memref_slice %arg11[%dma_start3A_546, %dma_start3A_548, %dma_start3A_549] : memref<8x128x64xf32, #tpu.memory_space<vmem>> -> memref<1x128x64xf32, #tpu.memory_space<vmem>>
    %dma_start3A_551 = tpu.memref_squeeze %dma_start3A_550 : memref<1x128x64xf32, #tpu.memory_space<vmem>> -> memref<128x64xf32, #tpu.memory_space<vmem>>
    %dma_start3A_552 = arith.constant 0 : i32
    %dma_start3A_553 = tpu.memref_slice %arg10[%dma_start3A_545, %dma_start3A_552] : memref<88x128xi32, #tpu.memory_space<vmem>> -> memref<1x128xi32, #tpu.memory_space<vmem>>
    %dma_start3A_554 = tpu.memref_squeeze %dma_start3A_553 : memref<1x128xi32, #tpu.memory_space<vmem>> -> memref<128xi32, #tpu.memory_space<vmem>>
    %dma_start3A_555 = arith.constant 0 : i32
    %dma_start3A_556 = arith.constant 0 : i32
    %dma_start3A_557 = tpu.memref_slice %arg6[%dma_start3A_555, %dma_start3A_556] : memref<1000000x64xf32, #tpu.memory_space<hbm>> -> memref<1000000x64xf32, #tpu.memory_space<hbm>>
    %dma_start3A_558 = tpu.memref_slice %arg12[%dma_start3A_547] : memref<8x!tpu.dma_semaphore, #tpu.memory_space<semaphore_mem>> -> memref<1x!tpu.dma_semaphore, #tpu.memory_space<semaphore_mem>>
    %dma_start3A_559 = tpu.memref_squeeze %dma_start3A_558 : memref<1x!tpu.dma_semaphore, #tpu.memory_space<semaphore_mem>> -> memref<!tpu.dma_semaphore, #tpu.memory_space<semaphore_mem>>
    tpu.enqueue_indirect_dma source(%dma_start3A_557 : memref<1000000x64xf32, #tpu.memory_space<hbm>>) target(%dma_start3A_551 : memref<128x64xf32, #tpu.memory_space<vmem>>) offsets(%dma_start3A_554 : memref<128xi32, #tpu.memory_space<vmem>>) semaphore(%dma_start3A_559 : memref<!tpu.dma_semaphore, #tpu.memory_space<semaphore_mem>>)
    %scan3A = arith.constant 0 : i32
    %scan3A_560 = arith.constant 0 : i32
    %scan3A_561 = arith.constant 8 : i32
    %scan3A_562 = arith.addi %scan3A_560, %scan3A_561 : i32
    %scan3A_563 = arith.constant 1 : i32
    scf.for %scan3A_1729 = %scan3A_560 to %scan3A_562 step %scan3A_563  : i32 {
      %mul3A_1730 = arith.constant 8 : i32
      %mul3A_1731 = arith.muli %scan3A_1729, %mul3A_1730 : i32
      %add3A_1732 = arith.constant 12 : i32
      %add3A_1733 = arith.addi %add3A_1732, %mul3A_1731 : i32
      %add3A_1734 = arith.constant 0 : i32
      %add3A_1735 = arith.addi %add3A_1733, %add3A_1734 : i32
      %sub3A_1736 = arith.constant 4 : i32
      %sub3A_1737 = arith.subi %add3A_1735, %sub3A_1736 : i32
      %dma_wait3A_1738 = arith.constant 0 : i32
      %dma_wait3A_1739 = arith.constant 0 : i32
      %dma_wait3A_1740 = arith.constant 0 : i32
      %dma_wait3A_1741 = arith.constant 0 : i32
      %dma_wait3A_1742 = tpu.memref_slice %arg11[%dma_wait3A_1738, %dma_wait3A_1740, %dma_wait3A_1741] : memref<8x128x64xf32, #tpu.memory_space<vmem>> -> memref<1x128x64xf32, #tpu.memory_space<vmem>>
      %dma_wait3A_1743 = tpu.memref_squeeze %dma_wait3A_1742 : memref<1x128x64xf32, #tpu.memory_space<vmem>> -> memref<128x64xf32, #tpu.memory_space<vmem>>
      %dma_wait3A_1744 = arith.constant 0 : i32
      %dma_wait3A_1745 = tpu.memref_slice %arg10[%sub3A_1737, %dma_wait3A_1744] : memref<88x128xi32, #tpu.memory_space<vmem>> -> memref<1x128xi32, #tpu.memory_space<vmem>>
      %dma_wait3A_1746 = tpu.memref_squeeze %dma_wait3A_1745 : memref<1x128xi32, #tpu.memory_space<vmem>> -> memref<128xi32, #tpu.memory_space<vmem>>
      %dma_wait3A_1747 = arith.constant 0 : i32
      %dma_wait3A_1748 = arith.constant 0 : i32
      %dma_wait3A_1749 = tpu.memref_slice %arg6[%dma_wait3A_1747, %dma_wait3A_1748] : memref<1000000x64xf32, #tpu.memory_space<hbm>> -> memref<1000000x64xf32, #tpu.memory_space<hbm>>
      %dma_wait3A_1750 = tpu.memref_slice %arg12[%dma_wait3A_1739] : memref<8x!tpu.dma_semaphore, #tpu.memory_space<semaphore_mem>> -> memref<1x!tpu.dma_semaphore, #tpu.memory_space<semaphore_mem>>
      %dma_wait3A_1751 = tpu.memref_squeeze %dma_wait3A_1750 : memref<1x!tpu.dma_semaphore, #tpu.memory_space<semaphore_mem>> -> memref<!tpu.dma_semaphore, #tpu.memory_space<semaphore_mem>>
      tpu.wait_indirect_dma semaphore(%dma_wait3A_1751 : memref<!tpu.dma_semaphore, #tpu.memory_space<semaphore_mem>>) src(%dma_wait3A_1749 : memref<1000000x64xf32, #tpu.memory_space<hbm>>) dst(%dma_wait3A_1743 : memref<128x64xf32, #tpu.memory_space<vmem>>)
      %mul3A_1752 = arith.constant 80 : i32
      %mul3A_1753 = arith.muli %add3A, %mul3A_1752 : i32
      %mul3A_1754 = arith.constant 8 : i32
      %mul3A_1755 = arith.muli %scan3A_1729, %mul3A_1754 : i32
      %add3A_1756 = arith.addi %mul3A_1753, %mul3A_1755 : i32
      %add3A_1757 = arith.constant 0 : i32
      %add3A_1758 = arith.addi %add3A_1756, %add3A_1757 : i32
      %mul3A_1759 = arith.constant 128 : i32
      %mul3A_1760 = arith.muli %add3A_1758, %mul3A_1759 : i32
      %dma_start3A_1761 = arith.constant 0 : i32
      %dma_start3A_1762 = arith.constant 0 : i32
      %dma_start3A_1763 = arith.constant 0 : i32
      %dma_start3A_1764 = arith.constant 0 : i32
      %dma_start3A_1765 = tpu.memref_slice %arg11[%dma_start3A_1761, %dma_start3A_1763, %dma_start3A_1764] : memref<8x128x64xf32, #tpu.memory_space<vmem>> -> memref<1x128x64xf32, #tpu.memory_space<vmem>>
      %dma_start3A_1766 = tpu.memref_squeeze %dma_start3A_1765 : memref<1x128x64xf32, #tpu.memory_space<vmem>> -> memref<128x64xf32, #tpu.memory_space<vmem>>
      %dma_start3A_1767 = arith.constant 0 : i32
      %dma_start3A_1768 = tpu.memref_slice %arg9[%mul3A_1760, %dma_start3A_1767] : memref<327680x64xf32, #tpu.memory_space<hbm>> -> memref<128x64xf32, #tpu.memory_space<hbm>>
      %dma_start3A_1769 = tpu.memref_slice %arg13[%dma_start3A_1762] : memref<8x!tpu.dma_semaphore, #tpu.memory_space<semaphore_mem>> -> memref<1x!tpu.dma_semaphore, #tpu.memory_space<semaphore_mem>>
      %dma_start3A_1770 = tpu.memref_squeeze %dma_start3A_1769 : memref<1x!tpu.dma_semaphore, #tpu.memory_space<semaphore_mem>> -> memref<!tpu.dma_semaphore, #tpu.memory_space<semaphore_mem>>
      %dma_start3A_1771 = arith.constant 0 : i32
      %dma_start3A_1772 = tpu.memref_slice %arg9[%mul3A_1760, %dma_start3A_1771] : memref<327680x64xf32, #tpu.memory_space<hbm>> -> memref<128x64xf32, #tpu.memory_space<hbm>>
      %dma_start3A_1773 = arith.constant 0 : i32
      %dma_start3A_1774 = arith.constant 0 : i32
      %dma_start3A_1775 = tpu.memref_slice %arg11[%dma_start3A_1761, %dma_start3A_1773, %dma_start3A_1774] : memref<8x128x64xf32, #tpu.memory_space<vmem>> -> memref<1x128x64xf32, #tpu.memory_space<vmem>>
      %dma_start3A_1776 = tpu.memref_squeeze %dma_start3A_1775 : memref<1x128x64xf32, #tpu.memory_space<vmem>> -> memref<128x64xf32, #tpu.memory_space<vmem>>
      tpu.enqueue_dma source(%dma_start3A_1776 : memref<128x64xf32, #tpu.memory_space<vmem>>) target(%dma_start3A_1772 : memref<128x64xf32, #tpu.memory_space<hbm>>) target_semaphore(%dma_start3A_1770 : memref<!tpu.dma_semaphore, #tpu.memory_space<semaphore_mem>>)
      %dma_wait3A_1777 = arith.constant 4 : i32
      %dma_wait3A_1778 = arith.constant 4 : i32
      %dma_wait3A_1779 = arith.constant 0 : i32
      %dma_wait3A_1780 = arith.constant 0 : i32
      %dma_wait3A_1781 = tpu.memref_slice %arg11[%dma_wait3A_1777, %dma_wait3A_1779, %dma_wait3A_1780] : memref<8x128x64xf32, #tpu.memory_space<vmem>> -> memref<1x128x64xf32, #tpu.memory_space<vmem>>
      %dma_wait3A_1782 = tpu.memref_squeeze %dma_wait3A_1781 : memref<1x128x64xf32, #tpu.memory_space<vmem>> -> memref<128x64xf32, #tpu.memory_space<vmem>>
      %dma_wait3A_1783 = arith.constant 0 : i32
      %dma_wait3A_1784 = arith.constant 0 : i32
      %dma_wait3A_1785 = tpu.memref_slice %arg9[%dma_wait3A_1783, %dma_wait3A_1784] : memref<327680x64xf32, #tpu.memory_space<hbm>> -> memref<128x64xf32, #tpu.memory_space<hbm>>
      %dma_wait3A_1786 = tpu.memref_slice %arg13[%dma_wait3A_1778] : memref<8x!tpu.dma_semaphore, #tpu.memory_space<semaphore_mem>> -> memref<1x!tpu.dma_semaphore, #tpu.memory_space<semaphore_mem>>
      %dma_wait3A_1787 = tpu.memref_squeeze %dma_wait3A_1786 : memref<1x!tpu.dma_semaphore, #tpu.memory_space<semaphore_mem>> -> memref<!tpu.dma_semaphore, #tpu.memory_space<semaphore_mem>>
      %dma_wait3A_1788 = arith.constant 0 : i32
      %dma_wait3A_1789 = arith.constant 0 : i32
      %dma_wait3A_1790 = tpu.memref_slice %arg9[%dma_wait3A_1788, %dma_wait3A_1789] : memref<327680x64xf32, #tpu.memory_space<hbm>> -> memref<128x64xf32, #tpu.memory_space<hbm>>
      %dma_wait3A_1791 = arith.constant 0 : i32
      %dma_wait3A_1792 = arith.constant 0 : i32
      %dma_wait3A_1793 = tpu.memref_slice %arg11[%dma_wait3A_1777, %dma_wait3A_1791, %dma_wait3A_1792] : memref<8x128x64xf32, #tpu.memory_space<vmem>> -> memref<1x128x64xf32, #tpu.memory_space<vmem>>
      %dma_wait3A_1794 = tpu.memref_squeeze %dma_wait3A_1793 : memref<1x128x64xf32, #tpu.memory_space<vmem>> -> memref<128x64xf32, #tpu.memory_space<vmem>>
      tpu.wait_dma2 semaphore(%dma_wait3A_1787 : memref<!tpu.dma_semaphore, #tpu.memory_space<semaphore_mem>>) src(%dma_wait3A_1794 : memref<128x64xf32, #tpu.memory_space<vmem>>) dst(%dma_wait3A_1790 : memref<128x64xf32, #tpu.memory_space<hbm>>)
      %dma_start3A_1795 = arith.constant 4 : i32
      %dma_start3A_1796 = arith.constant 4 : i32
      %dma_start3A_1797 = arith.constant 0 : i32
      %dma_start3A_1798 = arith.constant 0 : i32
      %dma_start3A_1799 = tpu.memref_slice %arg11[%dma_start3A_1795, %dma_start3A_1797, %dma_start3A_1798] : memref<8x128x64xf32, #tpu.memory_space<vmem>> -> memref<1x128x64xf32, #tpu.memory_space<vmem>>
      %dma_start3A_1800 = tpu.memref_squeeze %dma_start3A_1799 : memref<1x128x64xf32, #tpu.memory_space<vmem>> -> memref<128x64xf32, #tpu.memory_space<vmem>>
      %dma_start3A_1801 = arith.constant 0 : i32
      %dma_start3A_1802 = tpu.memref_slice %arg10[%add3A_1735, %dma_start3A_1801] : memref<88x128xi32, #tpu.memory_space<vmem>> -> memref<1x128xi32, #tpu.memory_space<vmem>>
      %dma_start3A_1803 = tpu.memref_squeeze %dma_start3A_1802 : memref<1x128xi32, #tpu.memory_space<vmem>> -> memref<128xi32, #tpu.memory_space<vmem>>
      %dma_start3A_1804 = arith.constant 0 : i32
      %dma_start3A_1805 = arith.constant 0 : i32
      %dma_start3A_1806 = tpu.memref_slice %arg6[%dma_start3A_1804, %dma_start3A_1805] : memref<1000000x64xf32, #tpu.memory_space<hbm>> -> memref<1000000x64xf32, #tpu.memory_space<hbm>>
      %dma_start3A_1807 = tpu.memref_slice %arg12[%dma_start3A_1796] : memref<8x!tpu.dma_semaphore, #tpu.memory_space<semaphore_mem>> -> memref<1x!tpu.dma_semaphore, #tpu.memory_space<semaphore_mem>>
      %dma_start3A_1808 = tpu.memref_squeeze %dma_start3A_1807 : memref<1x!tpu.dma_semaphore, #tpu.memory_space<semaphore_mem>> -> memref<!tpu.dma_semaphore, #tpu.memory_space<semaphore_mem>>
      tpu.enqueue_indirect_dma source(%dma_start3A_1806 : memref<1000000x64xf32, #tpu.memory_space<hbm>>) target(%dma_start3A_1800 : memref<128x64xf32, #tpu.memory_space<vmem>>) offsets(%dma_start3A_1803 : memref<128xi32, #tpu.memory_space<vmem>>) semaphore(%dma_start3A_1808 : memref<!tpu.dma_semaphore, #tpu.memory_space<semaphore_mem>>)
      %mul3A_1809 = arith.constant 8 : i32
      %mul3A_1810 = arith.muli %scan3A_1729, %mul3A_1809 : i32
      %add3A_1811 = arith.constant 12 : i32
      %add3A_1812 = arith.addi %add3A_1811, %mul3A_1810 : i32
      %add3A_1813 = arith.constant 1 : i32
      %add3A_1814 = arith.addi %add3A_1812, %add3A_1813 : i32
      %sub3A_1815 = arith.constant 4 : i32
      %sub3A_1816 = arith.subi %add3A_1814, %sub3A_1815 : i32
      %dma_wait3A_1817 = arith.constant 1 : i32
      %dma_wait3A_1818 = arith.constant 1 : i32
      %dma_wait3A_1819 = arith.constant 0 : i32
      %dma_wait3A_1820 = arith.constant 0 : i32
      %dma_wait3A_1821 = tpu.memref_slice %arg11[%dma_wait3A_1817, %dma_wait3A_1819, %dma_wait3A_1820] : memref<8x128x64xf32, #tpu.memory_space<vmem>> -> memref<1x128x64xf32, #tpu.memory_space<vmem>>
      %dma_wait3A_1822 = tpu.memref_squeeze %dma_wait3A_1821 : memref<1x128x64xf32, #tpu.memory_space<vmem>> -> memref<128x64xf32, #tpu.memory_space<vmem>>
      %dma_wait3A_1823 = arith.constant 0 : i32
      %dma_wait3A_1824 = tpu.memref_slice %arg10[%sub3A_1816, %dma_wait3A_1823] : memref<88x128xi32, #tpu.memory_space<vmem>> -> memref<1x128xi32, #tpu.memory_space<vmem>>
      %dma_wait3A_1825 = tpu.memref_squeeze %dma_wait3A_1824 : memref<1x128xi32, #tpu.memory_space<vmem>> -> memref<128xi32, #tpu.memory_space<vmem>>
      %dma_wait3A_1826 = arith.constant 0 : i32
      %dma_wait3A_1827 = arith.constant 0 : i32
      %dma_wait3A_1828 = tpu.memref_slice %arg6[%dma_wait3A_1826, %dma_wait3A_1827] : memref<1000000x64xf32, #tpu.memory_space<hbm>> -> memref<1000000x64xf32, #tpu.memory_space<hbm>>
      %dma_wait3A_1829 = tpu.memref_slice %arg12[%dma_wait3A_1818] : memref<8x!tpu.dma_semaphore, #tpu.memory_space<semaphore_mem>> -> memref<1x!tpu.dma_semaphore, #tpu.memory_space<semaphore_mem>>
      %dma_wait3A_1830 = tpu.memref_squeeze %dma_wait3A_1829 : memref<1x!tpu.dma_semaphore, #tpu.memory_space<semaphore_mem>> -> memref<!tpu.dma_semaphore, #tpu.memory_space<semaphore_mem>>
      tpu.wait_indirect_dma semaphore(%dma_wait3A_1830 : memref<!tpu.dma_semaphore, #tpu.memory_space<semaphore_mem>>) src(%dma_wait3A_1828 : memref<1000000x64xf32, #tpu.memory_space<hbm>>) dst(%dma_wait3A_1822 : memref<128x64xf32, #tpu.memory_space<vmem>>)
      %mul3A_1831 = arith.constant 80 : i32
      %mul3A_1832 = arith.muli %add3A, %mul3A_1831 : i32
      %mul3A_1833 = arith.constant 8 : i32
      %mul3A_1834 = arith.muli %scan3A_1729, %mul3A_1833 : i32
      %add3A_1835 = arith.addi %mul3A_1832, %mul3A_1834 : i32
      %add3A_1836 = arith.constant 1 : i32
      %add3A_1837 = arith.addi %add3A_1835, %add3A_1836 : i32
      %mul3A_1838 = arith.constant 128 : i32
      %mul3A_1839 = arith.muli %add3A_1837, %mul3A_1838 : i32
      %dma_start3A_1840 = arith.constant 1 : i32
      %dma_start3A_1841 = arith.constant 1 : i32
      %dma_start3A_1842 = arith.constant 0 : i32
      %dma_start3A_1843 = arith.constant 0 : i32
      %dma_start3A_1844 = tpu.memref_slice %arg11[%dma_start3A_1840, %dma_start3A_1842, %dma_start3A_1843] : memref<8x128x64xf32, #tpu.memory_space<vmem>> -> memref<1x128x64xf32, #tpu.memory_space<vmem>>
      %dma_start3A_1845 = tpu.memref_squeeze %dma_start3A_1844 : memref<1x128x64xf32, #tpu.memory_space<vmem>> -> memref<128x64xf32, #tpu.memory_space<vmem>>
      %dma_start3A_1846 = arith.constant 0 : i32
      %dma_start3A_1847 = tpu.memref_slice %arg9[%mul3A_1839, %dma_start3A_1846] : memref<327680x64xf32, #tpu.memory_space<hbm>> -> memref<128x64xf32, #tpu.memory_space<hbm>>
      %dma_start3A_1848 = tpu.memref_slice %arg13[%dma_start3A_1841] : memref<8x!tpu.dma_semaphore, #tpu.memory_space<semaphore_mem>> -> memref<1x!tpu.dma_semaphore, #tpu.memory_space<semaphore_mem>>
      %dma_start3A_1849 = tpu.memref_squeeze %dma_start3A_1848 : memref<1x!tpu.dma_semaphore, #tpu.memory_space<semaphore_mem>> -> memref<!tpu.dma_semaphore, #tpu.memory_space<semaphore_mem>>
      %dma_start3A_1850 = arith.constant 0 : i32
      %dma_start3A_1851 = tpu.memref_slice %arg9[%mul3A_1839, %dma_start3A_1850] : memref<327680x64xf32, #tpu.memory_space<hbm>> -> memref<128x64xf32, #tpu.memory_space<hbm>>
      %dma_start3A_1852 = arith.constant 0 : i32
      %dma_start3A_1853 = arith.constant 0 : i32
      %dma_start3A_1854 = tpu.memref_slice %arg11[%dma_start3A_1840, %dma_start3A_1852, %dma_start3A_1853] : memref<8x128x64xf32, #tpu.memory_space<vmem>> -> memref<1x128x64xf32, #tpu.memory_space<vmem>>
      %dma_start3A_1855 = tpu.memref_squeeze %dma_start3A_1854 : memref<1x128x64xf32, #tpu.memory_space<vmem>> -> memref<128x64xf32, #tpu.memory_space<vmem>>
      tpu.enqueue_dma source(%dma_start3A_1855 : memref<128x64xf32, #tpu.memory_space<vmem>>) target(%dma_start3A_1851 : memref<128x64xf32, #tpu.memory_space<hbm>>) target_semaphore(%dma_start3A_1849 : memref<!tpu.dma_semaphore, #tpu.memory_space<semaphore_mem>>)
      %dma_wait3A_1856 = arith.constant 5 : i32
      %dma_wait3A_1857 = arith.constant 5 : i32
      %dma_wait3A_1858 = arith.constant 0 : i32
      %dma_wait3A_1859 = arith.constant 0 : i32
      %dma_wait3A_1860 = tpu.memref_slice %arg11[%dma_wait3A_1856, %dma_wait3A_1858, %dma_wait3A_1859] : memref<8x128x64xf32, #tpu.memory_space<vmem>> -> memref<1x128x64xf32, #tpu.memory_space<vmem>>
      %dma_wait3A_1861 = tpu.memref_squeeze %dma_wait3A_1860 : memref<1x128x64xf32, #tpu.memory_space<vmem>> -> memref<128x64xf32, #tpu.memory_space<vmem>>
      %dma_wait3A_1862 = arith.constant 0 : i32
      %dma_wait3A_1863 = arith.constant 0 : i32
      %dma_wait3A_1864 = tpu.memref_slice %arg9[%dma_wait3A_1862, %dma_wait3A_1863] : memref<327680x64xf32, #tpu.memory_space<hbm>> -> memref<128x64xf32, #tpu.memory_space<hbm>>
      %dma_wait3A_1865 = tpu.memref_slice %arg13[%dma_wait3A_1857] : memref<8x!tpu.dma_semaphore, #tpu.memory_space<semaphore_mem>> -> memref<1x!tpu.dma_semaphore, #tpu.memory_space<semaphore_mem>>
      %dma_wait3A_1866 = tpu.memref_squeeze %dma_wait3A_1865 : memref<1x!tpu.dma_semaphore, #tpu.memory_space<semaphore_mem>> -> memref<!tpu.dma_semaphore, #tpu.memory_space<semaphore_mem>>
      %dma_wait3A_1867 = arith.constant 0 : i32
      %dma_wait3A_1868 = arith.constant 0 : i32
      %dma_wait3A_1869 = tpu.memref_slice %arg9[%dma_wait3A_1867, %dma_wait3A_1868] : memref<327680x64xf32, #tpu.memory_space<hbm>> -> memref<128x64xf32, #tpu.memory_space<hbm>>
      %dma_wait3A_1870 = arith.constant 0 : i32
      %dma_wait3A_1871 = arith.constant 0 : i32
      %dma_wait3A_1872 = tpu.memref_slice %arg11[%dma_wait3A_1856, %dma_wait3A_1870, %dma_wait3A_1871] : memref<8x128x64xf32, #tpu.memory_space<vmem>> -> memref<1x128x64xf32, #tpu.memory_space<vmem>>
      %dma_wait3A_1873 = tpu.memref_squeeze %dma_wait3A_1872 : memref<1x128x64xf32, #tpu.memory_space<vmem>> -> memref<128x64xf32, #tpu.memory_space<vmem>>
      tpu.wait_dma2 semaphore(%dma_wait3A_1866 : memref<!tpu.dma_semaphore, #tpu.memory_space<semaphore_mem>>) src(%dma_wait3A_1873 : memref<128x64xf32, #tpu.memory_space<vmem>>) dst(%dma_wait3A_1869 : memref<128x64xf32, #tpu.memory_space<hbm>>)
      %dma_start3A_1874 = arith.constant 5 : i32
      %dma_start3A_1875 = arith.constant 5 : i32
      %dma_start3A_1876 = arith.constant 0 : i32
      %dma_start3A_1877 = arith.constant 0 : i32
      %dma_start3A_1878 = tpu.memref_slice %arg11[%dma_start3A_1874, %dma_start3A_1876, %dma_start3A_1877] : memref<8x128x64xf32, #tpu.memory_space<vmem>> -> memref<1x128x64xf32, #tpu.memory_space<vmem>>
      %dma_start3A_1879 = tpu.memref_squeeze %dma_start3A_1878 : memref<1x128x64xf32, #tpu.memory_space<vmem>> -> memref<128x64xf32, #tpu.memory_space<vmem>>
      %dma_start3A_1880 = arith.constant 0 : i32
      %dma_start3A_1881 = tpu.memref_slice %arg10[%add3A_1814, %dma_start3A_1880] : memref<88x128xi32, #tpu.memory_space<vmem>> -> memref<1x128xi32, #tpu.memory_space<vmem>>
      %dma_start3A_1882 = tpu.memref_squeeze %dma_start3A_1881 : memref<1x128xi32, #tpu.memory_space<vmem>> -> memref<128xi32, #tpu.memory_space<vmem>>
      %dma_start3A_1883 = arith.constant 0 : i32
      %dma_start3A_1884 = arith.constant 0 : i32
      %dma_start3A_1885 = tpu.memref_slice %arg6[%dma_start3A_1883, %dma_start3A_1884] : memref<1000000x64xf32, #tpu.memory_space<hbm>> -> memref<1000000x64xf32, #tpu.memory_space<hbm>>
      %dma_start3A_1886 = tpu.memref_slice %arg12[%dma_start3A_1875] : memref<8x!tpu.dma_semaphore, #tpu.memory_space<semaphore_mem>> -> memref<1x!tpu.dma_semaphore, #tpu.memory_space<semaphore_mem>>
      %dma_start3A_1887 = tpu.memref_squeeze %dma_start3A_1886 : memref<1x!tpu.dma_semaphore, #tpu.memory_space<semaphore_mem>> -> memref<!tpu.dma_semaphore, #tpu.memory_space<semaphore_mem>>
      tpu.enqueue_indirect_dma source(%dma_start3A_1885 : memref<1000000x64xf32, #tpu.memory_space<hbm>>) target(%dma_start3A_1879 : memref<128x64xf32, #tpu.memory_space<vmem>>) offsets(%dma_start3A_1882 : memref<128xi32, #tpu.memory_space<vmem>>) semaphore(%dma_start3A_1887 : memref<!tpu.dma_semaphore, #tpu.memory_space<semaphore_mem>>)
      %mul3A_1888 = arith.constant 8 : i32
      %mul3A_1889 = arith.muli %scan3A_1729, %mul3A_1888 : i32
      %add3A_1890 = arith.constant 12 : i32
      %add3A_1891 = arith.addi %add3A_1890, %mul3A_1889 : i32
      %add3A_1892 = arith.constant 2 : i32
      %add3A_1893 = arith.addi %add3A_1891, %add3A_1892 : i32
      %sub3A_1894 = arith.constant 4 : i32
      %sub3A_1895 = arith.subi %add3A_1893, %sub3A_1894 : i32
      %dma_wait3A_1896 = arith.constant 2 : i32
      %dma_wait3A_1897 = arith.constant 2 : i32
      %dma_wait3A_1898 = arith.constant 0 : i32
      %dma_wait3A_1899 = arith.constant 0 : i32
      %dma_wait3A_1900 = tpu.memref_slice %arg11[%dma_wait3A_1896, %dma_wait3A_1898, %dma_wait3A_1899] : memref<8x128x64xf32, #tpu.memory_space<vmem>> -> memref<1x128x64xf32, #tpu.memory_space<vmem>>
      %dma_wait3A_1901 = tpu.memref_squeeze %dma_wait3A_1900 : memref<1x128x64xf32, #tpu.memory_space<vmem>> -> memref<128x64xf32, #tpu.memory_space<vmem>>
      %dma_wait3A_1902 = arith.constant 0 : i32
      %dma_wait3A_1903 = tpu.memref_slice %arg10[%sub3A_1895, %dma_wait3A_1902] : memref<88x128xi32, #tpu.memory_space<vmem>> -> memref<1x128xi32, #tpu.memory_space<vmem>>
      %dma_wait3A_1904 = tpu.memref_squeeze %dma_wait3A_1903 : memref<1x128xi32, #tpu.memory_space<vmem>> -> memref<128xi32, #tpu.memory_space<vmem>>
      %dma_wait3A_1905 = arith.constant 0 : i32
      %dma_wait3A_1906 = arith.constant 0 : i32
      %dma_wait3A_1907 = tpu.memref_slice %arg6[%dma_wait3A_1905, %dma_wait3A_1906] : memref<1000000x64xf32, #tpu.memory_space<hbm>> -> memref<1000000x64xf32, #tpu.memory_space<hbm>>
      %dma_wait3A_1908 = tpu.memref_slice %arg12[%dma_wait3A_1897] : memref<8x!tpu.dma_semaphore, #tpu.memory_space<semaphore_mem>> -> memref<1x!tpu.dma_semaphore, #tpu.memory_space<semaphore_mem>>
      %dma_wait3A_1909 = tpu.memref_squeeze %dma_wait3A_1908 : memref<1x!tpu.dma_semaphore, #tpu.memory_space<semaphore_mem>> -> memref<!tpu.dma_semaphore, #tpu.memory_space<semaphore_mem>>
      tpu.wait_indirect_dma semaphore(%dma_wait3A_1909 : memref<!tpu.dma_semaphore, #tpu.memory_space<semaphore_mem>>) src(%dma_wait3A_1907 : memref<1000000x64xf32, #tpu.memory_space<hbm>>) dst(%dma_wait3A_1901 : memref<128x64xf32, #tpu.memory_space<vmem>>)
      %mul3A_1910 = arith.constant 80 : i32
      %mul3A_1911 = arith.muli %add3A, %mul3A_1910 : i32
      %mul3A_1912 = arith.constant 8 : i32
      %mul3A_1913 = arith.muli %scan3A_1729, %mul3A_1912 : i32
      %add3A_1914 = arith.addi %mul3A_1911, %mul3A_1913 : i32
      %add3A_1915 = arith.constant 2 : i32
      %add3A_1916 = arith.addi %add3A_1914, %add3A_1915 : i32
      %mul3A_1917 = arith.constant 128 : i32
      %mul3A_1918 = arith.muli %add3A_1916, %mul3A_1917 : i32
      %dma_start3A_1919 = arith.constant 2 : i32
      %dma_start3A_1920 = arith.constant 2 : i32
      %dma_start3A_1921 = arith.constant 0 : i32
      %dma_start3A_1922 = arith.constant 0 : i32
      %dma_start3A_1923 = tpu.memref_slice %arg11[%dma_start3A_1919, %dma_start3A_1921, %dma_start3A_1922] : memref<8x128x64xf32, #tpu.memory_space<vmem>> -> memref<1x128x64xf32, #tpu.memory_space<vmem>>
      %dma_start3A_1924 = tpu.memref_squeeze %dma_start3A_1923 : memref<1x128x64xf32, #tpu.memory_space<vmem>> -> memref<128x64xf32, #tpu.memory_space<vmem>>
      %dma_start3A_1925 = arith.constant 0 : i32
      %dma_start3A_1926 = tpu.memref_slice %arg9[%mul3A_1918, %dma_start3A_1925] : memref<327680x64xf32, #tpu.memory_space<hbm>> -> memref<128x64xf32, #tpu.memory_space<hbm>>
      %dma_start3A_1927 = tpu.memref_slice %arg13[%dma_start3A_1920] : memref<8x!tpu.dma_semaphore, #tpu.memory_space<semaphore_mem>> -> memref<1x!tpu.dma_semaphore, #tpu.memory_space<semaphore_mem>>
      %dma_start3A_1928 = tpu.memref_squeeze %dma_start3A_1927 : memref<1x!tpu.dma_semaphore, #tpu.memory_space<semaphore_mem>> -> memref<!tpu.dma_semaphore, #tpu.memory_space<semaphore_mem>>
      %dma_start3A_1929 = arith.constant 0 : i32
      %dma_start3A_1930 = tpu.memref_slice %arg9[%mul3A_1918, %dma_start3A_1929] : memref<327680x64xf32, #tpu.memory_space<hbm>> -> memref<128x64xf32, #tpu.memory_space<hbm>>
      %dma_start3A_1931 = arith.constant 0 : i32
      %dma_start3A_1932 = arith.constant 0 : i32
      %dma_start3A_1933 = tpu.memref_slice %arg11[%dma_start3A_1919, %dma_start3A_1931, %dma_start3A_1932] : memref<8x128x64xf32, #tpu.memory_space<vmem>> -> memref<1x128x64xf32, #tpu.memory_space<vmem>>
      %dma_start3A_1934 = tpu.memref_squeeze %dma_start3A_1933 : memref<1x128x64xf32, #tpu.memory_space<vmem>> -> memref<128x64xf32, #tpu.memory_space<vmem>>
      tpu.enqueue_dma source(%dma_start3A_1934 : memref<128x64xf32, #tpu.memory_space<vmem>>) target(%dma_start3A_1930 : memref<128x64xf32, #tpu.memory_space<hbm>>) target_semaphore(%dma_start3A_1928 : memref<!tpu.dma_semaphore, #tpu.memory_space<semaphore_mem>>)
      %dma_wait3A_1935 = arith.constant 6 : i32
      %dma_wait3A_1936 = arith.constant 6 : i32
      %dma_wait3A_1937 = arith.constant 0 : i32
      %dma_wait3A_1938 = arith.constant 0 : i32
      %dma_wait3A_1939 = tpu.memref_slice %arg11[%dma_wait3A_1935, %dma_wait3A_1937, %dma_wait3A_1938] : memref<8x128x64xf32, #tpu.memory_space<vmem>> -> memref<1x128x64xf32, #tpu.memory_space<vmem>>
      %dma_wait3A_1940 = tpu.memref_squeeze %dma_wait3A_1939 : memref<1x128x64xf32, #tpu.memory_space<vmem>> -> memref<128x64xf32, #tpu.memory_space<vmem>>
      %dma_wait3A_1941 = arith.constant 0 : i32
      %dma_wait3A_1942 = arith.constant 0 : i32
      %dma_wait3A_1943 = tpu.memref_slice %arg9[%dma_wait3A_1941, %dma_wait3A_1942] : memref<327680x64xf32, #tpu.memory_space<hbm>> -> memref<128x64xf32, #tpu.memory_space<hbm>>
      %dma_wait3A_1944 = tpu.memref_slice %arg13[%dma_wait3A_1936] : memref<8x!tpu.dma_semaphore, #tpu.memory_space<semaphore_mem>> -> memref<1x!tpu.dma_semaphore, #tpu.memory_space<semaphore_mem>>
      %dma_wait3A_1945 = tpu.memref_squeeze %dma_wait3A_1944 : memref<1x!tpu.dma_semaphore, #tpu.memory_space<semaphore_mem>> -> memref<!tpu.dma_semaphore, #tpu.memory_space<semaphore_mem>>
      %dma_wait3A_1946 = arith.constant 0 : i32
      %dma_wait3A_1947 = arith.constant 0 : i32
      %dma_wait3A_1948 = tpu.memref_slice %arg9[%dma_wait3A_1946, %dma_wait3A_1947] : memref<327680x64xf32, #tpu.memory_space<hbm>> -> memref<128x64xf32, #tpu.memory_space<hbm>>
      %dma_wait3A_1949 = arith.constant 0 : i32
      %dma_wait3A_1950 = arith.constant 0 : i32
      %dma_wait3A_1951 = tpu.memref_slice %arg11[%dma_wait3A_1935, %dma_wait3A_1949, %dma_wait3A_1950] : memref<8x128x64xf32, #tpu.memory_space<vmem>> -> memref<1x128x64xf32, #tpu.memory_space<vmem>>
      %dma_wait3A_1952 = tpu.memref_squeeze %dma_wait3A_1951 : memref<1x128x64xf32, #tpu.memory_space<vmem>> -> memref<128x64xf32, #tpu.memory_space<vmem>>
      tpu.wait_dma2 semaphore(%dma_wait3A_1945 : memref<!tpu.dma_semaphore, #tpu.memory_space<semaphore_mem>>) src(%dma_wait3A_1952 : memref<128x64xf32, #tpu.memory_space<vmem>>) dst(%dma_wait3A_1948 : memref<128x64xf32, #tpu.memory_space<hbm>>)
      %dma_start3A_1953 = arith.constant 6 : i32
      %dma_start3A_1954 = arith.constant 6 : i32
      %dma_start3A_1955 = arith.constant 0 : i32
      %dma_start3A_1956 = arith.constant 0 : i32
      %dma_start3A_1957 = tpu.memref_slice %arg11[%dma_start3A_1953, %dma_start3A_1955, %dma_start3A_1956] : memref<8x128x64xf32, #tpu.memory_space<vmem>> -> memref<1x128x64xf32, #tpu.memory_space<vmem>>
      %dma_start3A_1958 = tpu.memref_squeeze %dma_start3A_1957 : memref<1x128x64xf32, #tpu.memory_space<vmem>> -> memref<128x64xf32, #tpu.memory_space<vmem>>
      %dma_start3A_1959 = arith.constant 0 : i32
      %dma_start3A_1960 = tpu.memref_slice %arg10[%add3A_1893, %dma_start3A_1959] : memref<88x128xi32, #tpu.memory_space<vmem>> -> memref<1x128xi32, #tpu.memory_space<vmem>>
      %dma_start3A_1961 = tpu.memref_squeeze %dma_start3A_1960 : memref<1x128xi32, #tpu.memory_space<vmem>> -> memref<128xi32, #tpu.memory_space<vmem>>
      %dma_start3A_1962 = arith.constant 0 : i32
      %dma_start3A_1963 = arith.constant 0 : i32
      %dma_start3A_1964 = tpu.memref_slice %arg6[%dma_start3A_1962, %dma_start3A_1963] : memref<1000000x64xf32, #tpu.memory_space<hbm>> -> memref<1000000x64xf32, #tpu.memory_space<hbm>>
      %dma_start3A_1965 = tpu.memref_slice %arg12[%dma_start3A_1954] : memref<8x!tpu.dma_semaphore, #tpu.memory_space<semaphore_mem>> -> memref<1x!tpu.dma_semaphore, #tpu.memory_space<semaphore_mem>>
      %dma_start3A_1966 = tpu.memref_squeeze %dma_start3A_1965 : memref<1x!tpu.dma_semaphore, #tpu.memory_space<semaphore_mem>> -> memref<!tpu.dma_semaphore, #tpu.memory_space<semaphore_mem>>
      tpu.enqueue_indirect_dma source(%dma_start3A_1964 : memref<1000000x64xf32, #tpu.memory_space<hbm>>) target(%dma_start3A_1958 : memref<128x64xf32, #tpu.memory_space<vmem>>) offsets(%dma_start3A_1961 : memref<128xi32, #tpu.memory_space<vmem>>) semaphore(%dma_start3A_1966 : memref<!tpu.dma_semaphore, #tpu.memory_space<semaphore_mem>>)
      %mul3A_1967 = arith.constant 8 : i32
      %mul3A_1968 = arith.muli %scan3A_1729, %mul3A_1967 : i32
      %add3A_1969 = arith.constant 12 : i32
      %add3A_1970 = arith.addi %add3A_1969, %mul3A_1968 : i32
      %add3A_1971 = arith.constant 3 : i32
      %add3A_1972 = arith.addi %add3A_1970, %add3A_1971 : i32
      %sub3A_1973 = arith.constant 4 : i32
      %sub3A_1974 = arith.subi %add3A_1972, %sub3A_1973 : i32
      %dma_wait3A_1975 = arith.constant 3 : i32
      %dma_wait3A_1976 = arith.constant 3 : i32
      %dma_wait3A_1977 = arith.constant 0 : i32
      %dma_wait3A_1978 = arith.constant 0 : i32
      %dma_wait3A_1979 = tpu.memref_slice %arg11[%dma_wait3A_1975, %dma_wait3A_1977, %dma_wait3A_1978] : memref<8x128x64xf32, #tpu.memory_space<vmem>> -> memref<1x128x64xf32, #tpu.memory_space<vmem>>
      %dma_wait3A_1980 = tpu.memref_squeeze %dma_wait3A_1979 : memref<1x128x64xf32, #tpu.memory_space<vmem>> -> memref<128x64xf32, #tpu.memory_space<vmem>>
      %dma_wait3A_1981 = arith.constant 0 : i32
      %dma_wait3A_1982 = tpu.memref_slice %arg10[%sub3A_1974, %dma_wait3A_1981] : memref<88x128xi32, #tpu.memory_space<vmem>> -> memref<1x128xi32, #tpu.memory_space<vmem>>
      %dma_wait3A_1983 = tpu.memref_squeeze %dma_wait3A_1982 : memref<1x128xi32, #tpu.memory_space<vmem>> -> memref<128xi32, #tpu.memory_space<vmem>>
      %dma_wait3A_1984 = arith.constant 0 : i32
      %dma_wait3A_1985 = arith.constant 0 : i32
      %dma_wait3A_1986 = tpu.memref_slice %arg6[%dma_wait3A_1984, %dma_wait3A_1985] : memref<1000000x64xf32, #tpu.memory_space<hbm>> -> memref<1000000x64xf32, #tpu.memory_space<hbm>>
      %dma_wait3A_1987 = tpu.memref_slice %arg12[%dma_wait3A_1976] : memref<8x!tpu.dma_semaphore, #tpu.memory_space<semaphore_mem>> -> memref<1x!tpu.dma_semaphore, #tpu.memory_space<semaphore_mem>>
      %dma_wait3A_1988 = tpu.memref_squeeze %dma_wait3A_1987 : memref<1x!tpu.dma_semaphore, #tpu.memory_space<semaphore_mem>> -> memref<!tpu.dma_semaphore, #tpu.memory_space<semaphore_mem>>
      tpu.wait_indirect_dma semaphore(%dma_wait3A_1988 : memref<!tpu.dma_semaphore, #tpu.memory_space<semaphore_mem>>) src(%dma_wait3A_1986 : memref<1000000x64xf32, #tpu.memory_space<hbm>>) dst(%dma_wait3A_1980 : memref<128x64xf32, #tpu.memory_space<vmem>>)
      %mul3A_1989 = arith.constant 80 : i32
      %mul3A_1990 = arith.muli %add3A, %mul3A_1989 : i32
      %mul3A_1991 = arith.constant 8 : i32
      %mul3A_1992 = arith.muli %scan3A_1729, %mul3A_1991 : i32
      %add3A_1993 = arith.addi %mul3A_1990, %mul3A_1992 : i32
      %add3A_1994 = arith.constant 3 : i32
      %add3A_1995 = arith.addi %add3A_1993, %add3A_1994 : i32
      %mul3A_1996 = arith.constant 128 : i32
      %mul3A_1997 = arith.muli %add3A_1995, %mul3A_1996 : i32
      %dma_start3A_1998 = arith.constant 3 : i32
      %dma_start3A_1999 = arith.constant 3 : i32
      %dma_start3A_2000 = arith.constant 0 : i32
      %dma_start3A_2001 = arith.constant 0 : i32
      %dma_start3A_2002 = tpu.memref_slice %arg11[%dma_start3A_1998, %dma_start3A_2000, %dma_start3A_2001] : memref<8x128x64xf32, #tpu.memory_space<vmem>> -> memref<1x128x64xf32, #tpu.memory_space<vmem>>
      %dma_start3A_2003 = tpu.memref_squeeze %dma_start3A_2002 : memref<1x128x64xf32, #tpu.memory_space<vmem>> -> memref<128x64xf32, #tpu.memory_space<vmem>>
      %dma_start3A_2004 = arith.constant 0 : i32
      %dma_start3A_2005 = tpu.memref_slice %arg9[%mul3A_1997, %dma_start3A_2004] : memref<327680x64xf32, #tpu.memory_space<hbm>> -> memref<128x64xf32, #tpu.memory_space<hbm>>
      %dma_start3A_2006 = tpu.memref_slice %arg13[%dma_start3A_1999] : memref<8x!tpu.dma_semaphore, #tpu.memory_space<semaphore_mem>> -> memref<1x!tpu.dma_semaphore, #tpu.memory_space<semaphore_mem>>
      %dma_start3A_2007 = tpu.memref_squeeze %dma_start3A_2006 : memref<1x!tpu.dma_semaphore, #tpu.memory_space<semaphore_mem>> -> memref<!tpu.dma_semaphore, #tpu.memory_space<semaphore_mem>>
      %dma_start3A_2008 = arith.constant 0 : i32
      %dma_start3A_2009 = tpu.memref_slice %arg9[%mul3A_1997, %dma_start3A_2008] : memref<327680x64xf32, #tpu.memory_space<hbm>> -> memref<128x64xf32, #tpu.memory_space<hbm>>
      %dma_start3A_2010 = arith.constant 0 : i32
      %dma_start3A_2011 = arith.constant 0 : i32
      %dma_start3A_2012 = tpu.memref_slice %arg11[%dma_start3A_1998, %dma_start3A_2010, %dma_start3A_2011] : memref<8x128x64xf32, #tpu.memory_space<vmem>> -> memref<1x128x64xf32, #tpu.memory_space<vmem>>
      %dma_start3A_2013 = tpu.memref_squeeze %dma_start3A_2012 : memref<1x128x64xf32, #tpu.memory_space<vmem>> -> memref<128x64xf32, #tpu.memory_space<vmem>>
      tpu.enqueue_dma source(%dma_start3A_2013 : memref<128x64xf32, #tpu.memory_space<vmem>>) target(%dma_start3A_2009 : memref<128x64xf32, #tpu.memory_space<hbm>>) target_semaphore(%dma_start3A_2007 : memref<!tpu.dma_semaphore, #tpu.memory_space<semaphore_mem>>)
      %dma_wait3A_2014 = arith.constant 7 : i32
      %dma_wait3A_2015 = arith.constant 7 : i32
      %dma_wait3A_2016 = arith.constant 0 : i32
      %dma_wait3A_2017 = arith.constant 0 : i32
      %dma_wait3A_2018 = tpu.memref_slice %arg11[%dma_wait3A_2014, %dma_wait3A_2016, %dma_wait3A_2017] : memref<8x128x64xf32, #tpu.memory_space<vmem>> -> memref<1x128x64xf32, #tpu.memory_space<vmem>>
      %dma_wait3A_2019 = tpu.memref_squeeze %dma_wait3A_2018 : memref<1x128x64xf32, #tpu.memory_space<vmem>> -> memref<128x64xf32, #tpu.memory_space<vmem>>
      %dma_wait3A_2020 = arith.constant 0 : i32
      %dma_wait3A_2021 = arith.constant 0 : i32
      %dma_wait3A_2022 = tpu.memref_slice %arg9[%dma_wait3A_2020, %dma_wait3A_2021] : memref<327680x64xf32, #tpu.memory_space<hbm>> -> memref<128x64xf32, #tpu.memory_space<hbm>>
      %dma_wait3A_2023 = tpu.memref_slice %arg13[%dma_wait3A_2015] : memref<8x!tpu.dma_semaphore, #tpu.memory_space<semaphore_mem>> -> memref<1x!tpu.dma_semaphore, #tpu.memory_space<semaphore_mem>>
      %dma_wait3A_2024 = tpu.memref_squeeze %dma_wait3A_2023 : memref<1x!tpu.dma_semaphore, #tpu.memory_space<semaphore_mem>> -> memref<!tpu.dma_semaphore, #tpu.memory_space<semaphore_mem>>
      %dma_wait3A_2025 = arith.constant 0 : i32
      %dma_wait3A_2026 = arith.constant 0 : i32
      %dma_wait3A_2027 = tpu.memref_slice %arg9[%dma_wait3A_2025, %dma_wait3A_2026] : memref<327680x64xf32, #tpu.memory_space<hbm>> -> memref<128x64xf32, #tpu.memory_space<hbm>>
      %dma_wait3A_2028 = arith.constant 0 : i32
      %dma_wait3A_2029 = arith.constant 0 : i32
      %dma_wait3A_2030 = tpu.memref_slice %arg11[%dma_wait3A_2014, %dma_wait3A_2028, %dma_wait3A_2029] : memref<8x128x64xf32, #tpu.memory_space<vmem>> -> memref<1x128x64xf32, #tpu.memory_space<vmem>>
      %dma_wait3A_2031 = tpu.memref_squeeze %dma_wait3A_2030 : memref<1x128x64xf32, #tpu.memory_space<vmem>> -> memref<128x64xf32, #tpu.memory_space<vmem>>
      tpu.wait_dma2 semaphore(%dma_wait3A_2024 : memref<!tpu.dma_semaphore, #tpu.memory_space<semaphore_mem>>) src(%dma_wait3A_2031 : memref<128x64xf32, #tpu.memory_space<vmem>>) dst(%dma_wait3A_2027 : memref<128x64xf32, #tpu.memory_space<hbm>>)
      %dma_start3A_2032 = arith.constant 7 : i32
      %dma_start3A_2033 = arith.constant 7 : i32
      %dma_start3A_2034 = arith.constant 0 : i32
      %dma_start3A_2035 = arith.constant 0 : i32
      %dma_start3A_2036 = tpu.memref_slice %arg11[%dma_start3A_2032, %dma_start3A_2034, %dma_start3A_2035] : memref<8x128x64xf32, #tpu.memory_space<vmem>> -> memref<1x128x64xf32, #tpu.memory_space<vmem>>
      %dma_start3A_2037 = tpu.memref_squeeze %dma_start3A_2036 : memref<1x128x64xf32, #tpu.memory_space<vmem>> -> memref<128x64xf32, #tpu.memory_space<vmem>>
      %dma_start3A_2038 = arith.constant 0 : i32
      %dma_start3A_2039 = tpu.memref_slice %arg10[%add3A_1972, %dma_start3A_2038] : memref<88x128xi32, #tpu.memory_space<vmem>> -> memref<1x128xi32, #tpu.memory_space<vmem>>
      %dma_start3A_2040 = tpu.memref_squeeze %dma_start3A_2039 : memref<1x128xi32, #tpu.memory_space<vmem>> -> memref<128xi32, #tpu.memory_space<vmem>>
      %dma_start3A_2041 = arith.constant 0 : i32
      %dma_start3A_2042 = arith.constant 0 : i32
      %dma_start3A_2043 = tpu.memref_slice %arg6[%dma_start3A_2041, %dma_start3A_2042] : memref<1000000x64xf32, #tpu.memory_space<hbm>> -> memref<1000000x64xf32, #tpu.memory_space<hbm>>
      %dma_start3A_2044 = tpu.memref_slice %arg12[%dma_start3A_2033] : memref<8x!tpu.dma_semaphore, #tpu.memory_space<semaphore_mem>> -> memref<1x!tpu.dma_semaphore, #tpu.memory_space<semaphore_mem>>
      %dma_start3A_2045 = tpu.memref_squeeze %dma_start3A_2044 : memref<1x!tpu.dma_semaphore, #tpu.memory_space<semaphore_mem>> -> memref<!tpu.dma_semaphore, #tpu.memory_space<semaphore_mem>>
      tpu.enqueue_indirect_dma source(%dma_start3A_2043 : memref<1000000x64xf32, #tpu.memory_space<hbm>>) target(%dma_start3A_2037 : memref<128x64xf32, #tpu.memory_space<vmem>>) offsets(%dma_start3A_2040 : memref<128xi32, #tpu.memory_space<vmem>>) semaphore(%dma_start3A_2045 : memref<!tpu.dma_semaphore, #tpu.memory_space<semaphore_mem>>)
      %mul3A_2046 = arith.constant 8 : i32
      %mul3A_2047 = arith.muli %scan3A_1729, %mul3A_2046 : i32
      %add3A_2048 = arith.constant 12 : i32
      %add3A_2049 = arith.addi %add3A_2048, %mul3A_2047 : i32
      %add3A_2050 = arith.constant 4 : i32
      %add3A_2051 = arith.addi %add3A_2049, %add3A_2050 : i32
      %sub3A_2052 = arith.constant 4 : i32
      %sub3A_2053 = arith.subi %add3A_2051, %sub3A_2052 : i32
      %dma_wait3A_2054 = arith.constant 4 : i32
      %dma_wait3A_2055 = arith.constant 4 : i32
      %dma_wait3A_2056 = arith.constant 0 : i32
      %dma_wait3A_2057 = arith.constant 0 : i32
      %dma_wait3A_2058 = tpu.memref_slice %arg11[%dma_wait3A_2054, %dma_wait3A_2056, %dma_wait3A_2057] : memref<8x128x64xf32, #tpu.memory_space<vmem>> -> memref<1x128x64xf32, #tpu.memory_space<vmem>>
      %dma_wait3A_2059 = tpu.memref_squeeze %dma_wait3A_2058 : memref<1x128x64xf32, #tpu.memory_space<vmem>> -> memref<128x64xf32, #tpu.memory_space<vmem>>
      %dma_wait3A_2060 = arith.constant 0 : i32
      %dma_wait3A_2061 = tpu.memref_slice %arg10[%sub3A_2053, %dma_wait3A_2060] : memref<88x128xi32, #tpu.memory_space<vmem>> -> memref<1x128xi32, #tpu.memory_space<vmem>>
      %dma_wait3A_2062 = tpu.memref_squeeze %dma_wait3A_2061 : memref<1x128xi32, #tpu.memory_space<vmem>> -> memref<128xi32, #tpu.memory_space<vmem>>
      %dma_wait3A_2063 = arith.constant 0 : i32
      %dma_wait3A_2064 = arith.constant 0 : i32
      %dma_wait3A_2065 = tpu.memref_slice %arg6[%dma_wait3A_2063, %dma_wait3A_2064] : memref<1000000x64xf32, #tpu.memory_space<hbm>> -> memref<1000000x64xf32, #tpu.memory_space<hbm>>
      %dma_wait3A_2066 = tpu.memref_slice %arg12[%dma_wait3A_2055] : memref<8x!tpu.dma_semaphore, #tpu.memory_space<semaphore_mem>> -> memref<1x!tpu.dma_semaphore, #tpu.memory_space<semaphore_mem>>
      %dma_wait3A_2067 = tpu.memref_squeeze %dma_wait3A_2066 : memref<1x!tpu.dma_semaphore, #tpu.memory_space<semaphore_mem>> -> memref<!tpu.dma_semaphore, #tpu.memory_space<semaphore_mem>>
      tpu.wait_indirect_dma semaphore(%dma_wait3A_2067 : memref<!tpu.dma_semaphore, #tpu.memory_space<semaphore_mem>>) src(%dma_wait3A_2065 : memref<1000000x64xf32, #tpu.memory_space<hbm>>) dst(%dma_wait3A_2059 : memref<128x64xf32, #tpu.memory_space<vmem>>)
      %mul3A_2068 = arith.constant 80 : i32
      %mul3A_2069 = arith.muli %add3A, %mul3A_2068 : i32
      %mul3A_2070 = arith.constant 8 : i32
      %mul3A_2071 = arith.muli %scan3A_1729, %mul3A_2070 : i32
      %add3A_2072 = arith.addi %mul3A_2069, %mul3A_2071 : i32
      %add3A_2073 = arith.constant 4 : i32
      %add3A_2074 = arith.addi %add3A_2072, %add3A_2073 : i32
      %mul3A_2075 = arith.constant 128 : i32
      %mul3A_2076 = arith.muli %add3A_2074, %mul3A_2075 : i32
      %dma_start3A_2077 = arith.constant 4 : i32
      %dma_start3A_2078 = arith.constant 4 : i32
      %dma_start3A_2079 = arith.constant 0 : i32
      %dma_start3A_2080 = arith.constant 0 : i32
      %dma_start3A_2081 = tpu.memref_slice %arg11[%dma_start3A_2077, %dma_start3A_2079, %dma_start3A_2080] : memref<8x128x64xf32, #tpu.memory_space<vmem>> -> memref<1x128x64xf32, #tpu.memory_space<vmem>>
      %dma_start3A_2082 = tpu.memref_squeeze %dma_start3A_2081 : memref<1x128x64xf32, #tpu.memory_space<vmem>> -> memref<128x64xf32, #tpu.memory_space<vmem>>
      %dma_start3A_2083 = arith.constant 0 : i32
      %dma_start3A_2084 = tpu.memref_slice %arg9[%mul3A_2076, %dma_start3A_2083] : memref<327680x64xf32, #tpu.memory_space<hbm>> -> memref<128x64xf32, #tpu.memory_space<hbm>>
      %dma_start3A_2085 = tpu.memref_slice %arg13[%dma_start3A_2078] : memref<8x!tpu.dma_semaphore, #tpu.memory_space<semaphore_mem>> -> memref<1x!tpu.dma_semaphore, #tpu.memory_space<semaphore_mem>>
      %dma_start3A_2086 = tpu.memref_squeeze %dma_start3A_2085 : memref<1x!tpu.dma_semaphore, #tpu.memory_space<semaphore_mem>> -> memref<!tpu.dma_semaphore, #tpu.memory_space<semaphore_mem>>
      %dma_start3A_2087 = arith.constant 0 : i32
      %dma_start3A_2088 = tpu.memref_slice %arg9[%mul3A_2076, %dma_start3A_2087] : memref<327680x64xf32, #tpu.memory_space<hbm>> -> memref<128x64xf32, #tpu.memory_space<hbm>>
      %dma_start3A_2089 = arith.constant 0 : i32
      %dma_start3A_2090 = arith.constant 0 : i32
      %dma_start3A_2091 = tpu.memref_slice %arg11[%dma_start3A_2077, %dma_start3A_2089, %dma_start3A_2090] : memref<8x128x64xf32, #tpu.memory_space<vmem>> -> memref<1x128x64xf32, #tpu.memory_space<vmem>>
      %dma_start3A_2092 = tpu.memref_squeeze %dma_start3A_2091 : memref<1x128x64xf32, #tpu.memory_space<vmem>> -> memref<128x64xf32, #tpu.memory_space<vmem>>
      tpu.enqueue_dma source(%dma_start3A_2092 : memref<128x64xf32, #tpu.memory_space<vmem>>) target(%dma_start3A_2088 : memref<128x64xf32, #tpu.memory_space<hbm>>) target_semaphore(%dma_start3A_2086 : memref<!tpu.dma_semaphore, #tpu.memory_space<semaphore_mem>>)
      %dma_wait3A_2093 = arith.constant 0 : i32
      %dma_wait3A_2094 = arith.constant 0 : i32
      %dma_wait3A_2095 = arith.constant 0 : i32
      %dma_wait3A_2096 = arith.constant 0 : i32
      %dma_wait3A_2097 = tpu.memref_slice %arg11[%dma_wait3A_2093, %dma_wait3A_2095, %dma_wait3A_2096] : memref<8x128x64xf32, #tpu.memory_space<vmem>> -> memref<1x128x64xf32, #tpu.memory_space<vmem>>
      %dma_wait3A_2098 = tpu.memref_squeeze %dma_wait3A_2097 : memref<1x128x64xf32, #tpu.memory_space<vmem>> -> memref<128x64xf32, #tpu.memory_space<vmem>>
      %dma_wait3A_2099 = arith.constant 0 : i32
      %dma_wait3A_2100 = arith.constant 0 : i32
      %dma_wait3A_2101 = tpu.memref_slice %arg9[%dma_wait3A_2099, %dma_wait3A_2100] : memref<327680x64xf32, #tpu.memory_space<hbm>> -> memref<128x64xf32, #tpu.memory_space<hbm>>
      %dma_wait3A_2102 = tpu.memref_slice %arg13[%dma_wait3A_2094] : memref<8x!tpu.dma_semaphore, #tpu.memory_space<semaphore_mem>> -> memref<1x!tpu.dma_semaphore, #tpu.memory_space<semaphore_mem>>
      %dma_wait3A_2103 = tpu.memref_squeeze %dma_wait3A_2102 : memref<1x!tpu.dma_semaphore, #tpu.memory_space<semaphore_mem>> -> memref<!tpu.dma_semaphore, #tpu.memory_space<semaphore_mem>>
      %dma_wait3A_2104 = arith.constant 0 : i32
      %dma_wait3A_2105 = arith.constant 0 : i32
      %dma_wait3A_2106 = tpu.memref_slice %arg9[%dma_wait3A_2104, %dma_wait3A_2105] : memref<327680x64xf32, #tpu.memory_space<hbm>> -> memref<128x64xf32, #tpu.memory_space<hbm>>
      %dma_wait3A_2107 = arith.constant 0 : i32
      %dma_wait3A_2108 = arith.constant 0 : i32
      %dma_wait3A_2109 = tpu.memref_slice %arg11[%dma_wait3A_2093, %dma_wait3A_2107, %dma_wait3A_2108] : memref<8x128x64xf32, #tpu.memory_space<vmem>> -> memref<1x128x64xf32, #tpu.memory_space<vmem>>
      %dma_wait3A_2110 = tpu.memref_squeeze %dma_wait3A_2109 : memref<1x128x64xf32, #tpu.memory_space<vmem>> -> memref<128x64xf32, #tpu.memory_space<vmem>>
      tpu.wait_dma2 semaphore(%dma_wait3A_2103 : memref<!tpu.dma_semaphore, #tpu.memory_space<semaphore_mem>>) src(%dma_wait3A_2110 : memref<128x64xf32, #tpu.memory_space<vmem>>) dst(%dma_wait3A_2106 : memref<128x64xf32, #tpu.memory_space<hbm>>)
      %dma_start3A_2111 = arith.constant 0 : i32
      %dma_start3A_2112 = arith.constant 0 : i32
      %dma_start3A_2113 = arith.constant 0 : i32
      %dma_start3A_2114 = arith.constant 0 : i32
      %dma_start3A_2115 = tpu.memref_slice %arg11[%dma_start3A_2111, %dma_start3A_2113, %dma_start3A_2114] : memref<8x128x64xf32, #tpu.memory_space<vmem>> -> memref<1x128x64xf32, #tpu.memory_space<vmem>>
      %dma_start3A_2116 = tpu.memref_squeeze %dma_start3A_2115 : memref<1x128x64xf32, #tpu.memory_space<vmem>> -> memref<128x64xf32, #tpu.memory_space<vmem>>
      %dma_start3A_2117 = arith.constant 0 : i32
      %dma_start3A_2118 = tpu.memref_slice %arg10[%add3A_2051, %dma_start3A_2117] : memref<88x128xi32, #tpu.memory_space<vmem>> -> memref<1x128xi32, #tpu.memory_space<vmem>>
      %dma_start3A_2119 = tpu.memref_squeeze %dma_start3A_2118 : memref<1x128xi32, #tpu.memory_space<vmem>> -> memref<128xi32, #tpu.memory_space<vmem>>
      %dma_start3A_2120 = arith.constant 0 : i32
      %dma_start3A_2121 = arith.constant 0 : i32
      %dma_start3A_2122 = tpu.memref_slice %arg6[%dma_start3A_2120, %dma_start3A_2121] : memref<1000000x64xf32, #tpu.memory_space<hbm>> -> memref<1000000x64xf32, #tpu.memory_space<hbm>>
      %dma_start3A_2123 = tpu.memref_slice %arg12[%dma_start3A_2112] : memref<8x!tpu.dma_semaphore, #tpu.memory_space<semaphore_mem>> -> memref<1x!tpu.dma_semaphore, #tpu.memory_space<semaphore_mem>>
      %dma_start3A_2124 = tpu.memref_squeeze %dma_start3A_2123 : memref<1x!tpu.dma_semaphore, #tpu.memory_space<semaphore_mem>> -> memref<!tpu.dma_semaphore, #tpu.memory_space<semaphore_mem>>
      tpu.enqueue_indirect_dma source(%dma_start3A_2122 : memref<1000000x64xf32, #tpu.memory_space<hbm>>) target(%dma_start3A_2116 : memref<128x64xf32, #tpu.memory_space<vmem>>) offsets(%dma_start3A_2119 : memref<128xi32, #tpu.memory_space<vmem>>) semaphore(%dma_start3A_2124 : memref<!tpu.dma_semaphore, #tpu.memory_space<semaphore_mem>>)
      %mul3A_2125 = arith.constant 8 : i32
      %mul3A_2126 = arith.muli %scan3A_1729, %mul3A_2125 : i32
      %add3A_2127 = arith.constant 12 : i32
      %add3A_2128 = arith.addi %add3A_2127, %mul3A_2126 : i32
      %add3A_2129 = arith.constant 5 : i32
      %add3A_2130 = arith.addi %add3A_2128, %add3A_2129 : i32
      %sub3A_2131 = arith.constant 4 : i32
      %sub3A_2132 = arith.subi %add3A_2130, %sub3A_2131 : i32
      %dma_wait3A_2133 = arith.constant 5 : i32
      %dma_wait3A_2134 = arith.constant 5 : i32
      %dma_wait3A_2135 = arith.constant 0 : i32
      %dma_wait3A_2136 = arith.constant 0 : i32
      %dma_wait3A_2137 = tpu.memref_slice %arg11[%dma_wait3A_2133, %dma_wait3A_2135, %dma_wait3A_2136] : memref<8x128x64xf32, #tpu.memory_space<vmem>> -> memref<1x128x64xf32, #tpu.memory_space<vmem>>
      %dma_wait3A_2138 = tpu.memref_squeeze %dma_wait3A_2137 : memref<1x128x64xf32, #tpu.memory_space<vmem>> -> memref<128x64xf32, #tpu.memory_space<vmem>>
      %dma_wait3A_2139 = arith.constant 0 : i32
      %dma_wait3A_2140 = tpu.memref_slice %arg10[%sub3A_2132, %dma_wait3A_2139] : memref<88x128xi32, #tpu.memory_space<vmem>> -> memref<1x128xi32, #tpu.memory_space<vmem>>
      %dma_wait3A_2141 = tpu.memref_squeeze %dma_wait3A_2140 : memref<1x128xi32, #tpu.memory_space<vmem>> -> memref<128xi32, #tpu.memory_space<vmem>>
      %dma_wait3A_2142 = arith.constant 0 : i32
      %dma_wait3A_2143 = arith.constant 0 : i32
      %dma_wait3A_2144 = tpu.memref_slice %arg6[%dma_wait3A_2142, %dma_wait3A_2143] : memref<1000000x64xf32, #tpu.memory_space<hbm>> -> memref<1000000x64xf32, #tpu.memory_space<hbm>>
      %dma_wait3A_2145 = tpu.memref_slice %arg12[%dma_wait3A_2134] : memref<8x!tpu.dma_semaphore, #tpu.memory_space<semaphore_mem>> -> memref<1x!tpu.dma_semaphore, #tpu.memory_space<semaphore_mem>>
      %dma_wait3A_2146 = tpu.memref_squeeze %dma_wait3A_2145 : memref<1x!tpu.dma_semaphore, #tpu.memory_space<semaphore_mem>> -> memref<!tpu.dma_semaphore, #tpu.memory_space<semaphore_mem>>
      tpu.wait_indirect_dma semaphore(%dma_wait3A_2146 : memref<!tpu.dma_semaphore, #tpu.memory_space<semaphore_mem>>) src(%dma_wait3A_2144 : memref<1000000x64xf32, #tpu.memory_space<hbm>>) dst(%dma_wait3A_2138 : memref<128x64xf32, #tpu.memory_space<vmem>>)
      %mul3A_2147 = arith.constant 80 : i32
      %mul3A_2148 = arith.muli %add3A, %mul3A_2147 : i32
      %mul3A_2149 = arith.constant 8 : i32
      %mul3A_2150 = arith.muli %scan3A_1729, %mul3A_2149 : i32
      %add3A_2151 = arith.addi %mul3A_2148, %mul3A_2150 : i32
      %add3A_2152 = arith.constant 5 : i32
      %add3A_2153 = arith.addi %add3A_2151, %add3A_2152 : i32
      %mul3A_2154 = arith.constant 128 : i32
      %mul3A_2155 = arith.muli %add3A_2153, %mul3A_2154 : i32
      %dma_start3A_2156 = arith.constant 5 : i32
      %dma_start3A_2157 = arith.constant 5 : i32
      %dma_start3A_2158 = arith.constant 0 : i32
      %dma_start3A_2159 = arith.constant 0 : i32
      %dma_start3A_2160 = tpu.memref_slice %arg11[%dma_start3A_2156, %dma_start3A_2158, %dma_start3A_2159] : memref<8x128x64xf32, #tpu.memory_space<vmem>> -> memref<1x128x64xf32, #tpu.memory_space<vmem>>
      %dma_start3A_2161 = tpu.memref_squeeze %dma_start3A_2160 : memref<1x128x64xf32, #tpu.memory_space<vmem>> -> memref<128x64xf32, #tpu.memory_space<vmem>>
      %dma_start3A_2162 = arith.constant 0 : i32
      %dma_start3A_2163 = tpu.memref_slice %arg9[%mul3A_2155, %dma_start3A_2162] : memref<327680x64xf32, #tpu.memory_space<hbm>> -> memref<128x64xf32, #tpu.memory_space<hbm>>
      %dma_start3A_2164 = tpu.memref_slice %arg13[%dma_start3A_2157] : memref<8x!tpu.dma_semaphore, #tpu.memory_space<semaphore_mem>> -> memref<1x!tpu.dma_semaphore, #tpu.memory_space<semaphore_mem>>
      %dma_start3A_2165 = tpu.memref_squeeze %dma_start3A_2164 : memref<1x!tpu.dma_semaphore, #tpu.memory_space<semaphore_mem>> -> memref<!tpu.dma_semaphore, #tpu.memory_space<semaphore_mem>>
      %dma_start3A_2166 = arith.constant 0 : i32
      %dma_start3A_2167 = tpu.memref_slice %arg9[%mul3A_2155, %dma_start3A_2166] : memref<327680x64xf32, #tpu.memory_space<hbm>> -> memref<128x64xf32, #tpu.memory_space<hbm>>
      %dma_start3A_2168 = arith.constant 0 : i32
      %dma_start3A_2169 = arith.constant 0 : i32
      %dma_start3A_2170 = tpu.memref_slice %arg11[%dma_start3A_2156, %dma_start3A_2168, %dma_start3A_2169] : memref<8x128x64xf32, #tpu.memory_space<vmem>> -> memref<1x128x64xf32, #tpu.memory_space<vmem>>
      %dma_start3A_2171 = tpu.memref_squeeze %dma_start3A_2170 : memref<1x128x64xf32, #tpu.memory_space<vmem>> -> memref<128x64xf32, #tpu.memory_space<vmem>>
      tpu.enqueue_dma source(%dma_start3A_2171 : memref<128x64xf32, #tpu.memory_space<vmem>>) target(%dma_start3A_2167 : memref<128x64xf32, #tpu.memory_space<hbm>>) target_semaphore(%dma_start3A_2165 : memref<!tpu.dma_semaphore, #tpu.memory_space<semaphore_mem>>)
      %dma_wait3A_2172 = arith.constant 1 : i32
      %dma_wait3A_2173 = arith.constant 1 : i32
      %dma_wait3A_2174 = arith.constant 0 : i32
      %dma_wait3A_2175 = arith.constant 0 : i32
      %dma_wait3A_2176 = tpu.memref_slice %arg11[%dma_wait3A_2172, %dma_wait3A_2174, %dma_wait3A_2175] : memref<8x128x64xf32, #tpu.memory_space<vmem>> -> memref<1x128x64xf32, #tpu.memory_space<vmem>>
      %dma_wait3A_2177 = tpu.memref_squeeze %dma_wait3A_2176 : memref<1x128x64xf32, #tpu.memory_space<vmem>> -> memref<128x64xf32, #tpu.memory_space<vmem>>
      %dma_wait3A_2178 = arith.constant 0 : i32
      %dma_wait3A_2179 = arith.constant 0 : i32
      %dma_wait3A_2180 = tpu.memref_slice %arg9[%dma_wait3A_2178, %dma_wait3A_2179] : memref<327680x64xf32, #tpu.memory_space<hbm>> -> memref<128x64xf32, #tpu.memory_space<hbm>>
      %dma_wait3A_2181 = tpu.memref_slice %arg13[%dma_wait3A_2173] : memref<8x!tpu.dma_semaphore, #tpu.memory_space<semaphore_mem>> -> memref<1x!tpu.dma_semaphore, #tpu.memory_space<semaphore_mem>>
      %dma_wait3A_2182 = tpu.memref_squeeze %dma_wait3A_2181 : memref<1x!tpu.dma_semaphore, #tpu.memory_space<semaphore_mem>> -> memref<!tpu.dma_semaphore, #tpu.memory_space<semaphore_mem>>
      %dma_wait3A_2183 = arith.constant 0 : i32
      %dma_wait3A_2184 = arith.constant 0 : i32
      %dma_wait3A_2185 = tpu.memref_slice %arg9[%dma_wait3A_2183, %dma_wait3A_2184] : memref<327680x64xf32, #tpu.memory_space<hbm>> -> memref<128x64xf32, #tpu.memory_space<hbm>>
      %dma_wait3A_2186 = arith.constant 0 : i32
      %dma_wait3A_2187 = arith.constant 0 : i32
      %dma_wait3A_2188 = tpu.memref_slice %arg11[%dma_wait3A_2172, %dma_wait3A_2186, %dma_wait3A_2187] : memref<8x128x64xf32, #tpu.memory_space<vmem>> -> memref<1x128x64xf32, #tpu.memory_space<vmem>>
      %dma_wait3A_2189 = tpu.memref_squeeze %dma_wait3A_2188 : memref<1x128x64xf32, #tpu.memory_space<vmem>> -> memref<128x64xf32, #tpu.memory_space<vmem>>
      tpu.wait_dma2 semaphore(%dma_wait3A_2182 : memref<!tpu.dma_semaphore, #tpu.memory_space<semaphore_mem>>) src(%dma_wait3A_2189 : memref<128x64xf32, #tpu.memory_space<vmem>>) dst(%dma_wait3A_2185 : memref<128x64xf32, #tpu.memory_space<hbm>>)
      %dma_start3A_2190 = arith.constant 1 : i32
      %dma_start3A_2191 = arith.constant 1 : i32
      %dma_start3A_2192 = arith.constant 0 : i32
      %dma_start3A_2193 = arith.constant 0 : i32
      %dma_start3A_2194 = tpu.memref_slice %arg11[%dma_start3A_2190, %dma_start3A_2192, %dma_start3A_2193] : memref<8x128x64xf32, #tpu.memory_space<vmem>> -> memref<1x128x64xf32, #tpu.memory_space<vmem>>
      %dma_start3A_2195 = tpu.memref_squeeze %dma_start3A_2194 : memref<1x128x64xf32, #tpu.memory_space<vmem>> -> memref<128x64xf32, #tpu.memory_space<vmem>>
      %dma_start3A_2196 = arith.constant 0 : i32
      %dma_start3A_2197 = tpu.memref_slice %arg10[%add3A_2130, %dma_start3A_2196] : memref<88x128xi32, #tpu.memory_space<vmem>> -> memref<1x128xi32, #tpu.memory_space<vmem>>
      %dma_start3A_2198 = tpu.memref_squeeze %dma_start3A_2197 : memref<1x128xi32, #tpu.memory_space<vmem>> -> memref<128xi32, #tpu.memory_space<vmem>>
      %dma_start3A_2199 = arith.constant 0 : i32
      %dma_start3A_2200 = arith.constant 0 : i32
      %dma_start3A_2201 = tpu.memref_slice %arg6[%dma_start3A_2199, %dma_start3A_2200] : memref<1000000x64xf32, #tpu.memory_space<hbm>> -> memref<1000000x64xf32, #tpu.memory_space<hbm>>
      %dma_start3A_2202 = tpu.memref_slice %arg12[%dma_start3A_2191] : memref<8x!tpu.dma_semaphore, #tpu.memory_space<semaphore_mem>> -> memref<1x!tpu.dma_semaphore, #tpu.memory_space<semaphore_mem>>
      %dma_start3A_2203 = tpu.memref_squeeze %dma_start3A_2202 : memref<1x!tpu.dma_semaphore, #tpu.memory_space<semaphore_mem>> -> memref<!tpu.dma_semaphore, #tpu.memory_space<semaphore_mem>>
      tpu.enqueue_indirect_dma source(%dma_start3A_2201 : memref<1000000x64xf32, #tpu.memory_space<hbm>>) target(%dma_start3A_2195 : memref<128x64xf32, #tpu.memory_space<vmem>>) offsets(%dma_start3A_2198 : memref<128xi32, #tpu.memory_space<vmem>>) semaphore(%dma_start3A_2203 : memref<!tpu.dma_semaphore, #tpu.memory_space<semaphore_mem>>)
      %mul3A_2204 = arith.constant 8 : i32
      %mul3A_2205 = arith.muli %scan3A_1729, %mul3A_2204 : i32
      %add3A_2206 = arith.constant 12 : i32
      %add3A_2207 = arith.addi %add3A_2206, %mul3A_2205 : i32
      %add3A_2208 = arith.constant 6 : i32
      %add3A_2209 = arith.addi %add3A_2207, %add3A_2208 : i32
      %sub3A_2210 = arith.constant 4 : i32
      %sub3A_2211 = arith.subi %add3A_2209, %sub3A_2210 : i32
      %dma_wait3A_2212 = arith.constant 6 : i32
      %dma_wait3A_2213 = arith.constant 6 : i32
      %dma_wait3A_2214 = arith.constant 0 : i32
      %dma_wait3A_2215 = arith.constant 0 : i32
      %dma_wait3A_2216 = tpu.memref_slice %arg11[%dma_wait3A_2212, %dma_wait3A_2214, %dma_wait3A_2215] : memref<8x128x64xf32, #tpu.memory_space<vmem>> -> memref<1x128x64xf32, #tpu.memory_space<vmem>>
      %dma_wait3A_2217 = tpu.memref_squeeze %dma_wait3A_2216 : memref<1x128x64xf32, #tpu.memory_space<vmem>> -> memref<128x64xf32, #tpu.memory_space<vmem>>
      %dma_wait3A_2218 = arith.constant 0 : i32
      %dma_wait3A_2219 = tpu.memref_slice %arg10[%sub3A_2211, %dma_wait3A_2218] : memref<88x128xi32, #tpu.memory_space<vmem>> -> memref<1x128xi32, #tpu.memory_space<vmem>>
      %dma_wait3A_2220 = tpu.memref_squeeze %dma_wait3A_2219 : memref<1x128xi32, #tpu.memory_space<vmem>> -> memref<128xi32, #tpu.memory_space<vmem>>
      %dma_wait3A_2221 = arith.constant 0 : i32
      %dma_wait3A_2222 = arith.constant 0 : i32
      %dma_wait3A_2223 = tpu.memref_slice %arg6[%dma_wait3A_2221, %dma_wait3A_2222] : memref<1000000x64xf32, #tpu.memory_space<hbm>> -> memref<1000000x64xf32, #tpu.memory_space<hbm>>
      %dma_wait3A_2224 = tpu.memref_slice %arg12[%dma_wait3A_2213] : memref<8x!tpu.dma_semaphore, #tpu.memory_space<semaphore_mem>> -> memref<1x!tpu.dma_semaphore, #tpu.memory_space<semaphore_mem>>
      %dma_wait3A_2225 = tpu.memref_squeeze %dma_wait3A_2224 : memref<1x!tpu.dma_semaphore, #tpu.memory_space<semaphore_mem>> -> memref<!tpu.dma_semaphore, #tpu.memory_space<semaphore_mem>>
      tpu.wait_indirect_dma semaphore(%dma_wait3A_2225 : memref<!tpu.dma_semaphore, #tpu.memory_space<semaphore_mem>>) src(%dma_wait3A_2223 : memref<1000000x64xf32, #tpu.memory_space<hbm>>) dst(%dma_wait3A_2217 : memref<128x64xf32, #tpu.memory_space<vmem>>)
      %mul3A_2226 = arith.constant 80 : i32
      %mul3A_2227 = arith.muli %add3A, %mul3A_2226 : i32
      %mul3A_2228 = arith.constant 8 : i32
      %mul3A_2229 = arith.muli %scan3A_1729, %mul3A_2228 : i32
      %add3A_2230 = arith.addi %mul3A_2227, %mul3A_2229 : i32
      %add3A_2231 = arith.constant 6 : i32
      %add3A_2232 = arith.addi %add3A_2230, %add3A_2231 : i32
      %mul3A_2233 = arith.constant 128 : i32
      %mul3A_2234 = arith.muli %add3A_2232, %mul3A_2233 : i32
      %dma_start3A_2235 = arith.constant 6 : i32
      %dma_start3A_2236 = arith.constant 6 : i32
      %dma_start3A_2237 = arith.constant 0 : i32
      %dma_start3A_2238 = arith.constant 0 : i32
      %dma_start3A_2239 = tpu.memref_slice %arg11[%dma_start3A_2235, %dma_start3A_2237, %dma_start3A_2238] : memref<8x128x64xf32, #tpu.memory_space<vmem>> -> memref<1x128x64xf32, #tpu.memory_space<vmem>>
      %dma_start3A_2240 = tpu.memref_squeeze %dma_start3A_2239 : memref<1x128x64xf32, #tpu.memory_space<vmem>> -> memref<128x64xf32, #tpu.memory_space<vmem>>
      %dma_start3A_2241 = arith.constant 0 : i32
      %dma_start3A_2242 = tpu.memref_slice %arg9[%mul3A_2234, %dma_start3A_2241] : memref<327680x64xf32, #tpu.memory_space<hbm>> -> memref<128x64xf32, #tpu.memory_space<hbm>>
      %dma_start3A_2243 = tpu.memref_slice %arg13[%dma_start3A_2236] : memref<8x!tpu.dma_semaphore, #tpu.memory_space<semaphore_mem>> -> memref<1x!tpu.dma_semaphore, #tpu.memory_space<semaphore_mem>>
      %dma_start3A_2244 = tpu.memref_squeeze %dma_start3A_2243 : memref<1x!tpu.dma_semaphore, #tpu.memory_space<semaphore_mem>> -> memref<!tpu.dma_semaphore, #tpu.memory_space<semaphore_mem>>
      %dma_start3A_2245 = arith.constant 0 : i32
      %dma_start3A_2246 = tpu.memref_slice %arg9[%mul3A_2234, %dma_start3A_2245] : memref<327680x64xf32, #tpu.memory_space<hbm>> -> memref<128x64xf32, #tpu.memory_space<hbm>>
      %dma_start3A_2247 = arith.constant 0 : i32
      %dma_start3A_2248 = arith.constant 0 : i32
      %dma_start3A_2249 = tpu.memref_slice %arg11[%dma_start3A_2235, %dma_start3A_2247, %dma_start3A_2248] : memref<8x128x64xf32, #tpu.memory_space<vmem>> -> memref<1x128x64xf32, #tpu.memory_space<vmem>>
      %dma_start3A_2250 = tpu.memref_squeeze %dma_start3A_2249 : memref<1x128x64xf32, #tpu.memory_space<vmem>> -> memref<128x64xf32, #tpu.memory_space<vmem>>
      tpu.enqueue_dma source(%dma_start3A_2250 : memref<128x64xf32, #tpu.memory_space<vmem>>) target(%dma_start3A_2246 : memref<128x64xf32, #tpu.memory_space<hbm>>) target_semaphore(%dma_start3A_2244 : memref<!tpu.dma_semaphore, #tpu.memory_space<semaphore_mem>>)
      %dma_wait3A_2251 = arith.constant 2 : i32
      %dma_wait3A_2252 = arith.constant 2 : i32
      %dma_wait3A_2253 = arith.constant 0 : i32
      %dma_wait3A_2254 = arith.constant 0 : i32
      %dma_wait3A_2255 = tpu.memref_slice %arg11[%dma_wait3A_2251, %dma_wait3A_2253, %dma_wait3A_2254] : memref<8x128x64xf32, #tpu.memory_space<vmem>> -> memref<1x128x64xf32, #tpu.memory_space<vmem>>
      %dma_wait3A_2256 = tpu.memref_squeeze %dma_wait3A_2255 : memref<1x128x64xf32, #tpu.memory_space<vmem>> -> memref<128x64xf32, #tpu.memory_space<vmem>>
      %dma_wait3A_2257 = arith.constant 0 : i32
      %dma_wait3A_2258 = arith.constant 0 : i32
      %dma_wait3A_2259 = tpu.memref_slice %arg9[%dma_wait3A_2257, %dma_wait3A_2258] : memref<327680x64xf32, #tpu.memory_space<hbm>> -> memref<128x64xf32, #tpu.memory_space<hbm>>
      %dma_wait3A_2260 = tpu.memref_slice %arg13[%dma_wait3A_2252] : memref<8x!tpu.dma_semaphore, #tpu.memory_space<semaphore_mem>> -> memref<1x!tpu.dma_semaphore, #tpu.memory_space<semaphore_mem>>
      %dma_wait3A_2261 = tpu.memref_squeeze %dma_wait3A_2260 : memref<1x!tpu.dma_semaphore, #tpu.memory_space<semaphore_mem>> -> memref<!tpu.dma_semaphore, #tpu.memory_space<semaphore_mem>>
      %dma_wait3A_2262 = arith.constant 0 : i32
      %dma_wait3A_2263 = arith.constant 0 : i32
      %dma_wait3A_2264 = tpu.memref_slice %arg9[%dma_wait3A_2262, %dma_wait3A_2263] : memref<327680x64xf32, #tpu.memory_space<hbm>> -> memref<128x64xf32, #tpu.memory_space<hbm>>
      %dma_wait3A_2265 = arith.constant 0 : i32
      %dma_wait3A_2266 = arith.constant 0 : i32
      %dma_wait3A_2267 = tpu.memref_slice %arg11[%dma_wait3A_2251, %dma_wait3A_2265, %dma_wait3A_2266] : memref<8x128x64xf32, #tpu.memory_space<vmem>> -> memref<1x128x64xf32, #tpu.memory_space<vmem>>
      %dma_wait3A_2268 = tpu.memref_squeeze %dma_wait3A_2267 : memref<1x128x64xf32, #tpu.memory_space<vmem>> -> memref<128x64xf32, #tpu.memory_space<vmem>>
      tpu.wait_dma2 semaphore(%dma_wait3A_2261 : memref<!tpu.dma_semaphore, #tpu.memory_space<semaphore_mem>>) src(%dma_wait3A_2268 : memref<128x64xf32, #tpu.memory_space<vmem>>) dst(%dma_wait3A_2264 : memref<128x64xf32, #tpu.memory_space<hbm>>)
      %dma_start3A_2269 = arith.constant 2 : i32
      %dma_start3A_2270 = arith.constant 2 : i32
      %dma_start3A_2271 = arith.constant 0 : i32
      %dma_start3A_2272 = arith.constant 0 : i32
      %dma_start3A_2273 = tpu.memref_slice %arg11[%dma_start3A_2269, %dma_start3A_2271, %dma_start3A_2272] : memref<8x128x64xf32, #tpu.memory_space<vmem>> -> memref<1x128x64xf32, #tpu.memory_space<vmem>>
      %dma_start3A_2274 = tpu.memref_squeeze %dma_start3A_2273 : memref<1x128x64xf32, #tpu.memory_space<vmem>> -> memref<128x64xf32, #tpu.memory_space<vmem>>
      %dma_start3A_2275 = arith.constant 0 : i32
      %dma_start3A_2276 = tpu.memref_slice %arg10[%add3A_2209, %dma_start3A_2275] : memref<88x128xi32, #tpu.memory_space<vmem>> -> memref<1x128xi32, #tpu.memory_space<vmem>>
      %dma_start3A_2277 = tpu.memref_squeeze %dma_start3A_2276 : memref<1x128xi32, #tpu.memory_space<vmem>> -> memref<128xi32, #tpu.memory_space<vmem>>
      %dma_start3A_2278 = arith.constant 0 : i32
      %dma_start3A_2279 = arith.constant 0 : i32
      %dma_start3A_2280 = tpu.memref_slice %arg6[%dma_start3A_2278, %dma_start3A_2279] : memref<1000000x64xf32, #tpu.memory_space<hbm>> -> memref<1000000x64xf32, #tpu.memory_space<hbm>>
      %dma_start3A_2281 = tpu.memref_slice %arg12[%dma_start3A_2270] : memref<8x!tpu.dma_semaphore, #tpu.memory_space<semaphore_mem>> -> memref<1x!tpu.dma_semaphore, #tpu.memory_space<semaphore_mem>>
      %dma_start3A_2282 = tpu.memref_squeeze %dma_start3A_2281 : memref<1x!tpu.dma_semaphore, #tpu.memory_space<semaphore_mem>> -> memref<!tpu.dma_semaphore, #tpu.memory_space<semaphore_mem>>
      tpu.enqueue_indirect_dma source(%dma_start3A_2280 : memref<1000000x64xf32, #tpu.memory_space<hbm>>) target(%dma_start3A_2274 : memref<128x64xf32, #tpu.memory_space<vmem>>) offsets(%dma_start3A_2277 : memref<128xi32, #tpu.memory_space<vmem>>) semaphore(%dma_start3A_2282 : memref<!tpu.dma_semaphore, #tpu.memory_space<semaphore_mem>>)
      %mul3A_2283 = arith.constant 8 : i32
      %mul3A_2284 = arith.muli %scan3A_1729, %mul3A_2283 : i32
      %add3A_2285 = arith.constant 12 : i32
      %add3A_2286 = arith.addi %add3A_2285, %mul3A_2284 : i32
      %add3A_2287 = arith.constant 7 : i32
      %add3A_2288 = arith.addi %add3A_2286, %add3A_2287 : i32
      %sub3A_2289 = arith.constant 4 : i32
      %sub3A_2290 = arith.subi %add3A_2288, %sub3A_2289 : i32
      %dma_wait3A_2291 = arith.constant 7 : i32
      %dma_wait3A_2292 = arith.constant 7 : i32
      %dma_wait3A_2293 = arith.constant 0 : i32
      %dma_wait3A_2294 = arith.constant 0 : i32
      %dma_wait3A_2295 = tpu.memref_slice %arg11[%dma_wait3A_2291, %dma_wait3A_2293, %dma_wait3A_2294] : memref<8x128x64xf32, #tpu.memory_space<vmem>> -> memref<1x128x64xf32, #tpu.memory_space<vmem>>
      %dma_wait3A_2296 = tpu.memref_squeeze %dma_wait3A_2295 : memref<1x128x64xf32, #tpu.memory_space<vmem>> -> memref<128x64xf32, #tpu.memory_space<vmem>>
      %dma_wait3A_2297 = arith.constant 0 : i32
      %dma_wait3A_2298 = tpu.memref_slice %arg10[%sub3A_2290, %dma_wait3A_2297] : memref<88x128xi32, #tpu.memory_space<vmem>> -> memref<1x128xi32, #tpu.memory_space<vmem>>
      %dma_wait3A_2299 = tpu.memref_squeeze %dma_wait3A_2298 : memref<1x128xi32, #tpu.memory_space<vmem>> -> memref<128xi32, #tpu.memory_space<vmem>>
      %dma_wait3A_2300 = arith.constant 0 : i32
      %dma_wait3A_2301 = arith.constant 0 : i32
      %dma_wait3A_2302 = tpu.memref_slice %arg6[%dma_wait3A_2300, %dma_wait3A_2301] : memref<1000000x64xf32, #tpu.memory_space<hbm>> -> memref<1000000x64xf32, #tpu.memory_space<hbm>>
      %dma_wait3A_2303 = tpu.memref_slice %arg12[%dma_wait3A_2292] : memref<8x!tpu.dma_semaphore, #tpu.memory_space<semaphore_mem>> -> memref<1x!tpu.dma_semaphore, #tpu.memory_space<semaphore_mem>>
      %dma_wait3A_2304 = tpu.memref_squeeze %dma_wait3A_2303 : memref<1x!tpu.dma_semaphore, #tpu.memory_space<semaphore_mem>> -> memref<!tpu.dma_semaphore, #tpu.memory_space<semaphore_mem>>
      tpu.wait_indirect_dma semaphore(%dma_wait3A_2304 : memref<!tpu.dma_semaphore, #tpu.memory_space<semaphore_mem>>) src(%dma_wait3A_2302 : memref<1000000x64xf32, #tpu.memory_space<hbm>>) dst(%dma_wait3A_2296 : memref<128x64xf32, #tpu.memory_space<vmem>>)
      %mul3A_2305 = arith.constant 80 : i32
      %mul3A_2306 = arith.muli %add3A, %mul3A_2305 : i32
      %mul3A_2307 = arith.constant 8 : i32
      %mul3A_2308 = arith.muli %scan3A_1729, %mul3A_2307 : i32
      %add3A_2309 = arith.addi %mul3A_2306, %mul3A_2308 : i32
      %add3A_2310 = arith.constant 7 : i32
      %add3A_2311 = arith.addi %add3A_2309, %add3A_2310 : i32
      %mul3A_2312 = arith.constant 128 : i32
      %mul3A_2313 = arith.muli %add3A_2311, %mul3A_2312 : i32
      %dma_start3A_2314 = arith.constant 7 : i32
      %dma_start3A_2315 = arith.constant 7 : i32
      %dma_start3A_2316 = arith.constant 0 : i32
      %dma_start3A_2317 = arith.constant 0 : i32
      %dma_start3A_2318 = tpu.memref_slice %arg11[%dma_start3A_2314, %dma_start3A_2316, %dma_start3A_2317] : memref<8x128x64xf32, #tpu.memory_space<vmem>> -> memref<1x128x64xf32, #tpu.memory_space<vmem>>
      %dma_start3A_2319 = tpu.memref_squeeze %dma_start3A_2318 : memref<1x128x64xf32, #tpu.memory_space<vmem>> -> memref<128x64xf32, #tpu.memory_space<vmem>>
      %dma_start3A_2320 = arith.constant 0 : i32
      %dma_start3A_2321 = tpu.memref_slice %arg9[%mul3A_2313, %dma_start3A_2320] : memref<327680x64xf32, #tpu.memory_space<hbm>> -> memref<128x64xf32, #tpu.memory_space<hbm>>
      %dma_start3A_2322 = tpu.memref_slice %arg13[%dma_start3A_2315] : memref<8x!tpu.dma_semaphore, #tpu.memory_space<semaphore_mem>> -> memref<1x!tpu.dma_semaphore, #tpu.memory_space<semaphore_mem>>
      %dma_start3A_2323 = tpu.memref_squeeze %dma_start3A_2322 : memref<1x!tpu.dma_semaphore, #tpu.memory_space<semaphore_mem>> -> memref<!tpu.dma_semaphore, #tpu.memory_space<semaphore_mem>>
      %dma_start3A_2324 = arith.constant 0 : i32
      %dma_start3A_2325 = tpu.memref_slice %arg9[%mul3A_2313, %dma_start3A_2324] : memref<327680x64xf32, #tpu.memory_space<hbm>> -> memref<128x64xf32, #tpu.memory_space<hbm>>
      %dma_start3A_2326 = arith.constant 0 : i32
      %dma_start3A_2327 = arith.constant 0 : i32
      %dma_start3A_2328 = tpu.memref_slice %arg11[%dma_start3A_2314, %dma_start3A_2326, %dma_start3A_2327] : memref<8x128x64xf32, #tpu.memory_space<vmem>> -> memref<1x128x64xf32, #tpu.memory_space<vmem>>
      %dma_start3A_2329 = tpu.memref_squeeze %dma_start3A_2328 : memref<1x128x64xf32, #tpu.memory_space<vmem>> -> memref<128x64xf32, #tpu.memory_space<vmem>>
      tpu.enqueue_dma source(%dma_start3A_2329 : memref<128x64xf32, #tpu.memory_space<vmem>>) target(%dma_start3A_2325 : memref<128x64xf32, #tpu.memory_space<hbm>>) target_semaphore(%dma_start3A_2323 : memref<!tpu.dma_semaphore, #tpu.memory_space<semaphore_mem>>)
      %dma_wait3A_2330 = arith.constant 3 : i32
      %dma_wait3A_2331 = arith.constant 3 : i32
      %dma_wait3A_2332 = arith.constant 0 : i32
      %dma_wait3A_2333 = arith.constant 0 : i32
      %dma_wait3A_2334 = tpu.memref_slice %arg11[%dma_wait3A_2330, %dma_wait3A_2332, %dma_wait3A_2333] : memref<8x128x64xf32, #tpu.memory_space<vmem>> -> memref<1x128x64xf32, #tpu.memory_space<vmem>>
      %dma_wait3A_2335 = tpu.memref_squeeze %dma_wait3A_2334 : memref<1x128x64xf32, #tpu.memory_space<vmem>> -> memref<128x64xf32, #tpu.memory_space<vmem>>
      %dma_wait3A_2336 = arith.constant 0 : i32
      %dma_wait3A_2337 = arith.constant 0 : i32
      %dma_wait3A_2338 = tpu.memref_slice %arg9[%dma_wait3A_2336, %dma_wait3A_2337] : memref<327680x64xf32, #tpu.memory_space<hbm>> -> memref<128x64xf32, #tpu.memory_space<hbm>>
      %dma_wait3A_2339 = tpu.memref_slice %arg13[%dma_wait3A_2331] : memref<8x!tpu.dma_semaphore, #tpu.memory_space<semaphore_mem>> -> memref<1x!tpu.dma_semaphore, #tpu.memory_space<semaphore_mem>>
      %dma_wait3A_2340 = tpu.memref_squeeze %dma_wait3A_2339 : memref<1x!tpu.dma_semaphore, #tpu.memory_space<semaphore_mem>> -> memref<!tpu.dma_semaphore, #tpu.memory_space<semaphore_mem>>
      %dma_wait3A_2341 = arith.constant 0 : i32
      %dma_wait3A_2342 = arith.constant 0 : i32
      %dma_wait3A_2343 = tpu.memref_slice %arg9[%dma_wait3A_2341, %dma_wait3A_2342] : memref<327680x64xf32, #tpu.memory_space<hbm>> -> memref<128x64xf32, #tpu.memory_space<hbm>>
      %dma_wait3A_2344 = arith.constant 0 : i32
      %dma_wait3A_2345 = arith.constant 0 : i32
      %dma_wait3A_2346 = tpu.memref_slice %arg11[%dma_wait3A_2330, %dma_wait3A_2344, %dma_wait3A_2345] : memref<8x128x64xf32, #tpu.memory_space<vmem>> -> memref<1x128x64xf32, #tpu.memory_space<vmem>>
      %dma_wait3A_2347 = tpu.memref_squeeze %dma_wait3A_2346 : memref<1x128x64xf32, #tpu.memory_space<vmem>> -> memref<128x64xf32, #tpu.memory_space<vmem>>
      tpu.wait_dma2 semaphore(%dma_wait3A_2340 : memref<!tpu.dma_semaphore, #tpu.memory_space<semaphore_mem>>) src(%dma_wait3A_2347 : memref<128x64xf32, #tpu.memory_space<vmem>>) dst(%dma_wait3A_2343 : memref<128x64xf32, #tpu.memory_space<hbm>>)
      %dma_start3A_2348 = arith.constant 3 : i32
      %dma_start3A_2349 = arith.constant 3 : i32
      %dma_start3A_2350 = arith.constant 0 : i32
      %dma_start3A_2351 = arith.constant 0 : i32
      %dma_start3A_2352 = tpu.memref_slice %arg11[%dma_start3A_2348, %dma_start3A_2350, %dma_start3A_2351] : memref<8x128x64xf32, #tpu.memory_space<vmem>> -> memref<1x128x64xf32, #tpu.memory_space<vmem>>
      %dma_start3A_2353 = tpu.memref_squeeze %dma_start3A_2352 : memref<1x128x64xf32, #tpu.memory_space<vmem>> -> memref<128x64xf32, #tpu.memory_space<vmem>>
      %dma_start3A_2354 = arith.constant 0 : i32
      %dma_start3A_2355 = tpu.memref_slice %arg10[%add3A_2288, %dma_start3A_2354] : memref<88x128xi32, #tpu.memory_space<vmem>> -> memref<1x128xi32, #tpu.memory_space<vmem>>
      %dma_start3A_2356 = tpu.memref_squeeze %dma_start3A_2355 : memref<1x128xi32, #tpu.memory_space<vmem>> -> memref<128xi32, #tpu.memory_space<vmem>>
      %dma_start3A_2357 = arith.constant 0 : i32
      %dma_start3A_2358 = arith.constant 0 : i32
      %dma_start3A_2359 = tpu.memref_slice %arg6[%dma_start3A_2357, %dma_start3A_2358] : memref<1000000x64xf32, #tpu.memory_space<hbm>> -> memref<1000000x64xf32, #tpu.memory_space<hbm>>
      %dma_start3A_2360 = tpu.memref_slice %arg12[%dma_start3A_2349] : memref<8x!tpu.dma_semaphore, #tpu.memory_space<semaphore_mem>> -> memref<1x!tpu.dma_semaphore, #tpu.memory_space<semaphore_mem>>
      %dma_start3A_2361 = tpu.memref_squeeze %dma_start3A_2360 : memref<1x!tpu.dma_semaphore, #tpu.memory_space<semaphore_mem>> -> memref<!tpu.dma_semaphore, #tpu.memory_space<semaphore_mem>>
      tpu.enqueue_indirect_dma source(%dma_start3A_2359 : memref<1000000x64xf32, #tpu.memory_space<hbm>>) target(%dma_start3A_2353 : memref<128x64xf32, #tpu.memory_space<vmem>>) offsets(%dma_start3A_2356 : memref<128xi32, #tpu.memory_space<vmem>>) semaphore(%dma_start3A_2361 : memref<!tpu.dma_semaphore, #tpu.memory_space<semaphore_mem>>)
    }
    %scan3A_564 = arith.constant 8 : i32
    %dma_wait3A_565 = arith.constant 72 : i32
    %dma_wait3A_566 = arith.constant 0 : i32
    %dma_wait3A_567 = arith.constant 0 : i32
    %dma_wait3A_568 = arith.constant 0 : i32
    %dma_wait3A_569 = arith.constant 0 : i32
    %dma_wait3A_570 = tpu.memref_slice %arg11[%dma_wait3A_566, %dma_wait3A_568, %dma_wait3A_569] : memref<8x128x64xf32, #tpu.memory_space<vmem>> -> memref<1x128x64xf32, #tpu.memory_space<vmem>>
    %dma_wait3A_571 = tpu.memref_squeeze %dma_wait3A_570 : memref<1x128x64xf32, #tpu.memory_space<vmem>> -> memref<128x64xf32, #tpu.memory_space<vmem>>
    %dma_wait3A_572 = arith.constant 0 : i32
    %dma_wait3A_573 = tpu.memref_slice %arg10[%dma_wait3A_565, %dma_wait3A_572] : memref<88x128xi32, #tpu.memory_space<vmem>> -> memref<1x128xi32, #tpu.memory_space<vmem>>
    %dma_wait3A_574 = tpu.memref_squeeze %dma_wait3A_573 : memref<1x128xi32, #tpu.memory_space<vmem>> -> memref<128xi32, #tpu.memory_space<vmem>>
    %dma_wait3A_575 = arith.constant 0 : i32
    %dma_wait3A_576 = arith.constant 0 : i32
    %dma_wait3A_577 = tpu.memref_slice %arg6[%dma_wait3A_575, %dma_wait3A_576] : memref<1000000x64xf32, #tpu.memory_space<hbm>> -> memref<1000000x64xf32, #tpu.memory_space<hbm>>
    %dma_wait3A_578 = tpu.memref_slice %arg12[%dma_wait3A_567] : memref<8x!tpu.dma_semaphore, #tpu.memory_space<semaphore_mem>> -> memref<1x!tpu.dma_semaphore, #tpu.memory_space<semaphore_mem>>
    %dma_wait3A_579 = tpu.memref_squeeze %dma_wait3A_578 : memref<1x!tpu.dma_semaphore, #tpu.memory_space<semaphore_mem>> -> memref<!tpu.dma_semaphore, #tpu.memory_space<semaphore_mem>>
    tpu.wait_indirect_dma semaphore(%dma_wait3A_579 : memref<!tpu.dma_semaphore, #tpu.memory_space<semaphore_mem>>) src(%dma_wait3A_577 : memref<1000000x64xf32, #tpu.memory_space<hbm>>) dst(%dma_wait3A_571 : memref<128x64xf32, #tpu.memory_space<vmem>>)
    %mul3A_580 = arith.constant 80 : i32
    %mul3A_581 = arith.muli %add3A, %mul3A_580 : i32
    %add3A_582 = arith.constant 72 : i32
    %add3A_583 = arith.addi %mul3A_581, %add3A_582 : i32
    %sub3A_584 = arith.constant 8 : i32
    %sub3A_585 = arith.subi %add3A_583, %sub3A_584 : i32
    %mul3A_586 = arith.constant 128 : i32
    %mul3A_587 = arith.muli %sub3A_585, %mul3A_586 : i32
    %dma_start3A_588 = arith.constant 0 : i32
    %dma_start3A_589 = arith.constant 0 : i32
    %dma_start3A_590 = arith.constant 0 : i32
    %dma_start3A_591 = arith.constant 0 : i32
    %dma_start3A_592 = tpu.memref_slice %arg11[%dma_start3A_588, %dma_start3A_590, %dma_start3A_591] : memref<8x128x64xf32, #tpu.memory_space<vmem>> -> memref<1x128x64xf32, #tpu.memory_space<vmem>>
    %dma_start3A_593 = tpu.memref_squeeze %dma_start3A_592 : memref<1x128x64xf32, #tpu.memory_space<vmem>> -> memref<128x64xf32, #tpu.memory_space<vmem>>
    %dma_start3A_594 = arith.constant 0 : i32
    %dma_start3A_595 = tpu.memref_slice %arg9[%mul3A_587, %dma_start3A_594] : memref<327680x64xf32, #tpu.memory_space<hbm>> -> memref<128x64xf32, #tpu.memory_space<hbm>>
    %dma_start3A_596 = tpu.memref_slice %arg13[%dma_start3A_589] : memref<8x!tpu.dma_semaphore, #tpu.memory_space<semaphore_mem>> -> memref<1x!tpu.dma_semaphore, #tpu.memory_space<semaphore_mem>>
    %dma_start3A_597 = tpu.memref_squeeze %dma_start3A_596 : memref<1x!tpu.dma_semaphore, #tpu.memory_space<semaphore_mem>> -> memref<!tpu.dma_semaphore, #tpu.memory_space<semaphore_mem>>
    %dma_start3A_598 = arith.constant 0 : i32
    %dma_start3A_599 = tpu.memref_slice %arg9[%mul3A_587, %dma_start3A_598] : memref<327680x64xf32, #tpu.memory_space<hbm>> -> memref<128x64xf32, #tpu.memory_space<hbm>>
    %dma_start3A_600 = arith.constant 0 : i32
    %dma_start3A_601 = arith.constant 0 : i32
    %dma_start3A_602 = tpu.memref_slice %arg11[%dma_start3A_588, %dma_start3A_600, %dma_start3A_601] : memref<8x128x64xf32, #tpu.memory_space<vmem>> -> memref<1x128x64xf32, #tpu.memory_space<vmem>>
    %dma_start3A_603 = tpu.memref_squeeze %dma_start3A_602 : memref<1x128x64xf32, #tpu.memory_space<vmem>> -> memref<128x64xf32, #tpu.memory_space<vmem>>
    tpu.enqueue_dma source(%dma_start3A_603 : memref<128x64xf32, #tpu.memory_space<vmem>>) target(%dma_start3A_599 : memref<128x64xf32, #tpu.memory_space<hbm>>) target_semaphore(%dma_start3A_597 : memref<!tpu.dma_semaphore, #tpu.memory_space<semaphore_mem>>)
    %dma_wait3A_604 = arith.constant 4 : i32
    %dma_wait3A_605 = arith.constant 4 : i32
    %dma_wait3A_606 = arith.constant 0 : i32
    %dma_wait3A_607 = arith.constant 0 : i32
    %dma_wait3A_608 = tpu.memref_slice %arg11[%dma_wait3A_604, %dma_wait3A_606, %dma_wait3A_607] : memref<8x128x64xf32, #tpu.memory_space<vmem>> -> memref<1x128x64xf32, #tpu.memory_space<vmem>>
    %dma_wait3A_609 = tpu.memref_squeeze %dma_wait3A_608 : memref<1x128x64xf32, #tpu.memory_space<vmem>> -> memref<128x64xf32, #tpu.memory_space<vmem>>
    %dma_wait3A_610 = arith.constant 0 : i32
    %dma_wait3A_611 = arith.constant 0 : i32
    %dma_wait3A_612 = tpu.memref_slice %arg9[%dma_wait3A_610, %dma_wait3A_611] : memref<327680x64xf32, #tpu.memory_space<hbm>> -> memref<128x64xf32, #tpu.memory_space<hbm>>
    %dma_wait3A_613 = tpu.memref_slice %arg13[%dma_wait3A_605] : memref<8x!tpu.dma_semaphore, #tpu.memory_space<semaphore_mem>> -> memref<1x!tpu.dma_semaphore, #tpu.memory_space<semaphore_mem>>
    %dma_wait3A_614 = tpu.memref_squeeze %dma_wait3A_613 : memref<1x!tpu.dma_semaphore, #tpu.memory_space<semaphore_mem>> -> memref<!tpu.dma_semaphore, #tpu.memory_space<semaphore_mem>>
    %dma_wait3A_615 = arith.constant 0 : i32
    %dma_wait3A_616 = arith.constant 0 : i32
    %dma_wait3A_617 = tpu.memref_slice %arg9[%dma_wait3A_615, %dma_wait3A_616] : memref<327680x64xf32, #tpu.memory_space<hbm>> -> memref<128x64xf32, #tpu.memory_space<hbm>>
    %dma_wait3A_618 = arith.constant 0 : i32
    %dma_wait3A_619 = arith.constant 0 : i32
    %dma_wait3A_620 = tpu.memref_slice %arg11[%dma_wait3A_604, %dma_wait3A_618, %dma_wait3A_619] : memref<8x128x64xf32, #tpu.memory_space<vmem>> -> memref<1x128x64xf32, #tpu.memory_space<vmem>>
    %dma_wait3A_621 = tpu.memref_squeeze %dma_wait3A_620 : memref<1x128x64xf32, #tpu.memory_space<vmem>> -> memref<128x64xf32, #tpu.memory_space<vmem>>
    tpu.wait_dma2 semaphore(%dma_wait3A_614 : memref<!tpu.dma_semaphore, #tpu.memory_space<semaphore_mem>>) src(%dma_wait3A_621 : memref<128x64xf32, #tpu.memory_space<vmem>>) dst(%dma_wait3A_617 : memref<128x64xf32, #tpu.memory_space<hbm>>)
    %dma_start3A_622 = arith.constant 76 : i32
    %dma_start3A_623 = arith.constant 4 : i32
    %dma_start3A_624 = arith.constant 4 : i32
    %dma_start3A_625 = arith.constant 0 : i32
    %dma_start3A_626 = arith.constant 0 : i32
    %dma_start3A_627 = tpu.memref_slice %arg11[%dma_start3A_623, %dma_start3A_625, %dma_start3A_626] : memref<8x128x64xf32, #tpu.memory_space<vmem>> -> memref<1x128x64xf32, #tpu.memory_space<vmem>>
    %dma_start3A_628 = tpu.memref_squeeze %dma_start3A_627 : memref<1x128x64xf32, #tpu.memory_space<vmem>> -> memref<128x64xf32, #tpu.memory_space<vmem>>
    %dma_start3A_629 = arith.constant 0 : i32
    %dma_start3A_630 = tpu.memref_slice %arg10[%dma_start3A_622, %dma_start3A_629] : memref<88x128xi32, #tpu.memory_space<vmem>> -> memref<1x128xi32, #tpu.memory_space<vmem>>
    %dma_start3A_631 = tpu.memref_squeeze %dma_start3A_630 : memref<1x128xi32, #tpu.memory_space<vmem>> -> memref<128xi32, #tpu.memory_space<vmem>>
    %dma_start3A_632 = arith.constant 0 : i32
    %dma_start3A_633 = arith.constant 0 : i32
    %dma_start3A_634 = tpu.memref_slice %arg6[%dma_start3A_632, %dma_start3A_633] : memref<1000000x64xf32, #tpu.memory_space<hbm>> -> memref<1000000x64xf32, #tpu.memory_space<hbm>>
    %dma_start3A_635 = tpu.memref_slice %arg12[%dma_start3A_624] : memref<8x!tpu.dma_semaphore, #tpu.memory_space<semaphore_mem>> -> memref<1x!tpu.dma_semaphore, #tpu.memory_space<semaphore_mem>>
    %dma_start3A_636 = tpu.memref_squeeze %dma_start3A_635 : memref<1x!tpu.dma_semaphore, #tpu.memory_space<semaphore_mem>> -> memref<!tpu.dma_semaphore, #tpu.memory_space<semaphore_mem>>
    tpu.enqueue_indirect_dma source(%dma_start3A_634 : memref<1000000x64xf32, #tpu.memory_space<hbm>>) target(%dma_start3A_628 : memref<128x64xf32, #tpu.memory_space<vmem>>) offsets(%dma_start3A_631 : memref<128xi32, #tpu.memory_space<vmem>>) semaphore(%dma_start3A_636 : memref<!tpu.dma_semaphore, #tpu.memory_space<semaphore_mem>>)
    %dma_wait3A_637 = arith.constant 73 : i32
    %dma_wait3A_638 = arith.constant 1 : i32
    %dma_wait3A_639 = arith.constant 1 : i32
    %dma_wait3A_640 = arith.constant 0 : i32
    %dma_wait3A_641 = arith.constant 0 : i32
    %dma_wait3A_642 = tpu.memref_slice %arg11[%dma_wait3A_638, %dma_wait3A_640, %dma_wait3A_641] : memref<8x128x64xf32, #tpu.memory_space<vmem>> -> memref<1x128x64xf32, #tpu.memory_space<vmem>>
    %dma_wait3A_643 = tpu.memref_squeeze %dma_wait3A_642 : memref<1x128x64xf32, #tpu.memory_space<vmem>> -> memref<128x64xf32, #tpu.memory_space<vmem>>
    %dma_wait3A_644 = arith.constant 0 : i32
    %dma_wait3A_645 = tpu.memref_slice %arg10[%dma_wait3A_637, %dma_wait3A_644] : memref<88x128xi32, #tpu.memory_space<vmem>> -> memref<1x128xi32, #tpu.memory_space<vmem>>
    %dma_wait3A_646 = tpu.memref_squeeze %dma_wait3A_645 : memref<1x128xi32, #tpu.memory_space<vmem>> -> memref<128xi32, #tpu.memory_space<vmem>>
    %dma_wait3A_647 = arith.constant 0 : i32
    %dma_wait3A_648 = arith.constant 0 : i32
    %dma_wait3A_649 = tpu.memref_slice %arg6[%dma_wait3A_647, %dma_wait3A_648] : memref<1000000x64xf32, #tpu.memory_space<hbm>> -> memref<1000000x64xf32, #tpu.memory_space<hbm>>
    %dma_wait3A_650 = tpu.memref_slice %arg12[%dma_wait3A_639] : memref<8x!tpu.dma_semaphore, #tpu.memory_space<semaphore_mem>> -> memref<1x!tpu.dma_semaphore, #tpu.memory_space<semaphore_mem>>
    %dma_wait3A_651 = tpu.memref_squeeze %dma_wait3A_650 : memref<1x!tpu.dma_semaphore, #tpu.memory_space<semaphore_mem>> -> memref<!tpu.dma_semaphore, #tpu.memory_space<semaphore_mem>>
    tpu.wait_indirect_dma semaphore(%dma_wait3A_651 : memref<!tpu.dma_semaphore, #tpu.memory_space<semaphore_mem>>) src(%dma_wait3A_649 : memref<1000000x64xf32, #tpu.memory_space<hbm>>) dst(%dma_wait3A_643 : memref<128x64xf32, #tpu.memory_space<vmem>>)
    %mul3A_652 = arith.constant 80 : i32
    %mul3A_653 = arith.muli %add3A, %mul3A_652 : i32
    %add3A_654 = arith.constant 73 : i32
    %add3A_655 = arith.addi %mul3A_653, %add3A_654 : i32
    %sub3A_656 = arith.constant 8 : i32
    %sub3A_657 = arith.subi %add3A_655, %sub3A_656 : i32
    %mul3A_658 = arith.constant 128 : i32
    %mul3A_659 = arith.muli %sub3A_657, %mul3A_658 : i32
    %dma_start3A_660 = arith.constant 1 : i32
    %dma_start3A_661 = arith.constant 1 : i32
    %dma_start3A_662 = arith.constant 0 : i32
    %dma_start3A_663 = arith.constant 0 : i32
    %dma_start3A_664 = tpu.memref_slice %arg11[%dma_start3A_660, %dma_start3A_662, %dma_start3A_663] : memref<8x128x64xf32, #tpu.memory_space<vmem>> -> memref<1x128x64xf32, #tpu.memory_space<vmem>>
    %dma_start3A_665 = tpu.memref_squeeze %dma_start3A_664 : memref<1x128x64xf32, #tpu.memory_space<vmem>> -> memref<128x64xf32, #tpu.memory_space<vmem>>
    %dma_start3A_666 = arith.constant 0 : i32
    %dma_start3A_667 = tpu.memref_slice %arg9[%mul3A_659, %dma_start3A_666] : memref<327680x64xf32, #tpu.memory_space<hbm>> -> memref<128x64xf32, #tpu.memory_space<hbm>>
    %dma_start3A_668 = tpu.memref_slice %arg13[%dma_start3A_661] : memref<8x!tpu.dma_semaphore, #tpu.memory_space<semaphore_mem>> -> memref<1x!tpu.dma_semaphore, #tpu.memory_space<semaphore_mem>>
    %dma_start3A_669 = tpu.memref_squeeze %dma_start3A_668 : memref<1x!tpu.dma_semaphore, #tpu.memory_space<semaphore_mem>> -> memref<!tpu.dma_semaphore, #tpu.memory_space<semaphore_mem>>
    %dma_start3A_670 = arith.constant 0 : i32
    %dma_start3A_671 = tpu.memref_slice %arg9[%mul3A_659, %dma_start3A_670] : memref<327680x64xf32, #tpu.memory_space<hbm>> -> memref<128x64xf32, #tpu.memory_space<hbm>>
    %dma_start3A_672 = arith.constant 0 : i32
    %dma_start3A_673 = arith.constant 0 : i32
    %dma_start3A_674 = tpu.memref_slice %arg11[%dma_start3A_660, %dma_start3A_672, %dma_start3A_673] : memref<8x128x64xf32, #tpu.memory_space<vmem>> -> memref<1x128x64xf32, #tpu.memory_space<vmem>>
    %dma_start3A_675 = tpu.memref_squeeze %dma_start3A_674 : memref<1x128x64xf32, #tpu.memory_space<vmem>> -> memref<128x64xf32, #tpu.memory_space<vmem>>
    tpu.enqueue_dma source(%dma_start3A_675 : memref<128x64xf32, #tpu.memory_space<vmem>>) target(%dma_start3A_671 : memref<128x64xf32, #tpu.memory_space<hbm>>) target_semaphore(%dma_start3A_669 : memref<!tpu.dma_semaphore, #tpu.memory_space<semaphore_mem>>)
    %dma_wait3A_676 = arith.constant 5 : i32
    %dma_wait3A_677 = arith.constant 5 : i32
    %dma_wait3A_678 = arith.constant 0 : i32
    %dma_wait3A_679 = arith.constant 0 : i32
    %dma_wait3A_680 = tpu.memref_slice %arg11[%dma_wait3A_676, %dma_wait3A_678, %dma_wait3A_679] : memref<8x128x64xf32, #tpu.memory_space<vmem>> -> memref<1x128x64xf32, #tpu.memory_space<vmem>>
    %dma_wait3A_681 = tpu.memref_squeeze %dma_wait3A_680 : memref<1x128x64xf32, #tpu.memory_space<vmem>> -> memref<128x64xf32, #tpu.memory_space<vmem>>
    %dma_wait3A_682 = arith.constant 0 : i32
    %dma_wait3A_683 = arith.constant 0 : i32
    %dma_wait3A_684 = tpu.memref_slice %arg9[%dma_wait3A_682, %dma_wait3A_683] : memref<327680x64xf32, #tpu.memory_space<hbm>> -> memref<128x64xf32, #tpu.memory_space<hbm>>
    %dma_wait3A_685 = tpu.memref_slice %arg13[%dma_wait3A_677] : memref<8x!tpu.dma_semaphore, #tpu.memory_space<semaphore_mem>> -> memref<1x!tpu.dma_semaphore, #tpu.memory_space<semaphore_mem>>
    %dma_wait3A_686 = tpu.memref_squeeze %dma_wait3A_685 : memref<1x!tpu.dma_semaphore, #tpu.memory_space<semaphore_mem>> -> memref<!tpu.dma_semaphore, #tpu.memory_space<semaphore_mem>>
    %dma_wait3A_687 = arith.constant 0 : i32
    %dma_wait3A_688 = arith.constant 0 : i32
    %dma_wait3A_689 = tpu.memref_slice %arg9[%dma_wait3A_687, %dma_wait3A_688] : memref<327680x64xf32, #tpu.memory_space<hbm>> -> memref<128x64xf32, #tpu.memory_space<hbm>>
    %dma_wait3A_690 = arith.constant 0 : i32
    %dma_wait3A_691 = arith.constant 0 : i32
    %dma_wait3A_692 = tpu.memref_slice %arg11[%dma_wait3A_676, %dma_wait3A_690, %dma_wait3A_691] : memref<8x128x64xf32, #tpu.memory_space<vmem>> -> memref<1x128x64xf32, #tpu.memory_space<vmem>>
    %dma_wait3A_693 = tpu.memref_squeeze %dma_wait3A_692 : memref<1x128x64xf32, #tpu.memory_space<vmem>> -> memref<128x64xf32, #tpu.memory_space<vmem>>
    tpu.wait_dma2 semaphore(%dma_wait3A_686 : memref<!tpu.dma_semaphore, #tpu.memory_space<semaphore_mem>>) src(%dma_wait3A_693 : memref<128x64xf32, #tpu.memory_space<vmem>>) dst(%dma_wait3A_689 : memref<128x64xf32, #tpu.memory_space<hbm>>)
    %dma_start3A_694 = arith.constant 77 : i32
    %dma_start3A_695 = arith.constant 5 : i32
    %dma_start3A_696 = arith.constant 5 : i32
    %dma_start3A_697 = arith.constant 0 : i32
    %dma_start3A_698 = arith.constant 0 : i32
    %dma_start3A_699 = tpu.memref_slice %arg11[%dma_start3A_695, %dma_start3A_697, %dma_start3A_698] : memref<8x128x64xf32, #tpu.memory_space<vmem>> -> memref<1x128x64xf32, #tpu.memory_space<vmem>>
    %dma_start3A_700 = tpu.memref_squeeze %dma_start3A_699 : memref<1x128x64xf32, #tpu.memory_space<vmem>> -> memref<128x64xf32, #tpu.memory_space<vmem>>
    %dma_start3A_701 = arith.constant 0 : i32
    %dma_start3A_702 = tpu.memref_slice %arg10[%dma_start3A_694, %dma_start3A_701] : memref<88x128xi32, #tpu.memory_space<vmem>> -> memref<1x128xi32, #tpu.memory_space<vmem>>
    %dma_start3A_703 = tpu.memref_squeeze %dma_start3A_702 : memref<1x128xi32, #tpu.memory_space<vmem>> -> memref<128xi32, #tpu.memory_space<vmem>>
    %dma_start3A_704 = arith.constant 0 : i32
    %dma_start3A_705 = arith.constant 0 : i32
    %dma_start3A_706 = tpu.memref_slice %arg6[%dma_start3A_704, %dma_start3A_705] : memref<1000000x64xf32, #tpu.memory_space<hbm>> -> memref<1000000x64xf32, #tpu.memory_space<hbm>>
    %dma_start3A_707 = tpu.memref_slice %arg12[%dma_start3A_696] : memref<8x!tpu.dma_semaphore, #tpu.memory_space<semaphore_mem>> -> memref<1x!tpu.dma_semaphore, #tpu.memory_space<semaphore_mem>>
    %dma_start3A_708 = tpu.memref_squeeze %dma_start3A_707 : memref<1x!tpu.dma_semaphore, #tpu.memory_space<semaphore_mem>> -> memref<!tpu.dma_semaphore, #tpu.memory_space<semaphore_mem>>
    tpu.enqueue_indirect_dma source(%dma_start3A_706 : memref<1000000x64xf32, #tpu.memory_space<hbm>>) target(%dma_start3A_700 : memref<128x64xf32, #tpu.memory_space<vmem>>) offsets(%dma_start3A_703 : memref<128xi32, #tpu.memory_space<vmem>>) semaphore(%dma_start3A_708 : memref<!tpu.dma_semaphore, #tpu.memory_space<semaphore_mem>>)
    %dma_wait3A_709 = arith.constant 74 : i32
    %dma_wait3A_710 = arith.constant 2 : i32
    %dma_wait3A_711 = arith.constant 2 : i32
    %dma_wait3A_712 = arith.constant 0 : i32
    %dma_wait3A_713 = arith.constant 0 : i32
    %dma_wait3A_714 = tpu.memref_slice %arg11[%dma_wait3A_710, %dma_wait3A_712, %dma_wait3A_713] : memref<8x128x64xf32, #tpu.memory_space<vmem>> -> memref<1x128x64xf32, #tpu.memory_space<vmem>>
    %dma_wait3A_715 = tpu.memref_squeeze %dma_wait3A_714 : memref<1x128x64xf32, #tpu.memory_space<vmem>> -> memref<128x64xf32, #tpu.memory_space<vmem>>
    %dma_wait3A_716 = arith.constant 0 : i32
    %dma_wait3A_717 = tpu.memref_slice %arg10[%dma_wait3A_709, %dma_wait3A_716] : memref<88x128xi32, #tpu.memory_space<vmem>> -> memref<1x128xi32, #tpu.memory_space<vmem>>
    %dma_wait3A_718 = tpu.memref_squeeze %dma_wait3A_717 : memref<1x128xi32, #tpu.memory_space<vmem>> -> memref<128xi32, #tpu.memory_space<vmem>>
    %dma_wait3A_719 = arith.constant 0 : i32
    %dma_wait3A_720 = arith.constant 0 : i32
    %dma_wait3A_721 = tpu.memref_slice %arg6[%dma_wait3A_719, %dma_wait3A_720] : memref<1000000x64xf32, #tpu.memory_space<hbm>> -> memref<1000000x64xf32, #tpu.memory_space<hbm>>
    %dma_wait3A_722 = tpu.memref_slice %arg12[%dma_wait3A_711] : memref<8x!tpu.dma_semaphore, #tpu.memory_space<semaphore_mem>> -> memref<1x!tpu.dma_semaphore, #tpu.memory_space<semaphore_mem>>
    %dma_wait3A_723 = tpu.memref_squeeze %dma_wait3A_722 : memref<1x!tpu.dma_semaphore, #tpu.memory_space<semaphore_mem>> -> memref<!tpu.dma_semaphore, #tpu.memory_space<semaphore_mem>>
    tpu.wait_indirect_dma semaphore(%dma_wait3A_723 : memref<!tpu.dma_semaphore, #tpu.memory_space<semaphore_mem>>) src(%dma_wait3A_721 : memref<1000000x64xf32, #tpu.memory_space<hbm>>) dst(%dma_wait3A_715 : memref<128x64xf32, #tpu.memory_space<vmem>>)
    %mul3A_724 = arith.constant 80 : i32
    %mul3A_725 = arith.muli %add3A, %mul3A_724 : i32
    %add3A_726 = arith.constant 74 : i32
    %add3A_727 = arith.addi %mul3A_725, %add3A_726 : i32
    %sub3A_728 = arith.constant 8 : i32
    %sub3A_729 = arith.subi %add3A_727, %sub3A_728 : i32
    %mul3A_730 = arith.constant 128 : i32
    %mul3A_731 = arith.muli %sub3A_729, %mul3A_730 : i32
    %dma_start3A_732 = arith.constant 2 : i32
    %dma_start3A_733 = arith.constant 2 : i32
    %dma_start3A_734 = arith.constant 0 : i32
    %dma_start3A_735 = arith.constant 0 : i32
    %dma_start3A_736 = tpu.memref_slice %arg11[%dma_start3A_732, %dma_start3A_734, %dma_start3A_735] : memref<8x128x64xf32, #tpu.memory_space<vmem>> -> memref<1x128x64xf32, #tpu.memory_space<vmem>>
    %dma_start3A_737 = tpu.memref_squeeze %dma_start3A_736 : memref<1x128x64xf32, #tpu.memory_space<vmem>> -> memref<128x64xf32, #tpu.memory_space<vmem>>
    %dma_start3A_738 = arith.constant 0 : i32
    %dma_start3A_739 = tpu.memref_slice %arg9[%mul3A_731, %dma_start3A_738] : memref<327680x64xf32, #tpu.memory_space<hbm>> -> memref<128x64xf32, #tpu.memory_space<hbm>>
    %dma_start3A_740 = tpu.memref_slice %arg13[%dma_start3A_733] : memref<8x!tpu.dma_semaphore, #tpu.memory_space<semaphore_mem>> -> memref<1x!tpu.dma_semaphore, #tpu.memory_space<semaphore_mem>>
    %dma_start3A_741 = tpu.memref_squeeze %dma_start3A_740 : memref<1x!tpu.dma_semaphore, #tpu.memory_space<semaphore_mem>> -> memref<!tpu.dma_semaphore, #tpu.memory_space<semaphore_mem>>
    %dma_start3A_742 = arith.constant 0 : i32
    %dma_start3A_743 = tpu.memref_slice %arg9[%mul3A_731, %dma_start3A_742] : memref<327680x64xf32, #tpu.memory_space<hbm>> -> memref<128x64xf32, #tpu.memory_space<hbm>>
    %dma_start3A_744 = arith.constant 0 : i32
    %dma_start3A_745 = arith.constant 0 : i32
    %dma_start3A_746 = tpu.memref_slice %arg11[%dma_start3A_732, %dma_start3A_744, %dma_start3A_745] : memref<8x128x64xf32, #tpu.memory_space<vmem>> -> memref<1x128x64xf32, #tpu.memory_space<vmem>>
    %dma_start3A_747 = tpu.memref_squeeze %dma_start3A_746 : memref<1x128x64xf32, #tpu.memory_space<vmem>> -> memref<128x64xf32, #tpu.memory_space<vmem>>
    tpu.enqueue_dma source(%dma_start3A_747 : memref<128x64xf32, #tpu.memory_space<vmem>>) target(%dma_start3A_743 : memref<128x64xf32, #tpu.memory_space<hbm>>) target_semaphore(%dma_start3A_741 : memref<!tpu.dma_semaphore, #tpu.memory_space<semaphore_mem>>)
    %dma_wait3A_748 = arith.constant 6 : i32
    %dma_wait3A_749 = arith.constant 6 : i32
    %dma_wait3A_750 = arith.constant 0 : i32
    %dma_wait3A_751 = arith.constant 0 : i32
    %dma_wait3A_752 = tpu.memref_slice %arg11[%dma_wait3A_748, %dma_wait3A_750, %dma_wait3A_751] : memref<8x128x64xf32, #tpu.memory_space<vmem>> -> memref<1x128x64xf32, #tpu.memory_space<vmem>>
    %dma_wait3A_753 = tpu.memref_squeeze %dma_wait3A_752 : memref<1x128x64xf32, #tpu.memory_space<vmem>> -> memref<128x64xf32, #tpu.memory_space<vmem>>
    %dma_wait3A_754 = arith.constant 0 : i32
    %dma_wait3A_755 = arith.constant 0 : i32
    %dma_wait3A_756 = tpu.memref_slice %arg9[%dma_wait3A_754, %dma_wait3A_755] : memref<327680x64xf32, #tpu.memory_space<hbm>> -> memref<128x64xf32, #tpu.memory_space<hbm>>
    %dma_wait3A_757 = tpu.memref_slice %arg13[%dma_wait3A_749] : memref<8x!tpu.dma_semaphore, #tpu.memory_space<semaphore_mem>> -> memref<1x!tpu.dma_semaphore, #tpu.memory_space<semaphore_mem>>
    %dma_wait3A_758 = tpu.memref_squeeze %dma_wait3A_757 : memref<1x!tpu.dma_semaphore, #tpu.memory_space<semaphore_mem>> -> memref<!tpu.dma_semaphore, #tpu.memory_space<semaphore_mem>>
    %dma_wait3A_759 = arith.constant 0 : i32
    %dma_wait3A_760 = arith.constant 0 : i32
    %dma_wait3A_761 = tpu.memref_slice %arg9[%dma_wait3A_759, %dma_wait3A_760] : memref<327680x64xf32, #tpu.memory_space<hbm>> -> memref<128x64xf32, #tpu.memory_space<hbm>>
    %dma_wait3A_762 = arith.constant 0 : i32
    %dma_wait3A_763 = arith.constant 0 : i32
    %dma_wait3A_764 = tpu.memref_slice %arg11[%dma_wait3A_748, %dma_wait3A_762, %dma_wait3A_763] : memref<8x128x64xf32, #tpu.memory_space<vmem>> -> memref<1x128x64xf32, #tpu.memory_space<vmem>>
    %dma_wait3A_765 = tpu.memref_squeeze %dma_wait3A_764 : memref<1x128x64xf32, #tpu.memory_space<vmem>> -> memref<128x64xf32, #tpu.memory_space<vmem>>
    tpu.wait_dma2 semaphore(%dma_wait3A_758 : memref<!tpu.dma_semaphore, #tpu.memory_space<semaphore_mem>>) src(%dma_wait3A_765 : memref<128x64xf32, #tpu.memory_space<vmem>>) dst(%dma_wait3A_761 : memref<128x64xf32, #tpu.memory_space<hbm>>)
    %dma_start3A_766 = arith.constant 78 : i32
    %dma_start3A_767 = arith.constant 6 : i32
    %dma_start3A_768 = arith.constant 6 : i32
    %dma_start3A_769 = arith.constant 0 : i32
    %dma_start3A_770 = arith.constant 0 : i32
    %dma_start3A_771 = tpu.memref_slice %arg11[%dma_start3A_767, %dma_start3A_769, %dma_start3A_770] : memref<8x128x64xf32, #tpu.memory_space<vmem>> -> memref<1x128x64xf32, #tpu.memory_space<vmem>>
    %dma_start3A_772 = tpu.memref_squeeze %dma_start3A_771 : memref<1x128x64xf32, #tpu.memory_space<vmem>> -> memref<128x64xf32, #tpu.memory_space<vmem>>
    %dma_start3A_773 = arith.constant 0 : i32
    %dma_start3A_774 = tpu.memref_slice %arg10[%dma_start3A_766, %dma_start3A_773] : memref<88x128xi32, #tpu.memory_space<vmem>> -> memref<1x128xi32, #tpu.memory_space<vmem>>
    %dma_start3A_775 = tpu.memref_squeeze %dma_start3A_774 : memref<1x128xi32, #tpu.memory_space<vmem>> -> memref<128xi32, #tpu.memory_space<vmem>>
    %dma_start3A_776 = arith.constant 0 : i32
    %dma_start3A_777 = arith.constant 0 : i32
    %dma_start3A_778 = tpu.memref_slice %arg6[%dma_start3A_776, %dma_start3A_777] : memref<1000000x64xf32, #tpu.memory_space<hbm>> -> memref<1000000x64xf32, #tpu.memory_space<hbm>>
    %dma_start3A_779 = tpu.memref_slice %arg12[%dma_start3A_768] : memref<8x!tpu.dma_semaphore, #tpu.memory_space<semaphore_mem>> -> memref<1x!tpu.dma_semaphore, #tpu.memory_space<semaphore_mem>>
    %dma_start3A_780 = tpu.memref_squeeze %dma_start3A_779 : memref<1x!tpu.dma_semaphore, #tpu.memory_space<semaphore_mem>> -> memref<!tpu.dma_semaphore, #tpu.memory_space<semaphore_mem>>
    tpu.enqueue_indirect_dma source(%dma_start3A_778 : memref<1000000x64xf32, #tpu.memory_space<hbm>>) target(%dma_start3A_772 : memref<128x64xf32, #tpu.memory_space<vmem>>) offsets(%dma_start3A_775 : memref<128xi32, #tpu.memory_space<vmem>>) semaphore(%dma_start3A_780 : memref<!tpu.dma_semaphore, #tpu.memory_space<semaphore_mem>>)
    %dma_wait3A_781 = arith.constant 75 : i32
    %dma_wait3A_782 = arith.constant 3 : i32
    %dma_wait3A_783 = arith.constant 3 : i32
    %dma_wait3A_784 = arith.constant 0 : i32
    %dma_wait3A_785 = arith.constant 0 : i32
    %dma_wait3A_786 = tpu.memref_slice %arg11[%dma_wait3A_782, %dma_wait3A_784, %dma_wait3A_785] : memref<8x128x64xf32, #tpu.memory_space<vmem>> -> memref<1x128x64xf32, #tpu.memory_space<vmem>>
    %dma_wait3A_787 = tpu.memref_squeeze %dma_wait3A_786 : memref<1x128x64xf32, #tpu.memory_space<vmem>> -> memref<128x64xf32, #tpu.memory_space<vmem>>
    %dma_wait3A_788 = arith.constant 0 : i32
    %dma_wait3A_789 = tpu.memref_slice %arg10[%dma_wait3A_781, %dma_wait3A_788] : memref<88x128xi32, #tpu.memory_space<vmem>> -> memref<1x128xi32, #tpu.memory_space<vmem>>
    %dma_wait3A_790 = tpu.memref_squeeze %dma_wait3A_789 : memref<1x128xi32, #tpu.memory_space<vmem>> -> memref<128xi32, #tpu.memory_space<vmem>>
    %dma_wait3A_791 = arith.constant 0 : i32
    %dma_wait3A_792 = arith.constant 0 : i32
    %dma_wait3A_793 = tpu.memref_slice %arg6[%dma_wait3A_791, %dma_wait3A_792] : memref<1000000x64xf32, #tpu.memory_space<hbm>> -> memref<1000000x64xf32, #tpu.memory_space<hbm>>
    %dma_wait3A_794 = tpu.memref_slice %arg12[%dma_wait3A_783] : memref<8x!tpu.dma_semaphore, #tpu.memory_space<semaphore_mem>> -> memref<1x!tpu.dma_semaphore, #tpu.memory_space<semaphore_mem>>
    %dma_wait3A_795 = tpu.memref_squeeze %dma_wait3A_794 : memref<1x!tpu.dma_semaphore, #tpu.memory_space<semaphore_mem>> -> memref<!tpu.dma_semaphore, #tpu.memory_space<semaphore_mem>>
    tpu.wait_indirect_dma semaphore(%dma_wait3A_795 : memref<!tpu.dma_semaphore, #tpu.memory_space<semaphore_mem>>) src(%dma_wait3A_793 : memref<1000000x64xf32, #tpu.memory_space<hbm>>) dst(%dma_wait3A_787 : memref<128x64xf32, #tpu.memory_space<vmem>>)
    %mul3A_796 = arith.constant 80 : i32
    %mul3A_797 = arith.muli %add3A, %mul3A_796 : i32
    %add3A_798 = arith.constant 75 : i32
    %add3A_799 = arith.addi %mul3A_797, %add3A_798 : i32
    %sub3A_800 = arith.constant 8 : i32
    %sub3A_801 = arith.subi %add3A_799, %sub3A_800 : i32
    %mul3A_802 = arith.constant 128 : i32
    %mul3A_803 = arith.muli %sub3A_801, %mul3A_802 : i32
    %dma_start3A_804 = arith.constant 3 : i32
    %dma_start3A_805 = arith.constant 3 : i32
    %dma_start3A_806 = arith.constant 0 : i32
    %dma_start3A_807 = arith.constant 0 : i32
    %dma_start3A_808 = tpu.memref_slice %arg11[%dma_start3A_804, %dma_start3A_806, %dma_start3A_807] : memref<8x128x64xf32, #tpu.memory_space<vmem>> -> memref<1x128x64xf32, #tpu.memory_space<vmem>>
    %dma_start3A_809 = tpu.memref_squeeze %dma_start3A_808 : memref<1x128x64xf32, #tpu.memory_space<vmem>> -> memref<128x64xf32, #tpu.memory_space<vmem>>
    %dma_start3A_810 = arith.constant 0 : i32
    %dma_start3A_811 = tpu.memref_slice %arg9[%mul3A_803, %dma_start3A_810] : memref<327680x64xf32, #tpu.memory_space<hbm>> -> memref<128x64xf32, #tpu.memory_space<hbm>>
    %dma_start3A_812 = tpu.memref_slice %arg13[%dma_start3A_805] : memref<8x!tpu.dma_semaphore, #tpu.memory_space<semaphore_mem>> -> memref<1x!tpu.dma_semaphore, #tpu.memory_space<semaphore_mem>>
    %dma_start3A_813 = tpu.memref_squeeze %dma_start3A_812 : memref<1x!tpu.dma_semaphore, #tpu.memory_space<semaphore_mem>> -> memref<!tpu.dma_semaphore, #tpu.memory_space<semaphore_mem>>
    %dma_start3A_814 = arith.constant 0 : i32
    %dma_start3A_815 = tpu.memref_slice %arg9[%mul3A_803, %dma_start3A_814] : memref<327680x64xf32, #tpu.memory_space<hbm>> -> memref<128x64xf32, #tpu.memory_space<hbm>>
    %dma_start3A_816 = arith.constant 0 : i32
    %dma_start3A_817 = arith.constant 0 : i32
    %dma_start3A_818 = tpu.memref_slice %arg11[%dma_start3A_804, %dma_start3A_816, %dma_start3A_817] : memref<8x128x64xf32, #tpu.memory_space<vmem>> -> memref<1x128x64xf32, #tpu.memory_space<vmem>>
    %dma_start3A_819 = tpu.memref_squeeze %dma_start3A_818 : memref<1x128x64xf32, #tpu.memory_space<vmem>> -> memref<128x64xf32, #tpu.memory_space<vmem>>
    tpu.enqueue_dma source(%dma_start3A_819 : memref<128x64xf32, #tpu.memory_space<vmem>>) target(%dma_start3A_815 : memref<128x64xf32, #tpu.memory_space<hbm>>) target_semaphore(%dma_start3A_813 : memref<!tpu.dma_semaphore, #tpu.memory_space<semaphore_mem>>)
    %dma_wait3A_820 = arith.constant 7 : i32
    %dma_wait3A_821 = arith.constant 7 : i32
    %dma_wait3A_822 = arith.constant 0 : i32
    %dma_wait3A_823 = arith.constant 0 : i32
    %dma_wait3A_824 = tpu.memref_slice %arg11[%dma_wait3A_820, %dma_wait3A_822, %dma_wait3A_823] : memref<8x128x64xf32, #tpu.memory_space<vmem>> -> memref<1x128x64xf32, #tpu.memory_space<vmem>>
    %dma_wait3A_825 = tpu.memref_squeeze %dma_wait3A_824 : memref<1x128x64xf32, #tpu.memory_space<vmem>> -> memref<128x64xf32, #tpu.memory_space<vmem>>
    %dma_wait3A_826 = arith.constant 0 : i32
    %dma_wait3A_827 = arith.constant 0 : i32
    %dma_wait3A_828 = tpu.memref_slice %arg9[%dma_wait3A_826, %dma_wait3A_827] : memref<327680x64xf32, #tpu.memory_space<hbm>> -> memref<128x64xf32, #tpu.memory_space<hbm>>
    %dma_wait3A_829 = tpu.memref_slice %arg13[%dma_wait3A_821] : memref<8x!tpu.dma_semaphore, #tpu.memory_space<semaphore_mem>> -> memref<1x!tpu.dma_semaphore, #tpu.memory_space<semaphore_mem>>
    %dma_wait3A_830 = tpu.memref_squeeze %dma_wait3A_829 : memref<1x!tpu.dma_semaphore, #tpu.memory_space<semaphore_mem>> -> memref<!tpu.dma_semaphore, #tpu.memory_space<semaphore_mem>>
    %dma_wait3A_831 = arith.constant 0 : i32
    %dma_wait3A_832 = arith.constant 0 : i32
    %dma_wait3A_833 = tpu.memref_slice %arg9[%dma_wait3A_831, %dma_wait3A_832] : memref<327680x64xf32, #tpu.memory_space<hbm>> -> memref<128x64xf32, #tpu.memory_space<hbm>>
    %dma_wait3A_834 = arith.constant 0 : i32
    %dma_wait3A_835 = arith.constant 0 : i32
    %dma_wait3A_836 = tpu.memref_slice %arg11[%dma_wait3A_820, %dma_wait3A_834, %dma_wait3A_835] : memref<8x128x64xf32, #tpu.memory_space<vmem>> -> memref<1x128x64xf32, #tpu.memory_space<vmem>>
    %dma_wait3A_837 = tpu.memref_squeeze %dma_wait3A_836 : memref<1x128x64xf32, #tpu.memory_space<vmem>> -> memref<128x64xf32, #tpu.memory_space<vmem>>
    tpu.wait_dma2 semaphore(%dma_wait3A_830 : memref<!tpu.dma_semaphore, #tpu.memory_space<semaphore_mem>>) src(%dma_wait3A_837 : memref<128x64xf32, #tpu.memory_space<vmem>>) dst(%dma_wait3A_833 : memref<128x64xf32, #tpu.memory_space<hbm>>)
    %dma_start3A_838 = arith.constant 79 : i32
    %dma_start3A_839 = arith.constant 7 : i32
    %dma_start3A_840 = arith.constant 7 : i32
    %dma_start3A_841 = arith.constant 0 : i32
    %dma_start3A_842 = arith.constant 0 : i32
    %dma_start3A_843 = tpu.memref_slice %arg11[%dma_start3A_839, %dma_start3A_841, %dma_start3A_842] : memref<8x128x64xf32, #tpu.memory_space<vmem>> -> memref<1x128x64xf32, #tpu.memory_space<vmem>>
    %dma_start3A_844 = tpu.memref_squeeze %dma_start3A_843 : memref<1x128x64xf32, #tpu.memory_space<vmem>> -> memref<128x64xf32, #tpu.memory_space<vmem>>
    %dma_start3A_845 = arith.constant 0 : i32
    %dma_start3A_846 = tpu.memref_slice %arg10[%dma_start3A_838, %dma_start3A_845] : memref<88x128xi32, #tpu.memory_space<vmem>> -> memref<1x128xi32, #tpu.memory_space<vmem>>
    %dma_start3A_847 = tpu.memref_squeeze %dma_start3A_846 : memref<1x128xi32, #tpu.memory_space<vmem>> -> memref<128xi32, #tpu.memory_space<vmem>>
    %dma_start3A_848 = arith.constant 0 : i32
    %dma_start3A_849 = arith.constant 0 : i32
    %dma_start3A_850 = tpu.memref_slice %arg6[%dma_start3A_848, %dma_start3A_849] : memref<1000000x64xf32, #tpu.memory_space<hbm>> -> memref<1000000x64xf32, #tpu.memory_space<hbm>>
    %dma_start3A_851 = tpu.memref_slice %arg12[%dma_start3A_840] : memref<8x!tpu.dma_semaphore, #tpu.memory_space<semaphore_mem>> -> memref<1x!tpu.dma_semaphore, #tpu.memory_space<semaphore_mem>>
    %dma_start3A_852 = tpu.memref_squeeze %dma_start3A_851 : memref<1x!tpu.dma_semaphore, #tpu.memory_space<semaphore_mem>> -> memref<!tpu.dma_semaphore, #tpu.memory_space<semaphore_mem>>
    tpu.enqueue_indirect_dma source(%dma_start3A_850 : memref<1000000x64xf32, #tpu.memory_space<hbm>>) target(%dma_start3A_844 : memref<128x64xf32, #tpu.memory_space<vmem>>) offsets(%dma_start3A_847 : memref<128xi32, #tpu.memory_space<vmem>>) semaphore(%dma_start3A_852 : memref<!tpu.dma_semaphore, #tpu.memory_space<semaphore_mem>>)
    %dma_wait3A_853 = arith.constant 76 : i32
    %dma_wait3A_854 = arith.constant 4 : i32
    %dma_wait3A_855 = arith.constant 4 : i32
    %dma_wait3A_856 = arith.constant 0 : i32
    %dma_wait3A_857 = arith.constant 0 : i32
    %dma_wait3A_858 = tpu.memref_slice %arg11[%dma_wait3A_854, %dma_wait3A_856, %dma_wait3A_857] : memref<8x128x64xf32, #tpu.memory_space<vmem>> -> memref<1x128x64xf32, #tpu.memory_space<vmem>>
    %dma_wait3A_859 = tpu.memref_squeeze %dma_wait3A_858 : memref<1x128x64xf32, #tpu.memory_space<vmem>> -> memref<128x64xf32, #tpu.memory_space<vmem>>
    %dma_wait3A_860 = arith.constant 0 : i32
    %dma_wait3A_861 = tpu.memref_slice %arg10[%dma_wait3A_853, %dma_wait3A_860] : memref<88x128xi32, #tpu.memory_space<vmem>> -> memref<1x128xi32, #tpu.memory_space<vmem>>
    %dma_wait3A_862 = tpu.memref_squeeze %dma_wait3A_861 : memref<1x128xi32, #tpu.memory_space<vmem>> -> memref<128xi32, #tpu.memory_space<vmem>>
    %dma_wait3A_863 = arith.constant 0 : i32
    %dma_wait3A_864 = arith.constant 0 : i32
    %dma_wait3A_865 = tpu.memref_slice %arg6[%dma_wait3A_863, %dma_wait3A_864] : memref<1000000x64xf32, #tpu.memory_space<hbm>> -> memref<1000000x64xf32, #tpu.memory_space<hbm>>
    %dma_wait3A_866 = tpu.memref_slice %arg12[%dma_wait3A_855] : memref<8x!tpu.dma_semaphore, #tpu.memory_space<semaphore_mem>> -> memref<1x!tpu.dma_semaphore, #tpu.memory_space<semaphore_mem>>
    %dma_wait3A_867 = tpu.memref_squeeze %dma_wait3A_866 : memref<1x!tpu.dma_semaphore, #tpu.memory_space<semaphore_mem>> -> memref<!tpu.dma_semaphore, #tpu.memory_space<semaphore_mem>>
    tpu.wait_indirect_dma semaphore(%dma_wait3A_867 : memref<!tpu.dma_semaphore, #tpu.memory_space<semaphore_mem>>) src(%dma_wait3A_865 : memref<1000000x64xf32, #tpu.memory_space<hbm>>) dst(%dma_wait3A_859 : memref<128x64xf32, #tpu.memory_space<vmem>>)
    %mul3A_868 = arith.constant 80 : i32
    %mul3A_869 = arith.muli %add3A, %mul3A_868 : i32
    %add3A_870 = arith.constant 76 : i32
    %add3A_871 = arith.addi %mul3A_869, %add3A_870 : i32
    %sub3A_872 = arith.constant 8 : i32
    %sub3A_873 = arith.subi %add3A_871, %sub3A_872 : i32
    %mul3A_874 = arith.constant 128 : i32
    %mul3A_875 = arith.muli %sub3A_873, %mul3A_874 : i32
    %dma_start3A_876 = arith.constant 4 : i32
    %dma_start3A_877 = arith.constant 4 : i32
    %dma_start3A_878 = arith.constant 0 : i32
    %dma_start3A_879 = arith.constant 0 : i32
    %dma_start3A_880 = tpu.memref_slice %arg11[%dma_start3A_876, %dma_start3A_878, %dma_start3A_879] : memref<8x128x64xf32, #tpu.memory_space<vmem>> -> memref<1x128x64xf32, #tpu.memory_space<vmem>>
    %dma_start3A_881 = tpu.memref_squeeze %dma_start3A_880 : memref<1x128x64xf32, #tpu.memory_space<vmem>> -> memref<128x64xf32, #tpu.memory_space<vmem>>
    %dma_start3A_882 = arith.constant 0 : i32
    %dma_start3A_883 = tpu.memref_slice %arg9[%mul3A_875, %dma_start3A_882] : memref<327680x64xf32, #tpu.memory_space<hbm>> -> memref<128x64xf32, #tpu.memory_space<hbm>>
    %dma_start3A_884 = tpu.memref_slice %arg13[%dma_start3A_877] : memref<8x!tpu.dma_semaphore, #tpu.memory_space<semaphore_mem>> -> memref<1x!tpu.dma_semaphore, #tpu.memory_space<semaphore_mem>>
    %dma_start3A_885 = tpu.memref_squeeze %dma_start3A_884 : memref<1x!tpu.dma_semaphore, #tpu.memory_space<semaphore_mem>> -> memref<!tpu.dma_semaphore, #tpu.memory_space<semaphore_mem>>
    %dma_start3A_886 = arith.constant 0 : i32
    %dma_start3A_887 = tpu.memref_slice %arg9[%mul3A_875, %dma_start3A_886] : memref<327680x64xf32, #tpu.memory_space<hbm>> -> memref<128x64xf32, #tpu.memory_space<hbm>>
    %dma_start3A_888 = arith.constant 0 : i32
    %dma_start3A_889 = arith.constant 0 : i32
    %dma_start3A_890 = tpu.memref_slice %arg11[%dma_start3A_876, %dma_start3A_888, %dma_start3A_889] : memref<8x128x64xf32, #tpu.memory_space<vmem>> -> memref<1x128x64xf32, #tpu.memory_space<vmem>>
    %dma_start3A_891 = tpu.memref_squeeze %dma_start3A_890 : memref<1x128x64xf32, #tpu.memory_space<vmem>> -> memref<128x64xf32, #tpu.memory_space<vmem>>
    tpu.enqueue_dma source(%dma_start3A_891 : memref<128x64xf32, #tpu.memory_space<vmem>>) target(%dma_start3A_887 : memref<128x64xf32, #tpu.memory_space<hbm>>) target_semaphore(%dma_start3A_885 : memref<!tpu.dma_semaphore, #tpu.memory_space<semaphore_mem>>)
    %dma_wait3A_892 = arith.constant 0 : i32
    %dma_wait3A_893 = arith.constant 0 : i32
    %dma_wait3A_894 = arith.constant 0 : i32
    %dma_wait3A_895 = arith.constant 0 : i32
    %dma_wait3A_896 = tpu.memref_slice %arg11[%dma_wait3A_892, %dma_wait3A_894, %dma_wait3A_895] : memref<8x128x64xf32, #tpu.memory_space<vmem>> -> memref<1x128x64xf32, #tpu.memory_space<vmem>>
    %dma_wait3A_897 = tpu.memref_squeeze %dma_wait3A_896 : memref<1x128x64xf32, #tpu.memory_space<vmem>> -> memref<128x64xf32, #tpu.memory_space<vmem>>
    %dma_wait3A_898 = arith.constant 0 : i32
    %dma_wait3A_899 = arith.constant 0 : i32
    %dma_wait3A_900 = tpu.memref_slice %arg9[%dma_wait3A_898, %dma_wait3A_899] : memref<327680x64xf32, #tpu.memory_space<hbm>> -> memref<128x64xf32, #tpu.memory_space<hbm>>
    %dma_wait3A_901 = tpu.memref_slice %arg13[%dma_wait3A_893] : memref<8x!tpu.dma_semaphore, #tpu.memory_space<semaphore_mem>> -> memref<1x!tpu.dma_semaphore, #tpu.memory_space<semaphore_mem>>
    %dma_wait3A_902 = tpu.memref_squeeze %dma_wait3A_901 : memref<1x!tpu.dma_semaphore, #tpu.memory_space<semaphore_mem>> -> memref<!tpu.dma_semaphore, #tpu.memory_space<semaphore_mem>>
    %dma_wait3A_903 = arith.constant 0 : i32
    %dma_wait3A_904 = arith.constant 0 : i32
    %dma_wait3A_905 = tpu.memref_slice %arg9[%dma_wait3A_903, %dma_wait3A_904] : memref<327680x64xf32, #tpu.memory_space<hbm>> -> memref<128x64xf32, #tpu.memory_space<hbm>>
    %dma_wait3A_906 = arith.constant 0 : i32
    %dma_wait3A_907 = arith.constant 0 : i32
    %dma_wait3A_908 = tpu.memref_slice %arg11[%dma_wait3A_892, %dma_wait3A_906, %dma_wait3A_907] : memref<8x128x64xf32, #tpu.memory_space<vmem>> -> memref<1x128x64xf32, #tpu.memory_space<vmem>>
    %dma_wait3A_909 = tpu.memref_squeeze %dma_wait3A_908 : memref<1x128x64xf32, #tpu.memory_space<vmem>> -> memref<128x64xf32, #tpu.memory_space<vmem>>
    tpu.wait_dma2 semaphore(%dma_wait3A_902 : memref<!tpu.dma_semaphore, #tpu.memory_space<semaphore_mem>>) src(%dma_wait3A_909 : memref<128x64xf32, #tpu.memory_space<vmem>>) dst(%dma_wait3A_905 : memref<128x64xf32, #tpu.memory_space<hbm>>)
    %dma_start3A_910 = arith.constant 80 : i32
    %dma_start3A_911 = arith.constant 0 : i32
    %dma_start3A_912 = arith.constant 0 : i32
    %dma_start3A_913 = arith.constant 0 : i32
    %dma_start3A_914 = arith.constant 0 : i32
    %dma_start3A_915 = tpu.memref_slice %arg11[%dma_start3A_911, %dma_start3A_913, %dma_start3A_914] : memref<8x128x64xf32, #tpu.memory_space<vmem>> -> memref<1x128x64xf32, #tpu.memory_space<vmem>>
    %dma_start3A_916 = tpu.memref_squeeze %dma_start3A_915 : memref<1x128x64xf32, #tpu.memory_space<vmem>> -> memref<128x64xf32, #tpu.memory_space<vmem>>
    %dma_start3A_917 = arith.constant 0 : i32
    %dma_start3A_918 = tpu.memref_slice %arg10[%dma_start3A_910, %dma_start3A_917] : memref<88x128xi32, #tpu.memory_space<vmem>> -> memref<1x128xi32, #tpu.memory_space<vmem>>
    %dma_start3A_919 = tpu.memref_squeeze %dma_start3A_918 : memref<1x128xi32, #tpu.memory_space<vmem>> -> memref<128xi32, #tpu.memory_space<vmem>>
    %dma_start3A_920 = arith.constant 0 : i32
    %dma_start3A_921 = arith.constant 0 : i32
    %dma_start3A_922 = tpu.memref_slice %arg6[%dma_start3A_920, %dma_start3A_921] : memref<1000000x64xf32, #tpu.memory_space<hbm>> -> memref<1000000x64xf32, #tpu.memory_space<hbm>>
    %dma_start3A_923 = tpu.memref_slice %arg12[%dma_start3A_912] : memref<8x!tpu.dma_semaphore, #tpu.memory_space<semaphore_mem>> -> memref<1x!tpu.dma_semaphore, #tpu.memory_space<semaphore_mem>>
    %dma_start3A_924 = tpu.memref_squeeze %dma_start3A_923 : memref<1x!tpu.dma_semaphore, #tpu.memory_space<semaphore_mem>> -> memref<!tpu.dma_semaphore, #tpu.memory_space<semaphore_mem>>
    tpu.enqueue_indirect_dma source(%dma_start3A_922 : memref<1000000x64xf32, #tpu.memory_space<hbm>>) target(%dma_start3A_916 : memref<128x64xf32, #tpu.memory_space<vmem>>) offsets(%dma_start3A_919 : memref<128xi32, #tpu.memory_space<vmem>>) semaphore(%dma_start3A_924 : memref<!tpu.dma_semaphore, #tpu.memory_space<semaphore_mem>>)
    %dma_wait3A_925 = arith.constant 77 : i32
    %dma_wait3A_926 = arith.constant 5 : i32
    %dma_wait3A_927 = arith.constant 5 : i32
    %dma_wait3A_928 = arith.constant 0 : i32
    %dma_wait3A_929 = arith.constant 0 : i32
    %dma_wait3A_930 = tpu.memref_slice %arg11[%dma_wait3A_926, %dma_wait3A_928, %dma_wait3A_929] : memref<8x128x64xf32, #tpu.memory_space<vmem>> -> memref<1x128x64xf32, #tpu.memory_space<vmem>>
    %dma_wait3A_931 = tpu.memref_squeeze %dma_wait3A_930 : memref<1x128x64xf32, #tpu.memory_space<vmem>> -> memref<128x64xf32, #tpu.memory_space<vmem>>
    %dma_wait3A_932 = arith.constant 0 : i32
    %dma_wait3A_933 = tpu.memref_slice %arg10[%dma_wait3A_925, %dma_wait3A_932] : memref<88x128xi32, #tpu.memory_space<vmem>> -> memref<1x128xi32, #tpu.memory_space<vmem>>
    %dma_wait3A_934 = tpu.memref_squeeze %dma_wait3A_933 : memref<1x128xi32, #tpu.memory_space<vmem>> -> memref<128xi32, #tpu.memory_space<vmem>>
    %dma_wait3A_935 = arith.constant 0 : i32
    %dma_wait3A_936 = arith.constant 0 : i32
    %dma_wait3A_937 = tpu.memref_slice %arg6[%dma_wait3A_935, %dma_wait3A_936] : memref<1000000x64xf32, #tpu.memory_space<hbm>> -> memref<1000000x64xf32, #tpu.memory_space<hbm>>
    %dma_wait3A_938 = tpu.memref_slice %arg12[%dma_wait3A_927] : memref<8x!tpu.dma_semaphore, #tpu.memory_space<semaphore_mem>> -> memref<1x!tpu.dma_semaphore, #tpu.memory_space<semaphore_mem>>
    %dma_wait3A_939 = tpu.memref_squeeze %dma_wait3A_938 : memref<1x!tpu.dma_semaphore, #tpu.memory_space<semaphore_mem>> -> memref<!tpu.dma_semaphore, #tpu.memory_space<semaphore_mem>>
    tpu.wait_indirect_dma semaphore(%dma_wait3A_939 : memref<!tpu.dma_semaphore, #tpu.memory_space<semaphore_mem>>) src(%dma_wait3A_937 : memref<1000000x64xf32, #tpu.memory_space<hbm>>) dst(%dma_wait3A_931 : memref<128x64xf32, #tpu.memory_space<vmem>>)
    %mul3A_940 = arith.constant 80 : i32
    %mul3A_941 = arith.muli %add3A, %mul3A_940 : i32
    %add3A_942 = arith.constant 77 : i32
    %add3A_943 = arith.addi %mul3A_941, %add3A_942 : i32
    %sub3A_944 = arith.constant 8 : i32
    %sub3A_945 = arith.subi %add3A_943, %sub3A_944 : i32
    %mul3A_946 = arith.constant 128 : i32
    %mul3A_947 = arith.muli %sub3A_945, %mul3A_946 : i32
    %dma_start3A_948 = arith.constant 5 : i32
    %dma_start3A_949 = arith.constant 5 : i32
    %dma_start3A_950 = arith.constant 0 : i32
    %dma_start3A_951 = arith.constant 0 : i32
    %dma_start3A_952 = tpu.memref_slice %arg11[%dma_start3A_948, %dma_start3A_950, %dma_start3A_951] : memref<8x128x64xf32, #tpu.memory_space<vmem>> -> memref<1x128x64xf32, #tpu.memory_space<vmem>>
    %dma_start3A_953 = tpu.memref_squeeze %dma_start3A_952 : memref<1x128x64xf32, #tpu.memory_space<vmem>> -> memref<128x64xf32, #tpu.memory_space<vmem>>
    %dma_start3A_954 = arith.constant 0 : i32
    %dma_start3A_955 = tpu.memref_slice %arg9[%mul3A_947, %dma_start3A_954] : memref<327680x64xf32, #tpu.memory_space<hbm>> -> memref<128x64xf32, #tpu.memory_space<hbm>>
    %dma_start3A_956 = tpu.memref_slice %arg13[%dma_start3A_949] : memref<8x!tpu.dma_semaphore, #tpu.memory_space<semaphore_mem>> -> memref<1x!tpu.dma_semaphore, #tpu.memory_space<semaphore_mem>>
    %dma_start3A_957 = tpu.memref_squeeze %dma_start3A_956 : memref<1x!tpu.dma_semaphore, #tpu.memory_space<semaphore_mem>> -> memref<!tpu.dma_semaphore, #tpu.memory_space<semaphore_mem>>
    %dma_start3A_958 = arith.constant 0 : i32
    %dma_start3A_959 = tpu.memref_slice %arg9[%mul3A_947, %dma_start3A_958] : memref<327680x64xf32, #tpu.memory_space<hbm>> -> memref<128x64xf32, #tpu.memory_space<hbm>>
    %dma_start3A_960 = arith.constant 0 : i32
    %dma_start3A_961 = arith.constant 0 : i32
    %dma_start3A_962 = tpu.memref_slice %arg11[%dma_start3A_948, %dma_start3A_960, %dma_start3A_961] : memref<8x128x64xf32, #tpu.memory_space<vmem>> -> memref<1x128x64xf32, #tpu.memory_space<vmem>>
    %dma_start3A_963 = tpu.memref_squeeze %dma_start3A_962 : memref<1x128x64xf32, #tpu.memory_space<vmem>> -> memref<128x64xf32, #tpu.memory_space<vmem>>
    tpu.enqueue_dma source(%dma_start3A_963 : memref<128x64xf32, #tpu.memory_space<vmem>>) target(%dma_start3A_959 : memref<128x64xf32, #tpu.memory_space<hbm>>) target_semaphore(%dma_start3A_957 : memref<!tpu.dma_semaphore, #tpu.memory_space<semaphore_mem>>)
    %dma_wait3A_964 = arith.constant 1 : i32
    %dma_wait3A_965 = arith.constant 1 : i32
    %dma_wait3A_966 = arith.constant 0 : i32
    %dma_wait3A_967 = arith.constant 0 : i32
    %dma_wait3A_968 = tpu.memref_slice %arg11[%dma_wait3A_964, %dma_wait3A_966, %dma_wait3A_967] : memref<8x128x64xf32, #tpu.memory_space<vmem>> -> memref<1x128x64xf32, #tpu.memory_space<vmem>>
    %dma_wait3A_969 = tpu.memref_squeeze %dma_wait3A_968 : memref<1x128x64xf32, #tpu.memory_space<vmem>> -> memref<128x64xf32, #tpu.memory_space<vmem>>
    %dma_wait3A_970 = arith.constant 0 : i32
    %dma_wait3A_971 = arith.constant 0 : i32
    %dma_wait3A_972 = tpu.memref_slice %arg9[%dma_wait3A_970, %dma_wait3A_971] : memref<327680x64xf32, #tpu.memory_space<hbm>> -> memref<128x64xf32, #tpu.memory_space<hbm>>
    %dma_wait3A_973 = tpu.memref_slice %arg13[%dma_wait3A_965] : memref<8x!tpu.dma_semaphore, #tpu.memory_space<semaphore_mem>> -> memref<1x!tpu.dma_semaphore, #tpu.memory_space<semaphore_mem>>
    %dma_wait3A_974 = tpu.memref_squeeze %dma_wait3A_973 : memref<1x!tpu.dma_semaphore, #tpu.memory_space<semaphore_mem>> -> memref<!tpu.dma_semaphore, #tpu.memory_space<semaphore_mem>>
    %dma_wait3A_975 = arith.constant 0 : i32
    %dma_wait3A_976 = arith.constant 0 : i32
    %dma_wait3A_977 = tpu.memref_slice %arg9[%dma_wait3A_975, %dma_wait3A_976] : memref<327680x64xf32, #tpu.memory_space<hbm>> -> memref<128x64xf32, #tpu.memory_space<hbm>>
    %dma_wait3A_978 = arith.constant 0 : i32
    %dma_wait3A_979 = arith.constant 0 : i32
    %dma_wait3A_980 = tpu.memref_slice %arg11[%dma_wait3A_964, %dma_wait3A_978, %dma_wait3A_979] : memref<8x128x64xf32, #tpu.memory_space<vmem>> -> memref<1x128x64xf32, #tpu.memory_space<vmem>>
    %dma_wait3A_981 = tpu.memref_squeeze %dma_wait3A_980 : memref<1x128x64xf32, #tpu.memory_space<vmem>> -> memref<128x64xf32, #tpu.memory_space<vmem>>
    tpu.wait_dma2 semaphore(%dma_wait3A_974 : memref<!tpu.dma_semaphore, #tpu.memory_space<semaphore_mem>>) src(%dma_wait3A_981 : memref<128x64xf32, #tpu.memory_space<vmem>>) dst(%dma_wait3A_977 : memref<128x64xf32, #tpu.memory_space<hbm>>)
    %dma_start3A_982 = arith.constant 81 : i32
    %dma_start3A_983 = arith.constant 1 : i32
    %dma_start3A_984 = arith.constant 1 : i32
    %dma_start3A_985 = arith.constant 0 : i32
    %dma_start3A_986 = arith.constant 0 : i32
    %dma_start3A_987 = tpu.memref_slice %arg11[%dma_start3A_983, %dma_start3A_985, %dma_start3A_986] : memref<8x128x64xf32, #tpu.memory_space<vmem>> -> memref<1x128x64xf32, #tpu.memory_space<vmem>>
    %dma_start3A_988 = tpu.memref_squeeze %dma_start3A_987 : memref<1x128x64xf32, #tpu.memory_space<vmem>> -> memref<128x64xf32, #tpu.memory_space<vmem>>
    %dma_start3A_989 = arith.constant 0 : i32
    %dma_start3A_990 = tpu.memref_slice %arg10[%dma_start3A_982, %dma_start3A_989] : memref<88x128xi32, #tpu.memory_space<vmem>> -> memref<1x128xi32, #tpu.memory_space<vmem>>
    %dma_start3A_991 = tpu.memref_squeeze %dma_start3A_990 : memref<1x128xi32, #tpu.memory_space<vmem>> -> memref<128xi32, #tpu.memory_space<vmem>>
    %dma_start3A_992 = arith.constant 0 : i32
    %dma_start3A_993 = arith.constant 0 : i32
    %dma_start3A_994 = tpu.memref_slice %arg6[%dma_start3A_992, %dma_start3A_993] : memref<1000000x64xf32, #tpu.memory_space<hbm>> -> memref<1000000x64xf32, #tpu.memory_space<hbm>>
    %dma_start3A_995 = tpu.memref_slice %arg12[%dma_start3A_984] : memref<8x!tpu.dma_semaphore, #tpu.memory_space<semaphore_mem>> -> memref<1x!tpu.dma_semaphore, #tpu.memory_space<semaphore_mem>>
    %dma_start3A_996 = tpu.memref_squeeze %dma_start3A_995 : memref<1x!tpu.dma_semaphore, #tpu.memory_space<semaphore_mem>> -> memref<!tpu.dma_semaphore, #tpu.memory_space<semaphore_mem>>
    tpu.enqueue_indirect_dma source(%dma_start3A_994 : memref<1000000x64xf32, #tpu.memory_space<hbm>>) target(%dma_start3A_988 : memref<128x64xf32, #tpu.memory_space<vmem>>) offsets(%dma_start3A_991 : memref<128xi32, #tpu.memory_space<vmem>>) semaphore(%dma_start3A_996 : memref<!tpu.dma_semaphore, #tpu.memory_space<semaphore_mem>>)
    %dma_wait3A_997 = arith.constant 78 : i32
    %dma_wait3A_998 = arith.constant 6 : i32
    %dma_wait3A_999 = arith.constant 6 : i32
    %dma_wait3A_1000 = arith.constant 0 : i32
    %dma_wait3A_1001 = arith.constant 0 : i32
    %dma_wait3A_1002 = tpu.memref_slice %arg11[%dma_wait3A_998, %dma_wait3A_1000, %dma_wait3A_1001] : memref<8x128x64xf32, #tpu.memory_space<vmem>> -> memref<1x128x64xf32, #tpu.memory_space<vmem>>
    %dma_wait3A_1003 = tpu.memref_squeeze %dma_wait3A_1002 : memref<1x128x64xf32, #tpu.memory_space<vmem>> -> memref<128x64xf32, #tpu.memory_space<vmem>>
    %dma_wait3A_1004 = arith.constant 0 : i32
    %dma_wait3A_1005 = tpu.memref_slice %arg10[%dma_wait3A_997, %dma_wait3A_1004] : memref<88x128xi32, #tpu.memory_space<vmem>> -> memref<1x128xi32, #tpu.memory_space<vmem>>
    %dma_wait3A_1006 = tpu.memref_squeeze %dma_wait3A_1005 : memref<1x128xi32, #tpu.memory_space<vmem>> -> memref<128xi32, #tpu.memory_space<vmem>>
    %dma_wait3A_1007 = arith.constant 0 : i32
    %dma_wait3A_1008 = arith.constant 0 : i32
    %dma_wait3A_1009 = tpu.memref_slice %arg6[%dma_wait3A_1007, %dma_wait3A_1008] : memref<1000000x64xf32, #tpu.memory_space<hbm>> -> memref<1000000x64xf32, #tpu.memory_space<hbm>>
    %dma_wait3A_1010 = tpu.memref_slice %arg12[%dma_wait3A_999] : memref<8x!tpu.dma_semaphore, #tpu.memory_space<semaphore_mem>> -> memref<1x!tpu.dma_semaphore, #tpu.memory_space<semaphore_mem>>
    %dma_wait3A_1011 = tpu.memref_squeeze %dma_wait3A_1010 : memref<1x!tpu.dma_semaphore, #tpu.memory_space<semaphore_mem>> -> memref<!tpu.dma_semaphore, #tpu.memory_space<semaphore_mem>>
    tpu.wait_indirect_dma semaphore(%dma_wait3A_1011 : memref<!tpu.dma_semaphore, #tpu.memory_space<semaphore_mem>>) src(%dma_wait3A_1009 : memref<1000000x64xf32, #tpu.memory_space<hbm>>) dst(%dma_wait3A_1003 : memref<128x64xf32, #tpu.memory_space<vmem>>)
    %mul3A_1012 = arith.constant 80 : i32
    %mul3A_1013 = arith.muli %add3A, %mul3A_1012 : i32
    %add3A_1014 = arith.constant 78 : i32
    %add3A_1015 = arith.addi %mul3A_1013, %add3A_1014 : i32
    %sub3A_1016 = arith.constant 8 : i32
    %sub3A_1017 = arith.subi %add3A_1015, %sub3A_1016 : i32
    %mul3A_1018 = arith.constant 128 : i32
    %mul3A_1019 = arith.muli %sub3A_1017, %mul3A_1018 : i32
    %dma_start3A_1020 = arith.constant 6 : i32
    %dma_start3A_1021 = arith.constant 6 : i32
    %dma_start3A_1022 = arith.constant 0 : i32
    %dma_start3A_1023 = arith.constant 0 : i32
    %dma_start3A_1024 = tpu.memref_slice %arg11[%dma_start3A_1020, %dma_start3A_1022, %dma_start3A_1023] : memref<8x128x64xf32, #tpu.memory_space<vmem>> -> memref<1x128x64xf32, #tpu.memory_space<vmem>>
    %dma_start3A_1025 = tpu.memref_squeeze %dma_start3A_1024 : memref<1x128x64xf32, #tpu.memory_space<vmem>> -> memref<128x64xf32, #tpu.memory_space<vmem>>
    %dma_start3A_1026 = arith.constant 0 : i32
    %dma_start3A_1027 = tpu.memref_slice %arg9[%mul3A_1019, %dma_start3A_1026] : memref<327680x64xf32, #tpu.memory_space<hbm>> -> memref<128x64xf32, #tpu.memory_space<hbm>>
    %dma_start3A_1028 = tpu.memref_slice %arg13[%dma_start3A_1021] : memref<8x!tpu.dma_semaphore, #tpu.memory_space<semaphore_mem>> -> memref<1x!tpu.dma_semaphore, #tpu.memory_space<semaphore_mem>>
    %dma_start3A_1029 = tpu.memref_squeeze %dma_start3A_1028 : memref<1x!tpu.dma_semaphore, #tpu.memory_space<semaphore_mem>> -> memref<!tpu.dma_semaphore, #tpu.memory_space<semaphore_mem>>
    %dma_start3A_1030 = arith.constant 0 : i32
    %dma_start3A_1031 = tpu.memref_slice %arg9[%mul3A_1019, %dma_start3A_1030] : memref<327680x64xf32, #tpu.memory_space<hbm>> -> memref<128x64xf32, #tpu.memory_space<hbm>>
    %dma_start3A_1032 = arith.constant 0 : i32
    %dma_start3A_1033 = arith.constant 0 : i32
    %dma_start3A_1034 = tpu.memref_slice %arg11[%dma_start3A_1020, %dma_start3A_1032, %dma_start3A_1033] : memref<8x128x64xf32, #tpu.memory_space<vmem>> -> memref<1x128x64xf32, #tpu.memory_space<vmem>>
    %dma_start3A_1035 = tpu.memref_squeeze %dma_start3A_1034 : memref<1x128x64xf32, #tpu.memory_space<vmem>> -> memref<128x64xf32, #tpu.memory_space<vmem>>
    tpu.enqueue_dma source(%dma_start3A_1035 : memref<128x64xf32, #tpu.memory_space<vmem>>) target(%dma_start3A_1031 : memref<128x64xf32, #tpu.memory_space<hbm>>) target_semaphore(%dma_start3A_1029 : memref<!tpu.dma_semaphore, #tpu.memory_space<semaphore_mem>>)
    %dma_wait3A_1036 = arith.constant 2 : i32
    %dma_wait3A_1037 = arith.constant 2 : i32
    %dma_wait3A_1038 = arith.constant 0 : i32
    %dma_wait3A_1039 = arith.constant 0 : i32
    %dma_wait3A_1040 = tpu.memref_slice %arg11[%dma_wait3A_1036, %dma_wait3A_1038, %dma_wait3A_1039] : memref<8x128x64xf32, #tpu.memory_space<vmem>> -> memref<1x128x64xf32, #tpu.memory_space<vmem>>
    %dma_wait3A_1041 = tpu.memref_squeeze %dma_wait3A_1040 : memref<1x128x64xf32, #tpu.memory_space<vmem>> -> memref<128x64xf32, #tpu.memory_space<vmem>>
    %dma_wait3A_1042 = arith.constant 0 : i32
    %dma_wait3A_1043 = arith.constant 0 : i32
    %dma_wait3A_1044 = tpu.memref_slice %arg9[%dma_wait3A_1042, %dma_wait3A_1043] : memref<327680x64xf32, #tpu.memory_space<hbm>> -> memref<128x64xf32, #tpu.memory_space<hbm>>
    %dma_wait3A_1045 = tpu.memref_slice %arg13[%dma_wait3A_1037] : memref<8x!tpu.dma_semaphore, #tpu.memory_space<semaphore_mem>> -> memref<1x!tpu.dma_semaphore, #tpu.memory_space<semaphore_mem>>
    %dma_wait3A_1046 = tpu.memref_squeeze %dma_wait3A_1045 : memref<1x!tpu.dma_semaphore, #tpu.memory_space<semaphore_mem>> -> memref<!tpu.dma_semaphore, #tpu.memory_space<semaphore_mem>>
    %dma_wait3A_1047 = arith.constant 0 : i32
    %dma_wait3A_1048 = arith.constant 0 : i32
    %dma_wait3A_1049 = tpu.memref_slice %arg9[%dma_wait3A_1047, %dma_wait3A_1048] : memref<327680x64xf32, #tpu.memory_space<hbm>> -> memref<128x64xf32, #tpu.memory_space<hbm>>
    %dma_wait3A_1050 = arith.constant 0 : i32
    %dma_wait3A_1051 = arith.constant 0 : i32
    %dma_wait3A_1052 = tpu.memref_slice %arg11[%dma_wait3A_1036, %dma_wait3A_1050, %dma_wait3A_1051] : memref<8x128x64xf32, #tpu.memory_space<vmem>> -> memref<1x128x64xf32, #tpu.memory_space<vmem>>
    %dma_wait3A_1053 = tpu.memref_squeeze %dma_wait3A_1052 : memref<1x128x64xf32, #tpu.memory_space<vmem>> -> memref<128x64xf32, #tpu.memory_space<vmem>>
    tpu.wait_dma2 semaphore(%dma_wait3A_1046 : memref<!tpu.dma_semaphore, #tpu.memory_space<semaphore_mem>>) src(%dma_wait3A_1053 : memref<128x64xf32, #tpu.memory_space<vmem>>) dst(%dma_wait3A_1049 : memref<128x64xf32, #tpu.memory_space<hbm>>)
    %dma_start3A_1054 = arith.constant 82 : i32
    %dma_start3A_1055 = arith.constant 2 : i32
    %dma_start3A_1056 = arith.constant 2 : i32
    %dma_start3A_1057 = arith.constant 0 : i32
    %dma_start3A_1058 = arith.constant 0 : i32
    %dma_start3A_1059 = tpu.memref_slice %arg11[%dma_start3A_1055, %dma_start3A_1057, %dma_start3A_1058] : memref<8x128x64xf32, #tpu.memory_space<vmem>> -> memref<1x128x64xf32, #tpu.memory_space<vmem>>
    %dma_start3A_1060 = tpu.memref_squeeze %dma_start3A_1059 : memref<1x128x64xf32, #tpu.memory_space<vmem>> -> memref<128x64xf32, #tpu.memory_space<vmem>>
    %dma_start3A_1061 = arith.constant 0 : i32
    %dma_start3A_1062 = tpu.memref_slice %arg10[%dma_start3A_1054, %dma_start3A_1061] : memref<88x128xi32, #tpu.memory_space<vmem>> -> memref<1x128xi32, #tpu.memory_space<vmem>>
    %dma_start3A_1063 = tpu.memref_squeeze %dma_start3A_1062 : memref<1x128xi32, #tpu.memory_space<vmem>> -> memref<128xi32, #tpu.memory_space<vmem>>
    %dma_start3A_1064 = arith.constant 0 : i32
    %dma_start3A_1065 = arith.constant 0 : i32
    %dma_start3A_1066 = tpu.memref_slice %arg6[%dma_start3A_1064, %dma_start3A_1065] : memref<1000000x64xf32, #tpu.memory_space<hbm>> -> memref<1000000x64xf32, #tpu.memory_space<hbm>>
    %dma_start3A_1067 = tpu.memref_slice %arg12[%dma_start3A_1056] : memref<8x!tpu.dma_semaphore, #tpu.memory_space<semaphore_mem>> -> memref<1x!tpu.dma_semaphore, #tpu.memory_space<semaphore_mem>>
    %dma_start3A_1068 = tpu.memref_squeeze %dma_start3A_1067 : memref<1x!tpu.dma_semaphore, #tpu.memory_space<semaphore_mem>> -> memref<!tpu.dma_semaphore, #tpu.memory_space<semaphore_mem>>
    tpu.enqueue_indirect_dma source(%dma_start3A_1066 : memref<1000000x64xf32, #tpu.memory_space<hbm>>) target(%dma_start3A_1060 : memref<128x64xf32, #tpu.memory_space<vmem>>) offsets(%dma_start3A_1063 : memref<128xi32, #tpu.memory_space<vmem>>) semaphore(%dma_start3A_1068 : memref<!tpu.dma_semaphore, #tpu.memory_space<semaphore_mem>>)
    %dma_wait3A_1069 = arith.constant 79 : i32
    %dma_wait3A_1070 = arith.constant 7 : i32
    %dma_wait3A_1071 = arith.constant 7 : i32
    %dma_wait3A_1072 = arith.constant 0 : i32
    %dma_wait3A_1073 = arith.constant 0 : i32
    %dma_wait3A_1074 = tpu.memref_slice %arg11[%dma_wait3A_1070, %dma_wait3A_1072, %dma_wait3A_1073] : memref<8x128x64xf32, #tpu.memory_space<vmem>> -> memref<1x128x64xf32, #tpu.memory_space<vmem>>
    %dma_wait3A_1075 = tpu.memref_squeeze %dma_wait3A_1074 : memref<1x128x64xf32, #tpu.memory_space<vmem>> -> memref<128x64xf32, #tpu.memory_space<vmem>>
    %dma_wait3A_1076 = arith.constant 0 : i32
    %dma_wait3A_1077 = tpu.memref_slice %arg10[%dma_wait3A_1069, %dma_wait3A_1076] : memref<88x128xi32, #tpu.memory_space<vmem>> -> memref<1x128xi32, #tpu.memory_space<vmem>>
    %dma_wait3A_1078 = tpu.memref_squeeze %dma_wait3A_1077 : memref<1x128xi32, #tpu.memory_space<vmem>> -> memref<128xi32, #tpu.memory_space<vmem>>
    %dma_wait3A_1079 = arith.constant 0 : i32
    %dma_wait3A_1080 = arith.constant 0 : i32
    %dma_wait3A_1081 = tpu.memref_slice %arg6[%dma_wait3A_1079, %dma_wait3A_1080] : memref<1000000x64xf32, #tpu.memory_space<hbm>> -> memref<1000000x64xf32, #tpu.memory_space<hbm>>
    %dma_wait3A_1082 = tpu.memref_slice %arg12[%dma_wait3A_1071] : memref<8x!tpu.dma_semaphore, #tpu.memory_space<semaphore_mem>> -> memref<1x!tpu.dma_semaphore, #tpu.memory_space<semaphore_mem>>
    %dma_wait3A_1083 = tpu.memref_squeeze %dma_wait3A_1082 : memref<1x!tpu.dma_semaphore, #tpu.memory_space<semaphore_mem>> -> memref<!tpu.dma_semaphore, #tpu.memory_space<semaphore_mem>>
    tpu.wait_indirect_dma semaphore(%dma_wait3A_1083 : memref<!tpu.dma_semaphore, #tpu.memory_space<semaphore_mem>>) src(%dma_wait3A_1081 : memref<1000000x64xf32, #tpu.memory_space<hbm>>) dst(%dma_wait3A_1075 : memref<128x64xf32, #tpu.memory_space<vmem>>)
    %mul3A_1084 = arith.constant 80 : i32
    %mul3A_1085 = arith.muli %add3A, %mul3A_1084 : i32
    %add3A_1086 = arith.constant 79 : i32
    %add3A_1087 = arith.addi %mul3A_1085, %add3A_1086 : i32
    %sub3A_1088 = arith.constant 8 : i32
    %sub3A_1089 = arith.subi %add3A_1087, %sub3A_1088 : i32
    %mul3A_1090 = arith.constant 128 : i32
    %mul3A_1091 = arith.muli %sub3A_1089, %mul3A_1090 : i32
    %dma_start3A_1092 = arith.constant 7 : i32
    %dma_start3A_1093 = arith.constant 7 : i32
    %dma_start3A_1094 = arith.constant 0 : i32
    %dma_start3A_1095 = arith.constant 0 : i32
    %dma_start3A_1096 = tpu.memref_slice %arg11[%dma_start3A_1092, %dma_start3A_1094, %dma_start3A_1095] : memref<8x128x64xf32, #tpu.memory_space<vmem>> -> memref<1x128x64xf32, #tpu.memory_space<vmem>>
    %dma_start3A_1097 = tpu.memref_squeeze %dma_start3A_1096 : memref<1x128x64xf32, #tpu.memory_space<vmem>> -> memref<128x64xf32, #tpu.memory_space<vmem>>
    %dma_start3A_1098 = arith.constant 0 : i32
    %dma_start3A_1099 = tpu.memref_slice %arg9[%mul3A_1091, %dma_start3A_1098] : memref<327680x64xf32, #tpu.memory_space<hbm>> -> memref<128x64xf32, #tpu.memory_space<hbm>>
    %dma_start3A_1100 = tpu.memref_slice %arg13[%dma_start3A_1093] : memref<8x!tpu.dma_semaphore, #tpu.memory_space<semaphore_mem>> -> memref<1x!tpu.dma_semaphore, #tpu.memory_space<semaphore_mem>>
    %dma_start3A_1101 = tpu.memref_squeeze %dma_start3A_1100 : memref<1x!tpu.dma_semaphore, #tpu.memory_space<semaphore_mem>> -> memref<!tpu.dma_semaphore, #tpu.memory_space<semaphore_mem>>
    %dma_start3A_1102 = arith.constant 0 : i32
    %dma_start3A_1103 = tpu.memref_slice %arg9[%mul3A_1091, %dma_start3A_1102] : memref<327680x64xf32, #tpu.memory_space<hbm>> -> memref<128x64xf32, #tpu.memory_space<hbm>>
    %dma_start3A_1104 = arith.constant 0 : i32
    %dma_start3A_1105 = arith.constant 0 : i32
    %dma_start3A_1106 = tpu.memref_slice %arg11[%dma_start3A_1092, %dma_start3A_1104, %dma_start3A_1105] : memref<8x128x64xf32, #tpu.memory_space<vmem>> -> memref<1x128x64xf32, #tpu.memory_space<vmem>>
    %dma_start3A_1107 = tpu.memref_squeeze %dma_start3A_1106 : memref<1x128x64xf32, #tpu.memory_space<vmem>> -> memref<128x64xf32, #tpu.memory_space<vmem>>
    tpu.enqueue_dma source(%dma_start3A_1107 : memref<128x64xf32, #tpu.memory_space<vmem>>) target(%dma_start3A_1103 : memref<128x64xf32, #tpu.memory_space<hbm>>) target_semaphore(%dma_start3A_1101 : memref<!tpu.dma_semaphore, #tpu.memory_space<semaphore_mem>>)
    %dma_wait3A_1108 = arith.constant 3 : i32
    %dma_wait3A_1109 = arith.constant 3 : i32
    %dma_wait3A_1110 = arith.constant 0 : i32
    %dma_wait3A_1111 = arith.constant 0 : i32
    %dma_wait3A_1112 = tpu.memref_slice %arg11[%dma_wait3A_1108, %dma_wait3A_1110, %dma_wait3A_1111] : memref<8x128x64xf32, #tpu.memory_space<vmem>> -> memref<1x128x64xf32, #tpu.memory_space<vmem>>
    %dma_wait3A_1113 = tpu.memref_squeeze %dma_wait3A_1112 : memref<1x128x64xf32, #tpu.memory_space<vmem>> -> memref<128x64xf32, #tpu.memory_space<vmem>>
    %dma_wait3A_1114 = arith.constant 0 : i32
    %dma_wait3A_1115 = arith.constant 0 : i32
    %dma_wait3A_1116 = tpu.memref_slice %arg9[%dma_wait3A_1114, %dma_wait3A_1115] : memref<327680x64xf32, #tpu.memory_space<hbm>> -> memref<128x64xf32, #tpu.memory_space<hbm>>
    %dma_wait3A_1117 = tpu.memref_slice %arg13[%dma_wait3A_1109] : memref<8x!tpu.dma_semaphore, #tpu.memory_space<semaphore_mem>> -> memref<1x!tpu.dma_semaphore, #tpu.memory_space<semaphore_mem>>
    %dma_wait3A_1118 = tpu.memref_squeeze %dma_wait3A_1117 : memref<1x!tpu.dma_semaphore, #tpu.memory_space<semaphore_mem>> -> memref<!tpu.dma_semaphore, #tpu.memory_space<semaphore_mem>>
    %dma_wait3A_1119 = arith.constant 0 : i32
    %dma_wait3A_1120 = arith.constant 0 : i32
    %dma_wait3A_1121 = tpu.memref_slice %arg9[%dma_wait3A_1119, %dma_wait3A_1120] : memref<327680x64xf32, #tpu.memory_space<hbm>> -> memref<128x64xf32, #tpu.memory_space<hbm>>
    %dma_wait3A_1122 = arith.constant 0 : i32
    %dma_wait3A_1123 = arith.constant 0 : i32
    %dma_wait3A_1124 = tpu.memref_slice %arg11[%dma_wait3A_1108, %dma_wait3A_1122, %dma_wait3A_1123] : memref<8x128x64xf32, #tpu.memory_space<vmem>> -> memref<1x128x64xf32, #tpu.memory_space<vmem>>
    %dma_wait3A_1125 = tpu.memref_squeeze %dma_wait3A_1124 : memref<1x128x64xf32, #tpu.memory_space<vmem>> -> memref<128x64xf32, #tpu.memory_space<vmem>>
    tpu.wait_dma2 semaphore(%dma_wait3A_1118 : memref<!tpu.dma_semaphore, #tpu.memory_space<semaphore_mem>>) src(%dma_wait3A_1125 : memref<128x64xf32, #tpu.memory_space<vmem>>) dst(%dma_wait3A_1121 : memref<128x64xf32, #tpu.memory_space<hbm>>)
    %dma_start3A_1126 = arith.constant 83 : i32
    %dma_start3A_1127 = arith.constant 3 : i32
    %dma_start3A_1128 = arith.constant 3 : i32
    %dma_start3A_1129 = arith.constant 0 : i32
    %dma_start3A_1130 = arith.constant 0 : i32
    %dma_start3A_1131 = tpu.memref_slice %arg11[%dma_start3A_1127, %dma_start3A_1129, %dma_start3A_1130] : memref<8x128x64xf32, #tpu.memory_space<vmem>> -> memref<1x128x64xf32, #tpu.memory_space<vmem>>
    %dma_start3A_1132 = tpu.memref_squeeze %dma_start3A_1131 : memref<1x128x64xf32, #tpu.memory_space<vmem>> -> memref<128x64xf32, #tpu.memory_space<vmem>>
    %dma_start3A_1133 = arith.constant 0 : i32
    %dma_start3A_1134 = tpu.memref_slice %arg10[%dma_start3A_1126, %dma_start3A_1133] : memref<88x128xi32, #tpu.memory_space<vmem>> -> memref<1x128xi32, #tpu.memory_space<vmem>>
    %dma_start3A_1135 = tpu.memref_squeeze %dma_start3A_1134 : memref<1x128xi32, #tpu.memory_space<vmem>> -> memref<128xi32, #tpu.memory_space<vmem>>
    %dma_start3A_1136 = arith.constant 0 : i32
    %dma_start3A_1137 = arith.constant 0 : i32
    %dma_start3A_1138 = tpu.memref_slice %arg6[%dma_start3A_1136, %dma_start3A_1137] : memref<1000000x64xf32, #tpu.memory_space<hbm>> -> memref<1000000x64xf32, #tpu.memory_space<hbm>>
    %dma_start3A_1139 = tpu.memref_slice %arg12[%dma_start3A_1128] : memref<8x!tpu.dma_semaphore, #tpu.memory_space<semaphore_mem>> -> memref<1x!tpu.dma_semaphore, #tpu.memory_space<semaphore_mem>>
    %dma_start3A_1140 = tpu.memref_squeeze %dma_start3A_1139 : memref<1x!tpu.dma_semaphore, #tpu.memory_space<semaphore_mem>> -> memref<!tpu.dma_semaphore, #tpu.memory_space<semaphore_mem>>
    tpu.enqueue_indirect_dma source(%dma_start3A_1138 : memref<1000000x64xf32, #tpu.memory_space<hbm>>) target(%dma_start3A_1132 : memref<128x64xf32, #tpu.memory_space<vmem>>) offsets(%dma_start3A_1135 : memref<128xi32, #tpu.memory_space<vmem>>) semaphore(%dma_start3A_1140 : memref<!tpu.dma_semaphore, #tpu.memory_space<semaphore_mem>>)
    %dma_wait3A_1141 = arith.constant 80 : i32
    %dma_wait3A_1142 = arith.constant 0 : i32
    %dma_wait3A_1143 = arith.constant 0 : i32
    %dma_wait3A_1144 = arith.constant 0 : i32
    %dma_wait3A_1145 = arith.constant 0 : i32
    %dma_wait3A_1146 = tpu.memref_slice %arg11[%dma_wait3A_1142, %dma_wait3A_1144, %dma_wait3A_1145] : memref<8x128x64xf32, #tpu.memory_space<vmem>> -> memref<1x128x64xf32, #tpu.memory_space<vmem>>
    %dma_wait3A_1147 = tpu.memref_squeeze %dma_wait3A_1146 : memref<1x128x64xf32, #tpu.memory_space<vmem>> -> memref<128x64xf32, #tpu.memory_space<vmem>>
    %dma_wait3A_1148 = arith.constant 0 : i32
    %dma_wait3A_1149 = tpu.memref_slice %arg10[%dma_wait3A_1141, %dma_wait3A_1148] : memref<88x128xi32, #tpu.memory_space<vmem>> -> memref<1x128xi32, #tpu.memory_space<vmem>>
    %dma_wait3A_1150 = tpu.memref_squeeze %dma_wait3A_1149 : memref<1x128xi32, #tpu.memory_space<vmem>> -> memref<128xi32, #tpu.memory_space<vmem>>
    %dma_wait3A_1151 = arith.constant 0 : i32
    %dma_wait3A_1152 = arith.constant 0 : i32
    %dma_wait3A_1153 = tpu.memref_slice %arg6[%dma_wait3A_1151, %dma_wait3A_1152] : memref<1000000x64xf32, #tpu.memory_space<hbm>> -> memref<1000000x64xf32, #tpu.memory_space<hbm>>
    %dma_wait3A_1154 = tpu.memref_slice %arg12[%dma_wait3A_1143] : memref<8x!tpu.dma_semaphore, #tpu.memory_space<semaphore_mem>> -> memref<1x!tpu.dma_semaphore, #tpu.memory_space<semaphore_mem>>
    %dma_wait3A_1155 = tpu.memref_squeeze %dma_wait3A_1154 : memref<1x!tpu.dma_semaphore, #tpu.memory_space<semaphore_mem>> -> memref<!tpu.dma_semaphore, #tpu.memory_space<semaphore_mem>>
    tpu.wait_indirect_dma semaphore(%dma_wait3A_1155 : memref<!tpu.dma_semaphore, #tpu.memory_space<semaphore_mem>>) src(%dma_wait3A_1153 : memref<1000000x64xf32, #tpu.memory_space<hbm>>) dst(%dma_wait3A_1147 : memref<128x64xf32, #tpu.memory_space<vmem>>)
    %mul3A_1156 = arith.constant 80 : i32
    %mul3A_1157 = arith.muli %add3A, %mul3A_1156 : i32
    %add3A_1158 = arith.constant 80 : i32
    %add3A_1159 = arith.addi %mul3A_1157, %add3A_1158 : i32
    %sub3A_1160 = arith.constant 8 : i32
    %sub3A_1161 = arith.subi %add3A_1159, %sub3A_1160 : i32
    %mul3A_1162 = arith.constant 128 : i32
    %mul3A_1163 = arith.muli %sub3A_1161, %mul3A_1162 : i32
    %dma_start3A_1164 = arith.constant 0 : i32
    %dma_start3A_1165 = arith.constant 0 : i32
    %dma_start3A_1166 = arith.constant 0 : i32
    %dma_start3A_1167 = arith.constant 0 : i32
    %dma_start3A_1168 = tpu.memref_slice %arg11[%dma_start3A_1164, %dma_start3A_1166, %dma_start3A_1167] : memref<8x128x64xf32, #tpu.memory_space<vmem>> -> memref<1x128x64xf32, #tpu.memory_space<vmem>>
    %dma_start3A_1169 = tpu.memref_squeeze %dma_start3A_1168 : memref<1x128x64xf32, #tpu.memory_space<vmem>> -> memref<128x64xf32, #tpu.memory_space<vmem>>
    %dma_start3A_1170 = arith.constant 0 : i32
    %dma_start3A_1171 = tpu.memref_slice %arg9[%mul3A_1163, %dma_start3A_1170] : memref<327680x64xf32, #tpu.memory_space<hbm>> -> memref<128x64xf32, #tpu.memory_space<hbm>>
    %dma_start3A_1172 = tpu.memref_slice %arg13[%dma_start3A_1165] : memref<8x!tpu.dma_semaphore, #tpu.memory_space<semaphore_mem>> -> memref<1x!tpu.dma_semaphore, #tpu.memory_space<semaphore_mem>>
    %dma_start3A_1173 = tpu.memref_squeeze %dma_start3A_1172 : memref<1x!tpu.dma_semaphore, #tpu.memory_space<semaphore_mem>> -> memref<!tpu.dma_semaphore, #tpu.memory_space<semaphore_mem>>
    %dma_start3A_1174 = arith.constant 0 : i32
    %dma_start3A_1175 = tpu.memref_slice %arg9[%mul3A_1163, %dma_start3A_1174] : memref<327680x64xf32, #tpu.memory_space<hbm>> -> memref<128x64xf32, #tpu.memory_space<hbm>>
    %dma_start3A_1176 = arith.constant 0 : i32
    %dma_start3A_1177 = arith.constant 0 : i32
    %dma_start3A_1178 = tpu.memref_slice %arg11[%dma_start3A_1164, %dma_start3A_1176, %dma_start3A_1177] : memref<8x128x64xf32, #tpu.memory_space<vmem>> -> memref<1x128x64xf32, #tpu.memory_space<vmem>>
    %dma_start3A_1179 = tpu.memref_squeeze %dma_start3A_1178 : memref<1x128x64xf32, #tpu.memory_space<vmem>> -> memref<128x64xf32, #tpu.memory_space<vmem>>
    tpu.enqueue_dma source(%dma_start3A_1179 : memref<128x64xf32, #tpu.memory_space<vmem>>) target(%dma_start3A_1175 : memref<128x64xf32, #tpu.memory_space<hbm>>) target_semaphore(%dma_start3A_1173 : memref<!tpu.dma_semaphore, #tpu.memory_space<semaphore_mem>>)
    %dma_wait3A_1180 = arith.constant 4 : i32
    %dma_wait3A_1181 = arith.constant 4 : i32
    %dma_wait3A_1182 = arith.constant 0 : i32
    %dma_wait3A_1183 = arith.constant 0 : i32
    %dma_wait3A_1184 = tpu.memref_slice %arg11[%dma_wait3A_1180, %dma_wait3A_1182, %dma_wait3A_1183] : memref<8x128x64xf32, #tpu.memory_space<vmem>> -> memref<1x128x64xf32, #tpu.memory_space<vmem>>
    %dma_wait3A_1185 = tpu.memref_squeeze %dma_wait3A_1184 : memref<1x128x64xf32, #tpu.memory_space<vmem>> -> memref<128x64xf32, #tpu.memory_space<vmem>>
    %dma_wait3A_1186 = arith.constant 0 : i32
    %dma_wait3A_1187 = arith.constant 0 : i32
    %dma_wait3A_1188 = tpu.memref_slice %arg9[%dma_wait3A_1186, %dma_wait3A_1187] : memref<327680x64xf32, #tpu.memory_space<hbm>> -> memref<128x64xf32, #tpu.memory_space<hbm>>
    %dma_wait3A_1189 = tpu.memref_slice %arg13[%dma_wait3A_1181] : memref<8x!tpu.dma_semaphore, #tpu.memory_space<semaphore_mem>> -> memref<1x!tpu.dma_semaphore, #tpu.memory_space<semaphore_mem>>
    %dma_wait3A_1190 = tpu.memref_squeeze %dma_wait3A_1189 : memref<1x!tpu.dma_semaphore, #tpu.memory_space<semaphore_mem>> -> memref<!tpu.dma_semaphore, #tpu.memory_space<semaphore_mem>>
    %dma_wait3A_1191 = arith.constant 0 : i32
    %dma_wait3A_1192 = arith.constant 0 : i32
    %dma_wait3A_1193 = tpu.memref_slice %arg9[%dma_wait3A_1191, %dma_wait3A_1192] : memref<327680x64xf32, #tpu.memory_space<hbm>> -> memref<128x64xf32, #tpu.memory_space<hbm>>
    %dma_wait3A_1194 = arith.constant 0 : i32
    %dma_wait3A_1195 = arith.constant 0 : i32
    %dma_wait3A_1196 = tpu.memref_slice %arg11[%dma_wait3A_1180, %dma_wait3A_1194, %dma_wait3A_1195] : memref<8x128x64xf32, #tpu.memory_space<vmem>> -> memref<1x128x64xf32, #tpu.memory_space<vmem>>
    %dma_wait3A_1197 = tpu.memref_squeeze %dma_wait3A_1196 : memref<1x128x64xf32, #tpu.memory_space<vmem>> -> memref<128x64xf32, #tpu.memory_space<vmem>>
    tpu.wait_dma2 semaphore(%dma_wait3A_1190 : memref<!tpu.dma_semaphore, #tpu.memory_space<semaphore_mem>>) src(%dma_wait3A_1197 : memref<128x64xf32, #tpu.memory_space<vmem>>) dst(%dma_wait3A_1193 : memref<128x64xf32, #tpu.memory_space<hbm>>)
    %dma_start3A_1198 = arith.constant 84 : i32
    %dma_start3A_1199 = arith.constant 4 : i32
    %dma_start3A_1200 = arith.constant 4 : i32
    %dma_start3A_1201 = arith.constant 0 : i32
    %dma_start3A_1202 = arith.constant 0 : i32
    %dma_start3A_1203 = tpu.memref_slice %arg11[%dma_start3A_1199, %dma_start3A_1201, %dma_start3A_1202] : memref<8x128x64xf32, #tpu.memory_space<vmem>> -> memref<1x128x64xf32, #tpu.memory_space<vmem>>
    %dma_start3A_1204 = tpu.memref_squeeze %dma_start3A_1203 : memref<1x128x64xf32, #tpu.memory_space<vmem>> -> memref<128x64xf32, #tpu.memory_space<vmem>>
    %dma_start3A_1205 = arith.constant 0 : i32
    %dma_start3A_1206 = tpu.memref_slice %arg10[%dma_start3A_1198, %dma_start3A_1205] : memref<88x128xi32, #tpu.memory_space<vmem>> -> memref<1x128xi32, #tpu.memory_space<vmem>>
    %dma_start3A_1207 = tpu.memref_squeeze %dma_start3A_1206 : memref<1x128xi32, #tpu.memory_space<vmem>> -> memref<128xi32, #tpu.memory_space<vmem>>
    %dma_start3A_1208 = arith.constant 0 : i32
    %dma_start3A_1209 = arith.constant 0 : i32
    %dma_start3A_1210 = tpu.memref_slice %arg6[%dma_start3A_1208, %dma_start3A_1209] : memref<1000000x64xf32, #tpu.memory_space<hbm>> -> memref<1000000x64xf32, #tpu.memory_space<hbm>>
    %dma_start3A_1211 = tpu.memref_slice %arg12[%dma_start3A_1200] : memref<8x!tpu.dma_semaphore, #tpu.memory_space<semaphore_mem>> -> memref<1x!tpu.dma_semaphore, #tpu.memory_space<semaphore_mem>>
    %dma_start3A_1212 = tpu.memref_squeeze %dma_start3A_1211 : memref<1x!tpu.dma_semaphore, #tpu.memory_space<semaphore_mem>> -> memref<!tpu.dma_semaphore, #tpu.memory_space<semaphore_mem>>
    tpu.enqueue_indirect_dma source(%dma_start3A_1210 : memref<1000000x64xf32, #tpu.memory_space<hbm>>) target(%dma_start3A_1204 : memref<128x64xf32, #tpu.memory_space<vmem>>) offsets(%dma_start3A_1207 : memref<128xi32, #tpu.memory_space<vmem>>) semaphore(%dma_start3A_1212 : memref<!tpu.dma_semaphore, #tpu.memory_space<semaphore_mem>>)
    %dma_wait3A_1213 = arith.constant 81 : i32
    %dma_wait3A_1214 = arith.constant 1 : i32
    %dma_wait3A_1215 = arith.constant 1 : i32
    %dma_wait3A_1216 = arith.constant 0 : i32
    %dma_wait3A_1217 = arith.constant 0 : i32
    %dma_wait3A_1218 = tpu.memref_slice %arg11[%dma_wait3A_1214, %dma_wait3A_1216, %dma_wait3A_1217] : memref<8x128x64xf32, #tpu.memory_space<vmem>> -> memref<1x128x64xf32, #tpu.memory_space<vmem>>
    %dma_wait3A_1219 = tpu.memref_squeeze %dma_wait3A_1218 : memref<1x128x64xf32, #tpu.memory_space<vmem>> -> memref<128x64xf32, #tpu.memory_space<vmem>>
    %dma_wait3A_1220 = arith.constant 0 : i32
    %dma_wait3A_1221 = tpu.memref_slice %arg10[%dma_wait3A_1213, %dma_wait3A_1220] : memref<88x128xi32, #tpu.memory_space<vmem>> -> memref<1x128xi32, #tpu.memory_space<vmem>>
    %dma_wait3A_1222 = tpu.memref_squeeze %dma_wait3A_1221 : memref<1x128xi32, #tpu.memory_space<vmem>> -> memref<128xi32, #tpu.memory_space<vmem>>
    %dma_wait3A_1223 = arith.constant 0 : i32
    %dma_wait3A_1224 = arith.constant 0 : i32
    %dma_wait3A_1225 = tpu.memref_slice %arg6[%dma_wait3A_1223, %dma_wait3A_1224] : memref<1000000x64xf32, #tpu.memory_space<hbm>> -> memref<1000000x64xf32, #tpu.memory_space<hbm>>
    %dma_wait3A_1226 = tpu.memref_slice %arg12[%dma_wait3A_1215] : memref<8x!tpu.dma_semaphore, #tpu.memory_space<semaphore_mem>> -> memref<1x!tpu.dma_semaphore, #tpu.memory_space<semaphore_mem>>
    %dma_wait3A_1227 = tpu.memref_squeeze %dma_wait3A_1226 : memref<1x!tpu.dma_semaphore, #tpu.memory_space<semaphore_mem>> -> memref<!tpu.dma_semaphore, #tpu.memory_space<semaphore_mem>>
    tpu.wait_indirect_dma semaphore(%dma_wait3A_1227 : memref<!tpu.dma_semaphore, #tpu.memory_space<semaphore_mem>>) src(%dma_wait3A_1225 : memref<1000000x64xf32, #tpu.memory_space<hbm>>) dst(%dma_wait3A_1219 : memref<128x64xf32, #tpu.memory_space<vmem>>)
    %mul3A_1228 = arith.constant 80 : i32
    %mul3A_1229 = arith.muli %add3A, %mul3A_1228 : i32
    %add3A_1230 = arith.constant 81 : i32
    %add3A_1231 = arith.addi %mul3A_1229, %add3A_1230 : i32
    %sub3A_1232 = arith.constant 8 : i32
    %sub3A_1233 = arith.subi %add3A_1231, %sub3A_1232 : i32
    %mul3A_1234 = arith.constant 128 : i32
    %mul3A_1235 = arith.muli %sub3A_1233, %mul3A_1234 : i32
    %dma_start3A_1236 = arith.constant 1 : i32
    %dma_start3A_1237 = arith.constant 1 : i32
    %dma_start3A_1238 = arith.constant 0 : i32
    %dma_start3A_1239 = arith.constant 0 : i32
    %dma_start3A_1240 = tpu.memref_slice %arg11[%dma_start3A_1236, %dma_start3A_1238, %dma_start3A_1239] : memref<8x128x64xf32, #tpu.memory_space<vmem>> -> memref<1x128x64xf32, #tpu.memory_space<vmem>>
    %dma_start3A_1241 = tpu.memref_squeeze %dma_start3A_1240 : memref<1x128x64xf32, #tpu.memory_space<vmem>> -> memref<128x64xf32, #tpu.memory_space<vmem>>
    %dma_start3A_1242 = arith.constant 0 : i32
    %dma_start3A_1243 = tpu.memref_slice %arg9[%mul3A_1235, %dma_start3A_1242] : memref<327680x64xf32, #tpu.memory_space<hbm>> -> memref<128x64xf32, #tpu.memory_space<hbm>>
    %dma_start3A_1244 = tpu.memref_slice %arg13[%dma_start3A_1237] : memref<8x!tpu.dma_semaphore, #tpu.memory_space<semaphore_mem>> -> memref<1x!tpu.dma_semaphore, #tpu.memory_space<semaphore_mem>>
    %dma_start3A_1245 = tpu.memref_squeeze %dma_start3A_1244 : memref<1x!tpu.dma_semaphore, #tpu.memory_space<semaphore_mem>> -> memref<!tpu.dma_semaphore, #tpu.memory_space<semaphore_mem>>
    %dma_start3A_1246 = arith.constant 0 : i32
    %dma_start3A_1247 = tpu.memref_slice %arg9[%mul3A_1235, %dma_start3A_1246] : memref<327680x64xf32, #tpu.memory_space<hbm>> -> memref<128x64xf32, #tpu.memory_space<hbm>>
    %dma_start3A_1248 = arith.constant 0 : i32
    %dma_start3A_1249 = arith.constant 0 : i32
    %dma_start3A_1250 = tpu.memref_slice %arg11[%dma_start3A_1236, %dma_start3A_1248, %dma_start3A_1249] : memref<8x128x64xf32, #tpu.memory_space<vmem>> -> memref<1x128x64xf32, #tpu.memory_space<vmem>>
    %dma_start3A_1251 = tpu.memref_squeeze %dma_start3A_1250 : memref<1x128x64xf32, #tpu.memory_space<vmem>> -> memref<128x64xf32, #tpu.memory_space<vmem>>
    tpu.enqueue_dma source(%dma_start3A_1251 : memref<128x64xf32, #tpu.memory_space<vmem>>) target(%dma_start3A_1247 : memref<128x64xf32, #tpu.memory_space<hbm>>) target_semaphore(%dma_start3A_1245 : memref<!tpu.dma_semaphore, #tpu.memory_space<semaphore_mem>>)
    %dma_wait3A_1252 = arith.constant 5 : i32
    %dma_wait3A_1253 = arith.constant 5 : i32
    %dma_wait3A_1254 = arith.constant 0 : i32
    %dma_wait3A_1255 = arith.constant 0 : i32
    %dma_wait3A_1256 = tpu.memref_slice %arg11[%dma_wait3A_1252, %dma_wait3A_1254, %dma_wait3A_1255] : memref<8x128x64xf32, #tpu.memory_space<vmem>> -> memref<1x128x64xf32, #tpu.memory_space<vmem>>
    %dma_wait3A_1257 = tpu.memref_squeeze %dma_wait3A_1256 : memref<1x128x64xf32, #tpu.memory_space<vmem>> -> memref<128x64xf32, #tpu.memory_space<vmem>>
    %dma_wait3A_1258 = arith.constant 0 : i32
    %dma_wait3A_1259 = arith.constant 0 : i32
    %dma_wait3A_1260 = tpu.memref_slice %arg9[%dma_wait3A_1258, %dma_wait3A_1259] : memref<327680x64xf32, #tpu.memory_space<hbm>> -> memref<128x64xf32, #tpu.memory_space<hbm>>
    %dma_wait3A_1261 = tpu.memref_slice %arg13[%dma_wait3A_1253] : memref<8x!tpu.dma_semaphore, #tpu.memory_space<semaphore_mem>> -> memref<1x!tpu.dma_semaphore, #tpu.memory_space<semaphore_mem>>
    %dma_wait3A_1262 = tpu.memref_squeeze %dma_wait3A_1261 : memref<1x!tpu.dma_semaphore, #tpu.memory_space<semaphore_mem>> -> memref<!tpu.dma_semaphore, #tpu.memory_space<semaphore_mem>>
    %dma_wait3A_1263 = arith.constant 0 : i32
    %dma_wait3A_1264 = arith.constant 0 : i32
    %dma_wait3A_1265 = tpu.memref_slice %arg9[%dma_wait3A_1263, %dma_wait3A_1264] : memref<327680x64xf32, #tpu.memory_space<hbm>> -> memref<128x64xf32, #tpu.memory_space<hbm>>
    %dma_wait3A_1266 = arith.constant 0 : i32
    %dma_wait3A_1267 = arith.constant 0 : i32
    %dma_wait3A_1268 = tpu.memref_slice %arg11[%dma_wait3A_1252, %dma_wait3A_1266, %dma_wait3A_1267] : memref<8x128x64xf32, #tpu.memory_space<vmem>> -> memref<1x128x64xf32, #tpu.memory_space<vmem>>
    %dma_wait3A_1269 = tpu.memref_squeeze %dma_wait3A_1268 : memref<1x128x64xf32, #tpu.memory_space<vmem>> -> memref<128x64xf32, #tpu.memory_space<vmem>>
    tpu.wait_dma2 semaphore(%dma_wait3A_1262 : memref<!tpu.dma_semaphore, #tpu.memory_space<semaphore_mem>>) src(%dma_wait3A_1269 : memref<128x64xf32, #tpu.memory_space<vmem>>) dst(%dma_wait3A_1265 : memref<128x64xf32, #tpu.memory_space<hbm>>)
    %dma_start3A_1270 = arith.constant 85 : i32
    %dma_start3A_1271 = arith.constant 5 : i32
    %dma_start3A_1272 = arith.constant 5 : i32
    %dma_start3A_1273 = arith.constant 0 : i32
    %dma_start3A_1274 = arith.constant 0 : i32
    %dma_start3A_1275 = tpu.memref_slice %arg11[%dma_start3A_1271, %dma_start3A_1273, %dma_start3A_1274] : memref<8x128x64xf32, #tpu.memory_space<vmem>> -> memref<1x128x64xf32, #tpu.memory_space<vmem>>
    %dma_start3A_1276 = tpu.memref_squeeze %dma_start3A_1275 : memref<1x128x64xf32, #tpu.memory_space<vmem>> -> memref<128x64xf32, #tpu.memory_space<vmem>>
    %dma_start3A_1277 = arith.constant 0 : i32
    %dma_start3A_1278 = tpu.memref_slice %arg10[%dma_start3A_1270, %dma_start3A_1277] : memref<88x128xi32, #tpu.memory_space<vmem>> -> memref<1x128xi32, #tpu.memory_space<vmem>>
    %dma_start3A_1279 = tpu.memref_squeeze %dma_start3A_1278 : memref<1x128xi32, #tpu.memory_space<vmem>> -> memref<128xi32, #tpu.memory_space<vmem>>
    %dma_start3A_1280 = arith.constant 0 : i32
    %dma_start3A_1281 = arith.constant 0 : i32
    %dma_start3A_1282 = tpu.memref_slice %arg6[%dma_start3A_1280, %dma_start3A_1281] : memref<1000000x64xf32, #tpu.memory_space<hbm>> -> memref<1000000x64xf32, #tpu.memory_space<hbm>>
    %dma_start3A_1283 = tpu.memref_slice %arg12[%dma_start3A_1272] : memref<8x!tpu.dma_semaphore, #tpu.memory_space<semaphore_mem>> -> memref<1x!tpu.dma_semaphore, #tpu.memory_space<semaphore_mem>>
    %dma_start3A_1284 = tpu.memref_squeeze %dma_start3A_1283 : memref<1x!tpu.dma_semaphore, #tpu.memory_space<semaphore_mem>> -> memref<!tpu.dma_semaphore, #tpu.memory_space<semaphore_mem>>
    tpu.enqueue_indirect_dma source(%dma_start3A_1282 : memref<1000000x64xf32, #tpu.memory_space<hbm>>) target(%dma_start3A_1276 : memref<128x64xf32, #tpu.memory_space<vmem>>) offsets(%dma_start3A_1279 : memref<128xi32, #tpu.memory_space<vmem>>) semaphore(%dma_start3A_1284 : memref<!tpu.dma_semaphore, #tpu.memory_space<semaphore_mem>>)
    %dma_wait3A_1285 = arith.constant 82 : i32
    %dma_wait3A_1286 = arith.constant 2 : i32
    %dma_wait3A_1287 = arith.constant 2 : i32
    %dma_wait3A_1288 = arith.constant 0 : i32
    %dma_wait3A_1289 = arith.constant 0 : i32
    %dma_wait3A_1290 = tpu.memref_slice %arg11[%dma_wait3A_1286, %dma_wait3A_1288, %dma_wait3A_1289] : memref<8x128x64xf32, #tpu.memory_space<vmem>> -> memref<1x128x64xf32, #tpu.memory_space<vmem>>
    %dma_wait3A_1291 = tpu.memref_squeeze %dma_wait3A_1290 : memref<1x128x64xf32, #tpu.memory_space<vmem>> -> memref<128x64xf32, #tpu.memory_space<vmem>>
    %dma_wait3A_1292 = arith.constant 0 : i32
    %dma_wait3A_1293 = tpu.memref_slice %arg10[%dma_wait3A_1285, %dma_wait3A_1292] : memref<88x128xi32, #tpu.memory_space<vmem>> -> memref<1x128xi32, #tpu.memory_space<vmem>>
    %dma_wait3A_1294 = tpu.memref_squeeze %dma_wait3A_1293 : memref<1x128xi32, #tpu.memory_space<vmem>> -> memref<128xi32, #tpu.memory_space<vmem>>
    %dma_wait3A_1295 = arith.constant 0 : i32
    %dma_wait3A_1296 = arith.constant 0 : i32
    %dma_wait3A_1297 = tpu.memref_slice %arg6[%dma_wait3A_1295, %dma_wait3A_1296] : memref<1000000x64xf32, #tpu.memory_space<hbm>> -> memref<1000000x64xf32, #tpu.memory_space<hbm>>
    %dma_wait3A_1298 = tpu.memref_slice %arg12[%dma_wait3A_1287] : memref<8x!tpu.dma_semaphore, #tpu.memory_space<semaphore_mem>> -> memref<1x!tpu.dma_semaphore, #tpu.memory_space<semaphore_mem>>
    %dma_wait3A_1299 = tpu.memref_squeeze %dma_wait3A_1298 : memref<1x!tpu.dma_semaphore, #tpu.memory_space<semaphore_mem>> -> memref<!tpu.dma_semaphore, #tpu.memory_space<semaphore_mem>>
    tpu.wait_indirect_dma semaphore(%dma_wait3A_1299 : memref<!tpu.dma_semaphore, #tpu.memory_space<semaphore_mem>>) src(%dma_wait3A_1297 : memref<1000000x64xf32, #tpu.memory_space<hbm>>) dst(%dma_wait3A_1291 : memref<128x64xf32, #tpu.memory_space<vmem>>)
    %mul3A_1300 = arith.constant 80 : i32
    %mul3A_1301 = arith.muli %add3A, %mul3A_1300 : i32
    %add3A_1302 = arith.constant 82 : i32
    %add3A_1303 = arith.addi %mul3A_1301, %add3A_1302 : i32
    %sub3A_1304 = arith.constant 8 : i32
    %sub3A_1305 = arith.subi %add3A_1303, %sub3A_1304 : i32
    %mul3A_1306 = arith.constant 128 : i32
    %mul3A_1307 = arith.muli %sub3A_1305, %mul3A_1306 : i32
    %dma_start3A_1308 = arith.constant 2 : i32
    %dma_start3A_1309 = arith.constant 2 : i32
    %dma_start3A_1310 = arith.constant 0 : i32
    %dma_start3A_1311 = arith.constant 0 : i32
    %dma_start3A_1312 = tpu.memref_slice %arg11[%dma_start3A_1308, %dma_start3A_1310, %dma_start3A_1311] : memref<8x128x64xf32, #tpu.memory_space<vmem>> -> memref<1x128x64xf32, #tpu.memory_space<vmem>>
    %dma_start3A_1313 = tpu.memref_squeeze %dma_start3A_1312 : memref<1x128x64xf32, #tpu.memory_space<vmem>> -> memref<128x64xf32, #tpu.memory_space<vmem>>
    %dma_start3A_1314 = arith.constant 0 : i32
    %dma_start3A_1315 = tpu.memref_slice %arg9[%mul3A_1307, %dma_start3A_1314] : memref<327680x64xf32, #tpu.memory_space<hbm>> -> memref<128x64xf32, #tpu.memory_space<hbm>>
    %dma_start3A_1316 = tpu.memref_slice %arg13[%dma_start3A_1309] : memref<8x!tpu.dma_semaphore, #tpu.memory_space<semaphore_mem>> -> memref<1x!tpu.dma_semaphore, #tpu.memory_space<semaphore_mem>>
    %dma_start3A_1317 = tpu.memref_squeeze %dma_start3A_1316 : memref<1x!tpu.dma_semaphore, #tpu.memory_space<semaphore_mem>> -> memref<!tpu.dma_semaphore, #tpu.memory_space<semaphore_mem>>
    %dma_start3A_1318 = arith.constant 0 : i32
    %dma_start3A_1319 = tpu.memref_slice %arg9[%mul3A_1307, %dma_start3A_1318] : memref<327680x64xf32, #tpu.memory_space<hbm>> -> memref<128x64xf32, #tpu.memory_space<hbm>>
    %dma_start3A_1320 = arith.constant 0 : i32
    %dma_start3A_1321 = arith.constant 0 : i32
    %dma_start3A_1322 = tpu.memref_slice %arg11[%dma_start3A_1308, %dma_start3A_1320, %dma_start3A_1321] : memref<8x128x64xf32, #tpu.memory_space<vmem>> -> memref<1x128x64xf32, #tpu.memory_space<vmem>>
    %dma_start3A_1323 = tpu.memref_squeeze %dma_start3A_1322 : memref<1x128x64xf32, #tpu.memory_space<vmem>> -> memref<128x64xf32, #tpu.memory_space<vmem>>
    tpu.enqueue_dma source(%dma_start3A_1323 : memref<128x64xf32, #tpu.memory_space<vmem>>) target(%dma_start3A_1319 : memref<128x64xf32, #tpu.memory_space<hbm>>) target_semaphore(%dma_start3A_1317 : memref<!tpu.dma_semaphore, #tpu.memory_space<semaphore_mem>>)
    %dma_wait3A_1324 = arith.constant 6 : i32
    %dma_wait3A_1325 = arith.constant 6 : i32
    %dma_wait3A_1326 = arith.constant 0 : i32
    %dma_wait3A_1327 = arith.constant 0 : i32
    %dma_wait3A_1328 = tpu.memref_slice %arg11[%dma_wait3A_1324, %dma_wait3A_1326, %dma_wait3A_1327] : memref<8x128x64xf32, #tpu.memory_space<vmem>> -> memref<1x128x64xf32, #tpu.memory_space<vmem>>
    %dma_wait3A_1329 = tpu.memref_squeeze %dma_wait3A_1328 : memref<1x128x64xf32, #tpu.memory_space<vmem>> -> memref<128x64xf32, #tpu.memory_space<vmem>>
    %dma_wait3A_1330 = arith.constant 0 : i32
    %dma_wait3A_1331 = arith.constant 0 : i32
    %dma_wait3A_1332 = tpu.memref_slice %arg9[%dma_wait3A_1330, %dma_wait3A_1331] : memref<327680x64xf32, #tpu.memory_space<hbm>> -> memref<128x64xf32, #tpu.memory_space<hbm>>
    %dma_wait3A_1333 = tpu.memref_slice %arg13[%dma_wait3A_1325] : memref<8x!tpu.dma_semaphore, #tpu.memory_space<semaphore_mem>> -> memref<1x!tpu.dma_semaphore, #tpu.memory_space<semaphore_mem>>
    %dma_wait3A_1334 = tpu.memref_squeeze %dma_wait3A_1333 : memref<1x!tpu.dma_semaphore, #tpu.memory_space<semaphore_mem>> -> memref<!tpu.dma_semaphore, #tpu.memory_space<semaphore_mem>>
    %dma_wait3A_1335 = arith.constant 0 : i32
    %dma_wait3A_1336 = arith.constant 0 : i32
    %dma_wait3A_1337 = tpu.memref_slice %arg9[%dma_wait3A_1335, %dma_wait3A_1336] : memref<327680x64xf32, #tpu.memory_space<hbm>> -> memref<128x64xf32, #tpu.memory_space<hbm>>
    %dma_wait3A_1338 = arith.constant 0 : i32
    %dma_wait3A_1339 = arith.constant 0 : i32
    %dma_wait3A_1340 = tpu.memref_slice %arg11[%dma_wait3A_1324, %dma_wait3A_1338, %dma_wait3A_1339] : memref<8x128x64xf32, #tpu.memory_space<vmem>> -> memref<1x128x64xf32, #tpu.memory_space<vmem>>
    %dma_wait3A_1341 = tpu.memref_squeeze %dma_wait3A_1340 : memref<1x128x64xf32, #tpu.memory_space<vmem>> -> memref<128x64xf32, #tpu.memory_space<vmem>>
    tpu.wait_dma2 semaphore(%dma_wait3A_1334 : memref<!tpu.dma_semaphore, #tpu.memory_space<semaphore_mem>>) src(%dma_wait3A_1341 : memref<128x64xf32, #tpu.memory_space<vmem>>) dst(%dma_wait3A_1337 : memref<128x64xf32, #tpu.memory_space<hbm>>)
    %dma_start3A_1342 = arith.constant 86 : i32
    %dma_start3A_1343 = arith.constant 6 : i32
    %dma_start3A_1344 = arith.constant 6 : i32
    %dma_start3A_1345 = arith.constant 0 : i32
    %dma_start3A_1346 = arith.constant 0 : i32
    %dma_start3A_1347 = tpu.memref_slice %arg11[%dma_start3A_1343, %dma_start3A_1345, %dma_start3A_1346] : memref<8x128x64xf32, #tpu.memory_space<vmem>> -> memref<1x128x64xf32, #tpu.memory_space<vmem>>
    %dma_start3A_1348 = tpu.memref_squeeze %dma_start3A_1347 : memref<1x128x64xf32, #tpu.memory_space<vmem>> -> memref<128x64xf32, #tpu.memory_space<vmem>>
    %dma_start3A_1349 = arith.constant 0 : i32
    %dma_start3A_1350 = tpu.memref_slice %arg10[%dma_start3A_1342, %dma_start3A_1349] : memref<88x128xi32, #tpu.memory_space<vmem>> -> memref<1x128xi32, #tpu.memory_space<vmem>>
    %dma_start3A_1351 = tpu.memref_squeeze %dma_start3A_1350 : memref<1x128xi32, #tpu.memory_space<vmem>> -> memref<128xi32, #tpu.memory_space<vmem>>
    %dma_start3A_1352 = arith.constant 0 : i32
    %dma_start3A_1353 = arith.constant 0 : i32
    %dma_start3A_1354 = tpu.memref_slice %arg6[%dma_start3A_1352, %dma_start3A_1353] : memref<1000000x64xf32, #tpu.memory_space<hbm>> -> memref<1000000x64xf32, #tpu.memory_space<hbm>>
    %dma_start3A_1355 = tpu.memref_slice %arg12[%dma_start3A_1344] : memref<8x!tpu.dma_semaphore, #tpu.memory_space<semaphore_mem>> -> memref<1x!tpu.dma_semaphore, #tpu.memory_space<semaphore_mem>>
    %dma_start3A_1356 = tpu.memref_squeeze %dma_start3A_1355 : memref<1x!tpu.dma_semaphore, #tpu.memory_space<semaphore_mem>> -> memref<!tpu.dma_semaphore, #tpu.memory_space<semaphore_mem>>
    tpu.enqueue_indirect_dma source(%dma_start3A_1354 : memref<1000000x64xf32, #tpu.memory_space<hbm>>) target(%dma_start3A_1348 : memref<128x64xf32, #tpu.memory_space<vmem>>) offsets(%dma_start3A_1351 : memref<128xi32, #tpu.memory_space<vmem>>) semaphore(%dma_start3A_1356 : memref<!tpu.dma_semaphore, #tpu.memory_space<semaphore_mem>>)
    %dma_wait3A_1357 = arith.constant 83 : i32
    %dma_wait3A_1358 = arith.constant 3 : i32
    %dma_wait3A_1359 = arith.constant 3 : i32
    %dma_wait3A_1360 = arith.constant 0 : i32
    %dma_wait3A_1361 = arith.constant 0 : i32
    %dma_wait3A_1362 = tpu.memref_slice %arg11[%dma_wait3A_1358, %dma_wait3A_1360, %dma_wait3A_1361] : memref<8x128x64xf32, #tpu.memory_space<vmem>> -> memref<1x128x64xf32, #tpu.memory_space<vmem>>
    %dma_wait3A_1363 = tpu.memref_squeeze %dma_wait3A_1362 : memref<1x128x64xf32, #tpu.memory_space<vmem>> -> memref<128x64xf32, #tpu.memory_space<vmem>>
    %dma_wait3A_1364 = arith.constant 0 : i32
    %dma_wait3A_1365 = tpu.memref_slice %arg10[%dma_wait3A_1357, %dma_wait3A_1364] : memref<88x128xi32, #tpu.memory_space<vmem>> -> memref<1x128xi32, #tpu.memory_space<vmem>>
    %dma_wait3A_1366 = tpu.memref_squeeze %dma_wait3A_1365 : memref<1x128xi32, #tpu.memory_space<vmem>> -> memref<128xi32, #tpu.memory_space<vmem>>
    %dma_wait3A_1367 = arith.constant 0 : i32
    %dma_wait3A_1368 = arith.constant 0 : i32
    %dma_wait3A_1369 = tpu.memref_slice %arg6[%dma_wait3A_1367, %dma_wait3A_1368] : memref<1000000x64xf32, #tpu.memory_space<hbm>> -> memref<1000000x64xf32, #tpu.memory_space<hbm>>
    %dma_wait3A_1370 = tpu.memref_slice %arg12[%dma_wait3A_1359] : memref<8x!tpu.dma_semaphore, #tpu.memory_space<semaphore_mem>> -> memref<1x!tpu.dma_semaphore, #tpu.memory_space<semaphore_mem>>
    %dma_wait3A_1371 = tpu.memref_squeeze %dma_wait3A_1370 : memref<1x!tpu.dma_semaphore, #tpu.memory_space<semaphore_mem>> -> memref<!tpu.dma_semaphore, #tpu.memory_space<semaphore_mem>>
    tpu.wait_indirect_dma semaphore(%dma_wait3A_1371 : memref<!tpu.dma_semaphore, #tpu.memory_space<semaphore_mem>>) src(%dma_wait3A_1369 : memref<1000000x64xf32, #tpu.memory_space<hbm>>) dst(%dma_wait3A_1363 : memref<128x64xf32, #tpu.memory_space<vmem>>)
    %mul3A_1372 = arith.constant 80 : i32
    %mul3A_1373 = arith.muli %add3A, %mul3A_1372 : i32
    %add3A_1374 = arith.constant 83 : i32
    %add3A_1375 = arith.addi %mul3A_1373, %add3A_1374 : i32
    %sub3A_1376 = arith.constant 8 : i32
    %sub3A_1377 = arith.subi %add3A_1375, %sub3A_1376 : i32
    %mul3A_1378 = arith.constant 128 : i32
    %mul3A_1379 = arith.muli %sub3A_1377, %mul3A_1378 : i32
    %dma_start3A_1380 = arith.constant 3 : i32
    %dma_start3A_1381 = arith.constant 3 : i32
    %dma_start3A_1382 = arith.constant 0 : i32
    %dma_start3A_1383 = arith.constant 0 : i32
    %dma_start3A_1384 = tpu.memref_slice %arg11[%dma_start3A_1380, %dma_start3A_1382, %dma_start3A_1383] : memref<8x128x64xf32, #tpu.memory_space<vmem>> -> memref<1x128x64xf32, #tpu.memory_space<vmem>>
    %dma_start3A_1385 = tpu.memref_squeeze %dma_start3A_1384 : memref<1x128x64xf32, #tpu.memory_space<vmem>> -> memref<128x64xf32, #tpu.memory_space<vmem>>
    %dma_start3A_1386 = arith.constant 0 : i32
    %dma_start3A_1387 = tpu.memref_slice %arg9[%mul3A_1379, %dma_start3A_1386] : memref<327680x64xf32, #tpu.memory_space<hbm>> -> memref<128x64xf32, #tpu.memory_space<hbm>>
    %dma_start3A_1388 = tpu.memref_slice %arg13[%dma_start3A_1381] : memref<8x!tpu.dma_semaphore, #tpu.memory_space<semaphore_mem>> -> memref<1x!tpu.dma_semaphore, #tpu.memory_space<semaphore_mem>>
    %dma_start3A_1389 = tpu.memref_squeeze %dma_start3A_1388 : memref<1x!tpu.dma_semaphore, #tpu.memory_space<semaphore_mem>> -> memref<!tpu.dma_semaphore, #tpu.memory_space<semaphore_mem>>
    %dma_start3A_1390 = arith.constant 0 : i32
    %dma_start3A_1391 = tpu.memref_slice %arg9[%mul3A_1379, %dma_start3A_1390] : memref<327680x64xf32, #tpu.memory_space<hbm>> -> memref<128x64xf32, #tpu.memory_space<hbm>>
    %dma_start3A_1392 = arith.constant 0 : i32
    %dma_start3A_1393 = arith.constant 0 : i32
    %dma_start3A_1394 = tpu.memref_slice %arg11[%dma_start3A_1380, %dma_start3A_1392, %dma_start3A_1393] : memref<8x128x64xf32, #tpu.memory_space<vmem>> -> memref<1x128x64xf32, #tpu.memory_space<vmem>>
    %dma_start3A_1395 = tpu.memref_squeeze %dma_start3A_1394 : memref<1x128x64xf32, #tpu.memory_space<vmem>> -> memref<128x64xf32, #tpu.memory_space<vmem>>
    tpu.enqueue_dma source(%dma_start3A_1395 : memref<128x64xf32, #tpu.memory_space<vmem>>) target(%dma_start3A_1391 : memref<128x64xf32, #tpu.memory_space<hbm>>) target_semaphore(%dma_start3A_1389 : memref<!tpu.dma_semaphore, #tpu.memory_space<semaphore_mem>>)
    %dma_wait3A_1396 = arith.constant 7 : i32
    %dma_wait3A_1397 = arith.constant 7 : i32
    %dma_wait3A_1398 = arith.constant 0 : i32
    %dma_wait3A_1399 = arith.constant 0 : i32
    %dma_wait3A_1400 = tpu.memref_slice %arg11[%dma_wait3A_1396, %dma_wait3A_1398, %dma_wait3A_1399] : memref<8x128x64xf32, #tpu.memory_space<vmem>> -> memref<1x128x64xf32, #tpu.memory_space<vmem>>
    %dma_wait3A_1401 = tpu.memref_squeeze %dma_wait3A_1400 : memref<1x128x64xf32, #tpu.memory_space<vmem>> -> memref<128x64xf32, #tpu.memory_space<vmem>>
    %dma_wait3A_1402 = arith.constant 0 : i32
    %dma_wait3A_1403 = arith.constant 0 : i32
    %dma_wait3A_1404 = tpu.memref_slice %arg9[%dma_wait3A_1402, %dma_wait3A_1403] : memref<327680x64xf32, #tpu.memory_space<hbm>> -> memref<128x64xf32, #tpu.memory_space<hbm>>
    %dma_wait3A_1405 = tpu.memref_slice %arg13[%dma_wait3A_1397] : memref<8x!tpu.dma_semaphore, #tpu.memory_space<semaphore_mem>> -> memref<1x!tpu.dma_semaphore, #tpu.memory_space<semaphore_mem>>
    %dma_wait3A_1406 = tpu.memref_squeeze %dma_wait3A_1405 : memref<1x!tpu.dma_semaphore, #tpu.memory_space<semaphore_mem>> -> memref<!tpu.dma_semaphore, #tpu.memory_space<semaphore_mem>>
    %dma_wait3A_1407 = arith.constant 0 : i32
    %dma_wait3A_1408 = arith.constant 0 : i32
    %dma_wait3A_1409 = tpu.memref_slice %arg9[%dma_wait3A_1407, %dma_wait3A_1408] : memref<327680x64xf32, #tpu.memory_space<hbm>> -> memref<128x64xf32, #tpu.memory_space<hbm>>
    %dma_wait3A_1410 = arith.constant 0 : i32
    %dma_wait3A_1411 = arith.constant 0 : i32
    %dma_wait3A_1412 = tpu.memref_slice %arg11[%dma_wait3A_1396, %dma_wait3A_1410, %dma_wait3A_1411] : memref<8x128x64xf32, #tpu.memory_space<vmem>> -> memref<1x128x64xf32, #tpu.memory_space<vmem>>
    %dma_wait3A_1413 = tpu.memref_squeeze %dma_wait3A_1412 : memref<1x128x64xf32, #tpu.memory_space<vmem>> -> memref<128x64xf32, #tpu.memory_space<vmem>>
    tpu.wait_dma2 semaphore(%dma_wait3A_1406 : memref<!tpu.dma_semaphore, #tpu.memory_space<semaphore_mem>>) src(%dma_wait3A_1413 : memref<128x64xf32, #tpu.memory_space<vmem>>) dst(%dma_wait3A_1409 : memref<128x64xf32, #tpu.memory_space<hbm>>)
    %dma_start3A_1414 = arith.constant 87 : i32
    %dma_start3A_1415 = arith.constant 7 : i32
    %dma_start3A_1416 = arith.constant 7 : i32
    %dma_start3A_1417 = arith.constant 0 : i32
    %dma_start3A_1418 = arith.constant 0 : i32
    %dma_start3A_1419 = tpu.memref_slice %arg11[%dma_start3A_1415, %dma_start3A_1417, %dma_start3A_1418] : memref<8x128x64xf32, #tpu.memory_space<vmem>> -> memref<1x128x64xf32, #tpu.memory_space<vmem>>
    %dma_start3A_1420 = tpu.memref_squeeze %dma_start3A_1419 : memref<1x128x64xf32, #tpu.memory_space<vmem>> -> memref<128x64xf32, #tpu.memory_space<vmem>>
    %dma_start3A_1421 = arith.constant 0 : i32
    %dma_start3A_1422 = tpu.memref_slice %arg10[%dma_start3A_1414, %dma_start3A_1421] : memref<88x128xi32, #tpu.memory_space<vmem>> -> memref<1x128xi32, #tpu.memory_space<vmem>>
    %dma_start3A_1423 = tpu.memref_squeeze %dma_start3A_1422 : memref<1x128xi32, #tpu.memory_space<vmem>> -> memref<128xi32, #tpu.memory_space<vmem>>
    %dma_start3A_1424 = arith.constant 0 : i32
    %dma_start3A_1425 = arith.constant 0 : i32
    %dma_start3A_1426 = tpu.memref_slice %arg6[%dma_start3A_1424, %dma_start3A_1425] : memref<1000000x64xf32, #tpu.memory_space<hbm>> -> memref<1000000x64xf32, #tpu.memory_space<hbm>>
    %dma_start3A_1427 = tpu.memref_slice %arg12[%dma_start3A_1416] : memref<8x!tpu.dma_semaphore, #tpu.memory_space<semaphore_mem>> -> memref<1x!tpu.dma_semaphore, #tpu.memory_space<semaphore_mem>>
    %dma_start3A_1428 = tpu.memref_squeeze %dma_start3A_1427 : memref<1x!tpu.dma_semaphore, #tpu.memory_space<semaphore_mem>> -> memref<!tpu.dma_semaphore, #tpu.memory_space<semaphore_mem>>
    tpu.enqueue_indirect_dma source(%dma_start3A_1426 : memref<1000000x64xf32, #tpu.memory_space<hbm>>) target(%dma_start3A_1420 : memref<128x64xf32, #tpu.memory_space<vmem>>) offsets(%dma_start3A_1423 : memref<128xi32, #tpu.memory_space<vmem>>) semaphore(%dma_start3A_1428 : memref<!tpu.dma_semaphore, #tpu.memory_space<semaphore_mem>>)
    %dma_wait3A_1429 = arith.constant 84 : i32
    %dma_wait3A_1430 = arith.constant 4 : i32
    %dma_wait3A_1431 = arith.constant 4 : i32
    %dma_wait3A_1432 = arith.constant 0 : i32
    %dma_wait3A_1433 = arith.constant 0 : i32
    %dma_wait3A_1434 = tpu.memref_slice %arg11[%dma_wait3A_1430, %dma_wait3A_1432, %dma_wait3A_1433] : memref<8x128x64xf32, #tpu.memory_space<vmem>> -> memref<1x128x64xf32, #tpu.memory_space<vmem>>
    %dma_wait3A_1435 = tpu.memref_squeeze %dma_wait3A_1434 : memref<1x128x64xf32, #tpu.memory_space<vmem>> -> memref<128x64xf32, #tpu.memory_space<vmem>>
    %dma_wait3A_1436 = arith.constant 0 : i32
    %dma_wait3A_1437 = tpu.memref_slice %arg10[%dma_wait3A_1429, %dma_wait3A_1436] : memref<88x128xi32, #tpu.memory_space<vmem>> -> memref<1x128xi32, #tpu.memory_space<vmem>>
    %dma_wait3A_1438 = tpu.memref_squeeze %dma_wait3A_1437 : memref<1x128xi32, #tpu.memory_space<vmem>> -> memref<128xi32, #tpu.memory_space<vmem>>
    %dma_wait3A_1439 = arith.constant 0 : i32
    %dma_wait3A_1440 = arith.constant 0 : i32
    %dma_wait3A_1441 = tpu.memref_slice %arg6[%dma_wait3A_1439, %dma_wait3A_1440] : memref<1000000x64xf32, #tpu.memory_space<hbm>> -> memref<1000000x64xf32, #tpu.memory_space<hbm>>
    %dma_wait3A_1442 = tpu.memref_slice %arg12[%dma_wait3A_1431] : memref<8x!tpu.dma_semaphore, #tpu.memory_space<semaphore_mem>> -> memref<1x!tpu.dma_semaphore, #tpu.memory_space<semaphore_mem>>
    %dma_wait3A_1443 = tpu.memref_squeeze %dma_wait3A_1442 : memref<1x!tpu.dma_semaphore, #tpu.memory_space<semaphore_mem>> -> memref<!tpu.dma_semaphore, #tpu.memory_space<semaphore_mem>>
    tpu.wait_indirect_dma semaphore(%dma_wait3A_1443 : memref<!tpu.dma_semaphore, #tpu.memory_space<semaphore_mem>>) src(%dma_wait3A_1441 : memref<1000000x64xf32, #tpu.memory_space<hbm>>) dst(%dma_wait3A_1435 : memref<128x64xf32, #tpu.memory_space<vmem>>)
    %mul3A_1444 = arith.constant 80 : i32
    %mul3A_1445 = arith.muli %add3A, %mul3A_1444 : i32
    %add3A_1446 = arith.constant 84 : i32
    %add3A_1447 = arith.addi %mul3A_1445, %add3A_1446 : i32
    %sub3A_1448 = arith.constant 8 : i32
    %sub3A_1449 = arith.subi %add3A_1447, %sub3A_1448 : i32
    %mul3A_1450 = arith.constant 128 : i32
    %mul3A_1451 = arith.muli %sub3A_1449, %mul3A_1450 : i32
    %dma_start3A_1452 = arith.constant 4 : i32
    %dma_start3A_1453 = arith.constant 4 : i32
    %dma_start3A_1454 = arith.constant 0 : i32
    %dma_start3A_1455 = arith.constant 0 : i32
    %dma_start3A_1456 = tpu.memref_slice %arg11[%dma_start3A_1452, %dma_start3A_1454, %dma_start3A_1455] : memref<8x128x64xf32, #tpu.memory_space<vmem>> -> memref<1x128x64xf32, #tpu.memory_space<vmem>>
    %dma_start3A_1457 = tpu.memref_squeeze %dma_start3A_1456 : memref<1x128x64xf32, #tpu.memory_space<vmem>> -> memref<128x64xf32, #tpu.memory_space<vmem>>
    %dma_start3A_1458 = arith.constant 0 : i32
    %dma_start3A_1459 = tpu.memref_slice %arg9[%mul3A_1451, %dma_start3A_1458] : memref<327680x64xf32, #tpu.memory_space<hbm>> -> memref<128x64xf32, #tpu.memory_space<hbm>>
    %dma_start3A_1460 = tpu.memref_slice %arg13[%dma_start3A_1453] : memref<8x!tpu.dma_semaphore, #tpu.memory_space<semaphore_mem>> -> memref<1x!tpu.dma_semaphore, #tpu.memory_space<semaphore_mem>>
    %dma_start3A_1461 = tpu.memref_squeeze %dma_start3A_1460 : memref<1x!tpu.dma_semaphore, #tpu.memory_space<semaphore_mem>> -> memref<!tpu.dma_semaphore, #tpu.memory_space<semaphore_mem>>
    %dma_start3A_1462 = arith.constant 0 : i32
    %dma_start3A_1463 = tpu.memref_slice %arg9[%mul3A_1451, %dma_start3A_1462] : memref<327680x64xf32, #tpu.memory_space<hbm>> -> memref<128x64xf32, #tpu.memory_space<hbm>>
    %dma_start3A_1464 = arith.constant 0 : i32
    %dma_start3A_1465 = arith.constant 0 : i32
    %dma_start3A_1466 = tpu.memref_slice %arg11[%dma_start3A_1452, %dma_start3A_1464, %dma_start3A_1465] : memref<8x128x64xf32, #tpu.memory_space<vmem>> -> memref<1x128x64xf32, #tpu.memory_space<vmem>>
    %dma_start3A_1467 = tpu.memref_squeeze %dma_start3A_1466 : memref<1x128x64xf32, #tpu.memory_space<vmem>> -> memref<128x64xf32, #tpu.memory_space<vmem>>
    tpu.enqueue_dma source(%dma_start3A_1467 : memref<128x64xf32, #tpu.memory_space<vmem>>) target(%dma_start3A_1463 : memref<128x64xf32, #tpu.memory_space<hbm>>) target_semaphore(%dma_start3A_1461 : memref<!tpu.dma_semaphore, #tpu.memory_space<semaphore_mem>>)
    %dma_wait3A_1468 = arith.constant 0 : i32
    %dma_wait3A_1469 = arith.constant 0 : i32
    %dma_wait3A_1470 = arith.constant 0 : i32
    %dma_wait3A_1471 = arith.constant 0 : i32
    %dma_wait3A_1472 = tpu.memref_slice %arg11[%dma_wait3A_1468, %dma_wait3A_1470, %dma_wait3A_1471] : memref<8x128x64xf32, #tpu.memory_space<vmem>> -> memref<1x128x64xf32, #tpu.memory_space<vmem>>
    %dma_wait3A_1473 = tpu.memref_squeeze %dma_wait3A_1472 : memref<1x128x64xf32, #tpu.memory_space<vmem>> -> memref<128x64xf32, #tpu.memory_space<vmem>>
    %dma_wait3A_1474 = arith.constant 0 : i32
    %dma_wait3A_1475 = arith.constant 0 : i32
    %dma_wait3A_1476 = tpu.memref_slice %arg9[%dma_wait3A_1474, %dma_wait3A_1475] : memref<327680x64xf32, #tpu.memory_space<hbm>> -> memref<128x64xf32, #tpu.memory_space<hbm>>
    %dma_wait3A_1477 = tpu.memref_slice %arg13[%dma_wait3A_1469] : memref<8x!tpu.dma_semaphore, #tpu.memory_space<semaphore_mem>> -> memref<1x!tpu.dma_semaphore, #tpu.memory_space<semaphore_mem>>
    %dma_wait3A_1478 = tpu.memref_squeeze %dma_wait3A_1477 : memref<1x!tpu.dma_semaphore, #tpu.memory_space<semaphore_mem>> -> memref<!tpu.dma_semaphore, #tpu.memory_space<semaphore_mem>>
    %dma_wait3A_1479 = arith.constant 0 : i32
    %dma_wait3A_1480 = arith.constant 0 : i32
    %dma_wait3A_1481 = tpu.memref_slice %arg9[%dma_wait3A_1479, %dma_wait3A_1480] : memref<327680x64xf32, #tpu.memory_space<hbm>> -> memref<128x64xf32, #tpu.memory_space<hbm>>
    %dma_wait3A_1482 = arith.constant 0 : i32
    %dma_wait3A_1483 = arith.constant 0 : i32
    %dma_wait3A_1484 = tpu.memref_slice %arg11[%dma_wait3A_1468, %dma_wait3A_1482, %dma_wait3A_1483] : memref<8x128x64xf32, #tpu.memory_space<vmem>> -> memref<1x128x64xf32, #tpu.memory_space<vmem>>
    %dma_wait3A_1485 = tpu.memref_squeeze %dma_wait3A_1484 : memref<1x128x64xf32, #tpu.memory_space<vmem>> -> memref<128x64xf32, #tpu.memory_space<vmem>>
    tpu.wait_dma2 semaphore(%dma_wait3A_1478 : memref<!tpu.dma_semaphore, #tpu.memory_space<semaphore_mem>>) src(%dma_wait3A_1485 : memref<128x64xf32, #tpu.memory_space<vmem>>) dst(%dma_wait3A_1481 : memref<128x64xf32, #tpu.memory_space<hbm>>)
    %dma_wait3A_1486 = arith.constant 85 : i32
    %dma_wait3A_1487 = arith.constant 5 : i32
    %dma_wait3A_1488 = arith.constant 5 : i32
    %dma_wait3A_1489 = arith.constant 0 : i32
    %dma_wait3A_1490 = arith.constant 0 : i32
    %dma_wait3A_1491 = tpu.memref_slice %arg11[%dma_wait3A_1487, %dma_wait3A_1489, %dma_wait3A_1490] : memref<8x128x64xf32, #tpu.memory_space<vmem>> -> memref<1x128x64xf32, #tpu.memory_space<vmem>>
    %dma_wait3A_1492 = tpu.memref_squeeze %dma_wait3A_1491 : memref<1x128x64xf32, #tpu.memory_space<vmem>> -> memref<128x64xf32, #tpu.memory_space<vmem>>
    %dma_wait3A_1493 = arith.constant 0 : i32
    %dma_wait3A_1494 = tpu.memref_slice %arg10[%dma_wait3A_1486, %dma_wait3A_1493] : memref<88x128xi32, #tpu.memory_space<vmem>> -> memref<1x128xi32, #tpu.memory_space<vmem>>
    %dma_wait3A_1495 = tpu.memref_squeeze %dma_wait3A_1494 : memref<1x128xi32, #tpu.memory_space<vmem>> -> memref<128xi32, #tpu.memory_space<vmem>>
    %dma_wait3A_1496 = arith.constant 0 : i32
    %dma_wait3A_1497 = arith.constant 0 : i32
    %dma_wait3A_1498 = tpu.memref_slice %arg6[%dma_wait3A_1496, %dma_wait3A_1497] : memref<1000000x64xf32, #tpu.memory_space<hbm>> -> memref<1000000x64xf32, #tpu.memory_space<hbm>>
    %dma_wait3A_1499 = tpu.memref_slice %arg12[%dma_wait3A_1488] : memref<8x!tpu.dma_semaphore, #tpu.memory_space<semaphore_mem>> -> memref<1x!tpu.dma_semaphore, #tpu.memory_space<semaphore_mem>>
    %dma_wait3A_1500 = tpu.memref_squeeze %dma_wait3A_1499 : memref<1x!tpu.dma_semaphore, #tpu.memory_space<semaphore_mem>> -> memref<!tpu.dma_semaphore, #tpu.memory_space<semaphore_mem>>
    tpu.wait_indirect_dma semaphore(%dma_wait3A_1500 : memref<!tpu.dma_semaphore, #tpu.memory_space<semaphore_mem>>) src(%dma_wait3A_1498 : memref<1000000x64xf32, #tpu.memory_space<hbm>>) dst(%dma_wait3A_1492 : memref<128x64xf32, #tpu.memory_space<vmem>>)
    %mul3A_1501 = arith.constant 80 : i32
    %mul3A_1502 = arith.muli %add3A, %mul3A_1501 : i32
    %add3A_1503 = arith.constant 85 : i32
    %add3A_1504 = arith.addi %mul3A_1502, %add3A_1503 : i32
    %sub3A_1505 = arith.constant 8 : i32
    %sub3A_1506 = arith.subi %add3A_1504, %sub3A_1505 : i32
    %mul3A_1507 = arith.constant 128 : i32
    %mul3A_1508 = arith.muli %sub3A_1506, %mul3A_1507 : i32
    %dma_start3A_1509 = arith.constant 5 : i32
    %dma_start3A_1510 = arith.constant 5 : i32
    %dma_start3A_1511 = arith.constant 0 : i32
    %dma_start3A_1512 = arith.constant 0 : i32
    %dma_start3A_1513 = tpu.memref_slice %arg11[%dma_start3A_1509, %dma_start3A_1511, %dma_start3A_1512] : memref<8x128x64xf32, #tpu.memory_space<vmem>> -> memref<1x128x64xf32, #tpu.memory_space<vmem>>
    %dma_start3A_1514 = tpu.memref_squeeze %dma_start3A_1513 : memref<1x128x64xf32, #tpu.memory_space<vmem>> -> memref<128x64xf32, #tpu.memory_space<vmem>>
    %dma_start3A_1515 = arith.constant 0 : i32
    %dma_start3A_1516 = tpu.memref_slice %arg9[%mul3A_1508, %dma_start3A_1515] : memref<327680x64xf32, #tpu.memory_space<hbm>> -> memref<128x64xf32, #tpu.memory_space<hbm>>
    %dma_start3A_1517 = tpu.memref_slice %arg13[%dma_start3A_1510] : memref<8x!tpu.dma_semaphore, #tpu.memory_space<semaphore_mem>> -> memref<1x!tpu.dma_semaphore, #tpu.memory_space<semaphore_mem>>
    %dma_start3A_1518 = tpu.memref_squeeze %dma_start3A_1517 : memref<1x!tpu.dma_semaphore, #tpu.memory_space<semaphore_mem>> -> memref<!tpu.dma_semaphore, #tpu.memory_space<semaphore_mem>>
    %dma_start3A_1519 = arith.constant 0 : i32
    %dma_start3A_1520 = tpu.memref_slice %arg9[%mul3A_1508, %dma_start3A_1519] : memref<327680x64xf32, #tpu.memory_space<hbm>> -> memref<128x64xf32, #tpu.memory_space<hbm>>
    %dma_start3A_1521 = arith.constant 0 : i32
    %dma_start3A_1522 = arith.constant 0 : i32
    %dma_start3A_1523 = tpu.memref_slice %arg11[%dma_start3A_1509, %dma_start3A_1521, %dma_start3A_1522] : memref<8x128x64xf32, #tpu.memory_space<vmem>> -> memref<1x128x64xf32, #tpu.memory_space<vmem>>
    %dma_start3A_1524 = tpu.memref_squeeze %dma_start3A_1523 : memref<1x128x64xf32, #tpu.memory_space<vmem>> -> memref<128x64xf32, #tpu.memory_space<vmem>>
    tpu.enqueue_dma source(%dma_start3A_1524 : memref<128x64xf32, #tpu.memory_space<vmem>>) target(%dma_start3A_1520 : memref<128x64xf32, #tpu.memory_space<hbm>>) target_semaphore(%dma_start3A_1518 : memref<!tpu.dma_semaphore, #tpu.memory_space<semaphore_mem>>)
    %dma_wait3A_1525 = arith.constant 1 : i32
    %dma_wait3A_1526 = arith.constant 1 : i32
    %dma_wait3A_1527 = arith.constant 0 : i32
    %dma_wait3A_1528 = arith.constant 0 : i32
    %dma_wait3A_1529 = tpu.memref_slice %arg11[%dma_wait3A_1525, %dma_wait3A_1527, %dma_wait3A_1528] : memref<8x128x64xf32, #tpu.memory_space<vmem>> -> memref<1x128x64xf32, #tpu.memory_space<vmem>>
    %dma_wait3A_1530 = tpu.memref_squeeze %dma_wait3A_1529 : memref<1x128x64xf32, #tpu.memory_space<vmem>> -> memref<128x64xf32, #tpu.memory_space<vmem>>
    %dma_wait3A_1531 = arith.constant 0 : i32
    %dma_wait3A_1532 = arith.constant 0 : i32
    %dma_wait3A_1533 = tpu.memref_slice %arg9[%dma_wait3A_1531, %dma_wait3A_1532] : memref<327680x64xf32, #tpu.memory_space<hbm>> -> memref<128x64xf32, #tpu.memory_space<hbm>>
    %dma_wait3A_1534 = tpu.memref_slice %arg13[%dma_wait3A_1526] : memref<8x!tpu.dma_semaphore, #tpu.memory_space<semaphore_mem>> -> memref<1x!tpu.dma_semaphore, #tpu.memory_space<semaphore_mem>>
    %dma_wait3A_1535 = tpu.memref_squeeze %dma_wait3A_1534 : memref<1x!tpu.dma_semaphore, #tpu.memory_space<semaphore_mem>> -> memref<!tpu.dma_semaphore, #tpu.memory_space<semaphore_mem>>
    %dma_wait3A_1536 = arith.constant 0 : i32
    %dma_wait3A_1537 = arith.constant 0 : i32
    %dma_wait3A_1538 = tpu.memref_slice %arg9[%dma_wait3A_1536, %dma_wait3A_1537] : memref<327680x64xf32, #tpu.memory_space<hbm>> -> memref<128x64xf32, #tpu.memory_space<hbm>>
    %dma_wait3A_1539 = arith.constant 0 : i32
    %dma_wait3A_1540 = arith.constant 0 : i32
    %dma_wait3A_1541 = tpu.memref_slice %arg11[%dma_wait3A_1525, %dma_wait3A_1539, %dma_wait3A_1540] : memref<8x128x64xf32, #tpu.memory_space<vmem>> -> memref<1x128x64xf32, #tpu.memory_space<vmem>>
    %dma_wait3A_1542 = tpu.memref_squeeze %dma_wait3A_1541 : memref<1x128x64xf32, #tpu.memory_space<vmem>> -> memref<128x64xf32, #tpu.memory_space<vmem>>
    tpu.wait_dma2 semaphore(%dma_wait3A_1535 : memref<!tpu.dma_semaphore, #tpu.memory_space<semaphore_mem>>) src(%dma_wait3A_1542 : memref<128x64xf32, #tpu.memory_space<vmem>>) dst(%dma_wait3A_1538 : memref<128x64xf32, #tpu.memory_space<hbm>>)
    %dma_wait3A_1543 = arith.constant 86 : i32
    %dma_wait3A_1544 = arith.constant 6 : i32
    %dma_wait3A_1545 = arith.constant 6 : i32
    %dma_wait3A_1546 = arith.constant 0 : i32
    %dma_wait3A_1547 = arith.constant 0 : i32
    %dma_wait3A_1548 = tpu.memref_slice %arg11[%dma_wait3A_1544, %dma_wait3A_1546, %dma_wait3A_1547] : memref<8x128x64xf32, #tpu.memory_space<vmem>> -> memref<1x128x64xf32, #tpu.memory_space<vmem>>
    %dma_wait3A_1549 = tpu.memref_squeeze %dma_wait3A_1548 : memref<1x128x64xf32, #tpu.memory_space<vmem>> -> memref<128x64xf32, #tpu.memory_space<vmem>>
    %dma_wait3A_1550 = arith.constant 0 : i32
    %dma_wait3A_1551 = tpu.memref_slice %arg10[%dma_wait3A_1543, %dma_wait3A_1550] : memref<88x128xi32, #tpu.memory_space<vmem>> -> memref<1x128xi32, #tpu.memory_space<vmem>>
    %dma_wait3A_1552 = tpu.memref_squeeze %dma_wait3A_1551 : memref<1x128xi32, #tpu.memory_space<vmem>> -> memref<128xi32, #tpu.memory_space<vmem>>
    %dma_wait3A_1553 = arith.constant 0 : i32
    %dma_wait3A_1554 = arith.constant 0 : i32
    %dma_wait3A_1555 = tpu.memref_slice %arg6[%dma_wait3A_1553, %dma_wait3A_1554] : memref<1000000x64xf32, #tpu.memory_space<hbm>> -> memref<1000000x64xf32, #tpu.memory_space<hbm>>
    %dma_wait3A_1556 = tpu.memref_slice %arg12[%dma_wait3A_1545] : memref<8x!tpu.dma_semaphore, #tpu.memory_space<semaphore_mem>> -> memref<1x!tpu.dma_semaphore, #tpu.memory_space<semaphore_mem>>
    %dma_wait3A_1557 = tpu.memref_squeeze %dma_wait3A_1556 : memref<1x!tpu.dma_semaphore, #tpu.memory_space<semaphore_mem>> -> memref<!tpu.dma_semaphore, #tpu.memory_space<semaphore_mem>>
    tpu.wait_indirect_dma semaphore(%dma_wait3A_1557 : memref<!tpu.dma_semaphore, #tpu.memory_space<semaphore_mem>>) src(%dma_wait3A_1555 : memref<1000000x64xf32, #tpu.memory_space<hbm>>) dst(%dma_wait3A_1549 : memref<128x64xf32, #tpu.memory_space<vmem>>)
    %mul3A_1558 = arith.constant 80 : i32
    %mul3A_1559 = arith.muli %add3A, %mul3A_1558 : i32
    %add3A_1560 = arith.constant 86 : i32
    %add3A_1561 = arith.addi %mul3A_1559, %add3A_1560 : i32
    %sub3A_1562 = arith.constant 8 : i32
    %sub3A_1563 = arith.subi %add3A_1561, %sub3A_1562 : i32
    %mul3A_1564 = arith.constant 128 : i32
    %mul3A_1565 = arith.muli %sub3A_1563, %mul3A_1564 : i32
    %dma_start3A_1566 = arith.constant 6 : i32
    %dma_start3A_1567 = arith.constant 6 : i32
    %dma_start3A_1568 = arith.constant 0 : i32
    %dma_start3A_1569 = arith.constant 0 : i32
    %dma_start3A_1570 = tpu.memref_slice %arg11[%dma_start3A_1566, %dma_start3A_1568, %dma_start3A_1569] : memref<8x128x64xf32, #tpu.memory_space<vmem>> -> memref<1x128x64xf32, #tpu.memory_space<vmem>>
    %dma_start3A_1571 = tpu.memref_squeeze %dma_start3A_1570 : memref<1x128x64xf32, #tpu.memory_space<vmem>> -> memref<128x64xf32, #tpu.memory_space<vmem>>
    %dma_start3A_1572 = arith.constant 0 : i32
    %dma_start3A_1573 = tpu.memref_slice %arg9[%mul3A_1565, %dma_start3A_1572] : memref<327680x64xf32, #tpu.memory_space<hbm>> -> memref<128x64xf32, #tpu.memory_space<hbm>>
    %dma_start3A_1574 = tpu.memref_slice %arg13[%dma_start3A_1567] : memref<8x!tpu.dma_semaphore, #tpu.memory_space<semaphore_mem>> -> memref<1x!tpu.dma_semaphore, #tpu.memory_space<semaphore_mem>>
    %dma_start3A_1575 = tpu.memref_squeeze %dma_start3A_1574 : memref<1x!tpu.dma_semaphore, #tpu.memory_space<semaphore_mem>> -> memref<!tpu.dma_semaphore, #tpu.memory_space<semaphore_mem>>
    %dma_start3A_1576 = arith.constant 0 : i32
    %dma_start3A_1577 = tpu.memref_slice %arg9[%mul3A_1565, %dma_start3A_1576] : memref<327680x64xf32, #tpu.memory_space<hbm>> -> memref<128x64xf32, #tpu.memory_space<hbm>>
    %dma_start3A_1578 = arith.constant 0 : i32
    %dma_start3A_1579 = arith.constant 0 : i32
    %dma_start3A_1580 = tpu.memref_slice %arg11[%dma_start3A_1566, %dma_start3A_1578, %dma_start3A_1579] : memref<8x128x64xf32, #tpu.memory_space<vmem>> -> memref<1x128x64xf32, #tpu.memory_space<vmem>>
    %dma_start3A_1581 = tpu.memref_squeeze %dma_start3A_1580 : memref<1x128x64xf32, #tpu.memory_space<vmem>> -> memref<128x64xf32, #tpu.memory_space<vmem>>
    tpu.enqueue_dma source(%dma_start3A_1581 : memref<128x64xf32, #tpu.memory_space<vmem>>) target(%dma_start3A_1577 : memref<128x64xf32, #tpu.memory_space<hbm>>) target_semaphore(%dma_start3A_1575 : memref<!tpu.dma_semaphore, #tpu.memory_space<semaphore_mem>>)
    %dma_wait3A_1582 = arith.constant 2 : i32
    %dma_wait3A_1583 = arith.constant 2 : i32
    %dma_wait3A_1584 = arith.constant 0 : i32
    %dma_wait3A_1585 = arith.constant 0 : i32
    %dma_wait3A_1586 = tpu.memref_slice %arg11[%dma_wait3A_1582, %dma_wait3A_1584, %dma_wait3A_1585] : memref<8x128x64xf32, #tpu.memory_space<vmem>> -> memref<1x128x64xf32, #tpu.memory_space<vmem>>
    %dma_wait3A_1587 = tpu.memref_squeeze %dma_wait3A_1586 : memref<1x128x64xf32, #tpu.memory_space<vmem>> -> memref<128x64xf32, #tpu.memory_space<vmem>>
    %dma_wait3A_1588 = arith.constant 0 : i32
    %dma_wait3A_1589 = arith.constant 0 : i32
    %dma_wait3A_1590 = tpu.memref_slice %arg9[%dma_wait3A_1588, %dma_wait3A_1589] : memref<327680x64xf32, #tpu.memory_space<hbm>> -> memref<128x64xf32, #tpu.memory_space<hbm>>
    %dma_wait3A_1591 = tpu.memref_slice %arg13[%dma_wait3A_1583] : memref<8x!tpu.dma_semaphore, #tpu.memory_space<semaphore_mem>> -> memref<1x!tpu.dma_semaphore, #tpu.memory_space<semaphore_mem>>
    %dma_wait3A_1592 = tpu.memref_squeeze %dma_wait3A_1591 : memref<1x!tpu.dma_semaphore, #tpu.memory_space<semaphore_mem>> -> memref<!tpu.dma_semaphore, #tpu.memory_space<semaphore_mem>>
    %dma_wait3A_1593 = arith.constant 0 : i32
    %dma_wait3A_1594 = arith.constant 0 : i32
    %dma_wait3A_1595 = tpu.memref_slice %arg9[%dma_wait3A_1593, %dma_wait3A_1594] : memref<327680x64xf32, #tpu.memory_space<hbm>> -> memref<128x64xf32, #tpu.memory_space<hbm>>
    %dma_wait3A_1596 = arith.constant 0 : i32
    %dma_wait3A_1597 = arith.constant 0 : i32
    %dma_wait3A_1598 = tpu.memref_slice %arg11[%dma_wait3A_1582, %dma_wait3A_1596, %dma_wait3A_1597] : memref<8x128x64xf32, #tpu.memory_space<vmem>> -> memref<1x128x64xf32, #tpu.memory_space<vmem>>
    %dma_wait3A_1599 = tpu.memref_squeeze %dma_wait3A_1598 : memref<1x128x64xf32, #tpu.memory_space<vmem>> -> memref<128x64xf32, #tpu.memory_space<vmem>>
    tpu.wait_dma2 semaphore(%dma_wait3A_1592 : memref<!tpu.dma_semaphore, #tpu.memory_space<semaphore_mem>>) src(%dma_wait3A_1599 : memref<128x64xf32, #tpu.memory_space<vmem>>) dst(%dma_wait3A_1595 : memref<128x64xf32, #tpu.memory_space<hbm>>)
    %dma_wait3A_1600 = arith.constant 87 : i32
    %dma_wait3A_1601 = arith.constant 7 : i32
    %dma_wait3A_1602 = arith.constant 7 : i32
    %dma_wait3A_1603 = arith.constant 0 : i32
    %dma_wait3A_1604 = arith.constant 0 : i32
    %dma_wait3A_1605 = tpu.memref_slice %arg11[%dma_wait3A_1601, %dma_wait3A_1603, %dma_wait3A_1604] : memref<8x128x64xf32, #tpu.memory_space<vmem>> -> memref<1x128x64xf32, #tpu.memory_space<vmem>>
    %dma_wait3A_1606 = tpu.memref_squeeze %dma_wait3A_1605 : memref<1x128x64xf32, #tpu.memory_space<vmem>> -> memref<128x64xf32, #tpu.memory_space<vmem>>
    %dma_wait3A_1607 = arith.constant 0 : i32
    %dma_wait3A_1608 = tpu.memref_slice %arg10[%dma_wait3A_1600, %dma_wait3A_1607] : memref<88x128xi32, #tpu.memory_space<vmem>> -> memref<1x128xi32, #tpu.memory_space<vmem>>
    %dma_wait3A_1609 = tpu.memref_squeeze %dma_wait3A_1608 : memref<1x128xi32, #tpu.memory_space<vmem>> -> memref<128xi32, #tpu.memory_space<vmem>>
    %dma_wait3A_1610 = arith.constant 0 : i32
    %dma_wait3A_1611 = arith.constant 0 : i32
    %dma_wait3A_1612 = tpu.memref_slice %arg6[%dma_wait3A_1610, %dma_wait3A_1611] : memref<1000000x64xf32, #tpu.memory_space<hbm>> -> memref<1000000x64xf32, #tpu.memory_space<hbm>>
    %dma_wait3A_1613 = tpu.memref_slice %arg12[%dma_wait3A_1602] : memref<8x!tpu.dma_semaphore, #tpu.memory_space<semaphore_mem>> -> memref<1x!tpu.dma_semaphore, #tpu.memory_space<semaphore_mem>>
    %dma_wait3A_1614 = tpu.memref_squeeze %dma_wait3A_1613 : memref<1x!tpu.dma_semaphore, #tpu.memory_space<semaphore_mem>> -> memref<!tpu.dma_semaphore, #tpu.memory_space<semaphore_mem>>
    tpu.wait_indirect_dma semaphore(%dma_wait3A_1614 : memref<!tpu.dma_semaphore, #tpu.memory_space<semaphore_mem>>) src(%dma_wait3A_1612 : memref<1000000x64xf32, #tpu.memory_space<hbm>>) dst(%dma_wait3A_1606 : memref<128x64xf32, #tpu.memory_space<vmem>>)
    %mul3A_1615 = arith.constant 80 : i32
    %mul3A_1616 = arith.muli %add3A, %mul3A_1615 : i32
    %add3A_1617 = arith.constant 87 : i32
    %add3A_1618 = arith.addi %mul3A_1616, %add3A_1617 : i32
    %sub3A_1619 = arith.constant 8 : i32
    %sub3A_1620 = arith.subi %add3A_1618, %sub3A_1619 : i32
    %mul3A_1621 = arith.constant 128 : i32
    %mul3A_1622 = arith.muli %sub3A_1620, %mul3A_1621 : i32
    %dma_start3A_1623 = arith.constant 7 : i32
    %dma_start3A_1624 = arith.constant 7 : i32
    %dma_start3A_1625 = arith.constant 0 : i32
    %dma_start3A_1626 = arith.constant 0 : i32
    %dma_start3A_1627 = tpu.memref_slice %arg11[%dma_start3A_1623, %dma_start3A_1625, %dma_start3A_1626] : memref<8x128x64xf32, #tpu.memory_space<vmem>> -> memref<1x128x64xf32, #tpu.memory_space<vmem>>
    %dma_start3A_1628 = tpu.memref_squeeze %dma_start3A_1627 : memref<1x128x64xf32, #tpu.memory_space<vmem>> -> memref<128x64xf32, #tpu.memory_space<vmem>>
    %dma_start3A_1629 = arith.constant 0 : i32
    %dma_start3A_1630 = tpu.memref_slice %arg9[%mul3A_1622, %dma_start3A_1629] : memref<327680x64xf32, #tpu.memory_space<hbm>> -> memref<128x64xf32, #tpu.memory_space<hbm>>
    %dma_start3A_1631 = tpu.memref_slice %arg13[%dma_start3A_1624] : memref<8x!tpu.dma_semaphore, #tpu.memory_space<semaphore_mem>> -> memref<1x!tpu.dma_semaphore, #tpu.memory_space<semaphore_mem>>
    %dma_start3A_1632 = tpu.memref_squeeze %dma_start3A_1631 : memref<1x!tpu.dma_semaphore, #tpu.memory_space<semaphore_mem>> -> memref<!tpu.dma_semaphore, #tpu.memory_space<semaphore_mem>>
    %dma_start3A_1633 = arith.constant 0 : i32
    %dma_start3A_1634 = tpu.memref_slice %arg9[%mul3A_1622, %dma_start3A_1633] : memref<327680x64xf32, #tpu.memory_space<hbm>> -> memref<128x64xf32, #tpu.memory_space<hbm>>
    %dma_start3A_1635 = arith.constant 0 : i32
    %dma_start3A_1636 = arith.constant 0 : i32
    %dma_start3A_1637 = tpu.memref_slice %arg11[%dma_start3A_1623, %dma_start3A_1635, %dma_start3A_1636] : memref<8x128x64xf32, #tpu.memory_space<vmem>> -> memref<1x128x64xf32, #tpu.memory_space<vmem>>
    %dma_start3A_1638 = tpu.memref_squeeze %dma_start3A_1637 : memref<1x128x64xf32, #tpu.memory_space<vmem>> -> memref<128x64xf32, #tpu.memory_space<vmem>>
    tpu.enqueue_dma source(%dma_start3A_1638 : memref<128x64xf32, #tpu.memory_space<vmem>>) target(%dma_start3A_1634 : memref<128x64xf32, #tpu.memory_space<hbm>>) target_semaphore(%dma_start3A_1632 : memref<!tpu.dma_semaphore, #tpu.memory_space<semaphore_mem>>)
    %dma_wait3A_1639 = arith.constant 3 : i32
    %dma_wait3A_1640 = arith.constant 3 : i32
    %dma_wait3A_1641 = arith.constant 0 : i32
    %dma_wait3A_1642 = arith.constant 0 : i32
    %dma_wait3A_1643 = tpu.memref_slice %arg11[%dma_wait3A_1639, %dma_wait3A_1641, %dma_wait3A_1642] : memref<8x128x64xf32, #tpu.memory_space<vmem>> -> memref<1x128x64xf32, #tpu.memory_space<vmem>>
    %dma_wait3A_1644 = tpu.memref_squeeze %dma_wait3A_1643 : memref<1x128x64xf32, #tpu.memory_space<vmem>> -> memref<128x64xf32, #tpu.memory_space<vmem>>
    %dma_wait3A_1645 = arith.constant 0 : i32
    %dma_wait3A_1646 = arith.constant 0 : i32
    %dma_wait3A_1647 = tpu.memref_slice %arg9[%dma_wait3A_1645, %dma_wait3A_1646] : memref<327680x64xf32, #tpu.memory_space<hbm>> -> memref<128x64xf32, #tpu.memory_space<hbm>>
    %dma_wait3A_1648 = tpu.memref_slice %arg13[%dma_wait3A_1640] : memref<8x!tpu.dma_semaphore, #tpu.memory_space<semaphore_mem>> -> memref<1x!tpu.dma_semaphore, #tpu.memory_space<semaphore_mem>>
    %dma_wait3A_1649 = tpu.memref_squeeze %dma_wait3A_1648 : memref<1x!tpu.dma_semaphore, #tpu.memory_space<semaphore_mem>> -> memref<!tpu.dma_semaphore, #tpu.memory_space<semaphore_mem>>
    %dma_wait3A_1650 = arith.constant 0 : i32
    %dma_wait3A_1651 = arith.constant 0 : i32
    %dma_wait3A_1652 = tpu.memref_slice %arg9[%dma_wait3A_1650, %dma_wait3A_1651] : memref<327680x64xf32, #tpu.memory_space<hbm>> -> memref<128x64xf32, #tpu.memory_space<hbm>>
    %dma_wait3A_1653 = arith.constant 0 : i32
    %dma_wait3A_1654 = arith.constant 0 : i32
    %dma_wait3A_1655 = tpu.memref_slice %arg11[%dma_wait3A_1639, %dma_wait3A_1653, %dma_wait3A_1654] : memref<8x128x64xf32, #tpu.memory_space<vmem>> -> memref<1x128x64xf32, #tpu.memory_space<vmem>>
    %dma_wait3A_1656 = tpu.memref_squeeze %dma_wait3A_1655 : memref<1x128x64xf32, #tpu.memory_space<vmem>> -> memref<128x64xf32, #tpu.memory_space<vmem>>
    tpu.wait_dma2 semaphore(%dma_wait3A_1649 : memref<!tpu.dma_semaphore, #tpu.memory_space<semaphore_mem>>) src(%dma_wait3A_1656 : memref<128x64xf32, #tpu.memory_space<vmem>>) dst(%dma_wait3A_1652 : memref<128x64xf32, #tpu.memory_space<hbm>>)
    %dma_wait3A_1657 = arith.constant 4 : i32
    %dma_wait3A_1658 = arith.constant 4 : i32
    %dma_wait3A_1659 = arith.constant 0 : i32
    %dma_wait3A_1660 = arith.constant 0 : i32
    %dma_wait3A_1661 = tpu.memref_slice %arg11[%dma_wait3A_1657, %dma_wait3A_1659, %dma_wait3A_1660] : memref<8x128x64xf32, #tpu.memory_space<vmem>> -> memref<1x128x64xf32, #tpu.memory_space<vmem>>
    %dma_wait3A_1662 = tpu.memref_squeeze %dma_wait3A_1661 : memref<1x128x64xf32, #tpu.memory_space<vmem>> -> memref<128x64xf32, #tpu.memory_space<vmem>>
    %dma_wait3A_1663 = arith.constant 0 : i32
    %dma_wait3A_1664 = arith.constant 0 : i32
    %dma_wait3A_1665 = tpu.memref_slice %arg9[%dma_wait3A_1663, %dma_wait3A_1664] : memref<327680x64xf32, #tpu.memory_space<hbm>> -> memref<128x64xf32, #tpu.memory_space<hbm>>
    %dma_wait3A_1666 = tpu.memref_slice %arg13[%dma_wait3A_1658] : memref<8x!tpu.dma_semaphore, #tpu.memory_space<semaphore_mem>> -> memref<1x!tpu.dma_semaphore, #tpu.memory_space<semaphore_mem>>
    %dma_wait3A_1667 = tpu.memref_squeeze %dma_wait3A_1666 : memref<1x!tpu.dma_semaphore, #tpu.memory_space<semaphore_mem>> -> memref<!tpu.dma_semaphore, #tpu.memory_space<semaphore_mem>>
    %dma_wait3A_1668 = arith.constant 0 : i32
    %dma_wait3A_1669 = arith.constant 0 : i32
    %dma_wait3A_1670 = tpu.memref_slice %arg9[%dma_wait3A_1668, %dma_wait3A_1669] : memref<327680x64xf32, #tpu.memory_space<hbm>> -> memref<128x64xf32, #tpu.memory_space<hbm>>
    %dma_wait3A_1671 = arith.constant 0 : i32
    %dma_wait3A_1672 = arith.constant 0 : i32
    %dma_wait3A_1673 = tpu.memref_slice %arg11[%dma_wait3A_1657, %dma_wait3A_1671, %dma_wait3A_1672] : memref<8x128x64xf32, #tpu.memory_space<vmem>> -> memref<1x128x64xf32, #tpu.memory_space<vmem>>
    %dma_wait3A_1674 = tpu.memref_squeeze %dma_wait3A_1673 : memref<1x128x64xf32, #tpu.memory_space<vmem>> -> memref<128x64xf32, #tpu.memory_space<vmem>>
    tpu.wait_dma2 semaphore(%dma_wait3A_1667 : memref<!tpu.dma_semaphore, #tpu.memory_space<semaphore_mem>>) src(%dma_wait3A_1674 : memref<128x64xf32, #tpu.memory_space<vmem>>) dst(%dma_wait3A_1670 : memref<128x64xf32, #tpu.memory_space<hbm>>)
    %dma_wait3A_1675 = arith.constant 5 : i32
    %dma_wait3A_1676 = arith.constant 5 : i32
    %dma_wait3A_1677 = arith.constant 0 : i32
    %dma_wait3A_1678 = arith.constant 0 : i32
    %dma_wait3A_1679 = tpu.memref_slice %arg11[%dma_wait3A_1675, %dma_wait3A_1677, %dma_wait3A_1678] : memref<8x128x64xf32, #tpu.memory_space<vmem>> -> memref<1x128x64xf32, #tpu.memory_space<vmem>>
    %dma_wait3A_1680 = tpu.memref_squeeze %dma_wait3A_1679 : memref<1x128x64xf32, #tpu.memory_space<vmem>> -> memref<128x64xf32, #tpu.memory_space<vmem>>
    %dma_wait3A_1681 = arith.constant 0 : i32
    %dma_wait3A_1682 = arith.constant 0 : i32
    %dma_wait3A_1683 = tpu.memref_slice %arg9[%dma_wait3A_1681, %dma_wait3A_1682] : memref<327680x64xf32, #tpu.memory_space<hbm>> -> memref<128x64xf32, #tpu.memory_space<hbm>>
    %dma_wait3A_1684 = tpu.memref_slice %arg13[%dma_wait3A_1676] : memref<8x!tpu.dma_semaphore, #tpu.memory_space<semaphore_mem>> -> memref<1x!tpu.dma_semaphore, #tpu.memory_space<semaphore_mem>>
    %dma_wait3A_1685 = tpu.memref_squeeze %dma_wait3A_1684 : memref<1x!tpu.dma_semaphore, #tpu.memory_space<semaphore_mem>> -> memref<!tpu.dma_semaphore, #tpu.memory_space<semaphore_mem>>
    %dma_wait3A_1686 = arith.constant 0 : i32
    %dma_wait3A_1687 = arith.constant 0 : i32
    %dma_wait3A_1688 = tpu.memref_slice %arg9[%dma_wait3A_1686, %dma_wait3A_1687] : memref<327680x64xf32, #tpu.memory_space<hbm>> -> memref<128x64xf32, #tpu.memory_space<hbm>>
    %dma_wait3A_1689 = arith.constant 0 : i32
    %dma_wait3A_1690 = arith.constant 0 : i32
    %dma_wait3A_1691 = tpu.memref_slice %arg11[%dma_wait3A_1675, %dma_wait3A_1689, %dma_wait3A_1690] : memref<8x128x64xf32, #tpu.memory_space<vmem>> -> memref<1x128x64xf32, #tpu.memory_space<vmem>>
    %dma_wait3A_1692 = tpu.memref_squeeze %dma_wait3A_1691 : memref<1x128x64xf32, #tpu.memory_space<vmem>> -> memref<128x64xf32, #tpu.memory_space<vmem>>
    tpu.wait_dma2 semaphore(%dma_wait3A_1685 : memref<!tpu.dma_semaphore, #tpu.memory_space<semaphore_mem>>) src(%dma_wait3A_1692 : memref<128x64xf32, #tpu.memory_space<vmem>>) dst(%dma_wait3A_1688 : memref<128x64xf32, #tpu.memory_space<hbm>>)
    %dma_wait3A_1693 = arith.constant 6 : i32
    %dma_wait3A_1694 = arith.constant 6 : i32
    %dma_wait3A_1695 = arith.constant 0 : i32
    %dma_wait3A_1696 = arith.constant 0 : i32
    %dma_wait3A_1697 = tpu.memref_slice %arg11[%dma_wait3A_1693, %dma_wait3A_1695, %dma_wait3A_1696] : memref<8x128x64xf32, #tpu.memory_space<vmem>> -> memref<1x128x64xf32, #tpu.memory_space<vmem>>
    %dma_wait3A_1698 = tpu.memref_squeeze %dma_wait3A_1697 : memref<1x128x64xf32, #tpu.memory_space<vmem>> -> memref<128x64xf32, #tpu.memory_space<vmem>>
    %dma_wait3A_1699 = arith.constant 0 : i32
    %dma_wait3A_1700 = arith.constant 0 : i32
    %dma_wait3A_1701 = tpu.memref_slice %arg9[%dma_wait3A_1699, %dma_wait3A_1700] : memref<327680x64xf32, #tpu.memory_space<hbm>> -> memref<128x64xf32, #tpu.memory_space<hbm>>
    %dma_wait3A_1702 = tpu.memref_slice %arg13[%dma_wait3A_1694] : memref<8x!tpu.dma_semaphore, #tpu.memory_space<semaphore_mem>> -> memref<1x!tpu.dma_semaphore, #tpu.memory_space<semaphore_mem>>
    %dma_wait3A_1703 = tpu.memref_squeeze %dma_wait3A_1702 : memref<1x!tpu.dma_semaphore, #tpu.memory_space<semaphore_mem>> -> memref<!tpu.dma_semaphore, #tpu.memory_space<semaphore_mem>>
    %dma_wait3A_1704 = arith.constant 0 : i32
    %dma_wait3A_1705 = arith.constant 0 : i32
    %dma_wait3A_1706 = tpu.memref_slice %arg9[%dma_wait3A_1704, %dma_wait3A_1705] : memref<327680x64xf32, #tpu.memory_space<hbm>> -> memref<128x64xf32, #tpu.memory_space<hbm>>
    %dma_wait3A_1707 = arith.constant 0 : i32
    %dma_wait3A_1708 = arith.constant 0 : i32
    %dma_wait3A_1709 = tpu.memref_slice %arg11[%dma_wait3A_1693, %dma_wait3A_1707, %dma_wait3A_1708] : memref<8x128x64xf32, #tpu.memory_space<vmem>> -> memref<1x128x64xf32, #tpu.memory_space<vmem>>
    %dma_wait3A_1710 = tpu.memref_squeeze %dma_wait3A_1709 : memref<1x128x64xf32, #tpu.memory_space<vmem>> -> memref<128x64xf32, #tpu.memory_space<vmem>>
    tpu.wait_dma2 semaphore(%dma_wait3A_1703 : memref<!tpu.dma_semaphore, #tpu.memory_space<semaphore_mem>>) src(%dma_wait3A_1710 : memref<128x64xf32, #tpu.memory_space<vmem>>) dst(%dma_wait3A_1706 : memref<128x64xf32, #tpu.memory_space<hbm>>)
    %dma_wait3A_1711 = arith.constant 7 : i32
    %dma_wait3A_1712 = arith.constant 7 : i32
    %dma_wait3A_1713 = arith.constant 0 : i32
    %dma_wait3A_1714 = arith.constant 0 : i32
    %dma_wait3A_1715 = tpu.memref_slice %arg11[%dma_wait3A_1711, %dma_wait3A_1713, %dma_wait3A_1714] : memref<8x128x64xf32, #tpu.memory_space<vmem>> -> memref<1x128x64xf32, #tpu.memory_space<vmem>>
    %dma_wait3A_1716 = tpu.memref_squeeze %dma_wait3A_1715 : memref<1x128x64xf32, #tpu.memory_space<vmem>> -> memref<128x64xf32, #tpu.memory_space<vmem>>
    %dma_wait3A_1717 = arith.constant 0 : i32
    %dma_wait3A_1718 = arith.constant 0 : i32
    %dma_wait3A_1719 = tpu.memref_slice %arg9[%dma_wait3A_1717, %dma_wait3A_1718] : memref<327680x64xf32, #tpu.memory_space<hbm>> -> memref<128x64xf32, #tpu.memory_space<hbm>>
    %dma_wait3A_1720 = tpu.memref_slice %arg13[%dma_wait3A_1712] : memref<8x!tpu.dma_semaphore, #tpu.memory_space<semaphore_mem>> -> memref<1x!tpu.dma_semaphore, #tpu.memory_space<semaphore_mem>>
    %dma_wait3A_1721 = tpu.memref_squeeze %dma_wait3A_1720 : memref<1x!tpu.dma_semaphore, #tpu.memory_space<semaphore_mem>> -> memref<!tpu.dma_semaphore, #tpu.memory_space<semaphore_mem>>
    %dma_wait3A_1722 = arith.constant 0 : i32
    %dma_wait3A_1723 = arith.constant 0 : i32
    %dma_wait3A_1724 = tpu.memref_slice %arg9[%dma_wait3A_1722, %dma_wait3A_1723] : memref<327680x64xf32, #tpu.memory_space<hbm>> -> memref<128x64xf32, #tpu.memory_space<hbm>>
    %dma_wait3A_1725 = arith.constant 0 : i32
    %dma_wait3A_1726 = arith.constant 0 : i32
    %dma_wait3A_1727 = tpu.memref_slice %arg11[%dma_wait3A_1711, %dma_wait3A_1725, %dma_wait3A_1726] : memref<8x128x64xf32, #tpu.memory_space<vmem>> -> memref<1x128x64xf32, #tpu.memory_space<vmem>>
    %dma_wait3A_1728 = tpu.memref_squeeze %dma_wait3A_1727 : memref<1x128x64xf32, #tpu.memory_space<vmem>> -> memref<128x64xf32, #tpu.memory_space<vmem>>
    tpu.wait_dma2 semaphore(%dma_wait3A_1721 : memref<!tpu.dma_semaphore, #tpu.memory_space<semaphore_mem>>) src(%dma_wait3A_1728 : memref<128x64xf32, #tpu.memory_space<vmem>>) dst(%dma_wait3A_1724 : memref<128x64xf32, #tpu.memory_space<hbm>>)
    return
  }
}

</mosaic_0001>

<sc_bundles>
// kernel: kernel.3.cloned.1.call-start
scs
__scs_entry_jumppad:
0x0: {  	(pc) =	sbr.rel $0x88, $3  }
0x1: {  	(tag) =	ssettag $0x0;
	lr =	simm.s32 $0x1  }
0x2: {  	[smem:$0x3F9C] =	sst lr;
	_ =	strace $0xD0000000  }
0x3: {  	_ = 	snop  }
0x4: {  	_ = 	snop  }
0x5: {  	_ = 	snop  }
0x6: {  	_ = 	snop  }
0x7: {  	_ = 	snop  }
__scs_overlays_trampoline_lowered:
0x8: {  	[smem:$0x3FAB] =	sst s0  }
0x9: {  	[smem:$0x3FAC] =	sst s1  }
0xa: {  	[smem:$0x3FAD] =	sst s2  }
0xb: {  	[smem:$0x3FAE] =	sst s3  }
0xc: {  	[smem:$0x3FAF] =	sst s4  }
0xd: {  	[smem:$0x3FB0] =	sst s5  }
0xe: {  	[smem:$0x3FB1] =	sst s6  }
0xf: {  	[smem:$0x3FB2] =	sst s7  }
0x10: {  	[smem:$0x3FB3] =	sst s8  }
0x11: {  	[smem:$0x3FB4] =	sst s9;
	s0 =	simm.s32 @!p0 $0x0  }
0x12: {  	s1 =	sld [smem:$0x3F9A];
	s0 =	simm.s32 @p0 $0x1  }
0x13: {  	[smem:$0x3FB5] =	sst s0;
	s0 =	simm.s32 @!p1 $0x0  }
0x14: {  	s2 =	sld [smem:$0x3F99];
	s0 =	simm.s32 @p1 $0x1  }
0x15: {  	[smem:$0x3FB6] =	sst s0;
	s0 =	simm.s32 @!p2 $0x0  }
0x16: {  	s3 =	sld [smem:$0x3FDB];
	s0 =	simm.s32 @p2 $0x1  }
0x17: {  	s4 =	simm.s32 $0x1BF5;
	[smem:$0x3FB8] =	sst s0  }
0x18: {  	s0 =	sld [smem:$0x3F9B];
	_ =	swait.ge [sflag:s4], $0x0  }
0x19: {  	s7 =	sld [smem:$0x3F9C]  }
0x1a: {  	s8 =	sadd.s32 $0xFFFFE003, lr  }
0x1b: {  	s9 =	sadd.s32 $0xFFFFFEF7, lr;
	s5 =	simm.s32 $0xFFFFFFFF;
	p2 =	slt.u32 s8, $0xFFFFF086  }
0x1c: {  	p1 =	slt.u32 s9, $0xF7A;
	s5 =	simm.s32 @!p2 $0x0  }
0x1d: {  	s5 =	simm.s32 @p1 $0x1;
	p0 =	seq.s32 s7, s2  }
0x1e: {  	s7 =	smul.u32 @!p0 $0xF7A, s2;
	p2 =	seq.s32 @!p0 s5, $0x0  }
0x1f: {  	s9 =	smul.u32 $0xF7A, s1;
	s8 =	simm.s32 @!p0 $0x1BF5;
	p2 =	por !p2, p0  }
0x20: {  	[sflag:s8] =	ssyncset.s32 @!p0 $0xFFFFF086;
	s6 =	sadd.s32 @!p0 s3, s7;
	s7 =	simm.s32 @!p0 $0x108  }
0x21: {  	s3 =	sadd.s32 s3, s9;
	s6 =	sadd.s32 @!p0 $0x88, s6;
	s7 =	simm.s32 @p2 $0x1082  }
0x22: {  	[simem:s7], [sflag:s8] =	dma.local @!p0 [hbm:s6], $0xF7A  }
0x23: {  	s9 =	sor.u32 $0xD0000000, s2;
	s6 =	simm.s32 $0x108;
	_ =	swait.ge @!p0 [sflag:s8], $0x0  }
0x24: {  	s3 =	sadd.s32 $0x88, s3;
	s6 =	simm.s32 @!p1 $0x1082;
	[sflag:s4] =	ssyncset.s32 $0xFFFFF086  }
0x25: {  	[simem:s6], [sflag:s4] =	dma.local [hbm:s3], $0xF7A  }
0x26: {  	[smem:$0x3F9C] =	sst s1;
	(tag) =	ssettag s2;
	_ =	strace s9  }
0x27: {  	s1 =	sld [smem:$0x3FAC]  }
0x28: {  	s2 =	sld [smem:$0x3FAD]  }
0x29: {  	s4 =	sld [smem:$0x3FAF]  }
0x2a: {  	p0 =	seq.s32 s5, $0x0;
	s5 =	sld [smem:$0x3FB0]  }
0x2b: {  	s6 =	sld [smem:$0x3FB1]  }
0x2c: {  	s7 =	sld [smem:$0x3FB2]  }
0x2d: {  	s3 =	simm.s32 $0x108;
	s8 =	sld [smem:$0x3FB3]  }
0x2e: {  	s3 =	simm.s32 @!p0 $0x1082;
	s9 =	sld [smem:$0x3FB4]  }
0x2f: {  	lr =	sadd.s32 s0, s3;
	s0 =	sld [smem:$0x3FAB]  }
0x30: {  	s3 =	sld [smem:$0x3FAE]  }
0x31: {  	[smem:$0x3FB7] =	sst s10  }
0x32: {  	s10 =	sld [smem:$0x3FB5];
	_ =	sdelay $0x3  }
0x33: {  	p0 =	seq.s32 s10, $0x1;
	s10 =	sld [smem:$0x3FB7];
	_ =	sdelay $0x3  }
0x34: {  	[smem:$0x3FB7] =	sst s10  }
0x35: {  	s10 =	sld [smem:$0x3FB6];
	_ =	sdelay $0x3  }
0x36: {  	p1 =	seq.s32 s10, $0x1;
	s10 =	sld [smem:$0x3FB7];
	_ =	sdelay $0x3  }
0x37: {  	[smem:$0x3FB7] =	sst s10  }
0x38: {  	s10 =	sld [smem:$0x3FB8]  }
0x39: {  	_ = 	snop;
	(pc) =	sbr.ind lr, $3  }
0x3a: {  	_ = 	snop  }
0x3b: {  	_ = 	snop  }
0x3c: {  	p2 =	seq.s32 s10, $0x1;
	s10 =	sld [smem:$0x3FB7]  }
0x3d: {  	_ =	shalt  }
0x3e: {  	_ =	shalt  }
0x3f: {  	_ =	shalt  }
0x40: {  	_ =	shalt  }
0x41: {  	_ =	shalt  }
0x42: {  	_ =	shalt  }
0x43: {  	_ =	shalt  }
0x44: {  	_ =	shalt  }
0x45: {  	_ =	shalt  }
0x46: {  	_ =	shalt  }
0x47: {  	_ =	shalt  }
0x48: {  	_ =	shalt  }
0x49: {  	_ =	shalt  }
0x4a: {  	_ =	shalt  }
0x4b: {  	_ =	shalt  }
0x4c: {  	_ =	shalt  }
0x4d: {  	_ =	shalt  }
0x4e: {  	_ =	shalt  }
0x4f: {  	_ =	shalt  }
0x50: {  	_ =	shalt  }
0x51: {  	_ =	shalt  }
0x52: {  	_ =	shalt  }
0x53: {  	_ =	shalt  }
0x54: {  	_ =	shalt  }
0x55: {  	_ =	shalt  }
0x56: {  	_ =	shalt  }
0x57: {  	_ =	shalt  }
0x58: {  	_ =	shalt  }
0x59: {  	_ =	shalt  }
0x5a: {  	_ =	shalt  }
0x5b: {  	_ =	shalt  }
0x5c: {  	_ =	shalt  }
0x5d: {  	_ =	shalt  }
0x5e: {  	_ =	shalt  }
0x5f: {  	_ =	shalt  }
0x60: {  	_ =	shalt  }
0x61: {  	_ =	shalt  }
0x62: {  	_ =	shalt  }
0x63: {  	_ =	shalt  }
0x64: {  	_ =	shalt  }
0x65: {  	_ =	shalt  }
0x66: {  	_ =	shalt  }
0x67: {  	_ =	shalt  }
0x68: {  	_ =	shalt  }
0x69: {  	_ =	shalt  }
0x6a: {  	_ =	shalt  }
0x6b: {  	_ =	shalt  }
0x6c: {  	_ =	shalt  }
0x6d: {  	_ =	shalt  }
0x6e: {  	_ =	shalt  }
0x6f: {  	_ =	shalt  }
0x70: {  	_ =	shalt  }
0x71: {  	_ =	shalt  }
0x72: {  	_ =	shalt  }
0x73: {  	_ =	shalt  }
0x74: {  	_ =	shalt  }
0x75: {  	_ =	shalt  }
0x76: {  	_ =	shalt  }
0x77: {  	_ =	shalt  }
0x78: {  	_ =	shalt  }
0x79: {  	_ =	shalt  }
0x7a: {  	_ =	shalt  }
0x7b: {  	_ =	shalt  }
0x7c: {  	_ =	shalt  }
0x7d: {  	_ =	shalt  }
0x7e: {  	_ =	shalt  }
0x7f: {  	_ =	shalt  }
0x80: {  	_ =	shalt  }
0x81: {  	_ =	shalt  }
0x82: {  	_ =	shalt  }
0x83: {  	_ =	shalt  }
0x84: {  	_ =	shalt  }
0x85: {  	_ =	shalt  }
0x86: {  	_ =	shalt  }
0x87: {  	_ =	shalt  }
.Lfunc_end0:
.L_simem_size_0:
called_computation.1_lowered:
.L_overlay_start_0:
0x88: {  	s2 =	sld [smem:$0x3FD9]  }
0x89: {  	s3 =	sld [smem:$0x3FFE];
	_ =	sdelay $0x1  }
0x8a: {  	s1 =	srdreg.scid  }
0x8b: {  	s0 =	sand.u32 $0x1, s1  }
0x8c: {  	s14 =	sshll.u32 s0, $0xA;
	s2 =	sadd.s32 s3, s2  }
0x8d: {  	s2 =	sadd.s32 s2, s14  }
0x8e: {  	[smem:$0x3FC3] =	sst s2  }
0x8f: {  	_ = 	snop  }
0x90: {  	s2 =	sld [smem:$0x3FD0];
	_ =	sdelay $0x1  }
0x91: {  	s15 =	sld [smem:$0x3FC9]  }
0x92: {  	s5 =	simm.s32 $0xA;
	s6 =	simm.s32 $0x10;
	s4 =	sld [smem:$0x3FC8]  }
0x93: {  	[smem:s6], [sflag:s5] =	dma.local [hbm:s2], $0x1  }
0x94: {  	_ =	swait.eq [sflag:s5], $0x1  }
0x95: {  	s16 =	sld [smem:$0x10];
	[sflag:s5] =	ssyncset.done $0x0  }
0x96: {  	s17 =	sld [smem:$0x11];
	[sflag:s5] =	ssyncadd.s32 $0xFFFFFFFF  }
0x97: {  	s18 =	sld [smem:$0x12];
	(tm) =	ssettm $0x1  }
0x98: {  	s7 =	sld [smem:$0x3FFB];
	_ =	sdelay $0x3  }
0x99: {  	_ =	strace s7  }
0x9a: {  	s7 =	sld [smem:$0x3FFC];
	_ =	sdelay $0x3  }
0x9b: {  	_ =	strace s7  }
0x9c: {  	s7 =	sld [smem:$0x3FFD];
	_ =	sdelay $0x3  }
0x9d: {  	_ =	strace s7  }
0x9e: {  	_ =	strace $0x8FFFFFFF  }
0x9f: {  	s19 =	sld [smem:$0x3FDB];
	_ =	sdelay $0x1  }
0xa0: {  	s8 =	simm.s32 $_scs_section_size  }
0xa1: {  	s9 =	simm.s32 $_size__tile_overlayer_lowered;
	s10 =	simm.s32 $_tile_overlayer_lowered  }
0xa2: {  	s22 =	simm.s32 $0x1BFF;
	s21 =	sshll.u32 s10, $0x1;
	s7 =	sadd.s32 s8, s19  }
0xa3: {  	s11 =	simm.s32 $0x0;
	s20 =	sshll.u32 s9, $0x1;
	s9 =	sadd.s32 s21, s7  }
0xa4: {  	[timem:s11], [sflag:s22] =	dma.local [hbm:s9], s20  }
0xa5: {  	_ =	swait.ge [sflag:s22], s20  }
0xa6: {  	s8 =	ssub.s32 $0x0, s20;
	[sflag:s22] =	ssyncset.done $0x0  }
0xa7: {  	[sflag:s22] =	ssyncadd.s32 s8;
	_ =	sdelay $0x1  }
0xa8: {  	s23 =	simm.s32 $0x1B8B  }
0xa9: {  	_ =	swait.ge [sflag:s23], $0x1  }
0xaa: {  	[sflag:s23] =	ssyncset.done $0x0  }
0xab: {  	s25 =	simm.s32 $0x1B8E;
	s24 =	sld [smem:$0x3FFE];
	[sflag:s23] =	ssyncadd.s32 $0xFFFFFFFF  }
0xac: {  	s26 =	simm.s32 $execute0_lowered;
	[smem:$0x3FD2] =	sst s25  }
0xad: {  	s9 =	sshll.u32 s26, $0x1;
	_ =	strace $0x80000046;
	[dreg:$0x1] =	wrdreg $0xFFFFFFFF  }
0xae: {  	s28 =	simm.s32 $_size_execute0_lowered;
	s7 =	sadd.s32 s7, s9;
	[dreg:$0x0] =	wrdreg $0x0  }
0xaf: {  	s9 =	sshll.u32 s28, $0x1;
	[dreg:$0x2] =	wrdreg s7  }
0xb0: {  	[dreg:$0x3] =	wrdreg s9  }
0xb1: {  	[dreg:$0x4] =	wrdreg $0xC0  }
0xb2: {  	_ =	task [dreg:s11], $0x5FFFF  }
0xb3: {  	[dreg:$0x1] =	wrdreg $0xFFFFFFFF  }
0xb4: {  	[dreg:$0x0] =	wrdreg $0x60  }
0xb5: {  	[dreg:$0x2] =	wrdreg s15  }
0xb6: {  	[dreg:$0x3] =	wrdreg s4  }
0xb7: {  	[dreg:$0x4] =	wrdreg s24  }
0xb8: {  	[dreg:$0x5] =	wrdreg s16  }
0xb9: {  	[dreg:$0x6] =	wrdreg s17  }
0xba: {  	[dreg:$0x7] =	wrdreg s18  }
0xbb: {  	[dreg:$0x8] =	wrdreg $0x9  }
0xbc: {  	_ =	task.clear_ibuf [dreg:s11], $0x9FFFF;
	_ =	strace $0x90000046  }
0xbd: {  	s29 =	simm.s32 $0x9;
	_ =	strace $0x80000048  }
0xbe: {  	_ =	swait.ge [sflag:s29], $0x1  }
0xbf: {  	[sflag:s29] =	ssyncadd.s32 $0xFFFFFFFF  }
0xc0: {  	_ =	strace $0x90000048  }
0xc1: {  	_ =	sfence  }
0xc2: {  	s30 =	sld [smem:$0x0];
	_ =	sdelay $0x2  }
0xc3: {  	s31 =	sshll.u32 s1, $0xD;
	s1 =	sshrl.u32 s1, $0x2  }
0xc4: {  	s3 =	sand.u32 $0x4000, s31;
	s1 =	sadd.s32 s1, s30  }
0xc5: {  	s0 =	sor.u32 s3, s0;
	s1 =	sshll.u32 s1, $0x11  }
0xc6: {  	s0 =	sor.u32 s1, s0  }
0xc7: {  	s0 =	sadd.s32 $0x8F2B, s0  }
0xc8: {  	[sflag:s0] =	ssyncadd.remote.s32 $0x1  }
0xc9: {  	_ =	sfence.sel $0xFFFF  }
0xca: {  	[dreg:$0x0] =	wrdreg $0xFFFFFFFF;
	(pc) =	sbr.abs _section_cstart, $3  }
0xcb: {  	[dreg:$0x1] =	wrdreg $0xFFFFFFFF  }
0xcc: {  	_ =	task.clear_ibuf [dreg:s11], $0x2FFFF;
	_ =	strace $0x9FFFFFFF  }
0xcd: {  	(tm) =	ssettm $0x7FFFFFFF  }
tec
execute0_lowered:
.L_overlay_start_1:
0x0: {  	(tag) =	ssettag $0x1  }
0x1: {  	s0 =	rddreg [dreg:$0x0]  }
0x2: {  	s1 =	rddreg [dreg:$0x1]  }
0x3: {  	s3 =	rddreg [dreg:$0x2]  }
0x4: {  	s5 =	rddreg [dreg:$0x3]  }
0x5: {  	s6 =	rddreg [dreg:$0x4];
	s2 =	srdreg.scid  }
0x6: {  	s13 =	stileid.u32;
	s7 =	rddreg [dreg:$0x5]  }
0x7: {  	s8 =	sand.u32 $0x1, s2;
	s4 =	sshll.u32 s13, $0x1;
	s2 =	simm.s32 $0x0  }
0x8: {  	s15 =	sadd.s32 $0x16E4800, s3;
	s9 =	sor.u32 s8, s4;
	[smem:$0x7FF] =	sst s2  }
0x9: {  	s11 =	ssub.s32 $0x2, s8;
	s4 =	smul.u32 $0x500, s9;
	s12 =	sshll.u32 s9, $0x6  }
0xa: {  	_ =	strace $0x80000047;
	[dreg:$0x7] =	wrdreg s15;
	s0 =	sadd.s32 s0, s12  }
0xb: {  	s17 =	sshll.u32 s9, $0xC;
	s1 =	sadd.s32 s1, s12;
	[dreg:$0x8] =	wrdreg s0  }
0xc: {  	s19 =	sadd.s32 s5, s17;
	s20 =	sor.u32 $0x400, s17;
	[dreg:$0x9] =	wrdreg s1  }
0xd: {  	s21 =	sor.u32 $0x800, s17;
	[dreg:$0xb] =	wrdreg s19;
	s22 =	sadd.s32 s5, s20  }
0xe: {  	s24 =	sor.u32 $0xC00, s17;
	s23 =	sadd.s32 s5, s21;
	[dreg:$0xc] =	wrdreg s22  }
0xf: {  	s16 =	sshrl.u32 s11, $0x1;
	s5 =	sadd.s32 s5, s24;
	[dreg:$0xd] =	wrdreg s23  }
0x10: {  	s9 =	smul.u32 $0xA0000, s9;
	s0 =	sadd.s32 s6, s17;
	[dreg:$0xe] =	wrdreg s5  }
0x11: {  	s10 =	sadd.s32 s4, s3;
	s1 =	sadd.s32 s6, s20;
	[dreg:$0xf] =	wrdreg s0  }
0x12: {  	s4 =	sadd.s32 $0xF43600, s3;
	s26 =	sadd.s32 s6, s21;
	[dreg:$0x10] =	wrdreg s1  }
0x13: {  	s3 =	ssub.s32 s11, s16;
	s18 =	sadd.s32 $0x1200, s10;
	[dreg:$0x11] =	wrdreg s26  }
0x14: {  	s25 =	sshrl.u32 s9, $0x3;
	s5 =	sadd.s32 s6, s24;
	[dreg:$0xa] =	wrdreg s18  }
0x15: {  	s0 =	sadd.s32 s7, s25;
	s25 =	smax.u32 s3, $0x1;
	[dreg:$0x12] =	wrdreg s5  }
0x16: {  	s6 =	sadd.s32 $0x10000, s0;
	[smem:$0x7FC] =	sst s25  }
0x17: {  	s10 =	sadd.s32 $0x10400, s0;
	[dreg:$0x13] =	wrdreg s6  }
0x18: {  	s11 =	sadd.s32 $0x10800, s0;
	[dreg:$0x14] =	wrdreg s10  }
0x19: {  	s9 =	smul.u32 $0x28000, s13;
	s13 =	sadd.s32 $0x10C00, s0;
	[dreg:$0x15] =	wrdreg s11  }
0x1a: {  	s14 =	sadd.s32 $0x11000, s0;
	[dreg:$0x16] =	wrdreg s13  }
0x1b: {  	s28 =	simm.s32 $0xB;
	s15 =	sadd.s32 $0x11400, s0;
	[dreg:$0x17] =	wrdreg s14  }
0x1c: {  	s29 =	simm.s32 $0xC;
	s16 =	sadd.s32 $0x11800, s0;
	[dreg:$0x18] =	wrdreg s15  }
0x1d: {  	s30 =	simm.s32 $0xE;
	s17 =	sadd.s32 $0x11C00, s0;
	[dreg:$0x19] =	wrdreg s16  }
0x1e: {  	s31 =	simm.s32 $0xF;
	s18 =	sadd.s32 $0x12000, s0;
	[dreg:$0x1a] =	wrdreg s17  }
0x1f: {  	s12 =	smul.u32 $0x14000, s8;
	s19 =	sadd.s32 $0x12400, s0;
	[dreg:$0x1b] =	wrdreg s18  }
0x20: {  	s8 =	simm.s32 $0xD;
	s20 =	sadd.s32 $0x12800, s0;
	[dreg:$0x1c] =	wrdreg s19  }
0x21: {  	s3 =	simm.s32 $0x0;
	s21 =	sadd.s32 $0x12C00, s0;
	[dreg:$0x1d] =	wrdreg s20  }
0x22: {  	s1 =	sadd.s32 s9, s7;
	s22 =	sadd.s32 $0x13000, s0;
	[dreg:$0x1e] =	wrdreg s21  }
0x23: {  	s23 =	sadd.s32 $0x13400, s0;
	s24 =	sadd.s32 $0x13800, s0;
	[dreg:$0x1f] =	wrdreg s22  }
0x24: {  	s0 =	sadd.s32 $0x13C00, s0;
	s9 =	simm.s32 $0x80;
	[smem:$0x7F9] =	sst s23  }
0x25: {  	s25 =	simm.s32 $0xA;
	s7 =	simm.s32 $0x8;
	[smem:$0x7FA] =	sst s24  }
0x26: {  	s1 =	sadd.s32 s12, s1;
	[smem:$0x7FB] =	sst s0;
	s10 =	simm.s32 $0x2C00  }
0x27: {  	s11 =	simm.s32 $0x4C00;
	s12 =	simm.s32 $0x6C00;
	s13 =	simm.s32 $0x8C00  }
0x28: {  	s14 =	simm.s32 $0x1;
	s15 =	simm.s32 $0xAC00;
	s16 =	simm.s32 $0x2  }
0x29: {  	s17 =	simm.s32 $0xCC00;
	s18 =	simm.s32 $0x3;
	s19 =	simm.s32 $0xEC00  }
0x2a: {  	s20 =	simm.s32 $0x4;
	s21 =	simm.s32 $0x10C00;
	s22 =	simm.s32 $0x5  }
0x2b: {  	s23 =	simm.s32 $0x9;
	s24 =	simm.s32 $0x6;
	s26 =	sadd.s32 $0x1C00, s1  }
0x2c: {  	s1 =	simm.s32 $0x10;
	[smem:$0x7FD] =	sst s26;
	s26 =	simm.s32 $0x7  }
.LBB2_1:
0x2d: {  	[smem:$0x7F8] =	sst s3  }
0x2e: {  	s0 =	rddreg [dreg:$0x8];
	s3 =	simm.s32 $0x11  }
0x2f: {  	[tilespmem:s2], [sflag:$0x11] =	stream.linear.gather [hbm4b:s0+s2], $0x200, $0x38;
	[tilespmem:$0x12C00] =	vst v63  }
0x30: {  	_ =	swait.ge [sflag:s3], $0x200  }
0x31: {  	[sflag:s3] =	ssyncset.done $0x0  }
0x32: {  	s5 =	simm.s32 $0x200;
	s6 =	rddreg [dreg:$0x9];
	[sflag:s3] =	ssyncadd.s32 $0xFFFFFE00  }
0x33: {  	[tilespmem:s5], [sflag:$0x11] =	stream.linear.gather [hbm4b:s6+s2], $0x200, $0x38;
	[tilespmem:$0x12C00] =	vst v63  }
0x34: {  	_ =	swait.ge [sflag:s3], $0x200  }
0x35: {  	[sflag:s3] =	ssyncset.done $0x0  }
0x36: {  	s6 =	simm.s32 $0x400;
	s0 =	rddreg [dreg:$0xa];
	[sflag:s3] =	ssyncadd.s32 $0xFFFFFE00  }
0x37: {  	[tilespmem:s6], [sflag:$0x11] =	stream.linear.gather [hbm4b:s0+s2], $0x2800, $0x38;
	[tilespmem:$0x12C00] =	vst v63  }
0x38: {  	_ =	swait.ge [sflag:s3], $0x2800  }
0x39: {  	[sflag:s3] =	ssyncset.done $0x0  }
0x3a: {  	s0 =	rddreg [dreg:$0x7];
	[sflag:s3] =	ssyncadd.s32 $0xFFFFD800  }
0x3b: {  	[tilespmem:s10], [sflag:$0x1] =	stream.indirect.gather [hbm4b:s0+s9], $0x40, s2, s9, $0xb8;
	[tilespmem:$0x12C00] =	vst v63  }
0x3c: {  	_ = 	snop  }
0x3d: {  	[tilespmem:s11], [sflag:$0x2] =	stream.indirect.gather [hbm4b:s0+s9], $0x40, s9, s9, $0xb8;
	[tilespmem:$0x12C00] =	vst v63  }
0x3e: {  	s3 =	simm.s32 $0x100  }
0x3f: {  	[tilespmem:s12], [sflag:$0x3] =	stream.indirect.gather [hbm4b:s0+s9], $0x40, s3, s9, $0xb8;
	[tilespmem:$0x12C00] =	vst v63  }
0x40: {  	s3 =	simm.s32 $0x180  }
0x41: {  	[tilespmem:s13], [sflag:$0x4] =	stream.indirect.gather [hbm4b:s0+s9], $0x40, s3, s9, $0xb8;
	[tilespmem:$0x12C00] =	vst v63  }
0x42: {  	_ =	swait.ge [sflag:s14], $0x2000  }
0x43: {  	[sflag:s14] =	ssyncset.done $0x0  }
0x44: {  	s3 =	rddreg [dreg:$0xb];
	[sflag:s14] =	ssyncadd.s32 $0xFFFFE000  }
0x45: {  	[hbm4b:s3+s2] =	stream.linear.scatter [tilespmem:s10], [sflag:$0x9], $0x2000, $0x38;
	[tilespmem:$0x12C00] =	vst v63  }
0x46: {  	_ = 	snop  }
0x47: {  	[tilespmem:s15], [sflag:$0x5] =	stream.indirect.gather [hbm4b:s4+s9], $0x40, s5, s9, $0xb8;
	[tilespmem:$0x12C00] =	vst v63  }
0x48: {  	_ =	swait.ge [sflag:s16], $0x2000  }
0x49: {  	[sflag:s16] =	ssyncset.done $0x0  }
0x4a: {  	s5 =	rddreg [dreg:$0xc];
	[sflag:s16] =	ssyncadd.s32 $0xFFFFE000  }
0x4b: {  	[hbm4b:s5+s2] =	stream.linear.scatter [tilespmem:s11], [sflag:$0xA], $0x2000, $0x38;
	[tilespmem:$0x12C00] =	vst v63  }
0x4c: {  	s3 =	simm.s32 $0x280  }
0x4d: {  	[tilespmem:s17], [sflag:$0x6] =	stream.indirect.gather [hbm4b:s4+s9], $0x40, s3, s9, $0xb8;
	[tilespmem:$0x12C00] =	vst v63  }
0x4e: {  	_ =	swait.ge [sflag:s18], $0x2000  }
0x4f: {  	[sflag:s18] =	ssyncset.done $0x0  }
0x50: {  	s5 =	rddreg [dreg:$0xd];
	[sflag:s18] =	ssyncadd.s32 $0xFFFFE000  }
0x51: {  	[hbm4b:s5+s2] =	stream.linear.scatter [tilespmem:s12], [sflag:$0xB], $0x2000, $0x38;
	[tilespmem:$0x12C00] =	vst v63  }
0x52: {  	s3 =	simm.s32 $0x300  }
0x53: {  	[tilespmem:s19], [sflag:$0x7] =	stream.indirect.gather [hbm4b:s4+s9], $0x40, s3, s9, $0xb8;
	[tilespmem:$0x12C00] =	vst v63  }
0x54: {  	_ =	swait.ge [sflag:s20], $0x2000  }
0x55: {  	[sflag:s20] =	ssyncset.done $0x0  }
0x56: {  	s5 =	rddreg [dreg:$0xe];
	[sflag:s20] =	ssyncadd.s32 $0xFFFFE000  }
0x57: {  	[hbm4b:s5+s2] =	stream.linear.scatter [tilespmem:s13], [sflag:$0xC], $0x2000, $0x38;
	[tilespmem:$0x12C00] =	vst v63  }
0x58: {  	s3 =	simm.s32 $0x380  }
0x59: {  	[tilespmem:s21], [sflag:$0x8] =	stream.indirect.gather [hbm4b:s4+s9], $0x40, s3, s9, $0xb8;
	[tilespmem:$0x12C00] =	vst v63  }
0x5a: {  	_ =	swait.ge [sflag:s22], $0x2000  }
0x5b: {  	[sflag:s22] =	ssyncset.done $0x0  }
0x5c: {  	s5 =	rddreg [dreg:$0xf];
	[sflag:s22] =	ssyncadd.s32 $0xFFFFE000  }
0x5d: {  	[hbm4b:s5+s2] =	stream.linear.scatter [tilespmem:s15], [sflag:$0xD], $0x2000, $0x38;
	[tilespmem:$0x12C00] =	vst v63  }
0x5e: {  	_ =	swait.ge [sflag:s23], $0x2000  }
0x5f: {  	[sflag:s23] =	ssyncset.done $0x0  }
0x60: {  	[sflag:s23] =	ssyncadd.s32 $0xFFFFE000  }
0x61: {  	[tilespmem:s10], [sflag:$0x1] =	stream.indirect.gather [hbm4b:s4+s9], $0x40, s6, s9, $0xb8;
	[tilespmem:$0x12C00] =	vst v63  }
0x62: {  	_ =	swait.ge [sflag:s24], $0x2000  }
0x63: {  	[sflag:s24] =	ssyncset.done $0x0  }
0x64: {  	s3 =	rddreg [dreg:$0x10];
	[sflag:s24] =	ssyncadd.s32 $0xFFFFE000  }
0x65: {  	[hbm4b:s3+s2] =	stream.linear.scatter [tilespmem:s17], [sflag:$0xE], $0x2000, $0x38;
	[tilespmem:$0x12C00] =	vst v63  }
0x66: {  	_ =	swait.ge [sflag:s25], $0x2000  }
0x67: {  	[sflag:s25] =	ssyncset.done $0x0  }
0x68: {  	s5 =	simm.s32 $0x480;
	[sflag:s25] =	ssyncadd.s32 $0xFFFFE000  }
0x69: {  	[tilespmem:s11], [sflag:$0x2] =	stream.indirect.gather [hbm4b:s4+s9], $0x40, s5, s9, $0xb8;
	[tilespmem:$0x12C00] =	vst v63  }
0x6a: {  	_ =	swait.ge [sflag:s26], $0x2000  }
0x6b: {  	[sflag:s26] =	ssyncset.done $0x0  }
0x6c: {  	s6 =	rddreg [dreg:$0x11];
	[sflag:s26] =	ssyncadd.s32 $0xFFFFE000  }
0x6d: {  	[hbm4b:s6+s2] =	stream.linear.scatter [tilespmem:s19], [sflag:$0xF], $0x2000, $0x38;
	[tilespmem:$0x12C00] =	vst v63  }
0x6e: {  	_ =	swait.ge [sflag:s28], $0x2000  }
0x6f: {  	[sflag:s28] =	ssyncset.done $0x0  }
0x70: {  	s3 =	simm.s32 $0x500;
	[sflag:s28] =	ssyncadd.s32 $0xFFFFE000  }
0x71: {  	[tilespmem:s12], [sflag:$0x3] =	stream.indirect.gather [hbm4b:s4+s9], $0x40, s3, s9, $0xb8;
	[tilespmem:$0x12C00] =	vst v63  }
0x72: {  	_ =	swait.ge [sflag:s7], $0x2000  }
0x73: {  	[sflag:s7] =	ssyncset.done $0x0  }
0x74: {  	s5 =	rddreg [dreg:$0x12];
	[sflag:s7] =	ssyncadd.s32 $0xFFFFE000  }
0x75: {  	[hbm4b:s5+s2] =	stream.linear.scatter [tilespmem:s21], [sflag:$0x10], $0x2000, $0x38;
	[tilespmem:$0x12C00] =	vst v63  }
0x76: {  	_ =	swait.ge [sflag:s29], $0x2000  }
0x77: {  	[sflag:s29] =	ssyncset.done $0x0  }
0x78: {  	s6 =	simm.s32 $0x580;
	[sflag:s29] =	ssyncadd.s32 $0xFFFFE000  }
0x79: {  	[tilespmem:s13], [sflag:$0x4] =	stream.indirect.gather [hbm4b:s4+s9], $0x40, s6, s9, $0xb8;
	[tilespmem:$0x12C00] =	vst v63  }
0x7a: {  	_ =	swait.ge [sflag:s14], $0x2000  }
0x7b: {  	s5 =	sld [smem:$0x7FD];
	_ =	sdelay $0x1  }
0x7c: {  	[sflag:s14] =	ssyncset.done $0x0  }
0x7d: {  	[sflag:s14] =	ssyncadd.s32 $0xFFFFE000;
	s3 =	sadd.s32 $0xFFFFE400, s5  }
0x7e: {  	[hbm4b:s3+s2] =	stream.linear.scatter [tilespmem:s10], [sflag:$0x9], $0x2000, $0x38;
	[tilespmem:$0x12C00] =	vst v63  }
0x7f: {  	_ =	swait.ge [sflag:s8], $0x2000  }
0x80: {  	[sflag:s8] =	ssyncset.done $0x0  }
0x81: {  	s6 =	simm.s32 $0x600;
	[sflag:s8] =	ssyncadd.s32 $0xFFFFE000  }
0x82: {  	[tilespmem:s15], [sflag:$0x5] =	stream.indirect.gather [hbm4b:s4+s9], $0x40, s6, s9, $0xb8;
	[tilespmem:$0x12C00] =	vst v63  }
0x83: {  	_ =	swait.ge [sflag:s16], $0x2000  }
0x84: {  	[sflag:s16] =	ssyncset.done $0x0  }
0x85: {  	s3 =	sadd.s32 $0xFFFFE800, s5;
	[sflag:s16] =	ssyncadd.s32 $0xFFFFE000  }
0x86: {  	[hbm4b:s3+s2] =	stream.linear.scatter [tilespmem:s11], [sflag:$0xA], $0x2000, $0x38;
	[tilespmem:$0x12C00] =	vst v63  }
0x87: {  	_ =	swait.ge [sflag:s30], $0x2000  }
0x88: {  	[sflag:s30] =	ssyncset.done $0x0  }
0x89: {  	s6 =	simm.s32 $0x680;
	[sflag:s30] =	ssyncadd.s32 $0xFFFFE000  }
0x8a: {  	[tilespmem:s17], [sflag:$0x6] =	stream.indirect.gather [hbm4b:s4+s9], $0x40, s6, s9, $0xb8;
	[tilespmem:$0x12C00] =	vst v63  }
0x8b: {  	_ =	swait.ge [sflag:s18], $0x2000  }
0x8c: {  	[sflag:s18] =	ssyncset.done $0x0  }
0x8d: {  	s3 =	sadd.s32 $0xFFFFEC00, s5;
	[sflag:s18] =	ssyncadd.s32 $0xFFFFE000  }
0x8e: {  	[hbm4b:s3+s2] =	stream.linear.scatter [tilespmem:s12], [sflag:$0xB], $0x2000, $0x38;
	[tilespmem:$0x12C00] =	vst v63  }
0x8f: {  	_ =	swait.ge [sflag:s31], $0x2000  }
0x90: {  	[sflag:s31] =	ssyncset.done $0x0  }
0x91: {  	s6 =	simm.s32 $0x700;
	[sflag:s31] =	ssyncadd.s32 $0xFFFFE000  }
0x92: {  	[tilespmem:s19], [sflag:$0x7] =	stream.indirect.gather [hbm4b:s4+s9], $0x40, s6, s9, $0xb8;
	[tilespmem:$0x12C00] =	vst v63  }
0x93: {  	_ =	swait.ge [sflag:s20], $0x2000  }
0x94: {  	[sflag:s20] =	ssyncset.done $0x0  }
0x95: {  	s3 =	sadd.s32 $0xFFFFF000, s5;
	[sflag:s20] =	ssyncadd.s32 $0xFFFFE000  }
0x96: {  	[hbm4b:s3+s2] =	stream.linear.scatter [tilespmem:s13], [sflag:$0xC], $0x2000, $0x38;
	[tilespmem:$0x12C00] =	vst v63  }
0x97: {  	_ =	swait.ge [sflag:s1], $0x2000  }
0x98: {  	[sflag:s1] =	ssyncset.done $0x0  }
0x99: {  	s6 =	simm.s32 $0x780;
	[sflag:s1] =	ssyncadd.s32 $0xFFFFE000  }
0x9a: {  	[tilespmem:s21], [sflag:$0x8] =	stream.indirect.gather [hbm4b:s4+s9], $0x40, s6, s9, $0xb8;
	[tilespmem:$0x12C00] =	vst v63  }
0x9b: {  	_ =	swait.ge [sflag:s22], $0x2000  }
0x9c: {  	[sflag:s22] =	ssyncset.done $0x0  }
0x9d: {  	s3 =	sadd.s32 $0xFFFFF400, s5;
	[sflag:s22] =	ssyncadd.s32 $0xFFFFE000  }
0x9e: {  	[hbm4b:s3+s2] =	stream.linear.scatter [tilespmem:s15], [sflag:$0xD], $0x2000, $0x38;
	[tilespmem:$0x12C00] =	vst v63  }
0x9f: {  	_ =	swait.ge [sflag:s23], $0x2000  }
0xa0: {  	[sflag:s23] =	ssyncset.done $0x0  }
0xa1: {  	s6 =	simm.s32 $0x800;
	[sflag:s23] =	ssyncadd.s32 $0xFFFFE000  }
0xa2: {  	[tilespmem:s10], [sflag:$0x1] =	stream.indirect.gather [hbm4b:s4+s9], $0x40, s6, s9, $0xb8;
	[tilespmem:$0x12C00] =	vst v63  }
0xa3: {  	_ =	swait.ge [sflag:s24], $0x2000  }
0xa4: {  	[sflag:s24] =	ssyncset.done $0x0  }
0xa5: {  	s3 =	sadd.s32 $0xFFFFF800, s5;
	[sflag:s24] =	ssyncadd.s32 $0xFFFFE000  }
0xa6: {  	[hbm4b:s3+s2] =	stream.linear.scatter [tilespmem:s17], [sflag:$0xE], $0x2000, $0x38;
	[tilespmem:$0x12C00] =	vst v63  }
0xa7: {  	_ =	swait.ge [sflag:s25], $0x2000  }
0xa8: {  	[sflag:s25] =	ssyncset.done $0x0  }
0xa9: {  	s6 =	simm.s32 $0x880;
	[sflag:s25] =	ssyncadd.s32 $0xFFFFE000  }
0xaa: {  	[tilespmem:s11], [sflag:$0x2] =	stream.indirect.gather [hbm4b:s4+s9], $0x40, s6, s9, $0xb8;
	[tilespmem:$0x12C00] =	vst v63  }
0xab: {  	_ =	swait.ge [sflag:s26], $0x2000  }
0xac: {  	[sflag:s26] =	ssyncset.done $0x0  }
0xad: {  	s3 =	sadd.s32 $0xFFFFFC00, s5;
	[sflag:s26] =	ssyncadd.s32 $0xFFFFE000  }
0xae: {  	[hbm4b:s3+s2] =	stream.linear.scatter [tilespmem:s19], [sflag:$0xF], $0x2000, $0x38;
	[tilespmem:$0x12C00] =	vst v63  }
0xaf: {  	_ =	swait.ge [sflag:s28], $0x2000  }
0xb0: {  	[sflag:s28] =	ssyncset.done $0x0  }
0xb1: {  	s6 =	simm.s32 $0x900;
	[sflag:s28] =	ssyncadd.s32 $0xFFFFE000  }
0xb2: {  	[tilespmem:s12], [sflag:$0x3] =	stream.indirect.gather [hbm4b:s4+s9], $0x40, s6, s9, $0xb8;
	[tilespmem:$0x12C00] =	vst v63  }
0xb3: {  	_ =	swait.ge [sflag:s7], $0x2000  }
0xb4: {  	[sflag:s7] =	ssyncset.done $0x0  }
0xb5: {  	[sflag:s7] =	ssyncadd.s32 $0xFFFFE000  }
0xb6: {  	[hbm4b:s5+s2] =	stream.linear.scatter [tilespmem:s21], [sflag:$0x10], $0x2000, $0x38;
	[tilespmem:$0x12C00] =	vst v63  }
0xb7: {  	_ =	swait.ge [sflag:s29], $0x2000  }
0xb8: {  	s0 =	simm.s32 $0x980;
	[sflag:s29] =	ssyncset.done $0x0  }
0xb9: {  	s3 =	simm.s32 $0x1000;
	s6 =	sadd.s32 $0x2000, s5;
	[sflag:s29] =	ssyncadd.s32 $0xFFFFE000  }
.LBB2_2:
0xba: {  	[tilespmem:s13], [sflag:$0x4] =	stream.indirect.gather [hbm4b:s4+s9], $0x40, s0, s9, $0xb8;
	[tilespmem:$0x12C00] =	vst v63  }
0xbb: {  	s0 =	smov.u32 s3  }
0xbc: {  	p0 =	sne.s32 s3, $0x7000;
	s3 =	sadd.s32 $0x1000, s3;
	_ =	swait.ge [sflag:s14], $0x2000  }
0xbd: {  	[sflag:s14] =	ssyncset.done $0x0  }
0xbe: {  	s5 =	sadd.s32 $0xFFFFE400, s6;
	[sflag:s14] =	ssyncadd.s32 $0xFFFFE000  }
0xbf: {  	[hbm4b:s5+s2] =	stream.linear.scatter [tilespmem:s10], [sflag:$0x9], $0x2000, $0x38;
	[tilespmem:$0x12C00] =	vst v63  }
0xc0: {  	_ =	swait.ge [sflag:s8], $0x2000  }
0xc1: {  	s0 =	sshra.s32 s0, $0x2;
	[sflag:s8] =	ssyncset.done $0x0  }
0xc2: {  	s5 =	sadd.s32 $0x600, s0;
	[sflag:s8] =	ssyncadd.s32 $0xFFFFE000  }
0xc3: {  	[tilespmem:s15], [sflag:$0x5] =	stream.indirect.gather [hbm4b:s4+s9], $0x40, s5, s9, $0xb8;
	[tilespmem:$0x12C00] =	vst v63  }
0xc4: {  	_ =	swait.ge [sflag:s16], $0x2000  }
0xc5: {  	[sflag:s16] =	ssyncset.done $0x0  }
0xc6: {  	s5 =	sadd.s32 $0xFFFFE800, s6;
	[sflag:s16] =	ssyncadd.s32 $0xFFFFE000  }
0xc7: {  	[hbm4b:s5+s2] =	stream.linear.scatter [tilespmem:s11], [sflag:$0xA], $0x2000, $0x38;
	[tilespmem:$0x12C00] =	vst v63  }
0xc8: {  	_ =	swait.ge [sflag:s30], $0x2000  }
0xc9: {  	[sflag:s30] =	ssyncset.done $0x0  }
0xca: {  	s5 =	sadd.s32 $0x680, s0;
	[sflag:s30] =	ssyncadd.s32 $0xFFFFE000  }
0xcb: {  	[tilespmem:s17], [sflag:$0x6] =	stream.indirect.gather [hbm4b:s4+s9], $0x40, s5, s9, $0xb8;
	[tilespmem:$0x12C00] =	vst v63  }
0xcc: {  	_ =	swait.ge [sflag:s18], $0x2000  }
0xcd: {  	[sflag:s18] =	ssyncset.done $0x0  }
0xce: {  	s5 =	sadd.s32 $0xFFFFEC00, s6;
	[sflag:s18] =	ssyncadd.s32 $0xFFFFE000  }
0xcf: {  	[hbm4b:s5+s2] =	stream.linear.scatter [tilespmem:s12], [sflag:$0xB], $0x2000, $0x38;
	[tilespmem:$0x12C00] =	vst v63  }
0xd0: {  	_ =	swait.ge [sflag:s31], $0x2000  }
0xd1: {  	[sflag:s31] =	ssyncset.done $0x0  }
0xd2: {  	s5 =	sadd.s32 $0x700, s0;
	[sflag:s31] =	ssyncadd.s32 $0xFFFFE000  }
0xd3: {  	[tilespmem:s19], [sflag:$0x7] =	stream.indirect.gather [hbm4b:s4+s9], $0x40, s5, s9, $0xb8;
	[tilespmem:$0x12C00] =	vst v63  }
0xd4: {  	_ =	swait.ge [sflag:s20], $0x2000  }
0xd5: {  	[sflag:s20] =	ssyncset.done $0x0  }
0xd6: {  	s5 =	sadd.s32 $0xFFFFF000, s6;
	[sflag:s20] =	ssyncadd.s32 $0xFFFFE000  }
0xd7: {  	[hbm4b:s5+s2] =	stream.linear.scatter [tilespmem:s13], [sflag:$0xC], $0x2000, $0x38;
	[tilespmem:$0x12C00] =	vst v63  }
0xd8: {  	_ =	swait.ge [sflag:s1], $0x2000  }
0xd9: {  	[sflag:s1] =	ssyncset.done $0x0  }
0xda: {  	s5 =	sadd.s32 $0x780, s0;
	[sflag:s1] =	ssyncadd.s32 $0xFFFFE000  }
0xdb: {  	[tilespmem:s21], [sflag:$0x8] =	stream.indirect.gather [hbm4b:s4+s9], $0x40, s5, s9, $0xb8;
	[tilespmem:$0x12C00] =	vst v63  }
0xdc: {  	_ =	swait.ge [sflag:s22], $0x2000  }
0xdd: {  	[sflag:s22] =	ssyncset.done $0x0  }
0xde: {  	s5 =	sadd.s32 $0xFFFFF400, s6;
	[sflag:s22] =	ssyncadd.s32 $0xFFFFE000  }
0xdf: {  	[hbm4b:s5+s2] =	stream.linear.scatter [tilespmem:s15], [sflag:$0xD], $0x2000, $0x38;
	[tilespmem:$0x12C00] =	vst v63  }
0xe0: {  	_ =	swait.ge [sflag:s23], $0x2000  }
0xe1: {  	[sflag:s23] =	ssyncset.done $0x0  }
0xe2: {  	s5 =	sadd.s32 $0x800, s0;
	[sflag:s23] =	ssyncadd.s32 $0xFFFFE000  }
0xe3: {  	[tilespmem:s10], [sflag:$0x1] =	stream.indirect.gather [hbm4b:s4+s9], $0x40, s5, s9, $0xb8;
	[tilespmem:$0x12C00] =	vst v63  }
0xe4: {  	_ =	swait.ge [sflag:s24], $0x2000  }
0xe5: {  	[sflag:s24] =	ssyncset.done $0x0  }
0xe6: {  	s5 =	sadd.s32 $0xFFFFF800, s6;
	[sflag:s24] =	ssyncadd.s32 $0xFFFFE000  }
0xe7: {  	[hbm4b:s5+s2] =	stream.linear.scatter [tilespmem:s17], [sflag:$0xE], $0x2000, $0x38;
	[tilespmem:$0x12C00] =	vst v63  }
0xe8: {  	_ =	swait.ge [sflag:s25], $0x2000  }
0xe9: {  	[sflag:s25] =	ssyncset.done $0x0  }
0xea: {  	s5 =	sadd.s32 $0x880, s0;
	[sflag:s25] =	ssyncadd.s32 $0xFFFFE000  }
0xeb: {  	[tilespmem:s11], [sflag:$0x2] =	stream.indirect.gather [hbm4b:s4+s9], $0x40, s5, s9, $0xb8;
	[tilespmem:$0x12C00] =	vst v63  }
0xec: {  	_ =	swait.ge [sflag:s26], $0x2000  }
0xed: {  	[sflag:s26] =	ssyncset.done $0x0  }
0xee: {  	s5 =	sadd.s32 $0xFFFFFC00, s6;
	[sflag:s26] =	ssyncadd.s32 $0xFFFFE000  }
0xef: {  	[hbm4b:s5+s2] =	stream.linear.scatter [tilespmem:s19], [sflag:$0xF], $0x2000, $0x38;
	[tilespmem:$0x12C00] =	vst v63  }
0xf0: {  	_ =	swait.ge [sflag:s28], $0x2000  }
0xf1: {  	[sflag:s28] =	ssyncset.done $0x0  }
0xf2: {  	s5 =	sadd.s32 $0x900, s0;
	[sflag:s28] =	ssyncadd.s32 $0xFFFFE000  }
0xf3: {  	[tilespmem:s12], [sflag:$0x3] =	stream.indirect.gather [hbm4b:s4+s9], $0x40, s5, s9, $0xb8;
	[tilespmem:$0x12C00] =	vst v63  }
0xf4: {  	_ =	swait.ge [sflag:s7], $0x2000  }
0xf5: {  	[sflag:s7] =	ssyncset.done $0x0  }
.Ltmp0:
0xf6: {  	[sflag:s7] =	ssyncadd.s32 $0xFFFFE000;
	(pc) =	sbr.rel @p0 .LBB2_2-.Ltmp0, $4  }
0xf7: {  	[hbm4b:s6+s2] =	stream.linear.scatter [tilespmem:s21], [sflag:$0x10], $0x2000, $0x38;
	[tilespmem:$0x12C00] =	vst v63  }
0xf8: {  	_ =	swait.ge [sflag:s29], $0x2000  }
0xf9: {  	[sflag:s29] =	ssyncset.done $0x0  }
0xfa: {  	s0 =	sadd.s32 $0x980, s0;
	s6 =	sadd.s32 $0x2000, s6;
	[sflag:s29] =	ssyncadd.s32 $0xFFFFE000  }
0xfb: {  	[tilespmem:s13], [sflag:$0x4] =	stream.indirect.gather [hbm4b:s4+s9], $0x40, s0, s9, $0xb8;
	[tilespmem:$0x12C00] =	vst v63  }
0xfc: {  	_ =	swait.ge [sflag:s14], $0x2000  }
0xfd: {  	[sflag:s14] =	ssyncset.done $0x0  }
0xfe: {  	s5 =	rddreg [dreg:$0x13];
	[sflag:s14] =	ssyncadd.s32 $0xFFFFE000  }
0xff: {  	[hbm4b:s5+s2] =	stream.linear.scatter [tilespmem:s10], [sflag:$0x9], $0x2000, $0x38;
	[tilespmem:$0x12C00] =	vst v63  }
0x100: {  	_ =	swait.ge [sflag:s8], $0x2000  }
0x101: {  	[sflag:s8] =	ssyncset.done $0x0  }
0x102: {  	s6 =	simm.s32 $0x2600;
	[sflag:s8] =	ssyncadd.s32 $0xFFFFE000  }
0x103: {  	[tilespmem:s15], [sflag:$0x5] =	stream.indirect.gather [hbm4b:s4+s9], $0x40, s6, s9, $0xb8;
	[tilespmem:$0x12C00] =	vst v63  }
0x104: {  	_ =	swait.ge [sflag:s16], $0x2000  }
0x105: {  	[sflag:s16] =	ssyncset.done $0x0  }
0x106: {  	s3 =	rddreg [dreg:$0x14];
	[sflag:s16] =	ssyncadd.s32 $0xFFFFE000  }
0x107: {  	[hbm4b:s3+s2] =	stream.linear.scatter [tilespmem:s11], [sflag:$0xA], $0x2000, $0x38;
	[tilespmem:$0x12C00] =	vst v63  }
0x108: {  	_ =	swait.ge [sflag:s30], $0x2000  }
0x109: {  	[sflag:s30] =	ssyncset.done $0x0  }
0x10a: {  	s5 =	simm.s32 $0x2680;
	[sflag:s30] =	ssyncadd.s32 $0xFFFFE000  }
0x10b: {  	[tilespmem:s17], [sflag:$0x6] =	stream.indirect.gather [hbm4b:s4+s9], $0x40, s5, s9, $0xb8;
	[tilespmem:$0x12C00] =	vst v63  }
0x10c: {  	_ =	swait.ge [sflag:s18], $0x2000  }
0x10d: {  	[sflag:s18] =	ssyncset.done $0x0  }
0x10e: {  	s6 =	rddreg [dreg:$0x15];
	[sflag:s18] =	ssyncadd.s32 $0xFFFFE000  }
0x10f: {  	[hbm4b:s6+s2] =	stream.linear.scatter [tilespmem:s12], [sflag:$0xB], $0x2000, $0x38;
	[tilespmem:$0x12C00] =	vst v63  }
0x110: {  	_ =	swait.ge [sflag:s31], $0x2000  }
0x111: {  	[sflag:s31] =	ssyncset.done $0x0  }
0x112: {  	s3 =	simm.s32 $0x2700;
	[sflag:s31] =	ssyncadd.s32 $0xFFFFE000  }
0x113: {  	[tilespmem:s19], [sflag:$0x7] =	stream.indirect.gather [hbm4b:s4+s9], $0x40, s3, s9, $0xb8;
	[tilespmem:$0x12C00] =	vst v63  }
0x114: {  	_ =	swait.ge [sflag:s20], $0x2000  }
0x115: {  	[sflag:s20] =	ssyncset.done $0x0  }
0x116: {  	s5 =	rddreg [dreg:$0x16];
	[sflag:s20] =	ssyncadd.s32 $0xFFFFE000  }
0x117: {  	[hbm4b:s5+s2] =	stream.linear.scatter [tilespmem:s13], [sflag:$0xC], $0x2000, $0x38;
	[tilespmem:$0x12C00] =	vst v63  }
0x118: {  	_ =	swait.ge [sflag:s1], $0x2000  }
0x119: {  	[sflag:s1] =	ssyncset.done $0x0  }
0x11a: {  	s6 =	simm.s32 $0x2780;
	[sflag:s1] =	ssyncadd.s32 $0xFFFFE000  }
0x11b: {  	[tilespmem:s21], [sflag:$0x8] =	stream.indirect.gather [hbm4b:s4+s9], $0x40, s6, s9, $0xb8;
	[tilespmem:$0x12C00] =	vst v63  }
0x11c: {  	_ =	swait.ge [sflag:s22], $0x2000  }
0x11d: {  	[sflag:s22] =	ssyncset.done $0x0  }
0x11e: {  	s3 =	rddreg [dreg:$0x17];
	[sflag:s22] =	ssyncadd.s32 $0xFFFFE000  }
0x11f: {  	[hbm4b:s3+s2] =	stream.linear.scatter [tilespmem:s15], [sflag:$0xD], $0x2000, $0x38;
	[tilespmem:$0x12C00] =	vst v63  }
0x120: {  	_ =	swait.ge [sflag:s23], $0x2000  }
0x121: {  	[sflag:s23] =	ssyncset.done $0x0  }
0x122: {  	s5 =	simm.s32 $0x2800;
	[sflag:s23] =	ssyncadd.s32 $0xFFFFE000  }
0x123: {  	[tilespmem:s10], [sflag:$0x1] =	stream.indirect.gather [hbm4b:s4+s9], $0x40, s5, s9, $0xb8;
	[tilespmem:$0x12C00] =	vst v63  }
0x124: {  	_ =	swait.ge [sflag:s24], $0x2000  }
0x125: {  	[sflag:s24] =	ssyncset.done $0x0  }
0x126: {  	s6 =	rddreg [dreg:$0x18];
	[sflag:s24] =	ssyncadd.s32 $0xFFFFE000  }
0x127: {  	[hbm4b:s6+s2] =	stream.linear.scatter [tilespmem:s17], [sflag:$0xE], $0x2000, $0x38;
	[tilespmem:$0x12C00] =	vst v63  }
0x128: {  	_ =	swait.ge [sflag:s25], $0x2000  }
0x129: {  	[sflag:s25] =	ssyncset.done $0x0  }
0x12a: {  	s3 =	simm.s32 $0x2880;
	[sflag:s25] =	ssyncadd.s32 $0xFFFFE000  }
0x12b: {  	[tilespmem:s11], [sflag:$0x2] =	stream.indirect.gather [hbm4b:s4+s9], $0x40, s3, s9, $0xb8;
	[tilespmem:$0x12C00] =	vst v63  }
0x12c: {  	_ =	swait.ge [sflag:s26], $0x2000  }
0x12d: {  	[sflag:s26] =	ssyncset.done $0x0  }
0x12e: {  	s5 =	rddreg [dreg:$0x19];
	[sflag:s26] =	ssyncadd.s32 $0xFFFFE000  }
0x12f: {  	[hbm4b:s5+s2] =	stream.linear.scatter [tilespmem:s19], [sflag:$0xF], $0x2000, $0x38;
	[tilespmem:$0x12C00] =	vst v63  }
0x130: {  	_ =	swait.ge [sflag:s28], $0x2000  }
0x131: {  	[sflag:s28] =	ssyncset.done $0x0  }
0x132: {  	s6 =	simm.s32 $0x2900;
	[sflag:s28] =	ssyncadd.s32 $0xFFFFE000  }
0x133: {  	[tilespmem:s12], [sflag:$0x3] =	stream.indirect.gather [hbm4b:s4+s9], $0x40, s6, s9, $0xb8;
	[tilespmem:$0x12C00] =	vst v63  }
0x134: {  	_ =	swait.ge [sflag:s7], $0x2000  }
0x135: {  	[sflag:s7] =	ssyncset.done $0x0  }
0x136: {  	s3 =	rddreg [dreg:$0x1a];
	[sflag:s7] =	ssyncadd.s32 $0xFFFFE000  }
0x137: {  	[hbm4b:s3+s2] =	stream.linear.scatter [tilespmem:s21], [sflag:$0x10], $0x2000, $0x38;
	[tilespmem:$0x12C00] =	vst v63  }
0x138: {  	_ =	swait.ge [sflag:s29], $0x2000  }
0x139: {  	[sflag:s29] =	ssyncset.done $0x0  }
0x13a: {  	s5 =	simm.s32 $0x2980;
	[sflag:s29] =	ssyncadd.s32 $0xFFFFE000  }
0x13b: {  	[tilespmem:s13], [sflag:$0x4] =	stream.indirect.gather [hbm4b:s4+s9], $0x40, s5, s9, $0xb8;
	[tilespmem:$0x12C00] =	vst v63  }
0x13c: {  	_ =	swait.ge [sflag:s14], $0x2000  }
0x13d: {  	[sflag:s14] =	ssyncset.done $0x0  }
0x13e: {  	s6 =	rddreg [dreg:$0x1b];
	[sflag:s14] =	ssyncadd.s32 $0xFFFFE000  }
0x13f: {  	[hbm4b:s6+s2] =	stream.linear.scatter [tilespmem:s10], [sflag:$0x9], $0x2000, $0x38;
	[tilespmem:$0x12C00] =	vst v63  }
0x140: {  	_ =	swait.ge [sflag:s8], $0x2000  }
0x141: {  	[sflag:s8] =	ssyncset.done $0x0  }
0x142: {  	s3 =	simm.s32 $0x2A00;
	[sflag:s8] =	ssyncadd.s32 $0xFFFFE000  }
0x143: {  	[tilespmem:s15], [sflag:$0x5] =	stream.indirect.gather [hbm4b:s4+s9], $0x40, s3, s9, $0xb8;
	[tilespmem:$0x12C00] =	vst v63  }
0x144: {  	_ =	swait.ge [sflag:s16], $0x2000  }
0x145: {  	[sflag:s16] =	ssyncset.done $0x0  }
0x146: {  	s5 =	rddreg [dreg:$0x1c];
	[sflag:s16] =	ssyncadd.s32 $0xFFFFE000  }
0x147: {  	[hbm4b:s5+s2] =	stream.linear.scatter [tilespmem:s11], [sflag:$0xA], $0x2000, $0x38;
	[tilespmem:$0x12C00] =	vst v63  }
0x148: {  	_ =	swait.ge [sflag:s30], $0x2000  }
0x149: {  	[sflag:s30] =	ssyncset.done $0x0  }
0x14a: {  	s6 =	simm.s32 $0x2A80;
	[sflag:s30] =	ssyncadd.s32 $0xFFFFE000  }
0x14b: {  	[tilespmem:s17], [sflag:$0x6] =	stream.indirect.gather [hbm4b:s4+s9], $0x40, s6, s9, $0xb8;
	[tilespmem:$0x12C00] =	vst v63  }
0x14c: {  	_ =	swait.ge [sflag:s18], $0x2000  }
0x14d: {  	[sflag:s18] =	ssyncset.done $0x0  }
0x14e: {  	s3 =	rddreg [dreg:$0x1d];
	[sflag:s18] =	ssyncadd.s32 $0xFFFFE000  }
0x14f: {  	[hbm4b:s3+s2] =	stream.linear.scatter [tilespmem:s12], [sflag:$0xB], $0x2000, $0x38;
	[tilespmem:$0x12C00] =	vst v63  }
0x150: {  	_ =	swait.ge [sflag:s31], $0x2000  }
0x151: {  	[sflag:s31] =	ssyncset.done $0x0  }
0x152: {  	s5 =	simm.s32 $0x2B00;
	[sflag:s31] =	ssyncadd.s32 $0xFFFFE000  }
0x153: {  	[tilespmem:s19], [sflag:$0x7] =	stream.indirect.gather [hbm4b:s4+s9], $0x40, s5, s9, $0xb8;
	[tilespmem:$0x12C00] =	vst v63  }
0x154: {  	_ =	swait.ge [sflag:s20], $0x2000  }
0x155: {  	[sflag:s20] =	ssyncset.done $0x0  }
0x156: {  	s6 =	rddreg [dreg:$0x1e];
	[sflag:s20] =	ssyncadd.s32 $0xFFFFE000  }
0x157: {  	[hbm4b:s6+s2] =	stream.linear.scatter [tilespmem:s13], [sflag:$0xC], $0x2000, $0x38;
	[tilespmem:$0x12C00] =	vst v63  }
0x158: {  	_ =	swait.ge [sflag:s1], $0x2000  }
0x159: {  	[sflag:s1] =	ssyncset.done $0x0  }
0x15a: {  	s3 =	simm.s32 $0x2B80;
	[sflag:s1] =	ssyncadd.s32 $0xFFFFE000  }
0x15b: {  	[tilespmem:s21], [sflag:$0x8] =	stream.indirect.gather [hbm4b:s4+s9], $0x40, s3, s9, $0xb8;
	[tilespmem:$0x12C00] =	vst v63  }
0x15c: {  	_ =	swait.ge [sflag:s22], $0x2000  }
0x15d: {  	[sflag:s22] =	ssyncset.done $0x0  }
0x15e: {  	s5 =	rddreg [dreg:$0x1f];
	[sflag:s22] =	ssyncadd.s32 $0xFFFFE000  }
0x15f: {  	[hbm4b:s5+s2] =	stream.linear.scatter [tilespmem:s15], [sflag:$0xD], $0x2000, $0x38;
	[tilespmem:$0x12C00] =	vst v63  }
0x160: {  	_ =	swait.ge [sflag:s23], $0x2000  }
0x161: {  	[sflag:s23] =	ssyncset.done $0x0  }
0x162: {  	[sflag:s23] =	ssyncadd.s32 $0xFFFFE000  }
0x163: {  	_ =	swait.ge [sflag:s24], $0x2000  }
0x164: {  	s6 =	sld [smem:$0x7F9]  }
0x165: {  	[sflag:s24] =	ssyncset.done $0x0  }
0x166: {  	[sflag:s24] =	ssyncadd.s32 $0xFFFFE000  }
0x167: {  	[hbm4b:s6+s2] =	stream.linear.scatter [tilespmem:s17], [sflag:$0xE], $0x2000, $0x38;
	[tilespmem:$0x12C00] =	vst v63  }
0x168: {  	_ =	swait.ge [sflag:s25], $0x2000  }
0x169: {  	[sflag:s25] =	ssyncset.done $0x0  }
0x16a: {  	[sflag:s25] =	ssyncadd.s32 $0xFFFFE000  }
0x16b: {  	_ =	swait.ge [sflag:s26], $0x2000  }
0x16c: {  	s3 =	sld [smem:$0x7FA]  }
0x16d: {  	[sflag:s26] =	ssyncset.done $0x0  }
0x16e: {  	[sflag:s26] =	ssyncadd.s32 $0xFFFFE000  }
0x16f: {  	[hbm4b:s3+s2] =	stream.linear.scatter [tilespmem:s19], [sflag:$0xF], $0x2000, $0x38;
	[tilespmem:$0x12C00] =	vst v63  }
0x170: {  	_ =	swait.ge [sflag:s28], $0x2000  }
0x171: {  	[sflag:s28] =	ssyncset.done $0x0  }
0x172: {  	[sflag:s28] =	ssyncadd.s32 $0xFFFFE000  }
0x173: {  	_ =	swait.ge [sflag:s7], $0x2000  }
0x174: {  	s5 =	sld [smem:$0x7FB]  }
0x175: {  	[sflag:s7] =	ssyncset.done $0x0  }
0x176: {  	[sflag:s7] =	ssyncadd.s32 $0xFFFFE000  }
0x177: {  	[hbm4b:s5+s2] =	stream.linear.scatter [tilespmem:s21], [sflag:$0x10], $0x2000, $0x38;
	[tilespmem:$0x12C00] =	vst v63  }
0x178: {  	_ =	swait.ge [sflag:s29], $0x2000  }
0x179: {  	[sflag:s29] =	ssyncset.done $0x0  }
0x17a: {  	[sflag:s29] =	ssyncadd.s32 $0xFFFFE000  }
0x17b: {  	_ =	swait.ge [sflag:s8], $0x2000  }
0x17c: {  	[sflag:s8] =	ssyncset.done $0x0  }
0x17d: {  	[sflag:s8] =	ssyncadd.s32 $0xFFFFE000  }
0x17e: {  	_ =	swait.ge [sflag:s30], $0x2000  }
0x17f: {  	[sflag:s30] =	ssyncset.done $0x0  }
0x180: {  	[sflag:s30] =	ssyncadd.s32 $0xFFFFE000  }
0x181: {  	_ =	swait.ge [sflag:s31], $0x2000  }
0x182: {  	[sflag:s31] =	ssyncset.done $0x0  }
0x183: {  	[sflag:s31] =	ssyncadd.s32 $0xFFFFE000  }
0x184: {  	_ =	swait.ge [sflag:s1], $0x2000  }
0x185: {  	s3 =	sld [smem:$0x7F8]  }
0x186: {  	s6 =	sld [smem:$0x7FC];
	_ =	sdelay $0x1  }
0x187: {  	s3 =	sadd.s32 $0x1, s3  }
0x188: {  	p0 =	sne.s32 s3, s6  }
.Ltmp1:
0x189: {  	_ = 	snop;
	(pc) =	sbr.rel @p0 .LBB2_1-.Ltmp1, $3  }
0x18a: {  	_ =	sdelay $0x1  }
0x18b: {  	[sflag:s1] =	ssyncset.done $0x0  }
0x18c: {  	[sflag:s1] =	ssyncadd.s32 $0xFFFFE000  }
0x18d: {  	_ =	sfence.sel $0x180000  }
0x18e: {  	[bflag:$0x0] =	sbarrier.arrive $0xFFFF  }
0x18f: {  	_ =	strace $0x90000047  }
0x190: {  	s0 =	stileid.u32;
	[bflag:$0x2] =	sbarrier.arrive $0xFFFF  }
0x191: {  	p0 =	sne.s32 s0, $0x0;
	s0 =	rddreg [dreg:$0x6]  }
0x192: {  	s0 =	sadd.s32 @!p0 $0x100000, s0  }
0x193: {  	[sflag:s0] =	ssyncadd.tile.s32 @!p0 $0x1;
	_ =	shalt  }
.Lfunc_end2:
_tile_overlayer_lowered:
.L_overlay_start_2:
0x194: {  	(tag) =	ssettag $0x2  }
0x195: {  	s0 =	rddreg [dreg:$0x0];
	s2 =	stileid.u32  }
0x196: {  	s1 =	rddreg [dreg:$0x1];
	p0 =	sne.s32 s2, $0x0  }
0x197: {  	s3 =	rddreg [dreg:$0x2];
	[bflag:$0x3] =	sbarrier.arrive $0xFFFF;
	s2 =	simm.s32 @!p0 $0x1C11  }
0x198: {  	[timem:s3], [sflag:s2] =	dma.local @!p0 [hbm:s0], s1  }
0x199: {  	s0 =	simm.s32 @!p0 $0x11  }
0x19a: {  	_ =	swait.ge @!p0 [sflag:s0], s1  }
0x19b: {  	s1 =	ssub.s32 @!p0 $0x0, s1;
	[sflag:s0] =	ssyncset.done @!p0 $0x0  }
0x19c: {  	[sflag:s0] =	ssyncadd.s32 @!p0 s1  }
0x19d: {  	[bflag:$0x3] =	sbarrier.arrive $0xFFFF  }
0x19e: {  	_ =	shalt  }

// kernel: sparse-core-data-format-call.cloned.1.call-start
scs
called_computation_lowered:
.L_overlay_start_0:
0x0: {  	s2 =	sld [smem:$0x3FD9]  }
0x1: {  	s3 =	sld [smem:$0x3FFE];
	_ =	sdelay $0x1  }
0x2: {  	s1 =	srdreg.scid  }
0x3: {  	s0 =	sand.u32 $0x1, s1  }
0x4: {  	s15 =	sshll.u32 s0, $0xA;
	s2 =	sadd.s32 s3, s2  }
0x5: {  	s2 =	sadd.s32 s2, s15  }
0x6: {  	[smem:$0x3FC3] =	sst s2  }
0x7: {  	_ = 	snop  }
0x8: {  	s2 =	sld [smem:$0x3FD0];
	_ =	sdelay $0x2  }
0x9: {  	s16 =	simm.s32 $0xA;
	s4 =	simm.s32 $0x10  }
0xa: {  	[smem:s4], [sflag:s16] =	dma.local [hbm:s2], $0x1  }
0xb: {  	_ =	swait.eq [sflag:s16], $0x1  }
0xc: {  	[sflag:s16] =	ssyncset.done $0x0  }
0xd: {  	[sflag:s16] =	ssyncadd.s32 $0xFFFFFFFF  }
0xe: {  	s17 =	sld [smem:$0x12];
	(tm) =	ssettm $0x1  }
0xf: {  	s18 =	sld [smem:$0x3FFB];
	_ =	sdelay $0x3  }
0x10: {  	_ =	strace s18  }
0x11: {  	s3 =	sld [smem:$0x3FFC];
	_ =	sdelay $0x3  }
0x12: {  	_ =	strace s3  }
0x13: {  	s3 =	sld [smem:$0x3FFD];
	_ =	sdelay $0x3  }
0x14: {  	_ =	strace s3  }
0x15: {  	_ =	strace $0x8FFFFFFF  }
0x16: {  	s19 =	sld [smem:$0x3FDB];
	_ =	sdelay $0x1  }
0x17: {  	s20 =	simm.s32 $_scs_section_size  }
0x18: {  	s5 =	simm.s32 $_size__tile_overlayer_lowered;
	s6 =	simm.s32 $_tile_overlayer_lowered  }
0x19: {  	s23 =	simm.s32 $0x1BFF;
	s22 =	sshll.u32 s6, $0x1;
	s3 =	sadd.s32 s20, s19  }
0x1a: {  	s7 =	simm.s32 $0x0;
	s21 =	sshll.u32 s5, $0x1;
	s5 =	sadd.s32 s22, s3  }
0x1b: {  	[timem:s7], [sflag:s23] =	dma.local [hbm:s5], s21  }
0x1c: {  	_ =	swait.ge [sflag:s23], s21  }
0x1d: {  	s4 =	ssub.s32 $0x0, s21;
	[sflag:s23] =	ssyncset.done $0x0  }
0x1e: {  	[sflag:s23] =	ssyncadd.s32 s4;
	_ =	sdelay $0x1  }
0x1f: {  	s24 =	simm.s32 $0x1B8B  }
0x20: {  	_ =	swait.ge [sflag:s24], $0x1  }
0x21: {  	[sflag:s24] =	ssyncset.done $0x0  }
0x22: {  	s26 =	simm.s32 $0x1B8E;
	s25 =	sld [smem:$0x3FFE];
	[sflag:s24] =	ssyncadd.s32 $0xFFFFFFFF  }
0x23: {  	s27 =	simm.s32 $execute0_lowered;
	[smem:$0x3FD2] =	sst s26  }
0x24: {  	s5 =	sshll.u32 s27, $0x1;
	_ =	strace $0x80000049;
	[dreg:$0x1] =	wrdreg $0xFFFFFFFF  }
0x25: {  	s28 =	simm.s32 $_size_execute0_lowered;
	s3 =	sadd.s32 s3, s5;
	[dreg:$0x0] =	wrdreg $0x0  }
0x26: {  	s5 =	sshll.u32 s28, $0x1;
	[dreg:$0x2] =	wrdreg s3  }
0x27: {  	[dreg:$0x3] =	wrdreg s5  }
0x28: {  	[dreg:$0x4] =	wrdreg $0xC0  }
0x29: {  	_ =	task [dreg:s7], $0x5FFFF  }
0x2a: {  	[dreg:$0x1] =	wrdreg $0xFFFFFFFF  }
0x2b: {  	[dreg:$0x0] =	wrdreg $0x60  }
0x2c: {  	[dreg:$0x2] =	wrdreg s25  }
0x2d: {  	[dreg:$0x3] =	wrdreg s17  }
0x2e: {  	[dreg:$0x4] =	wrdreg $0x9  }
0x2f: {  	_ =	task.clear_ibuf [dreg:s7], $0x5FFFF;
	_ =	strace $0x90000049  }
0x30: {  	s29 =	simm.s32 $0x9;
	_ =	strace $0x8000004B  }
0x31: {  	_ =	swait.ge [sflag:s29], $0x1  }
0x32: {  	[sflag:s29] =	ssyncadd.s32 $0xFFFFFFFF  }
0x33: {  	_ =	strace $0x9000004B  }
0x34: {  	_ =	sfence  }
0x35: {  	s30 =	sld [smem:$0x0];
	_ =	sdelay $0x2  }
0x36: {  	s31 =	sshll.u32 s1, $0xD;
	s1 =	sshrl.u32 s1, $0x2  }
0x37: {  	s3 =	sand.u32 $0x4000, s31;
	s1 =	sadd.s32 s1, s30  }
0x38: {  	s0 =	sor.u32 s3, s0;
	s1 =	sshll.u32 s1, $0x11  }
0x39: {  	s0 =	sor.u32 s1, s0  }
0x3a: {  	s0 =	sadd.s32 $0x8F2B, s0  }
0x3b: {  	[sflag:s0] =	ssyncadd.remote.s32 $0x1  }
0x3c: {  	_ =	sfence.sel $0xFFFF  }
0x3d: {  	[dreg:$0x0] =	wrdreg $0xFFFFFFFF;
	(pc) =	sbr.abs _section_cstart, $3  }
0x3e: {  	[dreg:$0x1] =	wrdreg $0xFFFFFFFF  }
0x3f: {  	_ =	task.clear_ibuf [dreg:s7], $0x2FFFF;
	_ =	strace $0x9FFFFFFF  }
0x40: {  	(tm) =	ssettm $0x7FFFFFFF  }
0x41: {  	_ =	shalt  }
tec
execute0_lowered:
.L_overlay_start_1:
0x0: {  	(tag) =	ssettag $0x1  }
0x1: {  	s0 =	srdreg.scid  }
0x2: {  	s1 =	sshll.u32 s0, $0x4  }
0x3: {  	s0 =	stileid.u32;
	s1 =	sand.u32 $0x10, s1  }
0x4: {  	s1 =	sor.u32 s0, s1  }
0x5: {  	s6 =	rddreg [dreg:$0x0];
	s4 =	simm.s32 $0x1;
	s2 =	sshll.u32 s1, $0x7  }
0x6: {  	s7 =	simm.s32 $0x2;
	s12 =	simm.s32 $0x0;
	s1 =	ssub.s32 $0x4000, s2  }
0x7: {  	s8 =	simm.s32 $0x20000;
	s13 =	simm.s32 $0x0;
	s3 =	sand.u32 $0xF80, s1  }
0x8: {  	s9 =	simm.s32 $0x0;
	s5 =	sshrl.u32 s1, $0xC;
	p0 =	sne.s32 s3, $0x0  }
.Ltmp0:
0x9: {  	s1 =	rddreg [dreg:$0x2];
	s4 =	simm.s32 @!p0 $0x0;
	(pc) =	sbr.rel .LBB1_1-.Ltmp0, $4  }
0xa: {  	s11 =	simm.s32 $0x0;
	s3 =	rddreg [dreg:$0x1];
	s5 =	sadd.s32 s4, s5  }
0xb: {  	_ =	strace $0x8000004A;
	s4 =	simm.s32 $0x1;
	s5 =	smul.u32 $0x14, s5  }
0xc: {  	s6 =	sadd.s32 $0x1200, s6;
	s10 =	smov.u32 s2;
	[sflag:s4] =	ssyncpa.u1 $0x0  }
0xd: {  	p0 =	por $0x0, $0x0;
	[sflag:s7] =	ssyncpa.u1 $0x0;
	s7 =	sor.u32 $0x1, s5  }
.LBB1_4:
0xe: {  	s16 =	sshll.u32 s13, $0x3;
	s17 =	sand.u32 $0x78, s13  }
0xf: {  	s30 =	sand.u32 $0x1F800, s13;
	s12 =	sshll.u32 s12, $0x11;
	s16 =	sand.u32 $0x3C00, s16  }
0x10: {  	[tilespmem:s15+$0x810 ss:$0x81] =	vst.msk $0xffff, v2;
	s31 =	sand.u32 $0x7, s13;
	s16 =	sor.u32 s17, s16;
	s17 =	sadd.s32 s3, s30  }
0x11: {  	[tilespmem:s15+$0x1020 ss:$0x81] =	vst.msk $0xffff, v0;
	s13 =	sshll.u32 s31, $0x12;
	s12 =	sadd.s32 s12, s17;
	s16 =	sshrl.u32 s16, $0x3  }
0x12: {  	[tilespmem:s15+$0x0 ss:$0x81] =	vst.msk $0xffff, v1;
	s13 =	sor.u32 $0x400, s13;
	s12 =	sadd.s32 s16, s12  }
0x13: {  	[hbm4b:s12+s13] =	stream.strided.scatter [tilespmem:s14], [sflag:$0x2], $0x2000, s8, s13, $0x20;
	[tilespmem:$0x8080] =	vst v63  }
.LBB1_5:
0x14: {  	s14 =	sadd.s32 $0x1, s9  }
0x15: {  	s12 =	sadd.s32 $0x1000, s10;
	s16 =	smov.u32 s10;
	p2 =	sgt.s32 s14, $0x13  }
0x16: {  	s16 =	smov.u32 @p2 s12  }
0x17: {  	s14 =	simm.s32 @p2 $0x0;
	p2 =	sgt.s32 s16, $0x3FFF  }
0x18: {  	s16 =	smov.u32 @p2 s2;
	p2 =	sne.s32 s11, s7  }
.Ltmp1:
0x19: {  	p1 =	slt.u32 s11, $0x2;
	(pc) =	sbr.rel @!p2 .LBB1_6-.Ltmp1, $4  }
0x1a: {  	s15 =	simm.s32 @!p1 $0x2  }
0x1b: {  	s13 =	smov.u32 s10;
	p0 =	por !p0, !p0;
	_ =	swait.ge @!p1 [sflag:s15], $0x2000  }
0x1c: {  	s12 =	smov.u32 s9;
	[sflag:s15] =	ssyncset.done @!p1 $0x0;
	s9 =	smov.u32 s14  }
0x1d: {  	s11 =	sadd.s32 $0x1, s11;
	[sflag:s15] =	ssyncadd.s32 @!p1 $0xFFFFE000;
	s10 =	smov.u32 s16  }
.LBB1_1:
0x1e: {  	p1 =	sge.u32 s11, s5  }
0x1f: {  	s14 =	sand.u32 @!p1 $0x1FFFFFF, s9  }
0x20: {  	s15 =	smulhi.u32 @!p1 $0xAAAAAAB, s14;
	_ =	sdelay $0x1  }
0x21: {  	s15 =	smul.u32 @!p1 $0x18, s15  }
0x22: {  	s16 =	sxor.u32 @!p1 $0xFFFFFFFF, s11;
	s17 =	smul.u32 @!p1 $0x180, s10  }
0x23: {  	s31 =	sadd.s32 $0xFFFFFFFF, s11;
	s16 =	sshll.u32 @!p1 s16, $0xD;
	s14 =	ssub.s32 @!p1 s14, s15  }
0x24: {  	s15 =	sand.u32 @!p1 $0x2000, s16;
	s16 =	sadd.s32 @!p1 s6, s17;
	s14 =	sshll.u32 @!p1 s14, $0x4  }
0x25: {  	s17 =	simm.s32 @!p1 $0xC00;
	s14 =	sadd.s32 @!p1 s14, s16;
	s16 =	simm.s32 @!p1 $0x40  }
0x26: {  	[tilespmem:s15], [sflag:$0x1] =	stream.strided.gather @!p1 [hbm4b:s14+s16], $0x2000, s17, s16, $0x38;
	[tilespmem:$0x8080] =	vst v63  }
0x27: {  	p1 =	sge.u32 s31, s5  }
.Ltmp2:
0x28: {  	_ = 	snop;
	(pc) =	sbr.rel @p1 .LBB1_5-.Ltmp2, $1  }
0x29: {  	_ =	sdelay $0x3  }
0x2a: {  	s14 =	simm.s32 $0x1  }
0x2b: {  	_ =	swait.ge [sflag:s4], $0x2000;
	s14 =	simm.s32 @!p0 $0x0  }
0x2c: {  	[sflag:s4] =	ssyncset.done $0x0;
	s15 =	sshll.u32 s14, $0xD  }
0x2d: {  	[sflag:s4] =	ssyncadd.s32 $0xFFFFE000;
	s18 =	sor.u32 $0x20, s15  }
0x2e: {  	s14 =	smul.u32 $0x8100, s14;
	v3 =	vld [tilespmem:s18+$0x10]  }
0x2f: {  	s30 =	sand.u32 $0x1, s11;
	v2 =	vld [tilespmem:s18+$0xFFFFFFF0]  }
0x30: {  	s15 =	smul.u32 $0x8100, s30;
	s14 =	sshrl.u32 s14, $0x2;
	v0 =	vld [tilespmem:s18+$0x0]  }
0x31: {  	v1 =	vld [tilespmem:s18+$0xFFFFFFE0];
	s16 =	sor.u32 $0x4000, s14  }
0x32: {  	s31 =	sshrl.u32 s15, $0x2;
	s15 =	sadd.s32 $0x0, s16  }
0x33: {  	s17 =	simm.s32 $0x4;
	s18 =	sadd.s32 $0x40, s18;
	s14 =	sor.u32 $0x4000, s31;
	[tilespmem:s15+$0x1830 ss:$0x81] =	vst.msk $0xffff, v3  }
.LBB1_3:
0x34: {  	v3 =	vld [tilespmem:s18+$0x10];
	p1 =	sne.s32 s17, $0x1FC;
	[tilespmem:s15+$0x810 ss:$0x81] =	vst.msk $0xffff, v2;
	s19 =	smov.u32 s17;
	s17 =	sadd.s32 $0x4, s17  }
.Ltmp3:
0x35: {  	v2 =	vld [tilespmem:s18+$0xFFFFFFF0];
	[tilespmem:s15+$0x1020 ss:$0x81] =	vst.msk $0xffff, v0;
	(pc) =	sbr.rel @p1 .LBB1_3-.Ltmp3, $4  }
0x36: {  	v0 =	vld [tilespmem:s18+$0x0];
	[tilespmem:s15+$0x0 ss:$0x81] =	vst.msk $0xffff, v1  }
0x37: {  	s15 =	sshra.s32 s19, $0x2;
	v1 =	vld [tilespmem:s18+$0xFFFFFFE0]  }
0x38: {  	s15 =	sadd.s32 s15, s16  }
0x39: {  	s18 =	sadd.s32 $0x40, s18;
	[tilespmem:s15+$0x1830 ss:$0x81] =	vst.msk $0xffff, v3  }
.Ltmp4:
0x3a: {  	_ = 	snop;
	(pc) =	sbr.rel .LBB1_4-.Ltmp4, $1  }
0x3b: {  	_ =	sdelay $0x3  }
.LBB1_6:
0x3c: {  	_ =	sfence.sel $0x180000  }
0x3d: {  	s2 =	simm.s32 $0x1;
	[bflag:$0x0] =	sbarrier.arrive $0xFFFF  }
0x3e: {  	s31 =	simm.s32 $0x2;
	[sflag:s2] =	ssyncpa.u1 $0x1  }
0x3f: {  	[sflag:s31] =	ssyncpa.u1 $0x1  }
0x40: {  	p0 =	sne.s32 s0, $0x0;
	_ =	strace $0x9000004A  }
0x41: {  	s0 =	sadd.s32 @!p0 $0x100000, s1;
	[bflag:$0x2] =	sbarrier.arrive $0xFFFF  }
0x42: {  	[sflag:s0] =	ssyncadd.tile.s32 @!p0 $0x1;
	_ =	shalt  }
.Lfunc_end1:
_tile_overlayer_lowered:
.L_overlay_start_2:
0x43: {  	(tag) =	ssettag $0x2  }
0x44: {  	s0 =	rddreg [dreg:$0x0];
	s2 =	stileid.u32  }
0x45: {  	s1 =	rddreg [dreg:$0x1];
	p0 =	sne.s32 s2, $0x0  }
0x46: {  	s3 =	rddreg [dreg:$0x2];
	[bflag:$0x3] =	sbarrier.arrive $0xFFFF;
	s2 =	simm.s32 @!p0 $0x1C01  }
0x47: {  	[timem:s3], [sflag:s2] =	dma.local @!p0 [hbm:s0], s1  }
0x48: {  	s0 =	simm.s32 @!p0 $0x1  }
0x49: {  	_ =	swait.ge @!p0 [sflag:s0], s1  }
0x4a: {  	s1 =	ssub.s32 @!p0 $0x0, s1;
	[sflag:s0] =	ssyncset.done @!p0 $0x0  }
0x4b: {  	[sflag:s0] =	ssyncadd.s32 @!p0 s1  }
0x4c: {  	[bflag:$0x3] =	sbarrier.arrive $0xFFFF  }
0x4d: {  	_ =	shalt  }

</sc_bundles>
